<compile_context>
chip_gen: v7x
topology: tpu7x:2x2x1
jax: 0.10.2.dev20260603
libtpu: 0.0.44.dev20260713+nightly
codegen_flags: <defaults>
</compile_context>

<pallas_src>
import functools

import jax
import jax.numpy as jnp
from jax import lax
from jax.experimental import pallas as pl
from jax.experimental.pallas import tpu as pltpu
from jax.experimental.pallas import tpu_sc as plsc

B, S = 4, 2048
NTOK = B * S
D6 = 128
DOUT = 192
NSLOT = 6
TAB = 1024

_info = plsc.get_sparse_core_info()
NC = _info.num_cores
NS = _info.num_subcores
NW = NC * NS
TPW = NTOK // NW
CH = 64
NCH = TPW // CH
LANES = 16

def _tc_project_body(x_ref, y_ref, h_ref, w_ref, lw_ref, b_ref, out_ref):
    k = pl.program_id(0)
    emb = jnp.where(
        (k == 0) | (k == 2), x_ref[...],
        jnp.where((k == 1) | (k == 3), y_ref[...],
                  jnp.where(k == 4, h_ref[...], w_ref[...])))
    acc = lax.dot_general(emb, lw_ref[...], (((1,), (1,)), ((), ())),
                          preferred_element_type=jnp.float32)
    acc = acc + jnp.where(k == 0, b_ref[...], 0.0)
    cols = lax.broadcasted_iota(jnp.int32, (DOUT, DOUT), 1)
    rows = lax.broadcasted_iota(jnp.int32, (DOUT, DOUT), 0)
    src = (cols // 32) * 32 + (cols % 2) * 16 + (cols % 32) // 2
    perm = (rows == src).astype(jnp.float32)
    out_ref[...] = lax.dot_general(
        acc, perm, (((1,), (0,)), ((), ())),
        preferred_element_type=jnp.float32).astype(jnp.bfloat16)


def _tc_project(x_emb, y_emb, h_emb, w_emb, lw_p, bias_p):
    return pl.pallas_call(
        _tc_project_body,
        grid=(NSLOT,),
        in_specs=[
            pl.BlockSpec((TAB, D6), lambda k: (0, 0)),
            pl.BlockSpec((TAB, D6), lambda k: (0, 0)),
            pl.BlockSpec((TAB, D6), lambda k: (0, 0)),
            pl.BlockSpec((TAB, D6), lambda k: (0, 0)),
            pl.BlockSpec((DOUT, D6), lambda k: (0, k)),
            pl.BlockSpec((1, DOUT), lambda k: (0, 0)),
        ],
        out_specs=pl.BlockSpec((TAB, DOUT), lambda k: (k, 0)),
        out_shape=jax.ShapeDtypeStruct((NSLOT * TAB, DOUT), jnp.bfloat16),
    )(x_emb, y_emb, h_emb, w_emb, lw_p, bias_p)


def _sc_lookup_body(lids_hbm, pos_hbm, proj_hbm, box_hbm, out_hbm,
                    lids_v, pos_v, idx6_v, rows6_a, rows6_b,
                    rowsb_a, rowsb_b, out_a, out_b, sem_a, sem_b,
                    osem_a, osem_b):
    wid = lax.axis_index("s") * NC + lax.axis_index("c")
    base = wid * TPW

    for c in range(4):
        pltpu.sync_copy(lids_hbm.at[pl.ds(c * NTOK + base, TPW)],
                        lids_v.at[pl.ds(c * TPW, TPW)])
    pltpu.sync_copy(pos_hbm.at[pl.ds(base, TPW)], pos_v)

    for j in range(TPW // LANES):
        t = j * LANES
        ch = t // CH
        off = t - ch * CH
        c0 = lids_v[pl.ds(0 * TPW + t, LANES)]
        c1 = lids_v[pl.ds(1 * TPW + t, LANES)]
        c2 = lids_v[pl.ds(2 * TPW + t, LANES)]
        c3 = lids_v[pl.ds(3 * TPW + t, LANES)]
        slots = (
            c0,
            c1 + TAB,
            c2 + 2 * TAB,
            c3 + 3 * TAB,
            (c3 - c1) + 4 * TAB,
            (c2 - c0) + 5 * TAB,
        )
        for k in range(NSLOT):
            idx6_v[pl.ds(ch * (NSLOT * CH) + k * CH + off, LANES)] = slots[k]

    rows6 = (rows6_a, rows6_b)
    rowsb = (rowsb_a, rowsb_b)
    outs = (out_a, out_b)
    sems = (sem_a, sem_b)
    osems = (osem_a, osem_b)
    third = NSLOT * CH // 3

    def fire(ch):
        par = ch % 2
        cbase = ch * (NSLOT * CH)
        hs = tuple(
            pltpu.async_copy(
                proj_hbm.at[idx6_v.at[pl.ds(cbase + p * third, third)]],
                rows6[par].at[pl.ds(p * third, third)], sems[par])
            for p in range(3))
        return hs + (
            pltpu.async_copy(
                box_hbm.at[pos_v.at[pl.ds(ch * CH, CH)]],
                rowsb[par], sems[par]),
        )

    handles = fire(0)
    ohandles = (None, None)
    for ch in range(NCH):
        par = ch % 2
        nxt = fire(ch + 1) if ch + 1 < NCH else None
        for h in handles:
            h.wait()
        if ohandles[par] is not None:
            ohandles[par].wait()
        r6, rb, ov = rows6[par], rowsb[par], outs[par]

        @plsc.parallel_loop(0, CH, unroll=4)
        def acc_body(i):
            for g in range(DOUT // 32):
                gsl = pl.ds(g * 32, 32)
                s = r6[0 * CH + i, gsl]
                for k in range(1, NSLOT):
                    s = s + r6[k * CH + i, gsl]
                lo, hi = plsc.unpack(s, format=plsc.PackFormat.INTERLEAVED)
                lo = lo + rb[i, pl.ds(g * 32, LANES)]
                hi = hi + rb[i, pl.ds(g * 32 + LANES, LANES)]
                ov[i, pl.ds(g * 32, LANES)] = lo
                ov[i, pl.ds(g * 32 + LANES, LANES)] = hi

        oh = pltpu.async_copy(ov, out_hbm.at[pl.ds(base + ch * CH, CH)],
                              osems[par])
        ohandles = tuple(oh if q == par else ohandles[q] for q in range(2))
        handles = nxt
    for q in range(2):
        if ohandles[q] is not None:
            ohandles[q].wait()


def _sc_lookup(lids_flat, pos_flat, proj, box):
    mesh = plsc.VectorSubcoreMesh(core_axis_name="c", subcore_axis_name="s")
    f = functools.partial(
        pl.kernel,
        mesh=mesh,
        out_type=jax.ShapeDtypeStruct((NTOK, DOUT), jnp.float32),
        scratch_types=[
            pltpu.VMEM((TPW * 4,), jnp.int32),
            pltpu.VMEM((TPW,), jnp.int32),
            pltpu.VMEM((NSLOT * TPW,), jnp.int32),
            pltpu.VMEM((NSLOT * CH, DOUT), jnp.bfloat16),
            pltpu.VMEM((NSLOT * CH, DOUT), jnp.bfloat16),
            pltpu.VMEM((CH, DOUT), jnp.float32),
            pltpu.VMEM((CH, DOUT), jnp.float32),
            pltpu.VMEM((CH, DOUT), jnp.float32),
            pltpu.VMEM((CH, DOUT), jnp.float32),
            pltpu.SemaphoreType.DMA,
            pltpu.SemaphoreType.DMA,
            pltpu.SemaphoreType.DMA,
            pltpu.SemaphoreType.DMA,
        ],
        compiler_params=pltpu.CompilerParams(use_tc_tiling_on_sc=False,
                                             needs_layout_passes=False),
    )(_sc_lookup_body)
    return f(lids_flat, pos_flat, proj, box)


def kernel(layout_ids, position_ids, x_emb, y_emb, h_emb, w_emb, box_emb,
           lin_w, lin_b):
    proj = _tc_project(x_emb, y_emb, h_emb, w_emb, lin_w,
                       lin_b.reshape(1, DOUT))
    lids_flat = jnp.maximum(
        layout_ids.astype(jnp.int32).transpose(2, 0, 1), 0).reshape(-1)
    pos_flat = position_ids.astype(jnp.int32).reshape(-1)
    out = _sc_lookup(lids_flat, pos_flat, proj, box_emb)
    return out.reshape(B, S, DOUT)

# --- scband reference (transcript-rebuilt; emitter-appended) ---
"""Pipeline reference for scband-layout-embeddings-88587995448049 (READ-ONLY COPY).

The authoritative reference and input builder live on the scoring server;
editing this copy changes nothing except your own understanding.
"""

import jax, jax.numpy as jnp
import numpy as np

B, S = 4, 2048
HIDDEN = 768
MAX_POS = 4096
MAX_2D = 1024
PAD_IDX = 1
SHRINK = 4
D6 = HIDDEN // 6          # 128
DOUT = HIDDEN // SHRINK   # 192


def setup_inputs(seed: int = 0) -> dict:
    key = jax.random.key(seed)
    ks = jax.random.split(key, 10)
    # sorted along last axis guarantees coord[2] >= coord[0] and coord[3] >= coord[1]
    layout_ids = jnp.sort(jax.random.randint(ks[0], (B, S, 4), 0, 1000, dtype=jnp.int64) if jax.config.jax_enable_x64 else jax.random.randint(ks[0], (B, S, 4), 0, 1000, dtype=jnp.int32), axis=-1)
    position_ids = jax.random.randint(ks[1], (B, S), 0, MAX_POS, dtype=jnp.int32)
    x_emb = jax.random.normal(ks[2], (MAX_2D, D6), dtype=jnp.float32) * 0.02
    y_emb = jax.random.normal(ks[3], (MAX_2D, D6), dtype=jnp.float32) * 0.02
    h_emb = jax.random.normal(ks[4], (MAX_2D, D6), dtype=jnp.float32) * 0.02
    w_emb = jax.random.normal(ks[5], (MAX_2D, D6), dtype=jnp.float32) * 0.02
    box_emb = jax.random.normal(ks[6], (MAX_POS, DOUT), dtype=jnp.float32) * 0.02
    box_emb = box_emb.at[PAD_IDX].set(0.0)  # padding_idx row zeroed
    lin_w = jax.random.normal(ks[7], (DOUT, HIDDEN), dtype=jnp.float32) * 0.02
    lin_b = jnp.zeros((DOUT,), dtype=jnp.float32)
    return {
        "layout_ids": layout_ids,
        "position_ids": position_ids,
        "x_emb": x_emb,
        "y_emb": y_emb,
        "h_emb": h_emb,
        "w_emb": w_emb,
        "box_emb": box_emb,
        "lin_w": lin_w,
        "lin_b": lin_b,
    }


def reference(layout_ids, position_ids, x_emb, y_emb, h_emb, w_emb, box_emb, lin_w, lin_b):
    left = jnp.take(x_emb, layout_ids[:, :, 0], axis=0)
    upper = jnp.take(y_emb, layout_ids[:, :, 1], axis=0)
    right = jnp.take(x_emb, layout_ids[:, :, 2], axis=0)
    lower = jnp.take(y_emb, layout_ids[:, :, 3], axis=0)
    h_pos = jnp.take(h_emb, layout_ids[:, :, 3] - layout_ids[:, :, 1], axis=0)
    w_pos = jnp.take(w_emb, layout_ids[:, :, 2] - layout_ids[:, :, 0], axis=0)
    spatial = jnp.concatenate([left, upper, right, lower, h_pos, w_pos], axis=-1)  # [B,S,768]
    box_pos = jnp.take(box_emb, position_ids, axis=0)  # [B,S,192]
    spatial = spatial @ lin_w.T + lin_b  # [B,S,192]
    return spatial + box_pos

if __name__ == "__main__":
    import jax
    _d = setup_inputs()
    print(jax.jit(kernel)(*tuple(_d.values())))

</pallas_src>

<mosaic_0001>
#map = affine_map<(d0, d1) -> (0)>
#map1 = affine_map<(d0, d1) -> (0, 0)>
module attributes {stable_mosaic.version = 14 : i64} {
  func.func @_sc_lookup_body(%arg0: i32, %arg1: i32, %arg2: memref<32768xi32, #tpu.memory_space<hbm>>, %arg3: memref<8192xi32, #tpu.memory_space<hbm>>, %arg4: memref<6144x192xbf16, #tpu.memory_space<hbm>>, %arg5: memref<4096x192xf32, #tpu.memory_space<hbm>>, %arg6: memref<8192x192xf32, #tpu.memory_space<hbm>>, %arg7: memref<1024xi32, #tpu.memory_space<vmem>>, %arg8: memref<256xi32, #tpu.memory_space<vmem>>, %arg9: memref<1536xi32, #tpu.memory_space<vmem>>, %arg10: memref<384x192xbf16, #tpu.memory_space<vmem>>, %arg11: memref<384x192xbf16, #tpu.memory_space<vmem>>, %arg12: memref<64x192xf32, #tpu.memory_space<vmem>>, %arg13: memref<64x192xf32, #tpu.memory_space<vmem>>, %arg14: memref<64x192xf32, #tpu.memory_space<vmem>>, %arg15: memref<64x192xf32, #tpu.memory_space<vmem>>, %arg16: memref<!tpu.dma_semaphore, #tpu.memory_space<semaphore_mem>>, %arg17: memref<!tpu.dma_semaphore, #tpu.memory_space<semaphore_mem>>, %arg18: memref<!tpu.dma_semaphore, #tpu.memory_space<semaphore_mem>>, %arg19: memref<!tpu.dma_semaphore, #tpu.memory_space<semaphore_mem>>) attributes {dimension_semantics = [#tpu.dimension_semantics<core_parallel>, #tpu.dimension_semantics<subcore_parallel>], iteration_bounds = array<i64: 2, 16>, scalar_prefetch = 0 : i64, scratch_operands = 13 : i64, tpu.core_type = #tpu.core_type<sc_vector_subcore>, window_params = [{transform_indices = #map}, {transform_indices = #map}, {transform_indices = #map1}, {transform_indices = #map1}, {transform_indices = #map1}]} {
    %mul3A = arith.constant 2 : i32
    %mul3A_0 = arith.muli %arg1, %mul3A : i32
    %add3A = arith.addi %mul3A_0, %arg0 : i32
    %mul3A_1 = arith.constant 256 : i32
    %mul3A_2 = arith.muli %add3A, %mul3A_1 : i32
    %add3A_3 = arith.constant 0 : i32
    %add3A_4 = arith.addi %add3A_3, %mul3A_2 : i32
    "tpu.region"() ({
      %run_scoped3A = tpu.sem_alloc : memref<!tpu.dma_semaphore, #tpu.memory_space<semaphore_mem>>
      %dma_start3A_881 = arith.constant 0 : i32
      %dma_start3A_882 = tpu.memref_slice %arg7[%dma_start3A_881] : memref<1024xi32, #tpu.memory_space<vmem>> -> memref<256xi32, #tpu.memory_space<vmem>>
      %dma_start3A_883 = tpu.memref_slice %arg2[%add3A_4] : memref<32768xi32, #tpu.memory_space<hbm>> -> memref<256xi32, #tpu.memory_space<hbm>>
      %dma_start3A_884 = arith.constant 0 : i32
      %dma_start3A_885 = tpu.memref_slice %arg7[%dma_start3A_884] : memref<1024xi32, #tpu.memory_space<vmem>> -> memref<256xi32, #tpu.memory_space<vmem>>
      %dma_start3A_886 = tpu.memref_slice %arg2[%add3A_4] : memref<32768xi32, #tpu.memory_space<hbm>> -> memref<256xi32, #tpu.memory_space<hbm>>
      tpu.enqueue_dma source(%dma_start3A_886 : memref<256xi32, #tpu.memory_space<hbm>>) target(%dma_start3A_885 : memref<256xi32, #tpu.memory_space<vmem>>) target_semaphore(%run_scoped3A : memref<!tpu.dma_semaphore, #tpu.memory_space<semaphore_mem>>)
      %dma_wait3A_887 = arith.constant 0 : i32
      %dma_wait3A_888 = tpu.memref_slice %arg7[%dma_wait3A_887] : memref<1024xi32, #tpu.memory_space<vmem>> -> memref<256xi32, #tpu.memory_space<vmem>>
      %dma_wait3A_889 = tpu.memref_slice %arg2[%add3A_4] : memref<32768xi32, #tpu.memory_space<hbm>> -> memref<256xi32, #tpu.memory_space<hbm>>
      %dma_wait3A_890 = arith.constant 0 : i32
      %dma_wait3A_891 = tpu.memref_slice %arg7[%dma_wait3A_890] : memref<1024xi32, #tpu.memory_space<vmem>> -> memref<256xi32, #tpu.memory_space<vmem>>
      %dma_wait3A_892 = tpu.memref_slice %arg2[%add3A_4] : memref<32768xi32, #tpu.memory_space<hbm>> -> memref<256xi32, #tpu.memory_space<hbm>>
      tpu.wait_dma2 semaphore(%run_scoped3A : memref<!tpu.dma_semaphore, #tpu.memory_space<semaphore_mem>>) src(%dma_wait3A_892 : memref<256xi32, #tpu.memory_space<hbm>>) dst(%dma_wait3A_891 : memref<256xi32, #tpu.memory_space<vmem>>)
      tpu.yield
    }) : () -> ()
    %add3A_5 = arith.constant 8192 : i32
    %add3A_6 = arith.addi %add3A_5, %mul3A_2 : i32
    "tpu.region"() ({
      %run_scoped3A = tpu.sem_alloc : memref<!tpu.dma_semaphore, #tpu.memory_space<semaphore_mem>>
      %dma_start3A_881 = arith.constant 256 : i32
      %dma_start3A_882 = tpu.memref_slice %arg7[%dma_start3A_881] : memref<1024xi32, #tpu.memory_space<vmem>> -> memref<256xi32, #tpu.memory_space<vmem>>
      %dma_start3A_883 = tpu.memref_slice %arg2[%add3A_6] : memref<32768xi32, #tpu.memory_space<hbm>> -> memref<256xi32, #tpu.memory_space<hbm>>
      %dma_start3A_884 = arith.constant 256 : i32
      %dma_start3A_885 = tpu.memref_slice %arg7[%dma_start3A_884] : memref<1024xi32, #tpu.memory_space<vmem>> -> memref<256xi32, #tpu.memory_space<vmem>>
      %dma_start3A_886 = tpu.memref_slice %arg2[%add3A_6] : memref<32768xi32, #tpu.memory_space<hbm>> -> memref<256xi32, #tpu.memory_space<hbm>>
      tpu.enqueue_dma source(%dma_start3A_886 : memref<256xi32, #tpu.memory_space<hbm>>) target(%dma_start3A_885 : memref<256xi32, #tpu.memory_space<vmem>>) target_semaphore(%run_scoped3A : memref<!tpu.dma_semaphore, #tpu.memory_space<semaphore_mem>>)
      %dma_wait3A_887 = arith.constant 256 : i32
      %dma_wait3A_888 = tpu.memref_slice %arg7[%dma_wait3A_887] : memref<1024xi32, #tpu.memory_space<vmem>> -> memref<256xi32, #tpu.memory_space<vmem>>
      %dma_wait3A_889 = tpu.memref_slice %arg2[%add3A_6] : memref<32768xi32, #tpu.memory_space<hbm>> -> memref<256xi32, #tpu.memory_space<hbm>>
      %dma_wait3A_890 = arith.constant 256 : i32
      %dma_wait3A_891 = tpu.memref_slice %arg7[%dma_wait3A_890] : memref<1024xi32, #tpu.memory_space<vmem>> -> memref<256xi32, #tpu.memory_space<vmem>>
      %dma_wait3A_892 = tpu.memref_slice %arg2[%add3A_6] : memref<32768xi32, #tpu.memory_space<hbm>> -> memref<256xi32, #tpu.memory_space<hbm>>
      tpu.wait_dma2 semaphore(%run_scoped3A : memref<!tpu.dma_semaphore, #tpu.memory_space<semaphore_mem>>) src(%dma_wait3A_892 : memref<256xi32, #tpu.memory_space<hbm>>) dst(%dma_wait3A_891 : memref<256xi32, #tpu.memory_space<vmem>>)
      tpu.yield
    }) : () -> ()
    %add3A_7 = arith.constant 16384 : i32
    %add3A_8 = arith.addi %add3A_7, %mul3A_2 : i32
    "tpu.region"() ({
      %run_scoped3A = tpu.sem_alloc : memref<!tpu.dma_semaphore, #tpu.memory_space<semaphore_mem>>
      %dma_start3A_881 = arith.constant 512 : i32
      %dma_start3A_882 = tpu.memref_slice %arg7[%dma_start3A_881] : memref<1024xi32, #tpu.memory_space<vmem>> -> memref<256xi32, #tpu.memory_space<vmem>>
      %dma_start3A_883 = tpu.memref_slice %arg2[%add3A_8] : memref<32768xi32, #tpu.memory_space<hbm>> -> memref<256xi32, #tpu.memory_space<hbm>>
      %dma_start3A_884 = arith.constant 512 : i32
      %dma_start3A_885 = tpu.memref_slice %arg7[%dma_start3A_884] : memref<1024xi32, #tpu.memory_space<vmem>> -> memref<256xi32, #tpu.memory_space<vmem>>
      %dma_start3A_886 = tpu.memref_slice %arg2[%add3A_8] : memref<32768xi32, #tpu.memory_space<hbm>> -> memref<256xi32, #tpu.memory_space<hbm>>
      tpu.enqueue_dma source(%dma_start3A_886 : memref<256xi32, #tpu.memory_space<hbm>>) target(%dma_start3A_885 : memref<256xi32, #tpu.memory_space<vmem>>) target_semaphore(%run_scoped3A : memref<!tpu.dma_semaphore, #tpu.memory_space<semaphore_mem>>)
      %dma_wait3A_887 = arith.constant 512 : i32
      %dma_wait3A_888 = tpu.memref_slice %arg7[%dma_wait3A_887] : memref<1024xi32, #tpu.memory_space<vmem>> -> memref<256xi32, #tpu.memory_space<vmem>>
      %dma_wait3A_889 = tpu.memref_slice %arg2[%add3A_8] : memref<32768xi32, #tpu.memory_space<hbm>> -> memref<256xi32, #tpu.memory_space<hbm>>
      %dma_wait3A_890 = arith.constant 512 : i32
      %dma_wait3A_891 = tpu.memref_slice %arg7[%dma_wait3A_890] : memref<1024xi32, #tpu.memory_space<vmem>> -> memref<256xi32, #tpu.memory_space<vmem>>
      %dma_wait3A_892 = tpu.memref_slice %arg2[%add3A_8] : memref<32768xi32, #tpu.memory_space<hbm>> -> memref<256xi32, #tpu.memory_space<hbm>>
      tpu.wait_dma2 semaphore(%run_scoped3A : memref<!tpu.dma_semaphore, #tpu.memory_space<semaphore_mem>>) src(%dma_wait3A_892 : memref<256xi32, #tpu.memory_space<hbm>>) dst(%dma_wait3A_891 : memref<256xi32, #tpu.memory_space<vmem>>)
      tpu.yield
    }) : () -> ()
    %add3A_9 = arith.constant 24576 : i32
    %add3A_10 = arith.addi %add3A_9, %mul3A_2 : i32
    "tpu.region"() ({
      %run_scoped3A = tpu.sem_alloc : memref<!tpu.dma_semaphore, #tpu.memory_space<semaphore_mem>>
      %dma_start3A_881 = arith.constant 768 : i32
      %dma_start3A_882 = tpu.memref_slice %arg7[%dma_start3A_881] : memref<1024xi32, #tpu.memory_space<vmem>> -> memref<256xi32, #tpu.memory_space<vmem>>
      %dma_start3A_883 = tpu.memref_slice %arg2[%add3A_10] : memref<32768xi32, #tpu.memory_space<hbm>> -> memref<256xi32, #tpu.memory_space<hbm>>
      %dma_start3A_884 = arith.constant 768 : i32
      %dma_start3A_885 = tpu.memref_slice %arg7[%dma_start3A_884] : memref<1024xi32, #tpu.memory_space<vmem>> -> memref<256xi32, #tpu.memory_space<vmem>>
      %dma_start3A_886 = tpu.memref_slice %arg2[%add3A_10] : memref<32768xi32, #tpu.memory_space<hbm>> -> memref<256xi32, #tpu.memory_space<hbm>>
      tpu.enqueue_dma source(%dma_start3A_886 : memref<256xi32, #tpu.memory_space<hbm>>) target(%dma_start3A_885 : memref<256xi32, #tpu.memory_space<vmem>>) target_semaphore(%run_scoped3A : memref<!tpu.dma_semaphore, #tpu.memory_space<semaphore_mem>>)
      %dma_wait3A_887 = arith.constant 768 : i32
      %dma_wait3A_888 = tpu.memref_slice %arg7[%dma_wait3A_887] : memref<1024xi32, #tpu.memory_space<vmem>> -> memref<256xi32, #tpu.memory_space<vmem>>
      %dma_wait3A_889 = tpu.memref_slice %arg2[%add3A_10] : memref<32768xi32, #tpu.memory_space<hbm>> -> memref<256xi32, #tpu.memory_space<hbm>>
      %dma_wait3A_890 = arith.constant 768 : i32
      %dma_wait3A_891 = tpu.memref_slice %arg7[%dma_wait3A_890] : memref<1024xi32, #tpu.memory_space<vmem>> -> memref<256xi32, #tpu.memory_space<vmem>>
      %dma_wait3A_892 = tpu.memref_slice %arg2[%add3A_10] : memref<32768xi32, #tpu.memory_space<hbm>> -> memref<256xi32, #tpu.memory_space<hbm>>
      tpu.wait_dma2 semaphore(%run_scoped3A : memref<!tpu.dma_semaphore, #tpu.memory_space<semaphore_mem>>) src(%dma_wait3A_892 : memref<256xi32, #tpu.memory_space<hbm>>) dst(%dma_wait3A_891 : memref<256xi32, #tpu.memory_space<vmem>>)
      tpu.yield
    }) : () -> ()
    "tpu.region"() ({
      %run_scoped3A = tpu.sem_alloc : memref<!tpu.dma_semaphore, #tpu.memory_space<semaphore_mem>>
      %dma_start3A_881 = tpu.memref_slice %arg3[%mul3A_2] : memref<8192xi32, #tpu.memory_space<hbm>> -> memref<256xi32, #tpu.memory_space<hbm>>
      %dma_start3A_882 = tpu.memref_slice %arg3[%mul3A_2] : memref<8192xi32, #tpu.memory_space<hbm>> -> memref<256xi32, #tpu.memory_space<hbm>>
      tpu.enqueue_dma source(%dma_start3A_882 : memref<256xi32, #tpu.memory_space<hbm>>) target(%arg8 : memref<256xi32, #tpu.memory_space<vmem>>) target_semaphore(%run_scoped3A : memref<!tpu.dma_semaphore, #tpu.memory_space<semaphore_mem>>)
      %dma_wait3A_883 = tpu.memref_slice %arg3[%mul3A_2] : memref<8192xi32, #tpu.memory_space<hbm>> -> memref<256xi32, #tpu.memory_space<hbm>>
      %dma_wait3A_884 = tpu.memref_slice %arg3[%mul3A_2] : memref<8192xi32, #tpu.memory_space<hbm>> -> memref<256xi32, #tpu.memory_space<hbm>>
      tpu.wait_dma2 semaphore(%run_scoped3A : memref<!tpu.dma_semaphore, #tpu.memory_space<semaphore_mem>>) src(%dma_wait3A_884 : memref<256xi32, #tpu.memory_space<hbm>>) dst(%arg8 : memref<256xi32, #tpu.memory_space<vmem>>)
      tpu.yield
    }) : () -> ()
    %get3A = arith.constant 0 : index
    %get3A_11 = tpu.vector_load %arg7[%get3A] {strides = array<i32>} : memref<1024xi32, #tpu.memory_space<vmem>>, vector<16xi32>,
    %get3A_12 = arith.constant 256 : index
    %get3A_13 = tpu.vector_load %arg7[%get3A_12] {strides = array<i32>} : memref<1024xi32, #tpu.memory_space<vmem>>, vector<16xi32>,
    %get3A_14 = arith.constant 512 : index
    %get3A_15 = tpu.vector_load %arg7[%get3A_14] {strides = array<i32>} : memref<1024xi32, #tpu.memory_space<vmem>>, vector<16xi32>,
    %get3A_16 = arith.constant 768 : index
    %get3A_17 = tpu.vector_load %arg7[%get3A_16] {strides = array<i32>} : memref<1024xi32, #tpu.memory_space<vmem>>, vector<16xi32>,
    %add3A_18 = arith.constant 1024 : i32
    %add3A_19 = vector.broadcast %add3A_18 : i32 to vector<16xi32>
    %add3A_20 = arith.addi %get3A_13, %add3A_19 : vector<16xi32>
    %add3A_21 = arith.constant 2048 : i32
    %add3A_22 = vector.broadcast %add3A_21 : i32 to vector<16xi32>
    %add3A_23 = arith.addi %get3A_15, %add3A_22 : vector<16xi32>
    %add3A_24 = arith.constant 3072 : i32
    %add3A_25 = vector.broadcast %add3A_24 : i32 to vector<16xi32>
    %add3A_26 = arith.addi %get3A_17, %add3A_25 : vector<16xi32>
    %sub3A = arith.subi %get3A_17, %get3A_13 : vector<16xi32>
    %add3A_27 = arith.constant 4096 : i32
    %add3A_28 = vector.broadcast %add3A_27 : i32 to vector<16xi32>
    %add3A_29 = arith.addi %sub3A, %add3A_28 : vector<16xi32>
    %sub3A_30 = arith.subi %get3A_15, %get3A_11 : vector<16xi32>
    %add3A_31 = arith.constant 5120 : i32
    %add3A_32 = vector.broadcast %add3A_31 : i32 to vector<16xi32>
    %add3A_33 = arith.addi %sub3A_30, %add3A_32 : vector<16xi32>
    %swap3A = arith.constant 0 : index
    %swap3A_34 = tpu.vector_load %arg9[%swap3A] {strides = array<i32>} : memref<1536xi32, #tpu.memory_space<vmem>>, vector<16xi32>,
    tpu.vector_store %arg9[%swap3A], %get3A_11 {strides = array<i32>} : memref<1536xi32, #tpu.memory_space<vmem>>, vector<16xi32>,
    %swap3A_35 = arith.constant 64 : index
    %swap3A_36 = tpu.vector_load %arg9[%swap3A_35] {strides = array<i32>} : memref<1536xi32, #tpu.memory_space<vmem>>, vector<16xi32>,
    tpu.vector_store %arg9[%swap3A_35], %add3A_20 {strides = array<i32>} : memref<1536xi32, #tpu.memory_space<vmem>>, vector<16xi32>,
    %swap3A_37 = arith.constant 128 : index
    %swap3A_38 = tpu.vector_load %arg9[%swap3A_37] {strides = array<i32>} : memref<1536xi32, #tpu.memory_space<vmem>>, vector<16xi32>,
    tpu.vector_store %arg9[%swap3A_37], %add3A_23 {strides = array<i32>} : memref<1536xi32, #tpu.memory_space<vmem>>, vector<16xi32>,
    %swap3A_39 = arith.constant 192 : index
    %swap3A_40 = tpu.vector_load %arg9[%swap3A_39] {strides = array<i32>} : memref<1536xi32, #tpu.memory_space<vmem>>, vector<16xi32>,
    tpu.vector_store %arg9[%swap3A_39], %add3A_26 {strides = array<i32>} : memref<1536xi32, #tpu.memory_space<vmem>>, vector<16xi32>,
    %swap3A_41 = arith.constant 256 : index
    %swap3A_42 = tpu.vector_load %arg9[%swap3A_41] {strides = array<i32>} : memref<1536xi32, #tpu.memory_space<vmem>>, vector<16xi32>,
    tpu.vector_store %arg9[%swap3A_41], %add3A_29 {strides = array<i32>} : memref<1536xi32, #tpu.memory_space<vmem>>, vector<16xi32>,
    %swap3A_43 = arith.constant 320 : index
    %swap3A_44 = tpu.vector_load %arg9[%swap3A_43] {strides = array<i32>} : memref<1536xi32, #tpu.memory_space<vmem>>, vector<16xi32>,
    tpu.vector_store %arg9[%swap3A_43], %add3A_33 {strides = array<i32>} : memref<1536xi32, #tpu.memory_space<vmem>>, vector<16xi32>,
    %get3A_45 = arith.constant 16 : index
    %get3A_46 = tpu.vector_load %arg7[%get3A_45] {strides = array<i32>} : memref<1024xi32, #tpu.memory_space<vmem>>, vector<16xi32>,
    %get3A_47 = arith.constant 272 : index
    %get3A_48 = tpu.vector_load %arg7[%get3A_47] {strides = array<i32>} : memref<1024xi32, #tpu.memory_space<vmem>>, vector<16xi32>,
    %get3A_49 = arith.constant 528 : index
    %get3A_50 = tpu.vector_load %arg7[%get3A_49] {strides = array<i32>} : memref<1024xi32, #tpu.memory_space<vmem>>, vector<16xi32>,
    %get3A_51 = arith.constant 784 : index
    %get3A_52 = tpu.vector_load %arg7[%get3A_51] {strides = array<i32>} : memref<1024xi32, #tpu.memory_space<vmem>>, vector<16xi32>,
    %add3A_53 = arith.constant 1024 : i32
    %add3A_54 = vector.broadcast %add3A_53 : i32 to vector<16xi32>
    %add3A_55 = arith.addi %get3A_48, %add3A_54 : vector<16xi32>
    %add3A_56 = arith.constant 2048 : i32
    %add3A_57 = vector.broadcast %add3A_56 : i32 to vector<16xi32>
    %add3A_58 = arith.addi %get3A_50, %add3A_57 : vector<16xi32>
    %add3A_59 = arith.constant 3072 : i32
    %add3A_60 = vector.broadcast %add3A_59 : i32 to vector<16xi32>
    %add3A_61 = arith.addi %get3A_52, %add3A_60 : vector<16xi32>
    %sub3A_62 = arith.subi %get3A_52, %get3A_48 : vector<16xi32>
    %add3A_63 = arith.constant 4096 : i32
    %add3A_64 = vector.broadcast %add3A_63 : i32 to vector<16xi32>
    %add3A_65 = arith.addi %sub3A_62, %add3A_64 : vector<16xi32>
    %sub3A_66 = arith.subi %get3A_50, %get3A_46 : vector<16xi32>
    %add3A_67 = arith.constant 5120 : i32
    %add3A_68 = vector.broadcast %add3A_67 : i32 to vector<16xi32>
    %add3A_69 = arith.addi %sub3A_66, %add3A_68 : vector<16xi32>
    %swap3A_70 = arith.constant 16 : index
    %swap3A_71 = tpu.vector_load %arg9[%swap3A_70] {strides = array<i32>} : memref<1536xi32, #tpu.memory_space<vmem>>, vector<16xi32>,
    tpu.vector_store %arg9[%swap3A_70], %get3A_46 {strides = array<i32>} : memref<1536xi32, #tpu.memory_space<vmem>>, vector<16xi32>,
    %swap3A_72 = arith.constant 80 : index
    %swap3A_73 = tpu.vector_load %arg9[%swap3A_72] {strides = array<i32>} : memref<1536xi32, #tpu.memory_space<vmem>>, vector<16xi32>,
    tpu.vector_store %arg9[%swap3A_72], %add3A_55 {strides = array<i32>} : memref<1536xi32, #tpu.memory_space<vmem>>, vector<16xi32>,
    %swap3A_74 = arith.constant 144 : index
    %swap3A_75 = tpu.vector_load %arg9[%swap3A_74] {strides = array<i32>} : memref<1536xi32, #tpu.memory_space<vmem>>, vector<16xi32>,
    tpu.vector_store %arg9[%swap3A_74], %add3A_58 {strides = array<i32>} : memref<1536xi32, #tpu.memory_space<vmem>>, vector<16xi32>,
    %swap3A_76 = arith.constant 208 : index
    %swap3A_77 = tpu.vector_load %arg9[%swap3A_76] {strides = array<i32>} : memref<1536xi32, #tpu.memory_space<vmem>>, vector<16xi32>,
    tpu.vector_store %arg9[%swap3A_76], %add3A_61 {strides = array<i32>} : memref<1536xi32, #tpu.memory_space<vmem>>, vector<16xi32>,
    %swap3A_78 = arith.constant 272 : index
    %swap3A_79 = tpu.vector_load %arg9[%swap3A_78] {strides = array<i32>} : memref<1536xi32, #tpu.memory_space<vmem>>, vector<16xi32>,
    tpu.vector_store %arg9[%swap3A_78], %add3A_65 {strides = array<i32>} : memref<1536xi32, #tpu.memory_space<vmem>>, vector<16xi32>,
    %swap3A_80 = arith.constant 336 : index
    %swap3A_81 = tpu.vector_load %arg9[%swap3A_80] {strides = array<i32>} : memref<1536xi32, #tpu.memory_space<vmem>>, vector<16xi32>,
    tpu.vector_store %arg9[%swap3A_80], %add3A_69 {strides = array<i32>} : memref<1536xi32, #tpu.memory_space<vmem>>, vector<16xi32>,
    %get3A_82 = arith.constant 32 : index
    %get3A_83 = tpu.vector_load %arg7[%get3A_82] {strides = array<i32>} : memref<1024xi32, #tpu.memory_space<vmem>>, vector<16xi32>,
    %get3A_84 = arith.constant 288 : index
    %get3A_85 = tpu.vector_load %arg7[%get3A_84] {strides = array<i32>} : memref<1024xi32, #tpu.memory_space<vmem>>, vector<16xi32>,
    %get3A_86 = arith.constant 544 : index
    %get3A_87 = tpu.vector_load %arg7[%get3A_86] {strides = array<i32>} : memref<1024xi32, #tpu.memory_space<vmem>>, vector<16xi32>,
    %get3A_88 = arith.constant 800 : index
    %get3A_89 = tpu.vector_load %arg7[%get3A_88] {strides = array<i32>} : memref<1024xi32, #tpu.memory_space<vmem>>, vector<16xi32>,
    %add3A_90 = arith.constant 1024 : i32
    %add3A_91 = vector.broadcast %add3A_90 : i32 to vector<16xi32>
    %add3A_92 = arith.addi %get3A_85, %add3A_91 : vector<16xi32>
    %add3A_93 = arith.constant 2048 : i32
    %add3A_94 = vector.broadcast %add3A_93 : i32 to vector<16xi32>
    %add3A_95 = arith.addi %get3A_87, %add3A_94 : vector<16xi32>
    %add3A_96 = arith.constant 3072 : i32
    %add3A_97 = vector.broadcast %add3A_96 : i32 to vector<16xi32>
    %add3A_98 = arith.addi %get3A_89, %add3A_97 : vector<16xi32>
    %sub3A_99 = arith.subi %get3A_89, %get3A_85 : vector<16xi32>
    %add3A_100 = arith.constant 4096 : i32
    %add3A_101 = vector.broadcast %add3A_100 : i32 to vector<16xi32>
    %add3A_102 = arith.addi %sub3A_99, %add3A_101 : vector<16xi32>
    %sub3A_103 = arith.subi %get3A_87, %get3A_83 : vector<16xi32>
    %add3A_104 = arith.constant 5120 : i32
    %add3A_105 = vector.broadcast %add3A_104 : i32 to vector<16xi32>
    %add3A_106 = arith.addi %sub3A_103, %add3A_105 : vector<16xi32>
    %swap3A_107 = arith.constant 32 : index
    %swap3A_108 = tpu.vector_load %arg9[%swap3A_107] {strides = array<i32>} : memref<1536xi32, #tpu.memory_space<vmem>>, vector<16xi32>,
    tpu.vector_store %arg9[%swap3A_107], %get3A_83 {strides = array<i32>} : memref<1536xi32, #tpu.memory_space<vmem>>, vector<16xi32>,
    %swap3A_109 = arith.constant 96 : index
    %swap3A_110 = tpu.vector_load %arg9[%swap3A_109] {strides = array<i32>} : memref<1536xi32, #tpu.memory_space<vmem>>, vector<16xi32>,
    tpu.vector_store %arg9[%swap3A_109], %add3A_92 {strides = array<i32>} : memref<1536xi32, #tpu.memory_space<vmem>>, vector<16xi32>,
    %swap3A_111 = arith.constant 160 : index
    %swap3A_112 = tpu.vector_load %arg9[%swap3A_111] {strides = array<i32>} : memref<1536xi32, #tpu.memory_space<vmem>>, vector<16xi32>,
    tpu.vector_store %arg9[%swap3A_111], %add3A_95 {strides = array<i32>} : memref<1536xi32, #tpu.memory_space<vmem>>, vector<16xi32>,
    %swap3A_113 = arith.constant 224 : index
    %swap3A_114 = tpu.vector_load %arg9[%swap3A_113] {strides = array<i32>} : memref<1536xi32, #tpu.memory_space<vmem>>, vector<16xi32>,
    tpu.vector_store %arg9[%swap3A_113], %add3A_98 {strides = array<i32>} : memref<1536xi32, #tpu.memory_space<vmem>>, vector<16xi32>,
    %swap3A_115 = arith.constant 288 : index
    %swap3A_116 = tpu.vector_load %arg9[%swap3A_115] {strides = array<i32>} : memref<1536xi32, #tpu.memory_space<vmem>>, vector<16xi32>,
    tpu.vector_store %arg9[%swap3A_115], %add3A_102 {strides = array<i32>} : memref<1536xi32, #tpu.memory_space<vmem>>, vector<16xi32>,
    %swap3A_117 = arith.constant 352 : index
    %swap3A_118 = tpu.vector_load %arg9[%swap3A_117] {strides = array<i32>} : memref<1536xi32, #tpu.memory_space<vmem>>, vector<16xi32>,
    tpu.vector_store %arg9[%swap3A_117], %add3A_106 {strides = array<i32>} : memref<1536xi32, #tpu.memory_space<vmem>>, vector<16xi32>,
    %get3A_119 = arith.constant 48 : index
    %get3A_120 = tpu.vector_load %arg7[%get3A_119] {strides = array<i32>} : memref<1024xi32, #tpu.memory_space<vmem>>, vector<16xi32>,
    %get3A_121 = arith.constant 304 : index
    %get3A_122 = tpu.vector_load %arg7[%get3A_121] {strides = array<i32>} : memref<1024xi32, #tpu.memory_space<vmem>>, vector<16xi32>,
    %get3A_123 = arith.constant 560 : index
    %get3A_124 = tpu.vector_load %arg7[%get3A_123] {strides = array<i32>} : memref<1024xi32, #tpu.memory_space<vmem>>, vector<16xi32>,
    %get3A_125 = arith.constant 816 : index
    %get3A_126 = tpu.vector_load %arg7[%get3A_125] {strides = array<i32>} : memref<1024xi32, #tpu.memory_space<vmem>>, vector<16xi32>,
    %add3A_127 = arith.constant 1024 : i32
    %add3A_128 = vector.broadcast %add3A_127 : i32 to vector<16xi32>
    %add3A_129 = arith.addi %get3A_122, %add3A_128 : vector<16xi32>
    %add3A_130 = arith.constant 2048 : i32
    %add3A_131 = vector.broadcast %add3A_130 : i32 to vector<16xi32>
    %add3A_132 = arith.addi %get3A_124, %add3A_131 : vector<16xi32>
    %add3A_133 = arith.constant 3072 : i32
    %add3A_134 = vector.broadcast %add3A_133 : i32 to vector<16xi32>
    %add3A_135 = arith.addi %get3A_126, %add3A_134 : vector<16xi32>
    %sub3A_136 = arith.subi %get3A_126, %get3A_122 : vector<16xi32>
    %add3A_137 = arith.constant 4096 : i32
    %add3A_138 = vector.broadcast %add3A_137 : i32 to vector<16xi32>
    %add3A_139 = arith.addi %sub3A_136, %add3A_138 : vector<16xi32>
    %sub3A_140 = arith.subi %get3A_124, %get3A_120 : vector<16xi32>
    %add3A_141 = arith.constant 5120 : i32
    %add3A_142 = vector.broadcast %add3A_141 : i32 to vector<16xi32>
    %add3A_143 = arith.addi %sub3A_140, %add3A_142 : vector<16xi32>
    %swap3A_144 = arith.constant 48 : index
    %swap3A_145 = tpu.vector_load %arg9[%swap3A_144] {strides = array<i32>} : memref<1536xi32, #tpu.memory_space<vmem>>, vector<16xi32>,
    tpu.vector_store %arg9[%swap3A_144], %get3A_120 {strides = array<i32>} : memref<1536xi32, #tpu.memory_space<vmem>>, vector<16xi32>,
    %swap3A_146 = arith.constant 112 : index
    %swap3A_147 = tpu.vector_load %arg9[%swap3A_146] {strides = array<i32>} : memref<1536xi32, #tpu.memory_space<vmem>>, vector<16xi32>,
    tpu.vector_store %arg9[%swap3A_146], %add3A_129 {strides = array<i32>} : memref<1536xi32, #tpu.memory_space<vmem>>, vector<16xi32>,
    %swap3A_148 = arith.constant 176 : index
    %swap3A_149 = tpu.vector_load %arg9[%swap3A_148] {strides = array<i32>} : memref<1536xi32, #tpu.memory_space<vmem>>, vector<16xi32>,
    tpu.vector_store %arg9[%swap3A_148], %add3A_132 {strides = array<i32>} : memref<1536xi32, #tpu.memory_space<vmem>>, vector<16xi32>,
    %swap3A_150 = arith.constant 240 : index
    %swap3A_151 = tpu.vector_load %arg9[%swap3A_150] {strides = array<i32>} : memref<1536xi32, #tpu.memory_space<vmem>>, vector<16xi32>,
    tpu.vector_store %arg9[%swap3A_150], %add3A_135 {strides = array<i32>} : memref<1536xi32, #tpu.memory_space<vmem>>, vector<16xi32>,
    %swap3A_152 = arith.constant 304 : index
    %swap3A_153 = tpu.vector_load %arg9[%swap3A_152] {strides = array<i32>} : memref<1536xi32, #tpu.memory_space<vmem>>, vector<16xi32>,
    tpu.vector_store %arg9[%swap3A_152], %add3A_139 {strides = array<i32>} : memref<1536xi32, #tpu.memory_space<vmem>>, vector<16xi32>,
    %swap3A_154 = arith.constant 368 : index
    %swap3A_155 = tpu.vector_load %arg9[%swap3A_154] {strides = array<i32>} : memref<1536xi32, #tpu.memory_space<vmem>>, vector<16xi32>,
    tpu.vector_store %arg9[%swap3A_154], %add3A_143 {strides = array<i32>} : memref<1536xi32, #tpu.memory_space<vmem>>, vector<16xi32>,
    %get3A_156 = arith.constant 64 : index
    %get3A_157 = tpu.vector_load %arg7[%get3A_156] {strides = array<i32>} : memref<1024xi32, #tpu.memory_space<vmem>>, vector<16xi32>,
    %get3A_158 = arith.constant 320 : index
    %get3A_159 = tpu.vector_load %arg7[%get3A_158] {strides = array<i32>} : memref<1024xi32, #tpu.memory_space<vmem>>, vector<16xi32>,
    %get3A_160 = arith.constant 576 : index
    %get3A_161 = tpu.vector_load %arg7[%get3A_160] {strides = array<i32>} : memref<1024xi32, #tpu.memory_space<vmem>>, vector<16xi32>,
    %get3A_162 = arith.constant 832 : index
    %get3A_163 = tpu.vector_load %arg7[%get3A_162] {strides = array<i32>} : memref<1024xi32, #tpu.memory_space<vmem>>, vector<16xi32>,
    %add3A_164 = arith.constant 1024 : i32
    %add3A_165 = vector.broadcast %add3A_164 : i32 to vector<16xi32>
    %add3A_166 = arith.addi %get3A_159, %add3A_165 : vector<16xi32>
    %add3A_167 = arith.constant 2048 : i32
    %add3A_168 = vector.broadcast %add3A_167 : i32 to vector<16xi32>
    %add3A_169 = arith.addi %get3A_161, %add3A_168 : vector<16xi32>
    %add3A_170 = arith.constant 3072 : i32
    %add3A_171 = vector.broadcast %add3A_170 : i32 to vector<16xi32>
    %add3A_172 = arith.addi %get3A_163, %add3A_171 : vector<16xi32>
    %sub3A_173 = arith.subi %get3A_163, %get3A_159 : vector<16xi32>
    %add3A_174 = arith.constant 4096 : i32
    %add3A_175 = vector.broadcast %add3A_174 : i32 to vector<16xi32>
    %add3A_176 = arith.addi %sub3A_173, %add3A_175 : vector<16xi32>
    %sub3A_177 = arith.subi %get3A_161, %get3A_157 : vector<16xi32>
    %add3A_178 = arith.constant 5120 : i32
    %add3A_179 = vector.broadcast %add3A_178 : i32 to vector<16xi32>
    %add3A_180 = arith.addi %sub3A_177, %add3A_179 : vector<16xi32>
    %swap3A_181 = arith.constant 384 : index
    %swap3A_182 = tpu.vector_load %arg9[%swap3A_181] {strides = array<i32>} : memref<1536xi32, #tpu.memory_space<vmem>>, vector<16xi32>,
    tpu.vector_store %arg9[%swap3A_181], %get3A_157 {strides = array<i32>} : memref<1536xi32, #tpu.memory_space<vmem>>, vector<16xi32>,
    %swap3A_183 = arith.constant 448 : index
    %swap3A_184 = tpu.vector_load %arg9[%swap3A_183] {strides = array<i32>} : memref<1536xi32, #tpu.memory_space<vmem>>, vector<16xi32>,
    tpu.vector_store %arg9[%swap3A_183], %add3A_166 {strides = array<i32>} : memref<1536xi32, #tpu.memory_space<vmem>>, vector<16xi32>,
    %swap3A_185 = arith.constant 512 : index
    %swap3A_186 = tpu.vector_load %arg9[%swap3A_185] {strides = array<i32>} : memref<1536xi32, #tpu.memory_space<vmem>>, vector<16xi32>,
    tpu.vector_store %arg9[%swap3A_185], %add3A_169 {strides = array<i32>} : memref<1536xi32, #tpu.memory_space<vmem>>, vector<16xi32>,
    %swap3A_187 = arith.constant 576 : index
    %swap3A_188 = tpu.vector_load %arg9[%swap3A_187] {strides = array<i32>} : memref<1536xi32, #tpu.memory_space<vmem>>, vector<16xi32>,
    tpu.vector_store %arg9[%swap3A_187], %add3A_172 {strides = array<i32>} : memref<1536xi32, #tpu.memory_space<vmem>>, vector<16xi32>,
    %swap3A_189 = arith.constant 640 : index
    %swap3A_190 = tpu.vector_load %arg9[%swap3A_189] {strides = array<i32>} : memref<1536xi32, #tpu.memory_space<vmem>>, vector<16xi32>,
    tpu.vector_store %arg9[%swap3A_189], %add3A_176 {strides = array<i32>} : memref<1536xi32, #tpu.memory_space<vmem>>, vector<16xi32>,
    %swap3A_191 = arith.constant 704 : index
    %swap3A_192 = tpu.vector_load %arg9[%swap3A_191] {strides = array<i32>} : memref<1536xi32, #tpu.memory_space<vmem>>, vector<16xi32>,
    tpu.vector_store %arg9[%swap3A_191], %add3A_180 {strides = array<i32>} : memref<1536xi32, #tpu.memory_space<vmem>>, vector<16xi32>,
    %get3A_193 = arith.constant 80 : index
    %get3A_194 = tpu.vector_load %arg7[%get3A_193] {strides = array<i32>} : memref<1024xi32, #tpu.memory_space<vmem>>, vector<16xi32>,
    %get3A_195 = arith.constant 336 : index
    %get3A_196 = tpu.vector_load %arg7[%get3A_195] {strides = array<i32>} : memref<1024xi32, #tpu.memory_space<vmem>>, vector<16xi32>,
    %get3A_197 = arith.constant 592 : index
    %get3A_198 = tpu.vector_load %arg7[%get3A_197] {strides = array<i32>} : memref<1024xi32, #tpu.memory_space<vmem>>, vector<16xi32>,
    %get3A_199 = arith.constant 848 : index
    %get3A_200 = tpu.vector_load %arg7[%get3A_199] {strides = array<i32>} : memref<1024xi32, #tpu.memory_space<vmem>>, vector<16xi32>,
    %add3A_201 = arith.constant 1024 : i32
    %add3A_202 = vector.broadcast %add3A_201 : i32 to vector<16xi32>
    %add3A_203 = arith.addi %get3A_196, %add3A_202 : vector<16xi32>
    %add3A_204 = arith.constant 2048 : i32
    %add3A_205 = vector.broadcast %add3A_204 : i32 to vector<16xi32>
    %add3A_206 = arith.addi %get3A_198, %add3A_205 : vector<16xi32>
    %add3A_207 = arith.constant 3072 : i32
    %add3A_208 = vector.broadcast %add3A_207 : i32 to vector<16xi32>
    %add3A_209 = arith.addi %get3A_200, %add3A_208 : vector<16xi32>
    %sub3A_210 = arith.subi %get3A_200, %get3A_196 : vector<16xi32>
    %add3A_211 = arith.constant 4096 : i32
    %add3A_212 = vector.broadcast %add3A_211 : i32 to vector<16xi32>
    %add3A_213 = arith.addi %sub3A_210, %add3A_212 : vector<16xi32>
    %sub3A_214 = arith.subi %get3A_198, %get3A_194 : vector<16xi32>
    %add3A_215 = arith.constant 5120 : i32
    %add3A_216 = vector.broadcast %add3A_215 : i32 to vector<16xi32>
    %add3A_217 = arith.addi %sub3A_214, %add3A_216 : vector<16xi32>
    %swap3A_218 = arith.constant 400 : index
    %swap3A_219 = tpu.vector_load %arg9[%swap3A_218] {strides = array<i32>} : memref<1536xi32, #tpu.memory_space<vmem>>, vector<16xi32>,
    tpu.vector_store %arg9[%swap3A_218], %get3A_194 {strides = array<i32>} : memref<1536xi32, #tpu.memory_space<vmem>>, vector<16xi32>,
    %swap3A_220 = arith.constant 464 : index
    %swap3A_221 = tpu.vector_load %arg9[%swap3A_220] {strides = array<i32>} : memref<1536xi32, #tpu.memory_space<vmem>>, vector<16xi32>,
    tpu.vector_store %arg9[%swap3A_220], %add3A_203 {strides = array<i32>} : memref<1536xi32, #tpu.memory_space<vmem>>, vector<16xi32>,
    %swap3A_222 = arith.constant 528 : index
    %swap3A_223 = tpu.vector_load %arg9[%swap3A_222] {strides = array<i32>} : memref<1536xi32, #tpu.memory_space<vmem>>, vector<16xi32>,
    tpu.vector_store %arg9[%swap3A_222], %add3A_206 {strides = array<i32>} : memref<1536xi32, #tpu.memory_space<vmem>>, vector<16xi32>,
    %swap3A_224 = arith.constant 592 : index
    %swap3A_225 = tpu.vector_load %arg9[%swap3A_224] {strides = array<i32>} : memref<1536xi32, #tpu.memory_space<vmem>>, vector<16xi32>,
    tpu.vector_store %arg9[%swap3A_224], %add3A_209 {strides = array<i32>} : memref<1536xi32, #tpu.memory_space<vmem>>, vector<16xi32>,
    %swap3A_226 = arith.constant 656 : index
    %swap3A_227 = tpu.vector_load %arg9[%swap3A_226] {strides = array<i32>} : memref<1536xi32, #tpu.memory_space<vmem>>, vector<16xi32>,
    tpu.vector_store %arg9[%swap3A_226], %add3A_213 {strides = array<i32>} : memref<1536xi32, #tpu.memory_space<vmem>>, vector<16xi32>,
    %swap3A_228 = arith.constant 720 : index
    %swap3A_229 = tpu.vector_load %arg9[%swap3A_228] {strides = array<i32>} : memref<1536xi32, #tpu.memory_space<vmem>>, vector<16xi32>,
    tpu.vector_store %arg9[%swap3A_228], %add3A_217 {strides = array<i32>} : memref<1536xi32, #tpu.memory_space<vmem>>, vector<16xi32>,
    %get3A_230 = arith.constant 96 : index
    %get3A_231 = tpu.vector_load %arg7[%get3A_230] {strides = array<i32>} : memref<1024xi32, #tpu.memory_space<vmem>>, vector<16xi32>,
    %get3A_232 = arith.constant 352 : index
    %get3A_233 = tpu.vector_load %arg7[%get3A_232] {strides = array<i32>} : memref<1024xi32, #tpu.memory_space<vmem>>, vector<16xi32>,
    %get3A_234 = arith.constant 608 : index
    %get3A_235 = tpu.vector_load %arg7[%get3A_234] {strides = array<i32>} : memref<1024xi32, #tpu.memory_space<vmem>>, vector<16xi32>,
    %get3A_236 = arith.constant 864 : index
    %get3A_237 = tpu.vector_load %arg7[%get3A_236] {strides = array<i32>} : memref<1024xi32, #tpu.memory_space<vmem>>, vector<16xi32>,
    %add3A_238 = arith.constant 1024 : i32
    %add3A_239 = vector.broadcast %add3A_238 : i32 to vector<16xi32>
    %add3A_240 = arith.addi %get3A_233, %add3A_239 : vector<16xi32>
    %add3A_241 = arith.constant 2048 : i32
    %add3A_242 = vector.broadcast %add3A_241 : i32 to vector<16xi32>
    %add3A_243 = arith.addi %get3A_235, %add3A_242 : vector<16xi32>
    %add3A_244 = arith.constant 3072 : i32
    %add3A_245 = vector.broadcast %add3A_244 : i32 to vector<16xi32>
    %add3A_246 = arith.addi %get3A_237, %add3A_245 : vector<16xi32>
    %sub3A_247 = arith.subi %get3A_237, %get3A_233 : vector<16xi32>
    %add3A_248 = arith.constant 4096 : i32
    %add3A_249 = vector.broadcast %add3A_248 : i32 to vector<16xi32>
    %add3A_250 = arith.addi %sub3A_247, %add3A_249 : vector<16xi32>
    %sub3A_251 = arith.subi %get3A_235, %get3A_231 : vector<16xi32>
    %add3A_252 = arith.constant 5120 : i32
    %add3A_253 = vector.broadcast %add3A_252 : i32 to vector<16xi32>
    %add3A_254 = arith.addi %sub3A_251, %add3A_253 : vector<16xi32>
    %swap3A_255 = arith.constant 416 : index
    %swap3A_256 = tpu.vector_load %arg9[%swap3A_255] {strides = array<i32>} : memref<1536xi32, #tpu.memory_space<vmem>>, vector<16xi32>,
    tpu.vector_store %arg9[%swap3A_255], %get3A_231 {strides = array<i32>} : memref<1536xi32, #tpu.memory_space<vmem>>, vector<16xi32>,
    %swap3A_257 = arith.constant 480 : index
    %swap3A_258 = tpu.vector_load %arg9[%swap3A_257] {strides = array<i32>} : memref<1536xi32, #tpu.memory_space<vmem>>, vector<16xi32>,
    tpu.vector_store %arg9[%swap3A_257], %add3A_240 {strides = array<i32>} : memref<1536xi32, #tpu.memory_space<vmem>>, vector<16xi32>,
    %swap3A_259 = arith.constant 544 : index
    %swap3A_260 = tpu.vector_load %arg9[%swap3A_259] {strides = array<i32>} : memref<1536xi32, #tpu.memory_space<vmem>>, vector<16xi32>,
    tpu.vector_store %arg9[%swap3A_259], %add3A_243 {strides = array<i32>} : memref<1536xi32, #tpu.memory_space<vmem>>, vector<16xi32>,
    %swap3A_261 = arith.constant 608 : index
    %swap3A_262 = tpu.vector_load %arg9[%swap3A_261] {strides = array<i32>} : memref<1536xi32, #tpu.memory_space<vmem>>, vector<16xi32>,
    tpu.vector_store %arg9[%swap3A_261], %add3A_246 {strides = array<i32>} : memref<1536xi32, #tpu.memory_space<vmem>>, vector<16xi32>,
    %swap3A_263 = arith.constant 672 : index
    %swap3A_264 = tpu.vector_load %arg9[%swap3A_263] {strides = array<i32>} : memref<1536xi32, #tpu.memory_space<vmem>>, vector<16xi32>,
    tpu.vector_store %arg9[%swap3A_263], %add3A_250 {strides = array<i32>} : memref<1536xi32, #tpu.memory_space<vmem>>, vector<16xi32>,
    %swap3A_265 = arith.constant 736 : index
    %swap3A_266 = tpu.vector_load %arg9[%swap3A_265] {strides = array<i32>} : memref<1536xi32, #tpu.memory_space<vmem>>, vector<16xi32>,
    tpu.vector_store %arg9[%swap3A_265], %add3A_254 {strides = array<i32>} : memref<1536xi32, #tpu.memory_space<vmem>>, vector<16xi32>,
    %get3A_267 = arith.constant 112 : index
    %get3A_268 = tpu.vector_load %arg7[%get3A_267] {strides = array<i32>} : memref<1024xi32, #tpu.memory_space<vmem>>, vector<16xi32>,
    %get3A_269 = arith.constant 368 : index
    %get3A_270 = tpu.vector_load %arg7[%get3A_269] {strides = array<i32>} : memref<1024xi32, #tpu.memory_space<vmem>>, vector<16xi32>,
    %get3A_271 = arith.constant 624 : index
    %get3A_272 = tpu.vector_load %arg7[%get3A_271] {strides = array<i32>} : memref<1024xi32, #tpu.memory_space<vmem>>, vector<16xi32>,
    %get3A_273 = arith.constant 880 : index
    %get3A_274 = tpu.vector_load %arg7[%get3A_273] {strides = array<i32>} : memref<1024xi32, #tpu.memory_space<vmem>>, vector<16xi32>,
    %add3A_275 = arith.constant 1024 : i32
    %add3A_276 = vector.broadcast %add3A_275 : i32 to vector<16xi32>
    %add3A_277 = arith.addi %get3A_270, %add3A_276 : vector<16xi32>
    %add3A_278 = arith.constant 2048 : i32
    %add3A_279 = vector.broadcast %add3A_278 : i32 to vector<16xi32>
    %add3A_280 = arith.addi %get3A_272, %add3A_279 : vector<16xi32>
    %add3A_281 = arith.constant 3072 : i32
    %add3A_282 = vector.broadcast %add3A_281 : i32 to vector<16xi32>
    %add3A_283 = arith.addi %get3A_274, %add3A_282 : vector<16xi32>
    %sub3A_284 = arith.subi %get3A_274, %get3A_270 : vector<16xi32>
    %add3A_285 = arith.constant 4096 : i32
    %add3A_286 = vector.broadcast %add3A_285 : i32 to vector<16xi32>
    %add3A_287 = arith.addi %sub3A_284, %add3A_286 : vector<16xi32>
    %sub3A_288 = arith.subi %get3A_272, %get3A_268 : vector<16xi32>
    %add3A_289 = arith.constant 5120 : i32
    %add3A_290 = vector.broadcast %add3A_289 : i32 to vector<16xi32>
    %add3A_291 = arith.addi %sub3A_288, %add3A_290 : vector<16xi32>
    %swap3A_292 = arith.constant 432 : index
    %swap3A_293 = tpu.vector_load %arg9[%swap3A_292] {strides = array<i32>} : memref<1536xi32, #tpu.memory_space<vmem>>, vector<16xi32>,
    tpu.vector_store %arg9[%swap3A_292], %get3A_268 {strides = array<i32>} : memref<1536xi32, #tpu.memory_space<vmem>>, vector<16xi32>,
    %swap3A_294 = arith.constant 496 : index
    %swap3A_295 = tpu.vector_load %arg9[%swap3A_294] {strides = array<i32>} : memref<1536xi32, #tpu.memory_space<vmem>>, vector<16xi32>,
    tpu.vector_store %arg9[%swap3A_294], %add3A_277 {strides = array<i32>} : memref<1536xi32, #tpu.memory_space<vmem>>, vector<16xi32>,
    %swap3A_296 = arith.constant 560 : index
    %swap3A_297 = tpu.vector_load %arg9[%swap3A_296] {strides = array<i32>} : memref<1536xi32, #tpu.memory_space<vmem>>, vector<16xi32>,
    tpu.vector_store %arg9[%swap3A_296], %add3A_280 {strides = array<i32>} : memref<1536xi32, #tpu.memory_space<vmem>>, vector<16xi32>,
    %swap3A_298 = arith.constant 624 : index
    %swap3A_299 = tpu.vector_load %arg9[%swap3A_298] {strides = array<i32>} : memref<1536xi32, #tpu.memory_space<vmem>>, vector<16xi32>,
    tpu.vector_store %arg9[%swap3A_298], %add3A_283 {strides = array<i32>} : memref<1536xi32, #tpu.memory_space<vmem>>, vector<16xi32>,
    %swap3A_300 = arith.constant 688 : index
    %swap3A_301 = tpu.vector_load %arg9[%swap3A_300] {strides = array<i32>} : memref<1536xi32, #tpu.memory_space<vmem>>, vector<16xi32>,
    tpu.vector_store %arg9[%swap3A_300], %add3A_287 {strides = array<i32>} : memref<1536xi32, #tpu.memory_space<vmem>>, vector<16xi32>,
    %swap3A_302 = arith.constant 752 : index
    %swap3A_303 = tpu.vector_load %arg9[%swap3A_302] {strides = array<i32>} : memref<1536xi32, #tpu.memory_space<vmem>>, vector<16xi32>,
    tpu.vector_store %arg9[%swap3A_302], %add3A_291 {strides = array<i32>} : memref<1536xi32, #tpu.memory_space<vmem>>, vector<16xi32>,
    %get3A_304 = arith.constant 128 : index
    %get3A_305 = tpu.vector_load %arg7[%get3A_304] {strides = array<i32>} : memref<1024xi32, #tpu.memory_space<vmem>>, vector<16xi32>,
    %get3A_306 = arith.constant 384 : index
    %get3A_307 = tpu.vector_load %arg7[%get3A_306] {strides = array<i32>} : memref<1024xi32, #tpu.memory_space<vmem>>, vector<16xi32>,
    %get3A_308 = arith.constant 640 : index
    %get3A_309 = tpu.vector_load %arg7[%get3A_308] {strides = array<i32>} : memref<1024xi32, #tpu.memory_space<vmem>>, vector<16xi32>,
    %get3A_310 = arith.constant 896 : index
    %get3A_311 = tpu.vector_load %arg7[%get3A_310] {strides = array<i32>} : memref<1024xi32, #tpu.memory_space<vmem>>, vector<16xi32>,
    %add3A_312 = arith.constant 1024 : i32
    %add3A_313 = vector.broadcast %add3A_312 : i32 to vector<16xi32>
    %add3A_314 = arith.addi %get3A_307, %add3A_313 : vector<16xi32>
    %add3A_315 = arith.constant 2048 : i32
    %add3A_316 = vector.broadcast %add3A_315 : i32 to vector<16xi32>
    %add3A_317 = arith.addi %get3A_309, %add3A_316 : vector<16xi32>
    %add3A_318 = arith.constant 3072 : i32
    %add3A_319 = vector.broadcast %add3A_318 : i32 to vector<16xi32>
    %add3A_320 = arith.addi %get3A_311, %add3A_319 : vector<16xi32>
    %sub3A_321 = arith.subi %get3A_311, %get3A_307 : vector<16xi32>
    %add3A_322 = arith.constant 4096 : i32
    %add3A_323 = vector.broadcast %add3A_322 : i32 to vector<16xi32>
    %add3A_324 = arith.addi %sub3A_321, %add3A_323 : vector<16xi32>
    %sub3A_325 = arith.subi %get3A_309, %get3A_305 : vector<16xi32>
    %add3A_326 = arith.constant 5120 : i32
    %add3A_327 = vector.broadcast %add3A_326 : i32 to vector<16xi32>
    %add3A_328 = arith.addi %sub3A_325, %add3A_327 : vector<16xi32>
    %swap3A_329 = arith.constant 768 : index
    %swap3A_330 = tpu.vector_load %arg9[%swap3A_329] {strides = array<i32>} : memref<1536xi32, #tpu.memory_space<vmem>>, vector<16xi32>,
    tpu.vector_store %arg9[%swap3A_329], %get3A_305 {strides = array<i32>} : memref<1536xi32, #tpu.memory_space<vmem>>, vector<16xi32>,
    %swap3A_331 = arith.constant 832 : index
    %swap3A_332 = tpu.vector_load %arg9[%swap3A_331] {strides = array<i32>} : memref<1536xi32, #tpu.memory_space<vmem>>, vector<16xi32>,
    tpu.vector_store %arg9[%swap3A_331], %add3A_314 {strides = array<i32>} : memref<1536xi32, #tpu.memory_space<vmem>>, vector<16xi32>,
    %swap3A_333 = arith.constant 896 : index
    %swap3A_334 = tpu.vector_load %arg9[%swap3A_333] {strides = array<i32>} : memref<1536xi32, #tpu.memory_space<vmem>>, vector<16xi32>,
    tpu.vector_store %arg9[%swap3A_333], %add3A_317 {strides = array<i32>} : memref<1536xi32, #tpu.memory_space<vmem>>, vector<16xi32>,
    %swap3A_335 = arith.constant 960 : index
    %swap3A_336 = tpu.vector_load %arg9[%swap3A_335] {strides = array<i32>} : memref<1536xi32, #tpu.memory_space<vmem>>, vector<16xi32>,
    tpu.vector_store %arg9[%swap3A_335], %add3A_320 {strides = array<i32>} : memref<1536xi32, #tpu.memory_space<vmem>>, vector<16xi32>,
    %swap3A_337 = arith.constant 1024 : index
    %swap3A_338 = tpu.vector_load %arg9[%swap3A_337] {strides = array<i32>} : memref<1536xi32, #tpu.memory_space<vmem>>, vector<16xi32>,
    tpu.vector_store %arg9[%swap3A_337], %add3A_324 {strides = array<i32>} : memref<1536xi32, #tpu.memory_space<vmem>>, vector<16xi32>,
    %swap3A_339 = arith.constant 1088 : index
    %swap3A_340 = tpu.vector_load %arg9[%swap3A_339] {strides = array<i32>} : memref<1536xi32, #tpu.memory_space<vmem>>, vector<16xi32>,
    tpu.vector_store %arg9[%swap3A_339], %add3A_328 {strides = array<i32>} : memref<1536xi32, #tpu.memory_space<vmem>>, vector<16xi32>,
    %get3A_341 = arith.constant 144 : index
    %get3A_342 = tpu.vector_load %arg7[%get3A_341] {strides = array<i32>} : memref<1024xi32, #tpu.memory_space<vmem>>, vector<16xi32>,
    %get3A_343 = arith.constant 400 : index
    %get3A_344 = tpu.vector_load %arg7[%get3A_343] {strides = array<i32>} : memref<1024xi32, #tpu.memory_space<vmem>>, vector<16xi32>,
    %get3A_345 = arith.constant 656 : index
    %get3A_346 = tpu.vector_load %arg7[%get3A_345] {strides = array<i32>} : memref<1024xi32, #tpu.memory_space<vmem>>, vector<16xi32>,
    %get3A_347 = arith.constant 912 : index
    %get3A_348 = tpu.vector_load %arg7[%get3A_347] {strides = array<i32>} : memref<1024xi32, #tpu.memory_space<vmem>>, vector<16xi32>,
    %add3A_349 = arith.constant 1024 : i32
    %add3A_350 = vector.broadcast %add3A_349 : i32 to vector<16xi32>
    %add3A_351 = arith.addi %get3A_344, %add3A_350 : vector<16xi32>
    %add3A_352 = arith.constant 2048 : i32
    %add3A_353 = vector.broadcast %add3A_352 : i32 to vector<16xi32>
    %add3A_354 = arith.addi %get3A_346, %add3A_353 : vector<16xi32>
    %add3A_355 = arith.constant 3072 : i32
    %add3A_356 = vector.broadcast %add3A_355 : i32 to vector<16xi32>
    %add3A_357 = arith.addi %get3A_348, %add3A_356 : vector<16xi32>
    %sub3A_358 = arith.subi %get3A_348, %get3A_344 : vector<16xi32>
    %add3A_359 = arith.constant 4096 : i32
    %add3A_360 = vector.broadcast %add3A_359 : i32 to vector<16xi32>
    %add3A_361 = arith.addi %sub3A_358, %add3A_360 : vector<16xi32>
    %sub3A_362 = arith.subi %get3A_346, %get3A_342 : vector<16xi32>
    %add3A_363 = arith.constant 5120 : i32
    %add3A_364 = vector.broadcast %add3A_363 : i32 to vector<16xi32>
    %add3A_365 = arith.addi %sub3A_362, %add3A_364 : vector<16xi32>
    %swap3A_366 = arith.constant 784 : index
    %swap3A_367 = tpu.vector_load %arg9[%swap3A_366] {strides = array<i32>} : memref<1536xi32, #tpu.memory_space<vmem>>, vector<16xi32>,
    tpu.vector_store %arg9[%swap3A_366], %get3A_342 {strides = array<i32>} : memref<1536xi32, #tpu.memory_space<vmem>>, vector<16xi32>,
    %swap3A_368 = arith.constant 848 : index
    %swap3A_369 = tpu.vector_load %arg9[%swap3A_368] {strides = array<i32>} : memref<1536xi32, #tpu.memory_space<vmem>>, vector<16xi32>,
    tpu.vector_store %arg9[%swap3A_368], %add3A_351 {strides = array<i32>} : memref<1536xi32, #tpu.memory_space<vmem>>, vector<16xi32>,
    %swap3A_370 = arith.constant 912 : index
    %swap3A_371 = tpu.vector_load %arg9[%swap3A_370] {strides = array<i32>} : memref<1536xi32, #tpu.memory_space<vmem>>, vector<16xi32>,
    tpu.vector_store %arg9[%swap3A_370], %add3A_354 {strides = array<i32>} : memref<1536xi32, #tpu.memory_space<vmem>>, vector<16xi32>,
    %swap3A_372 = arith.constant 976 : index
    %swap3A_373 = tpu.vector_load %arg9[%swap3A_372] {strides = array<i32>} : memref<1536xi32, #tpu.memory_space<vmem>>, vector<16xi32>,
    tpu.vector_store %arg9[%swap3A_372], %add3A_357 {strides = array<i32>} : memref<1536xi32, #tpu.memory_space<vmem>>, vector<16xi32>,
    %swap3A_374 = arith.constant 1040 : index
    %swap3A_375 = tpu.vector_load %arg9[%swap3A_374] {strides = array<i32>} : memref<1536xi32, #tpu.memory_space<vmem>>, vector<16xi32>,
    tpu.vector_store %arg9[%swap3A_374], %add3A_361 {strides = array<i32>} : memref<1536xi32, #tpu.memory_space<vmem>>, vector<16xi32>,
    %swap3A_376 = arith.constant 1104 : index
    %swap3A_377 = tpu.vector_load %arg9[%swap3A_376] {strides = array<i32>} : memref<1536xi32, #tpu.memory_space<vmem>>, vector<16xi32>,
    tpu.vector_store %arg9[%swap3A_376], %add3A_365 {strides = array<i32>} : memref<1536xi32, #tpu.memory_space<vmem>>, vector<16xi32>,
    %get3A_378 = arith.constant 160 : index
    %get3A_379 = tpu.vector_load %arg7[%get3A_378] {strides = array<i32>} : memref<1024xi32, #tpu.memory_space<vmem>>, vector<16xi32>,
    %get3A_380 = arith.constant 416 : index
    %get3A_381 = tpu.vector_load %arg7[%get3A_380] {strides = array<i32>} : memref<1024xi32, #tpu.memory_space<vmem>>, vector<16xi32>,
    %get3A_382 = arith.constant 672 : index
    %get3A_383 = tpu.vector_load %arg7[%get3A_382] {strides = array<i32>} : memref<1024xi32, #tpu.memory_space<vmem>>, vector<16xi32>,
    %get3A_384 = arith.constant 928 : index
    %get3A_385 = tpu.vector_load %arg7[%get3A_384] {strides = array<i32>} : memref<1024xi32, #tpu.memory_space<vmem>>, vector<16xi32>,
    %add3A_386 = arith.constant 1024 : i32
    %add3A_387 = vector.broadcast %add3A_386 : i32 to vector<16xi32>
    %add3A_388 = arith.addi %get3A_381, %add3A_387 : vector<16xi32>
    %add3A_389 = arith.constant 2048 : i32
    %add3A_390 = vector.broadcast %add3A_389 : i32 to vector<16xi32>
    %add3A_391 = arith.addi %get3A_383, %add3A_390 : vector<16xi32>
    %add3A_392 = arith.constant 3072 : i32
    %add3A_393 = vector.broadcast %add3A_392 : i32 to vector<16xi32>
    %add3A_394 = arith.addi %get3A_385, %add3A_393 : vector<16xi32>
    %sub3A_395 = arith.subi %get3A_385, %get3A_381 : vector<16xi32>
    %add3A_396 = arith.constant 4096 : i32
    %add3A_397 = vector.broadcast %add3A_396 : i32 to vector<16xi32>
    %add3A_398 = arith.addi %sub3A_395, %add3A_397 : vector<16xi32>
    %sub3A_399 = arith.subi %get3A_383, %get3A_379 : vector<16xi32>
    %add3A_400 = arith.constant 5120 : i32
    %add3A_401 = vector.broadcast %add3A_400 : i32 to vector<16xi32>
    %add3A_402 = arith.addi %sub3A_399, %add3A_401 : vector<16xi32>
    %swap3A_403 = arith.constant 800 : index
    %swap3A_404 = tpu.vector_load %arg9[%swap3A_403] {strides = array<i32>} : memref<1536xi32, #tpu.memory_space<vmem>>, vector<16xi32>,
    tpu.vector_store %arg9[%swap3A_403], %get3A_379 {strides = array<i32>} : memref<1536xi32, #tpu.memory_space<vmem>>, vector<16xi32>,
    %swap3A_405 = arith.constant 864 : index
    %swap3A_406 = tpu.vector_load %arg9[%swap3A_405] {strides = array<i32>} : memref<1536xi32, #tpu.memory_space<vmem>>, vector<16xi32>,
    tpu.vector_store %arg9[%swap3A_405], %add3A_388 {strides = array<i32>} : memref<1536xi32, #tpu.memory_space<vmem>>, vector<16xi32>,
    %swap3A_407 = arith.constant 928 : index
    %swap3A_408 = tpu.vector_load %arg9[%swap3A_407] {strides = array<i32>} : memref<1536xi32, #tpu.memory_space<vmem>>, vector<16xi32>,
    tpu.vector_store %arg9[%swap3A_407], %add3A_391 {strides = array<i32>} : memref<1536xi32, #tpu.memory_space<vmem>>, vector<16xi32>,
    %swap3A_409 = arith.constant 992 : index
    %swap3A_410 = tpu.vector_load %arg9[%swap3A_409] {strides = array<i32>} : memref<1536xi32, #tpu.memory_space<vmem>>, vector<16xi32>,
    tpu.vector_store %arg9[%swap3A_409], %add3A_394 {strides = array<i32>} : memref<1536xi32, #tpu.memory_space<vmem>>, vector<16xi32>,
    %swap3A_411 = arith.constant 1056 : index
    %swap3A_412 = tpu.vector_load %arg9[%swap3A_411] {strides = array<i32>} : memref<1536xi32, #tpu.memory_space<vmem>>, vector<16xi32>,
    tpu.vector_store %arg9[%swap3A_411], %add3A_398 {strides = array<i32>} : memref<1536xi32, #tpu.memory_space<vmem>>, vector<16xi32>,
    %swap3A_413 = arith.constant 1120 : index
    %swap3A_414 = tpu.vector_load %arg9[%swap3A_413] {strides = array<i32>} : memref<1536xi32, #tpu.memory_space<vmem>>, vector<16xi32>,
    tpu.vector_store %arg9[%swap3A_413], %add3A_402 {strides = array<i32>} : memref<1536xi32, #tpu.memory_space<vmem>>, vector<16xi32>,
    %get3A_415 = arith.constant 176 : index
    %get3A_416 = tpu.vector_load %arg7[%get3A_415] {strides = array<i32>} : memref<1024xi32, #tpu.memory_space<vmem>>, vector<16xi32>,
    %get3A_417 = arith.constant 432 : index
    %get3A_418 = tpu.vector_load %arg7[%get3A_417] {strides = array<i32>} : memref<1024xi32, #tpu.memory_space<vmem>>, vector<16xi32>,
    %get3A_419 = arith.constant 688 : index
    %get3A_420 = tpu.vector_load %arg7[%get3A_419] {strides = array<i32>} : memref<1024xi32, #tpu.memory_space<vmem>>, vector<16xi32>,
    %get3A_421 = arith.constant 944 : index
    %get3A_422 = tpu.vector_load %arg7[%get3A_421] {strides = array<i32>} : memref<1024xi32, #tpu.memory_space<vmem>>, vector<16xi32>,
    %add3A_423 = arith.constant 1024 : i32
    %add3A_424 = vector.broadcast %add3A_423 : i32 to vector<16xi32>
    %add3A_425 = arith.addi %get3A_418, %add3A_424 : vector<16xi32>
    %add3A_426 = arith.constant 2048 : i32
    %add3A_427 = vector.broadcast %add3A_426 : i32 to vector<16xi32>
    %add3A_428 = arith.addi %get3A_420, %add3A_427 : vector<16xi32>
    %add3A_429 = arith.constant 3072 : i32
    %add3A_430 = vector.broadcast %add3A_429 : i32 to vector<16xi32>
    %add3A_431 = arith.addi %get3A_422, %add3A_430 : vector<16xi32>
    %sub3A_432 = arith.subi %get3A_422, %get3A_418 : vector<16xi32>
    %add3A_433 = arith.constant 4096 : i32
    %add3A_434 = vector.broadcast %add3A_433 : i32 to vector<16xi32>
    %add3A_435 = arith.addi %sub3A_432, %add3A_434 : vector<16xi32>
    %sub3A_436 = arith.subi %get3A_420, %get3A_416 : vector<16xi32>
    %add3A_437 = arith.constant 5120 : i32
    %add3A_438 = vector.broadcast %add3A_437 : i32 to vector<16xi32>
    %add3A_439 = arith.addi %sub3A_436, %add3A_438 : vector<16xi32>
    %swap3A_440 = arith.constant 816 : index
    %swap3A_441 = tpu.vector_load %arg9[%swap3A_440] {strides = array<i32>} : memref<1536xi32, #tpu.memory_space<vmem>>, vector<16xi32>,
    tpu.vector_store %arg9[%swap3A_440], %get3A_416 {strides = array<i32>} : memref<1536xi32, #tpu.memory_space<vmem>>, vector<16xi32>,
    %swap3A_442 = arith.constant 880 : index
    %swap3A_443 = tpu.vector_load %arg9[%swap3A_442] {strides = array<i32>} : memref<1536xi32, #tpu.memory_space<vmem>>, vector<16xi32>,
    tpu.vector_store %arg9[%swap3A_442], %add3A_425 {strides = array<i32>} : memref<1536xi32, #tpu.memory_space<vmem>>, vector<16xi32>,
    %swap3A_444 = arith.constant 944 : index
    %swap3A_445 = tpu.vector_load %arg9[%swap3A_444] {strides = array<i32>} : memref<1536xi32, #tpu.memory_space<vmem>>, vector<16xi32>,
    tpu.vector_store %arg9[%swap3A_444], %add3A_428 {strides = array<i32>} : memref<1536xi32, #tpu.memory_space<vmem>>, vector<16xi32>,
    %swap3A_446 = arith.constant 1008 : index
    %swap3A_447 = tpu.vector_load %arg9[%swap3A_446] {strides = array<i32>} : memref<1536xi32, #tpu.memory_space<vmem>>, vector<16xi32>,
    tpu.vector_store %arg9[%swap3A_446], %add3A_431 {strides = array<i32>} : memref<1536xi32, #tpu.memory_space<vmem>>, vector<16xi32>,
    %swap3A_448 = arith.constant 1072 : index
    %swap3A_449 = tpu.vector_load %arg9[%swap3A_448] {strides = array<i32>} : memref<1536xi32, #tpu.memory_space<vmem>>, vector<16xi32>,
    tpu.vector_store %arg9[%swap3A_448], %add3A_435 {strides = array<i32>} : memref<1536xi32, #tpu.memory_space<vmem>>, vector<16xi32>,
    %swap3A_450 = arith.constant 1136 : index
    %swap3A_451 = tpu.vector_load %arg9[%swap3A_450] {strides = array<i32>} : memref<1536xi32, #tpu.memory_space<vmem>>, vector<16xi32>,
    tpu.vector_store %arg9[%swap3A_450], %add3A_439 {strides = array<i32>} : memref<1536xi32, #tpu.memory_space<vmem>>, vector<16xi32>,
    %get3A_452 = arith.constant 192 : index
    %get3A_453 = tpu.vector_load %arg7[%get3A_452] {strides = array<i32>} : memref<1024xi32, #tpu.memory_space<vmem>>, vector<16xi32>,
    %get3A_454 = arith.constant 448 : index
    %get3A_455 = tpu.vector_load %arg7[%get3A_454] {strides = array<i32>} : memref<1024xi32, #tpu.memory_space<vmem>>, vector<16xi32>,
    %get3A_456 = arith.constant 704 : index
    %get3A_457 = tpu.vector_load %arg7[%get3A_456] {strides = array<i32>} : memref<1024xi32, #tpu.memory_space<vmem>>, vector<16xi32>,
    %get3A_458 = arith.constant 960 : index
    %get3A_459 = tpu.vector_load %arg7[%get3A_458] {strides = array<i32>} : memref<1024xi32, #tpu.memory_space<vmem>>, vector<16xi32>,
    %add3A_460 = arith.constant 1024 : i32
    %add3A_461 = vector.broadcast %add3A_460 : i32 to vector<16xi32>
    %add3A_462 = arith.addi %get3A_455, %add3A_461 : vector<16xi32>
    %add3A_463 = arith.constant 2048 : i32
    %add3A_464 = vector.broadcast %add3A_463 : i32 to vector<16xi32>
    %add3A_465 = arith.addi %get3A_457, %add3A_464 : vector<16xi32>
    %add3A_466 = arith.constant 3072 : i32
    %add3A_467 = vector.broadcast %add3A_466 : i32 to vector<16xi32>
    %add3A_468 = arith.addi %get3A_459, %add3A_467 : vector<16xi32>
    %sub3A_469 = arith.subi %get3A_459, %get3A_455 : vector<16xi32>
    %add3A_470 = arith.constant 4096 : i32
    %add3A_471 = vector.broadcast %add3A_470 : i32 to vector<16xi32>
    %add3A_472 = arith.addi %sub3A_469, %add3A_471 : vector<16xi32>
    %sub3A_473 = arith.subi %get3A_457, %get3A_453 : vector<16xi32>
    %add3A_474 = arith.constant 5120 : i32
    %add3A_475 = vector.broadcast %add3A_474 : i32 to vector<16xi32>
    %add3A_476 = arith.addi %sub3A_473, %add3A_475 : vector<16xi32>
    %swap3A_477 = arith.constant 1152 : index
    %swap3A_478 = tpu.vector_load %arg9[%swap3A_477] {strides = array<i32>} : memref<1536xi32, #tpu.memory_space<vmem>>, vector<16xi32>,
    tpu.vector_store %arg9[%swap3A_477], %get3A_453 {strides = array<i32>} : memref<1536xi32, #tpu.memory_space<vmem>>, vector<16xi32>,
    %swap3A_479 = arith.constant 1216 : index
    %swap3A_480 = tpu.vector_load %arg9[%swap3A_479] {strides = array<i32>} : memref<1536xi32, #tpu.memory_space<vmem>>, vector<16xi32>,
    tpu.vector_store %arg9[%swap3A_479], %add3A_462 {strides = array<i32>} : memref<1536xi32, #tpu.memory_space<vmem>>, vector<16xi32>,
    %swap3A_481 = arith.constant 1280 : index
    %swap3A_482 = tpu.vector_load %arg9[%swap3A_481] {strides = array<i32>} : memref<1536xi32, #tpu.memory_space<vmem>>, vector<16xi32>,
    tpu.vector_store %arg9[%swap3A_481], %add3A_465 {strides = array<i32>} : memref<1536xi32, #tpu.memory_space<vmem>>, vector<16xi32>,
    %swap3A_483 = arith.constant 1344 : index
    %swap3A_484 = tpu.vector_load %arg9[%swap3A_483] {strides = array<i32>} : memref<1536xi32, #tpu.memory_space<vmem>>, vector<16xi32>,
    tpu.vector_store %arg9[%swap3A_483], %add3A_468 {strides = array<i32>} : memref<1536xi32, #tpu.memory_space<vmem>>, vector<16xi32>,
    %swap3A_485 = arith.constant 1408 : index
    %swap3A_486 = tpu.vector_load %arg9[%swap3A_485] {strides = array<i32>} : memref<1536xi32, #tpu.memory_space<vmem>>, vector<16xi32>,
    tpu.vector_store %arg9[%swap3A_485], %add3A_472 {strides = array<i32>} : memref<1536xi32, #tpu.memory_space<vmem>>, vector<16xi32>,
    %swap3A_487 = arith.constant 1472 : index
    %swap3A_488 = tpu.vector_load %arg9[%swap3A_487] {strides = array<i32>} : memref<1536xi32, #tpu.memory_space<vmem>>, vector<16xi32>,
    tpu.vector_store %arg9[%swap3A_487], %add3A_476 {strides = array<i32>} : memref<1536xi32, #tpu.memory_space<vmem>>, vector<16xi32>,
    %get3A_489 = arith.constant 208 : index
    %get3A_490 = tpu.vector_load %arg7[%get3A_489] {strides = array<i32>} : memref<1024xi32, #tpu.memory_space<vmem>>, vector<16xi32>,
    %get3A_491 = arith.constant 464 : index
    %get3A_492 = tpu.vector_load %arg7[%get3A_491] {strides = array<i32>} : memref<1024xi32, #tpu.memory_space<vmem>>, vector<16xi32>,
    %get3A_493 = arith.constant 720 : index
    %get3A_494 = tpu.vector_load %arg7[%get3A_493] {strides = array<i32>} : memref<1024xi32, #tpu.memory_space<vmem>>, vector<16xi32>,
    %get3A_495 = arith.constant 976 : index
    %get3A_496 = tpu.vector_load %arg7[%get3A_495] {strides = array<i32>} : memref<1024xi32, #tpu.memory_space<vmem>>, vector<16xi32>,
    %add3A_497 = arith.constant 1024 : i32
    %add3A_498 = vector.broadcast %add3A_497 : i32 to vector<16xi32>
    %add3A_499 = arith.addi %get3A_492, %add3A_498 : vector<16xi32>
    %add3A_500 = arith.constant 2048 : i32
    %add3A_501 = vector.broadcast %add3A_500 : i32 to vector<16xi32>
    %add3A_502 = arith.addi %get3A_494, %add3A_501 : vector<16xi32>
    %add3A_503 = arith.constant 3072 : i32
    %add3A_504 = vector.broadcast %add3A_503 : i32 to vector<16xi32>
    %add3A_505 = arith.addi %get3A_496, %add3A_504 : vector<16xi32>
    %sub3A_506 = arith.subi %get3A_496, %get3A_492 : vector<16xi32>
    %add3A_507 = arith.constant 4096 : i32
    %add3A_508 = vector.broadcast %add3A_507 : i32 to vector<16xi32>
    %add3A_509 = arith.addi %sub3A_506, %add3A_508 : vector<16xi32>
    %sub3A_510 = arith.subi %get3A_494, %get3A_490 : vector<16xi32>
    %add3A_511 = arith.constant 5120 : i32
    %add3A_512 = vector.broadcast %add3A_511 : i32 to vector<16xi32>
    %add3A_513 = arith.addi %sub3A_510, %add3A_512 : vector<16xi32>
    %swap3A_514 = arith.constant 1168 : index
    %swap3A_515 = tpu.vector_load %arg9[%swap3A_514] {strides = array<i32>} : memref<1536xi32, #tpu.memory_space<vmem>>, vector<16xi32>,
    tpu.vector_store %arg9[%swap3A_514], %get3A_490 {strides = array<i32>} : memref<1536xi32, #tpu.memory_space<vmem>>, vector<16xi32>,
    %swap3A_516 = arith.constant 1232 : index
    %swap3A_517 = tpu.vector_load %arg9[%swap3A_516] {strides = array<i32>} : memref<1536xi32, #tpu.memory_space<vmem>>, vector<16xi32>,
    tpu.vector_store %arg9[%swap3A_516], %add3A_499 {strides = array<i32>} : memref<1536xi32, #tpu.memory_space<vmem>>, vector<16xi32>,
    %swap3A_518 = arith.constant 1296 : index
    %swap3A_519 = tpu.vector_load %arg9[%swap3A_518] {strides = array<i32>} : memref<1536xi32, #tpu.memory_space<vmem>>, vector<16xi32>,
    tpu.vector_store %arg9[%swap3A_518], %add3A_502 {strides = array<i32>} : memref<1536xi32, #tpu.memory_space<vmem>>, vector<16xi32>,
    %swap3A_520 = arith.constant 1360 : index
    %swap3A_521 = tpu.vector_load %arg9[%swap3A_520] {strides = array<i32>} : memref<1536xi32, #tpu.memory_space<vmem>>, vector<16xi32>,
    tpu.vector_store %arg9[%swap3A_520], %add3A_505 {strides = array<i32>} : memref<1536xi32, #tpu.memory_space<vmem>>, vector<16xi32>,
    %swap3A_522 = arith.constant 1424 : index
    %swap3A_523 = tpu.vector_load %arg9[%swap3A_522] {strides = array<i32>} : memref<1536xi32, #tpu.memory_space<vmem>>, vector<16xi32>,
    tpu.vector_store %arg9[%swap3A_522], %add3A_509 {strides = array<i32>} : memref<1536xi32, #tpu.memory_space<vmem>>, vector<16xi32>,
    %swap3A_524 = arith.constant 1488 : index
    %swap3A_525 = tpu.vector_load %arg9[%swap3A_524] {strides = array<i32>} : memref<1536xi32, #tpu.memory_space<vmem>>, vector<16xi32>,
    tpu.vector_store %arg9[%swap3A_524], %add3A_513 {strides = array<i32>} : memref<1536xi32, #tpu.memory_space<vmem>>, vector<16xi32>,
    %get3A_526 = arith.constant 224 : index
    %get3A_527 = tpu.vector_load %arg7[%get3A_526] {strides = array<i32>} : memref<1024xi32, #tpu.memory_space<vmem>>, vector<16xi32>,
    %get3A_528 = arith.constant 480 : index
    %get3A_529 = tpu.vector_load %arg7[%get3A_528] {strides = array<i32>} : memref<1024xi32, #tpu.memory_space<vmem>>, vector<16xi32>,
    %get3A_530 = arith.constant 736 : index
    %get3A_531 = tpu.vector_load %arg7[%get3A_530] {strides = array<i32>} : memref<1024xi32, #tpu.memory_space<vmem>>, vector<16xi32>,
    %get3A_532 = arith.constant 992 : index
    %get3A_533 = tpu.vector_load %arg7[%get3A_532] {strides = array<i32>} : memref<1024xi32, #tpu.memory_space<vmem>>, vector<16xi32>,
    %add3A_534 = arith.constant 1024 : i32
    %add3A_535 = vector.broadcast %add3A_534 : i32 to vector<16xi32>
    %add3A_536 = arith.addi %get3A_529, %add3A_535 : vector<16xi32>
    %add3A_537 = arith.constant 2048 : i32
    %add3A_538 = vector.broadcast %add3A_537 : i32 to vector<16xi32>
    %add3A_539 = arith.addi %get3A_531, %add3A_538 : vector<16xi32>
    %add3A_540 = arith.constant 3072 : i32
    %add3A_541 = vector.broadcast %add3A_540 : i32 to vector<16xi32>
    %add3A_542 = arith.addi %get3A_533, %add3A_541 : vector<16xi32>
    %sub3A_543 = arith.subi %get3A_533, %get3A_529 : vector<16xi32>
    %add3A_544 = arith.constant 4096 : i32
    %add3A_545 = vector.broadcast %add3A_544 : i32 to vector<16xi32>
    %add3A_546 = arith.addi %sub3A_543, %add3A_545 : vector<16xi32>
    %sub3A_547 = arith.subi %get3A_531, %get3A_527 : vector<16xi32>
    %add3A_548 = arith.constant 5120 : i32
    %add3A_549 = vector.broadcast %add3A_548 : i32 to vector<16xi32>
    %add3A_550 = arith.addi %sub3A_547, %add3A_549 : vector<16xi32>
    %swap3A_551 = arith.constant 1184 : index
    %swap3A_552 = tpu.vector_load %arg9[%swap3A_551] {strides = array<i32>} : memref<1536xi32, #tpu.memory_space<vmem>>, vector<16xi32>,
    tpu.vector_store %arg9[%swap3A_551], %get3A_527 {strides = array<i32>} : memref<1536xi32, #tpu.memory_space<vmem>>, vector<16xi32>,
    %swap3A_553 = arith.constant 1248 : index
    %swap3A_554 = tpu.vector_load %arg9[%swap3A_553] {strides = array<i32>} : memref<1536xi32, #tpu.memory_space<vmem>>, vector<16xi32>,
    tpu.vector_store %arg9[%swap3A_553], %add3A_536 {strides = array<i32>} : memref<1536xi32, #tpu.memory_space<vmem>>, vector<16xi32>,
    %swap3A_555 = arith.constant 1312 : index
    %swap3A_556 = tpu.vector_load %arg9[%swap3A_555] {strides = array<i32>} : memref<1536xi32, #tpu.memory_space<vmem>>, vector<16xi32>,
    tpu.vector_store %arg9[%swap3A_555], %add3A_539 {strides = array<i32>} : memref<1536xi32, #tpu.memory_space<vmem>>, vector<16xi32>,
    %swap3A_557 = arith.constant 1376 : index
    %swap3A_558 = tpu.vector_load %arg9[%swap3A_557] {strides = array<i32>} : memref<1536xi32, #tpu.memory_space<vmem>>, vector<16xi32>,
    tpu.vector_store %arg9[%swap3A_557], %add3A_542 {strides = array<i32>} : memref<1536xi32, #tpu.memory_space<vmem>>, vector<16xi32>,
    %swap3A_559 = arith.constant 1440 : index
    %swap3A_560 = tpu.vector_load %arg9[%swap3A_559] {strides = array<i32>} : memref<1536xi32, #tpu.memory_space<vmem>>, vector<16xi32>,
    tpu.vector_store %arg9[%swap3A_559], %add3A_546 {strides = array<i32>} : memref<1536xi32, #tpu.memory_space<vmem>>, vector<16xi32>,
    %swap3A_561 = arith.constant 1504 : index
    %swap3A_562 = tpu.vector_load %arg9[%swap3A_561] {strides = array<i32>} : memref<1536xi32, #tpu.memory_space<vmem>>, vector<16xi32>,
    tpu.vector_store %arg9[%swap3A_561], %add3A_550 {strides = array<i32>} : memref<1536xi32, #tpu.memory_space<vmem>>, vector<16xi32>,
    %get3A_563 = arith.constant 240 : index
    %get3A_564 = tpu.vector_load %arg7[%get3A_563] {strides = array<i32>} : memref<1024xi32, #tpu.memory_space<vmem>>, vector<16xi32>,
    %get3A_565 = arith.constant 496 : index
    %get3A_566 = tpu.vector_load %arg7[%get3A_565] {strides = array<i32>} : memref<1024xi32, #tpu.memory_space<vmem>>, vector<16xi32>,
    %get3A_567 = arith.constant 752 : index
    %get3A_568 = tpu.vector_load %arg7[%get3A_567] {strides = array<i32>} : memref<1024xi32, #tpu.memory_space<vmem>>, vector<16xi32>,
    %get3A_569 = arith.constant 1008 : index
    %get3A_570 = tpu.vector_load %arg7[%get3A_569] {strides = array<i32>} : memref<1024xi32, #tpu.memory_space<vmem>>, vector<16xi32>,
    %add3A_571 = arith.constant 1024 : i32
    %add3A_572 = vector.broadcast %add3A_571 : i32 to vector<16xi32>
    %add3A_573 = arith.addi %get3A_566, %add3A_572 : vector<16xi32>
    %add3A_574 = arith.constant 2048 : i32
    %add3A_575 = vector.broadcast %add3A_574 : i32 to vector<16xi32>
    %add3A_576 = arith.addi %get3A_568, %add3A_575 : vector<16xi32>
    %add3A_577 = arith.constant 3072 : i32
    %add3A_578 = vector.broadcast %add3A_577 : i32 to vector<16xi32>
    %add3A_579 = arith.addi %get3A_570, %add3A_578 : vector<16xi32>
    %sub3A_580 = arith.subi %get3A_570, %get3A_566 : vector<16xi32>
    %add3A_581 = arith.constant 4096 : i32
    %add3A_582 = vector.broadcast %add3A_581 : i32 to vector<16xi32>
    %add3A_583 = arith.addi %sub3A_580, %add3A_582 : vector<16xi32>
    %sub3A_584 = arith.subi %get3A_568, %get3A_564 : vector<16xi32>
    %add3A_585 = arith.constant 5120 : i32
    %add3A_586 = vector.broadcast %add3A_585 : i32 to vector<16xi32>
    %add3A_587 = arith.addi %sub3A_584, %add3A_586 : vector<16xi32>
    %swap3A_588 = arith.constant 1200 : index
    %swap3A_589 = tpu.vector_load %arg9[%swap3A_588] {strides = array<i32>} : memref<1536xi32, #tpu.memory_space<vmem>>, vector<16xi32>,
    tpu.vector_store %arg9[%swap3A_588], %get3A_564 {strides = array<i32>} : memref<1536xi32, #tpu.memory_space<vmem>>, vector<16xi32>,
    %swap3A_590 = arith.constant 1264 : index
    %swap3A_591 = tpu.vector_load %arg9[%swap3A_590] {strides = array<i32>} : memref<1536xi32, #tpu.memory_space<vmem>>, vector<16xi32>,
    tpu.vector_store %arg9[%swap3A_590], %add3A_573 {strides = array<i32>} : memref<1536xi32, #tpu.memory_space<vmem>>, vector<16xi32>,
    %swap3A_592 = arith.constant 1328 : index
    %swap3A_593 = tpu.vector_load %arg9[%swap3A_592] {strides = array<i32>} : memref<1536xi32, #tpu.memory_space<vmem>>, vector<16xi32>,
    tpu.vector_store %arg9[%swap3A_592], %add3A_576 {strides = array<i32>} : memref<1536xi32, #tpu.memory_space<vmem>>, vector<16xi32>,
    %swap3A_594 = arith.constant 1392 : index
    %swap3A_595 = tpu.vector_load %arg9[%swap3A_594] {strides = array<i32>} : memref<1536xi32, #tpu.memory_space<vmem>>, vector<16xi32>,
    tpu.vector_store %arg9[%swap3A_594], %add3A_579 {strides = array<i32>} : memref<1536xi32, #tpu.memory_space<vmem>>, vector<16xi32>,
    %swap3A_596 = arith.constant 1456 : index
    %swap3A_597 = tpu.vector_load %arg9[%swap3A_596] {strides = array<i32>} : memref<1536xi32, #tpu.memory_space<vmem>>, vector<16xi32>,
    tpu.vector_store %arg9[%swap3A_596], %add3A_583 {strides = array<i32>} : memref<1536xi32, #tpu.memory_space<vmem>>, vector<16xi32>,
    %swap3A_598 = arith.constant 1520 : index
    %swap3A_599 = tpu.vector_load %arg9[%swap3A_598] {strides = array<i32>} : memref<1536xi32, #tpu.memory_space<vmem>>, vector<16xi32>,
    tpu.vector_store %arg9[%swap3A_598], %add3A_587 {strides = array<i32>} : memref<1536xi32, #tpu.memory_space<vmem>>, vector<16xi32>,
    %dma_start3A = arith.constant 0 : i32
    %dma_start3A_600 = arith.constant 0 : i32
    %dma_start3A_601 = tpu.memref_slice %arg10[%dma_start3A, %dma_start3A_600] : memref<384x192xbf16, #tpu.memory_space<vmem>> -> memref<128x192xbf16, #tpu.memory_space<vmem>>
    %dma_start3A_602 = arith.constant 0 : i32
    %dma_start3A_603 = tpu.memref_slice %arg9[%dma_start3A_602] : memref<1536xi32, #tpu.memory_space<vmem>> -> memref<128xi32, #tpu.memory_space<vmem>>
    %dma_start3A_604 = arith.constant 0 : i32
    %dma_start3A_605 = arith.constant 0 : i32
    %dma_start3A_606 = tpu.memref_slice %arg4[%dma_start3A_604, %dma_start3A_605] : memref<6144x192xbf16, #tpu.memory_space<hbm>> -> memref<6144x192xbf16, #tpu.memory_space<hbm>>
    tpu.enqueue_indirect_dma source(%dma_start3A_606 : memref<6144x192xbf16, #tpu.memory_space<hbm>>) target(%dma_start3A_601 : memref<128x192xbf16, #tpu.memory_space<vmem>>) offsets(%dma_start3A_603 : memref<128xi32, #tpu.memory_space<vmem>>) semaphore(%arg16 : memref<!tpu.dma_semaphore, #tpu.memory_space<semaphore_mem>>)
    %dma_start3A_607 = arith.constant 128 : i32
    %dma_start3A_608 = arith.constant 0 : i32
    %dma_start3A_609 = tpu.memref_slice %arg10[%dma_start3A_607, %dma_start3A_608] : memref<384x192xbf16, #tpu.memory_space<vmem>> -> memref<128x192xbf16, #tpu.memory_space<vmem>>
    %dma_start3A_610 = arith.constant 128 : i32
    %dma_start3A_611 = tpu.memref_slice %arg9[%dma_start3A_610] : memref<1536xi32, #tpu.memory_space<vmem>> -> memref<128xi32, #tpu.memory_space<vmem>>
    %dma_start3A_612 = arith.constant 0 : i32
    %dma_start3A_613 = arith.constant 0 : i32
    %dma_start3A_614 = tpu.memref_slice %arg4[%dma_start3A_612, %dma_start3A_613] : memref<6144x192xbf16, #tpu.memory_space<hbm>> -> memref<6144x192xbf16, #tpu.memory_space<hbm>>
    tpu.enqueue_indirect_dma source(%dma_start3A_614 : memref<6144x192xbf16, #tpu.memory_space<hbm>>) target(%dma_start3A_609 : memref<128x192xbf16, #tpu.memory_space<vmem>>) offsets(%dma_start3A_611 : memref<128xi32, #tpu.memory_space<vmem>>) semaphore(%arg16 : memref<!tpu.dma_semaphore, #tpu.memory_space<semaphore_mem>>)
    %dma_start3A_615 = arith.constant 256 : i32
    %dma_start3A_616 = arith.constant 0 : i32
    %dma_start3A_617 = tpu.memref_slice %arg10[%dma_start3A_615, %dma_start3A_616] : memref<384x192xbf16, #tpu.memory_space<vmem>> -> memref<128x192xbf16, #tpu.memory_space<vmem>>
    %dma_start3A_618 = arith.constant 256 : i32
    %dma_start3A_619 = tpu.memref_slice %arg9[%dma_start3A_618] : memref<1536xi32, #tpu.memory_space<vmem>> -> memref<128xi32, #tpu.memory_space<vmem>>
    %dma_start3A_620 = arith.constant 0 : i32
    %dma_start3A_621 = arith.constant 0 : i32
    %dma_start3A_622 = tpu.memref_slice %arg4[%dma_start3A_620, %dma_start3A_621] : memref<6144x192xbf16, #tpu.memory_space<hbm>> -> memref<6144x192xbf16, #tpu.memory_space<hbm>>
    tpu.enqueue_indirect_dma source(%dma_start3A_622 : memref<6144x192xbf16, #tpu.memory_space<hbm>>) target(%dma_start3A_617 : memref<128x192xbf16, #tpu.memory_space<vmem>>) offsets(%dma_start3A_619 : memref<128xi32, #tpu.memory_space<vmem>>) semaphore(%arg16 : memref<!tpu.dma_semaphore, #tpu.memory_space<semaphore_mem>>)
    %dma_start3A_623 = arith.constant 0 : i32
    %dma_start3A_624 = tpu.memref_slice %arg8[%dma_start3A_623] : memref<256xi32, #tpu.memory_space<vmem>> -> memref<64xi32, #tpu.memory_space<vmem>>
    %dma_start3A_625 = arith.constant 0 : i32
    %dma_start3A_626 = arith.constant 0 : i32
    %dma_start3A_627 = tpu.memref_slice %arg5[%dma_start3A_625, %dma_start3A_626] : memref<4096x192xf32, #tpu.memory_space<hbm>> -> memref<4096x192xf32, #tpu.memory_space<hbm>>
    tpu.enqueue_indirect_dma source(%dma_start3A_627 : memref<4096x192xf32, #tpu.memory_space<hbm>>) target(%arg12 : memref<64x192xf32, #tpu.memory_space<vmem>>) offsets(%dma_start3A_624 : memref<64xi32, #tpu.memory_space<vmem>>) semaphore(%arg16 : memref<!tpu.dma_semaphore, #tpu.memory_space<semaphore_mem>>)
    %dma_start3A_628 = arith.constant 0 : i32
    %dma_start3A_629 = arith.constant 0 : i32
    %dma_start3A_630 = tpu.memref_slice %arg11[%dma_start3A_628, %dma_start3A_629] : memref<384x192xbf16, #tpu.memory_space<vmem>> -> memref<128x192xbf16, #tpu.memory_space<vmem>>
    %dma_start3A_631 = arith.constant 384 : i32
    %dma_start3A_632 = tpu.memref_slice %arg9[%dma_start3A_631] : memref<1536xi32, #tpu.memory_space<vmem>> -> memref<128xi32, #tpu.memory_space<vmem>>
    %dma_start3A_633 = arith.constant 0 : i32
    %dma_start3A_634 = arith.constant 0 : i32
    %dma_start3A_635 = tpu.memref_slice %arg4[%dma_start3A_633, %dma_start3A_634] : memref<6144x192xbf16, #tpu.memory_space<hbm>> -> memref<6144x192xbf16, #tpu.memory_space<hbm>>
    tpu.enqueue_indirect_dma source(%dma_start3A_635 : memref<6144x192xbf16, #tpu.memory_space<hbm>>) target(%dma_start3A_630 : memref<128x192xbf16, #tpu.memory_space<vmem>>) offsets(%dma_start3A_632 : memref<128xi32, #tpu.memory_space<vmem>>) semaphore(%arg17 : memref<!tpu.dma_semaphore, #tpu.memory_space<semaphore_mem>>)
    %dma_start3A_636 = arith.constant 128 : i32
    %dma_start3A_637 = arith.constant 0 : i32
    %dma_start3A_638 = tpu.memref_slice %arg11[%dma_start3A_636, %dma_start3A_637] : memref<384x192xbf16, #tpu.memory_space<vmem>> -> memref<128x192xbf16, #tpu.memory_space<vmem>>
    %dma_start3A_639 = arith.constant 512 : i32
    %dma_start3A_640 = tpu.memref_slice %arg9[%dma_start3A_639] : memref<1536xi32, #tpu.memory_space<vmem>> -> memref<128xi32, #tpu.memory_space<vmem>>
    %dma_start3A_641 = arith.constant 0 : i32
    %dma_start3A_642 = arith.constant 0 : i32
    %dma_start3A_643 = tpu.memref_slice %arg4[%dma_start3A_641, %dma_start3A_642] : memref<6144x192xbf16, #tpu.memory_space<hbm>> -> memref<6144x192xbf16, #tpu.memory_space<hbm>>
    tpu.enqueue_indirect_dma source(%dma_start3A_643 : memref<6144x192xbf16, #tpu.memory_space<hbm>>) target(%dma_start3A_638 : memref<128x192xbf16, #tpu.memory_space<vmem>>) offsets(%dma_start3A_640 : memref<128xi32, #tpu.memory_space<vmem>>) semaphore(%arg17 : memref<!tpu.dma_semaphore, #tpu.memory_space<semaphore_mem>>)
    %dma_start3A_644 = arith.constant 256 : i32
    %dma_start3A_645 = arith.constant 0 : i32
    %dma_start3A_646 = tpu.memref_slice %arg11[%dma_start3A_644, %dma_start3A_645] : memref<384x192xbf16, #tpu.memory_space<vmem>> -> memref<128x192xbf16, #tpu.memory_space<vmem>>
    %dma_start3A_647 = arith.constant 640 : i32
    %dma_start3A_648 = tpu.memref_slice %arg9[%dma_start3A_647] : memref<1536xi32, #tpu.memory_space<vmem>> -> memref<128xi32, #tpu.memory_space<vmem>>
    %dma_start3A_649 = arith.constant 0 : i32
    %dma_start3A_650 = arith.constant 0 : i32
    %dma_start3A_651 = tpu.memref_slice %arg4[%dma_start3A_649, %dma_start3A_650] : memref<6144x192xbf16, #tpu.memory_space<hbm>> -> memref<6144x192xbf16, #tpu.memory_space<hbm>>
    tpu.enqueue_indirect_dma source(%dma_start3A_651 : memref<6144x192xbf16, #tpu.memory_space<hbm>>) target(%dma_start3A_646 : memref<128x192xbf16, #tpu.memory_space<vmem>>) offsets(%dma_start3A_648 : memref<128xi32, #tpu.memory_space<vmem>>) semaphore(%arg17 : memref<!tpu.dma_semaphore, #tpu.memory_space<semaphore_mem>>)
    %dma_start3A_652 = arith.constant 64 : i32
    %dma_start3A_653 = tpu.memref_slice %arg8[%dma_start3A_652] : memref<256xi32, #tpu.memory_space<vmem>> -> memref<64xi32, #tpu.memory_space<vmem>>
    %dma_start3A_654 = arith.constant 0 : i32
    %dma_start3A_655 = arith.constant 0 : i32
    %dma_start3A_656 = tpu.memref_slice %arg5[%dma_start3A_654, %dma_start3A_655] : memref<4096x192xf32, #tpu.memory_space<hbm>> -> memref<4096x192xf32, #tpu.memory_space<hbm>>
    tpu.enqueue_indirect_dma source(%dma_start3A_656 : memref<4096x192xf32, #tpu.memory_space<hbm>>) target(%arg13 : memref<64x192xf32, #tpu.memory_space<vmem>>) offsets(%dma_start3A_653 : memref<64xi32, #tpu.memory_space<vmem>>) semaphore(%arg17 : memref<!tpu.dma_semaphore, #tpu.memory_space<semaphore_mem>>)
    %dma_wait3A = arith.constant 0 : i32
    %dma_wait3A_657 = arith.constant 0 : i32
    %dma_wait3A_658 = tpu.memref_slice %arg10[%dma_wait3A, %dma_wait3A_657] : memref<384x192xbf16, #tpu.memory_space<vmem>> -> memref<128x192xbf16, #tpu.memory_space<vmem>>
    %dma_wait3A_659 = arith.constant 0 : i32
    %dma_wait3A_660 = tpu.memref_slice %arg9[%dma_wait3A_659] : memref<1536xi32, #tpu.memory_space<vmem>> -> memref<128xi32, #tpu.memory_space<vmem>>
    %dma_wait3A_661 = arith.constant 0 : i32
    %dma_wait3A_662 = arith.constant 0 : i32
    %dma_wait3A_663 = tpu.memref_slice %arg4[%dma_wait3A_661, %dma_wait3A_662] : memref<6144x192xbf16, #tpu.memory_space<hbm>> -> memref<6144x192xbf16, #tpu.memory_space<hbm>>
    tpu.wait_indirect_dma semaphore(%arg16 : memref<!tpu.dma_semaphore, #tpu.memory_space<semaphore_mem>>) src(%dma_wait3A_663 : memref<6144x192xbf16, #tpu.memory_space<hbm>>) dst(%dma_wait3A_658 : memref<128x192xbf16, #tpu.memory_space<vmem>>)
    %dma_wait3A_664 = arith.constant 128 : i32
    %dma_wait3A_665 = arith.constant 0 : i32
    %dma_wait3A_666 = tpu.memref_slice %arg10[%dma_wait3A_664, %dma_wait3A_665] : memref<384x192xbf16, #tpu.memory_space<vmem>> -> memref<128x192xbf16, #tpu.memory_space<vmem>>
    %dma_wait3A_667 = arith.constant 128 : i32
    %dma_wait3A_668 = tpu.memref_slice %arg9[%dma_wait3A_667] : memref<1536xi32, #tpu.memory_space<vmem>> -> memref<128xi32, #tpu.memory_space<vmem>>
    %dma_wait3A_669 = arith.constant 0 : i32
    %dma_wait3A_670 = arith.constant 0 : i32
    %dma_wait3A_671 = tpu.memref_slice %arg4[%dma_wait3A_669, %dma_wait3A_670] : memref<6144x192xbf16, #tpu.memory_space<hbm>> -> memref<6144x192xbf16, #tpu.memory_space<hbm>>
    tpu.wait_indirect_dma semaphore(%arg16 : memref<!tpu.dma_semaphore, #tpu.memory_space<semaphore_mem>>) src(%dma_wait3A_671 : memref<6144x192xbf16, #tpu.memory_space<hbm>>) dst(%dma_wait3A_666 : memref<128x192xbf16, #tpu.memory_space<vmem>>)
    %dma_wait3A_672 = arith.constant 256 : i32
    %dma_wait3A_673 = arith.constant 0 : i32
    %dma_wait3A_674 = tpu.memref_slice %arg10[%dma_wait3A_672, %dma_wait3A_673] : memref<384x192xbf16, #tpu.memory_space<vmem>> -> memref<128x192xbf16, #tpu.memory_space<vmem>>
    %dma_wait3A_675 = arith.constant 256 : i32
    %dma_wait3A_676 = tpu.memref_slice %arg9[%dma_wait3A_675] : memref<1536xi32, #tpu.memory_space<vmem>> -> memref<128xi32, #tpu.memory_space<vmem>>
    %dma_wait3A_677 = arith.constant 0 : i32
    %dma_wait3A_678 = arith.constant 0 : i32
    %dma_wait3A_679 = tpu.memref_slice %arg4[%dma_wait3A_677, %dma_wait3A_678] : memref<6144x192xbf16, #tpu.memory_space<hbm>> -> memref<6144x192xbf16, #tpu.memory_space<hbm>>
    tpu.wait_indirect_dma semaphore(%arg16 : memref<!tpu.dma_semaphore, #tpu.memory_space<semaphore_mem>>) src(%dma_wait3A_679 : memref<6144x192xbf16, #tpu.memory_space<hbm>>) dst(%dma_wait3A_674 : memref<128x192xbf16, #tpu.memory_space<vmem>>)
    %dma_wait3A_680 = arith.constant 0 : i32
    %dma_wait3A_681 = tpu.memref_slice %arg8[%dma_wait3A_680] : memref<256xi32, #tpu.memory_space<vmem>> -> memref<64xi32, #tpu.memory_space<vmem>>
    %dma_wait3A_682 = arith.constant 0 : i32
    %dma_wait3A_683 = arith.constant 0 : i32
    %dma_wait3A_684 = tpu.memref_slice %arg5[%dma_wait3A_682, %dma_wait3A_683] : memref<4096x192xf32, #tpu.memory_space<hbm>> -> memref<4096x192xf32, #tpu.memory_space<hbm>>
    tpu.wait_indirect_dma semaphore(%arg16 : memref<!tpu.dma_semaphore, #tpu.memory_space<semaphore_mem>>) src(%dma_wait3A_684 : memref<4096x192xf32, #tpu.memory_space<hbm>>) dst(%arg12 : memref<64x192xf32, #tpu.memory_space<vmem>>)
    %parallel_loop3A = arith.constant 0 : i32
    %parallel_loop3A_685 = arith.constant 64 : i32
    %parallel_loop3A_686 = arith.constant 1 : i32
    scf.for %parallel_loop3A_881 = %parallel_loop3A to %parallel_loop3A_685 step %parallel_loop3A_686  : i32 {
      %parallel_loop3A_882 = arith.constant 0 : i32
      %parallel_loop3A_883 = arith.addi %parallel_loop3A_882, %parallel_loop3A_881 : i32
      %parallel_loop3A_884 = arith.index_cast %parallel_loop3A_883 : i32 to index
      %parallel_loop3A_885 = arith.constant 0 : index
      %parallel_loop3A_886 = tpu.vector_load %arg10[%parallel_loop3A_884, %parallel_loop3A_885] {strides = array<i32>} : memref<384x192xbf16, #tpu.memory_space<vmem>>, vector<32xbf16>,
      %parallel_loop3A_887 = arith.constant 64 : i32
      %parallel_loop3A_888 = arith.addi %parallel_loop3A_887, %parallel_loop3A_881 : i32
      %parallel_loop3A_889 = arith.index_cast %parallel_loop3A_888 : i32 to index
      %parallel_loop3A_890 = arith.constant 0 : index
      %parallel_loop3A_891 = tpu.vector_load %arg10[%parallel_loop3A_889, %parallel_loop3A_890] {strides = array<i32>} : memref<384x192xbf16, #tpu.memory_space<vmem>>, vector<32xbf16>,
      %parallel_loop3A_892 = arith.addf %parallel_loop3A_886, %parallel_loop3A_891 : vector<32xbf16>
      %parallel_loop3A_893 = arith.constant 128 : i32
      %parallel_loop3A_894 = arith.addi %parallel_loop3A_893, %parallel_loop3A_881 : i32
      %parallel_loop3A_895 = arith.index_cast %parallel_loop3A_894 : i32 to index
      %parallel_loop3A_896 = arith.constant 0 : index
      %parallel_loop3A_897 = tpu.vector_load %arg10[%parallel_loop3A_895, %parallel_loop3A_896] {strides = array<i32>} : memref<384x192xbf16, #tpu.memory_space<vmem>>, vector<32xbf16>,
      %parallel_loop3A_898 = arith.addf %parallel_loop3A_892, %parallel_loop3A_897 : vector<32xbf16>
      %parallel_loop3A_899 = arith.constant 192 : i32
      %parallel_loop3A_900 = arith.addi %parallel_loop3A_899, %parallel_loop3A_881 : i32
      %parallel_loop3A_901 = arith.index_cast %parallel_loop3A_900 : i32 to index
      %parallel_loop3A_902 = arith.constant 0 : index
      %parallel_loop3A_903 = tpu.vector_load %arg10[%parallel_loop3A_901, %parallel_loop3A_902] {strides = array<i32>} : memref<384x192xbf16, #tpu.memory_space<vmem>>, vector<32xbf16>,
      %parallel_loop3A_904 = arith.addf %parallel_loop3A_898, %parallel_loop3A_903 : vector<32xbf16>
      %parallel_loop3A_905 = arith.constant 256 : i32
      %parallel_loop3A_906 = arith.addi %parallel_loop3A_905, %parallel_loop3A_881 : i32
      %parallel_loop3A_907 = arith.index_cast %parallel_loop3A_906 : i32 to index
      %parallel_loop3A_908 = arith.constant 0 : index
      %parallel_loop3A_909 = tpu.vector_load %arg10[%parallel_loop3A_907, %parallel_loop3A_908] {strides = array<i32>} : memref<384x192xbf16, #tpu.memory_space<vmem>>, vector<32xbf16>,
      %parallel_loop3A_910 = arith.addf %parallel_loop3A_904, %parallel_loop3A_909 : vector<32xbf16>
      %parallel_loop3A_911 = arith.constant 320 : i32
      %parallel_loop3A_912 = arith.addi %parallel_loop3A_911, %parallel_loop3A_881 : i32
      %parallel_loop3A_913 = arith.index_cast %parallel_loop3A_912 : i32 to index
      %parallel_loop3A_914 = arith.constant 0 : index
      %parallel_loop3A_915 = tpu.vector_load %arg10[%parallel_loop3A_913, %parallel_loop3A_914] {strides = array<i32>} : memref<384x192xbf16, #tpu.memory_space<vmem>>, vector<32xbf16>,
      %parallel_loop3A_916 = arith.addf %parallel_loop3A_910, %parallel_loop3A_915 : vector<32xbf16>
      %parallel_loop3A_917 = tpu.unpack_subelements %parallel_loop3A_916, 0 {pack_format = #tpu.pack_format<interleaved>} : vector<32xbf16> -> vector<16xf32>
      %parallel_loop3A_918 = tpu.unpack_subelements %parallel_loop3A_916, 1 {pack_format = #tpu.pack_format<interleaved>} : vector<32xbf16> -> vector<16xf32>
      %parallel_loop3A_919 = arith.index_cast %parallel_loop3A_881 : i32 to index
      %parallel_loop3A_920 = arith.constant 0 : index
      %parallel_loop3A_921 = tpu.vector_load %arg12[%parallel_loop3A_919, %parallel_loop3A_920] {strides = array<i32>} : memref<64x192xf32, #tpu.memory_space<vmem>>, vector<16xf32>,
      %parallel_loop3A_922 = arith.addf %parallel_loop3A_917, %parallel_loop3A_921 : vector<16xf32>
      %parallel_loop3A_923 = arith.index_cast %parallel_loop3A_881 : i32 to index
      %parallel_loop3A_924 = arith.constant 16 : index
      %parallel_loop3A_925 = tpu.vector_load %arg12[%parallel_loop3A_923, %parallel_loop3A_924] {strides = array<i32>} : memref<64x192xf32, #tpu.memory_space<vmem>>, vector<16xf32>,
      %parallel_loop3A_926 = arith.addf %parallel_loop3A_918, %parallel_loop3A_925 : vector<16xf32>
      %parallel_loop3A_927 = arith.index_cast %parallel_loop3A_881 : i32 to index
      %parallel_loop3A_928 = arith.constant 0 : index
      %parallel_loop3A_929 = tpu.vector_load %arg14[%parallel_loop3A_927, %parallel_loop3A_928] {strides = array<i32>} : memref<64x192xf32, #tpu.memory_space<vmem>>, vector<16xf32>,
      tpu.vector_store %arg14[%parallel_loop3A_927, %parallel_loop3A_928], %parallel_loop3A_922 {strides = array<i32>} : memref<64x192xf32, #tpu.memory_space<vmem>>, vector<16xf32>,
      %parallel_loop3A_930 = arith.index_cast %parallel_loop3A_881 : i32 to index
      %parallel_loop3A_931 = arith.constant 16 : index
      %parallel_loop3A_932 = tpu.vector_load %arg14[%parallel_loop3A_930, %parallel_loop3A_931] {strides = array<i32>} : memref<64x192xf32, #tpu.memory_space<vmem>>, vector<16xf32>,
      tpu.vector_store %arg14[%parallel_loop3A_930, %parallel_loop3A_931], %parallel_loop3A_926 {strides = array<i32>} : memref<64x192xf32, #tpu.memory_space<vmem>>, vector<16xf32>,
      %parallel_loop3A_933 = arith.constant 0 : i32
      %parallel_loop3A_934 = arith.addi %parallel_loop3A_933, %parallel_loop3A_881 : i32
      %parallel_loop3A_935 = arith.index_cast %parallel_loop3A_934 : i32 to index
      %parallel_loop3A_936 = arith.constant 32 : index
      %parallel_loop3A_937 = tpu.vector_load %arg10[%parallel_loop3A_935, %parallel_loop3A_936] {strides = array<i32>} : memref<384x192xbf16, #tpu.memory_space<vmem>>, vector<32xbf16>,
      %parallel_loop3A_938 = arith.constant 64 : i32
      %parallel_loop3A_939 = arith.addi %parallel_loop3A_938, %parallel_loop3A_881 : i32
      %parallel_loop3A_940 = arith.index_cast %parallel_loop3A_939 : i32 to index
      %parallel_loop3A_941 = arith.constant 32 : index
      %parallel_loop3A_942 = tpu.vector_load %arg10[%parallel_loop3A_940, %parallel_loop3A_941] {strides = array<i32>} : memref<384x192xbf16, #tpu.memory_space<vmem>>, vector<32xbf16>,
      %parallel_loop3A_943 = arith.addf %parallel_loop3A_937, %parallel_loop3A_942 : vector<32xbf16>
      %parallel_loop3A_944 = arith.constant 128 : i32
      %parallel_loop3A_945 = arith.addi %parallel_loop3A_944, %parallel_loop3A_881 : i32
      %parallel_loop3A_946 = arith.index_cast %parallel_loop3A_945 : i32 to index
      %parallel_loop3A_947 = arith.constant 32 : index
      %parallel_loop3A_948 = tpu.vector_load %arg10[%parallel_loop3A_946, %parallel_loop3A_947] {strides = array<i32>} : memref<384x192xbf16, #tpu.memory_space<vmem>>, vector<32xbf16>,
      %parallel_loop3A_949 = arith.addf %parallel_loop3A_943, %parallel_loop3A_948 : vector<32xbf16>
      %parallel_loop3A_950 = arith.constant 192 : i32
      %parallel_loop3A_951 = arith.addi %parallel_loop3A_950, %parallel_loop3A_881 : i32
      %parallel_loop3A_952 = arith.index_cast %parallel_loop3A_951 : i32 to index
      %parallel_loop3A_953 = arith.constant 32 : index
      %parallel_loop3A_954 = tpu.vector_load %arg10[%parallel_loop3A_952, %parallel_loop3A_953] {strides = array<i32>} : memref<384x192xbf16, #tpu.memory_space<vmem>>, vector<32xbf16>,
      %parallel_loop3A_955 = arith.addf %parallel_loop3A_949, %parallel_loop3A_954 : vector<32xbf16>
      %parallel_loop3A_956 = arith.constant 256 : i32
      %parallel_loop3A_957 = arith.addi %parallel_loop3A_956, %parallel_loop3A_881 : i32
      %parallel_loop3A_958 = arith.index_cast %parallel_loop3A_957 : i32 to index
      %parallel_loop3A_959 = arith.constant 32 : index
      %parallel_loop3A_960 = tpu.vector_load %arg10[%parallel_loop3A_958, %parallel_loop3A_959] {strides = array<i32>} : memref<384x192xbf16, #tpu.memory_space<vmem>>, vector<32xbf16>,
      %parallel_loop3A_961 = arith.addf %parallel_loop3A_955, %parallel_loop3A_960 : vector<32xbf16>
      %parallel_loop3A_962 = arith.constant 320 : i32
      %parallel_loop3A_963 = arith.addi %parallel_loop3A_962, %parallel_loop3A_881 : i32
      %parallel_loop3A_964 = arith.index_cast %parallel_loop3A_963 : i32 to index
      %parallel_loop3A_965 = arith.constant 32 : index
      %parallel_loop3A_966 = tpu.vector_load %arg10[%parallel_loop3A_964, %parallel_loop3A_965] {strides = array<i32>} : memref<384x192xbf16, #tpu.memory_space<vmem>>, vector<32xbf16>,
      %parallel_loop3A_967 = arith.addf %parallel_loop3A_961, %parallel_loop3A_966 : vector<32xbf16>
      %parallel_loop3A_968 = tpu.unpack_subelements %parallel_loop3A_967, 0 {pack_format = #tpu.pack_format<interleaved>} : vector<32xbf16> -> vector<16xf32>
      %parallel_loop3A_969 = tpu.unpack_subelements %parallel_loop3A_967, 1 {pack_format = #tpu.pack_format<interleaved>} : vector<32xbf16> -> vector<16xf32>
      %parallel_loop3A_970 = arith.index_cast %parallel_loop3A_881 : i32 to index
      %parallel_loop3A_971 = arith.constant 32 : index
      %parallel_loop3A_972 = tpu.vector_load %arg12[%parallel_loop3A_970, %parallel_loop3A_971] {strides = array<i32>} : memref<64x192xf32, #tpu.memory_space<vmem>>, vector<16xf32>,
      %parallel_loop3A_973 = arith.addf %parallel_loop3A_968, %parallel_loop3A_972 : vector<16xf32>
      %parallel_loop3A_974 = arith.index_cast %parallel_loop3A_881 : i32 to index
      %parallel_loop3A_975 = arith.constant 48 : index
      %parallel_loop3A_976 = tpu.vector_load %arg12[%parallel_loop3A_974, %parallel_loop3A_975] {strides = array<i32>} : memref<64x192xf32, #tpu.memory_space<vmem>>, vector<16xf32>,
      %parallel_loop3A_977 = arith.addf %parallel_loop3A_969, %parallel_loop3A_976 : vector<16xf32>
      %parallel_loop3A_978 = arith.index_cast %parallel_loop3A_881 : i32 to index
      %parallel_loop3A_979 = arith.constant 32 : index
      %parallel_loop3A_980 = tpu.vector_load %arg14[%parallel_loop3A_978, %parallel_loop3A_979] {strides = array<i32>} : memref<64x192xf32, #tpu.memory_space<vmem>>, vector<16xf32>,
      tpu.vector_store %arg14[%parallel_loop3A_978, %parallel_loop3A_979], %parallel_loop3A_973 {strides = array<i32>} : memref<64x192xf32, #tpu.memory_space<vmem>>, vector<16xf32>,
      %parallel_loop3A_981 = arith.index_cast %parallel_loop3A_881 : i32 to index
      %parallel_loop3A_982 = arith.constant 48 : index
      %parallel_loop3A_983 = tpu.vector_load %arg14[%parallel_loop3A_981, %parallel_loop3A_982] {strides = array<i32>} : memref<64x192xf32, #tpu.memory_space<vmem>>, vector<16xf32>,
      tpu.vector_store %arg14[%parallel_loop3A_981, %parallel_loop3A_982], %parallel_loop3A_977 {strides = array<i32>} : memref<64x192xf32, #tpu.memory_space<vmem>>, vector<16xf32>,
      %parallel_loop3A_984 = arith.constant 0 : i32
      %parallel_loop3A_985 = arith.addi %parallel_loop3A_984, %parallel_loop3A_881 : i32
      %parallel_loop3A_986 = arith.index_cast %parallel_loop3A_985 : i32 to index
      %parallel_loop3A_987 = arith.constant 64 : index
      %parallel_loop3A_988 = tpu.vector_load %arg10[%parallel_loop3A_986, %parallel_loop3A_987] {strides = array<i32>} : memref<384x192xbf16, #tpu.memory_space<vmem>>, vector<32xbf16>,
      %parallel_loop3A_989 = arith.constant 64 : i32
      %parallel_loop3A_990 = arith.addi %parallel_loop3A_989, %parallel_loop3A_881 : i32
      %parallel_loop3A_991 = arith.index_cast %parallel_loop3A_990 : i32 to index
      %parallel_loop3A_992 = arith.constant 64 : index
      %parallel_loop3A_993 = tpu.vector_load %arg10[%parallel_loop3A_991, %parallel_loop3A_992] {strides = array<i32>} : memref<384x192xbf16, #tpu.memory_space<vmem>>, vector<32xbf16>,
      %parallel_loop3A_994 = arith.addf %parallel_loop3A_988, %parallel_loop3A_993 : vector<32xbf16>
      %parallel_loop3A_995 = arith.constant 128 : i32
      %parallel_loop3A_996 = arith.addi %parallel_loop3A_995, %parallel_loop3A_881 : i32
      %parallel_loop3A_997 = arith.index_cast %parallel_loop3A_996 : i32 to index
      %parallel_loop3A_998 = arith.constant 64 : index
      %parallel_loop3A_999 = tpu.vector_load %arg10[%parallel_loop3A_997, %parallel_loop3A_998] {strides = array<i32>} : memref<384x192xbf16, #tpu.memory_space<vmem>>, vector<32xbf16>,
      %parallel_loop3A_1000 = arith.addf %parallel_loop3A_994, %parallel_loop3A_999 : vector<32xbf16>
      %parallel_loop3A_1001 = arith.constant 192 : i32
      %parallel_loop3A_1002 = arith.addi %parallel_loop3A_1001, %parallel_loop3A_881 : i32
      %parallel_loop3A_1003 = arith.index_cast %parallel_loop3A_1002 : i32 to index
      %parallel_loop3A_1004 = arith.constant 64 : index
      %parallel_loop3A_1005 = tpu.vector_load %arg10[%parallel_loop3A_1003, %parallel_loop3A_1004] {strides = array<i32>} : memref<384x192xbf16, #tpu.memory_space<vmem>>, vector<32xbf16>,
      %parallel_loop3A_1006 = arith.addf %parallel_loop3A_1000, %parallel_loop3A_1005 : vector<32xbf16>
      %parallel_loop3A_1007 = arith.constant 256 : i32
      %parallel_loop3A_1008 = arith.addi %parallel_loop3A_1007, %parallel_loop3A_881 : i32
      %parallel_loop3A_1009 = arith.index_cast %parallel_loop3A_1008 : i32 to index
      %parallel_loop3A_1010 = arith.constant 64 : index
      %parallel_loop3A_1011 = tpu.vector_load %arg10[%parallel_loop3A_1009, %parallel_loop3A_1010] {strides = array<i32>} : memref<384x192xbf16, #tpu.memory_space<vmem>>, vector<32xbf16>,
      %parallel_loop3A_1012 = arith.addf %parallel_loop3A_1006, %parallel_loop3A_1011 : vector<32xbf16>
      %parallel_loop3A_1013 = arith.constant 320 : i32
      %parallel_loop3A_1014 = arith.addi %parallel_loop3A_1013, %parallel_loop3A_881 : i32
      %parallel_loop3A_1015 = arith.index_cast %parallel_loop3A_1014 : i32 to index
      %parallel_loop3A_1016 = arith.constant 64 : index
      %parallel_loop3A_1017 = tpu.vector_load %arg10[%parallel_loop3A_1015, %parallel_loop3A_1016] {strides = array<i32>} : memref<384x192xbf16, #tpu.memory_space<vmem>>, vector<32xbf16>,
      %parallel_loop3A_1018 = arith.addf %parallel_loop3A_1012, %parallel_loop3A_1017 : vector<32xbf16>
      %parallel_loop3A_1019 = tpu.unpack_subelements %parallel_loop3A_1018, 0 {pack_format = #tpu.pack_format<interleaved>} : vector<32xbf16> -> vector<16xf32>
      %parallel_loop3A_1020 = tpu.unpack_subelements %parallel_loop3A_1018, 1 {pack_format = #tpu.pack_format<interleaved>} : vector<32xbf16> -> vector<16xf32>
      %parallel_loop3A_1021 = arith.index_cast %parallel_loop3A_881 : i32 to index
      %parallel_loop3A_1022 = arith.constant 64 : index
      %parallel_loop3A_1023 = tpu.vector_load %arg12[%parallel_loop3A_1021, %parallel_loop3A_1022] {strides = array<i32>} : memref<64x192xf32, #tpu.memory_space<vmem>>, vector<16xf32>,
      %parallel_loop3A_1024 = arith.addf %parallel_loop3A_1019, %parallel_loop3A_1023 : vector<16xf32>
      %parallel_loop3A_1025 = arith.index_cast %parallel_loop3A_881 : i32 to index
      %parallel_loop3A_1026 = arith.constant 80 : index
      %parallel_loop3A_1027 = tpu.vector_load %arg12[%parallel_loop3A_1025, %parallel_loop3A_1026] {strides = array<i32>} : memref<64x192xf32, #tpu.memory_space<vmem>>, vector<16xf32>,
      %parallel_loop3A_1028 = arith.addf %parallel_loop3A_1020, %parallel_loop3A_1027 : vector<16xf32>
      %parallel_loop3A_1029 = arith.index_cast %parallel_loop3A_881 : i32 to index
      %parallel_loop3A_1030 = arith.constant 64 : index
      %parallel_loop3A_1031 = tpu.vector_load %arg14[%parallel_loop3A_1029, %parallel_loop3A_1030] {strides = array<i32>} : memref<64x192xf32, #tpu.memory_space<vmem>>, vector<16xf32>,
      tpu.vector_store %arg14[%parallel_loop3A_1029, %parallel_loop3A_1030], %parallel_loop3A_1024 {strides = array<i32>} : memref<64x192xf32, #tpu.memory_space<vmem>>, vector<16xf32>,
      %parallel_loop3A_1032 = arith.index_cast %parallel_loop3A_881 : i32 to index
      %parallel_loop3A_1033 = arith.constant 80 : index
      %parallel_loop3A_1034 = tpu.vector_load %arg14[%parallel_loop3A_1032, %parallel_loop3A_1033] {strides = array<i32>} : memref<64x192xf32, #tpu.memory_space<vmem>>, vector<16xf32>,
      tpu.vector_store %arg14[%parallel_loop3A_1032, %parallel_loop3A_1033], %parallel_loop3A_1028 {strides = array<i32>} : memref<64x192xf32, #tpu.memory_space<vmem>>, vector<16xf32>,
      %parallel_loop3A_1035 = arith.constant 0 : i32
      %parallel_loop3A_1036 = arith.addi %parallel_loop3A_1035, %parallel_loop3A_881 : i32
      %parallel_loop3A_1037 = arith.index_cast %parallel_loop3A_1036 : i32 to index
      %parallel_loop3A_1038 = arith.constant 96 : index
      %parallel_loop3A_1039 = tpu.vector_load %arg10[%parallel_loop3A_1037, %parallel_loop3A_1038] {strides = array<i32>} : memref<384x192xbf16, #tpu.memory_space<vmem>>, vector<32xbf16>,
      %parallel_loop3A_1040 = arith.constant 64 : i32
      %parallel_loop3A_1041 = arith.addi %parallel_loop3A_1040, %parallel_loop3A_881 : i32
      %parallel_loop3A_1042 = arith.index_cast %parallel_loop3A_1041 : i32 to index
      %parallel_loop3A_1043 = arith.constant 96 : index
      %parallel_loop3A_1044 = tpu.vector_load %arg10[%parallel_loop3A_1042, %parallel_loop3A_1043] {strides = array<i32>} : memref<384x192xbf16, #tpu.memory_space<vmem>>, vector<32xbf16>,
      %parallel_loop3A_1045 = arith.addf %parallel_loop3A_1039, %parallel_loop3A_1044 : vector<32xbf16>
      %parallel_loop3A_1046 = arith.constant 128 : i32
      %parallel_loop3A_1047 = arith.addi %parallel_loop3A_1046, %parallel_loop3A_881 : i32
      %parallel_loop3A_1048 = arith.index_cast %parallel_loop3A_1047 : i32 to index
      %parallel_loop3A_1049 = arith.constant 96 : index
      %parallel_loop3A_1050 = tpu.vector_load %arg10[%parallel_loop3A_1048, %parallel_loop3A_1049] {strides = array<i32>} : memref<384x192xbf16, #tpu.memory_space<vmem>>, vector<32xbf16>,
      %parallel_loop3A_1051 = arith.addf %parallel_loop3A_1045, %parallel_loop3A_1050 : vector<32xbf16>
      %parallel_loop3A_1052 = arith.constant 192 : i32
      %parallel_loop3A_1053 = arith.addi %parallel_loop3A_1052, %parallel_loop3A_881 : i32
      %parallel_loop3A_1054 = arith.index_cast %parallel_loop3A_1053 : i32 to index
      %parallel_loop3A_1055 = arith.constant 96 : index
      %parallel_loop3A_1056 = tpu.vector_load %arg10[%parallel_loop3A_1054, %parallel_loop3A_1055] {strides = array<i32>} : memref<384x192xbf16, #tpu.memory_space<vmem>>, vector<32xbf16>,
      %parallel_loop3A_1057 = arith.addf %parallel_loop3A_1051, %parallel_loop3A_1056 : vector<32xbf16>
      %parallel_loop3A_1058 = arith.constant 256 : i32
      %parallel_loop3A_1059 = arith.addi %parallel_loop3A_1058, %parallel_loop3A_881 : i32
      %parallel_loop3A_1060 = arith.index_cast %parallel_loop3A_1059 : i32 to index
      %parallel_loop3A_1061 = arith.constant 96 : index
      %parallel_loop3A_1062 = tpu.vector_load %arg10[%parallel_loop3A_1060, %parallel_loop3A_1061] {strides = array<i32>} : memref<384x192xbf16, #tpu.memory_space<vmem>>, vector<32xbf16>,
      %parallel_loop3A_1063 = arith.addf %parallel_loop3A_1057, %parallel_loop3A_1062 : vector<32xbf16>
      %parallel_loop3A_1064 = arith.constant 320 : i32
      %parallel_loop3A_1065 = arith.addi %parallel_loop3A_1064, %parallel_loop3A_881 : i32
      %parallel_loop3A_1066 = arith.index_cast %parallel_loop3A_1065 : i32 to index
      %parallel_loop3A_1067 = arith.constant 96 : index
      %parallel_loop3A_1068 = tpu.vector_load %arg10[%parallel_loop3A_1066, %parallel_loop3A_1067] {strides = array<i32>} : memref<384x192xbf16, #tpu.memory_space<vmem>>, vector<32xbf16>,
      %parallel_loop3A_1069 = arith.addf %parallel_loop3A_1063, %parallel_loop3A_1068 : vector<32xbf16>
      %parallel_loop3A_1070 = tpu.unpack_subelements %parallel_loop3A_1069, 0 {pack_format = #tpu.pack_format<interleaved>} : vector<32xbf16> -> vector<16xf32>
      %parallel_loop3A_1071 = tpu.unpack_subelements %parallel_loop3A_1069, 1 {pack_format = #tpu.pack_format<interleaved>} : vector<32xbf16> -> vector<16xf32>
      %parallel_loop3A_1072 = arith.index_cast %parallel_loop3A_881 : i32 to index
      %parallel_loop3A_1073 = arith.constant 96 : index
      %parallel_loop3A_1074 = tpu.vector_load %arg12[%parallel_loop3A_1072, %parallel_loop3A_1073] {strides = array<i32>} : memref<64x192xf32, #tpu.memory_space<vmem>>, vector<16xf32>,
      %parallel_loop3A_1075 = arith.addf %parallel_loop3A_1070, %parallel_loop3A_1074 : vector<16xf32>
      %parallel_loop3A_1076 = arith.index_cast %parallel_loop3A_881 : i32 to index
      %parallel_loop3A_1077 = arith.constant 112 : index
      %parallel_loop3A_1078 = tpu.vector_load %arg12[%parallel_loop3A_1076, %parallel_loop3A_1077] {strides = array<i32>} : memref<64x192xf32, #tpu.memory_space<vmem>>, vector<16xf32>,
      %parallel_loop3A_1079 = arith.addf %parallel_loop3A_1071, %parallel_loop3A_1078 : vector<16xf32>
      %parallel_loop3A_1080 = arith.index_cast %parallel_loop3A_881 : i32 to index
      %parallel_loop3A_1081 = arith.constant 96 : index
      %parallel_loop3A_1082 = tpu.vector_load %arg14[%parallel_loop3A_1080, %parallel_loop3A_1081] {strides = array<i32>} : memref<64x192xf32, #tpu.memory_space<vmem>>, vector<16xf32>,
      tpu.vector_store %arg14[%parallel_loop3A_1080, %parallel_loop3A_1081], %parallel_loop3A_1075 {strides = array<i32>} : memref<64x192xf32, #tpu.memory_space<vmem>>, vector<16xf32>,
      %parallel_loop3A_1083 = arith.index_cast %parallel_loop3A_881 : i32 to index
      %parallel_loop3A_1084 = arith.constant 112 : index
      %parallel_loop3A_1085 = tpu.vector_load %arg14[%parallel_loop3A_1083, %parallel_loop3A_1084] {strides = array<i32>} : memref<64x192xf32, #tpu.memory_space<vmem>>, vector<16xf32>,
      tpu.vector_store %arg14[%parallel_loop3A_1083, %parallel_loop3A_1084], %parallel_loop3A_1079 {strides = array<i32>} : memref<64x192xf32, #tpu.memory_space<vmem>>, vector<16xf32>,
      %parallel_loop3A_1086 = arith.constant 0 : i32
      %parallel_loop3A_1087 = arith.addi %parallel_loop3A_1086, %parallel_loop3A_881 : i32
      %parallel_loop3A_1088 = arith.index_cast %parallel_loop3A_1087 : i32 to index
      %parallel_loop3A_1089 = arith.constant 128 : index
      %parallel_loop3A_1090 = tpu.vector_load %arg10[%parallel_loop3A_1088, %parallel_loop3A_1089] {strides = array<i32>} : memref<384x192xbf16, #tpu.memory_space<vmem>>, vector<32xbf16>,
      %parallel_loop3A_1091 = arith.constant 64 : i32
      %parallel_loop3A_1092 = arith.addi %parallel_loop3A_1091, %parallel_loop3A_881 : i32
      %parallel_loop3A_1093 = arith.index_cast %parallel_loop3A_1092 : i32 to index
      %parallel_loop3A_1094 = arith.constant 128 : index
      %parallel_loop3A_1095 = tpu.vector_load %arg10[%parallel_loop3A_1093, %parallel_loop3A_1094] {strides = array<i32>} : memref<384x192xbf16, #tpu.memory_space<vmem>>, vector<32xbf16>,
      %parallel_loop3A_1096 = arith.addf %parallel_loop3A_1090, %parallel_loop3A_1095 : vector<32xbf16>
      %parallel_loop3A_1097 = arith.constant 128 : i32
      %parallel_loop3A_1098 = arith.addi %parallel_loop3A_1097, %parallel_loop3A_881 : i32
      %parallel_loop3A_1099 = arith.index_cast %parallel_loop3A_1098 : i32 to index
      %parallel_loop3A_1100 = arith.constant 128 : index
      %parallel_loop3A_1101 = tpu.vector_load %arg10[%parallel_loop3A_1099, %parallel_loop3A_1100] {strides = array<i32>} : memref<384x192xbf16, #tpu.memory_space<vmem>>, vector<32xbf16>,
      %parallel_loop3A_1102 = arith.addf %parallel_loop3A_1096, %parallel_loop3A_1101 : vector<32xbf16>
      %parallel_loop3A_1103 = arith.constant 192 : i32
      %parallel_loop3A_1104 = arith.addi %parallel_loop3A_1103, %parallel_loop3A_881 : i32
      %parallel_loop3A_1105 = arith.index_cast %parallel_loop3A_1104 : i32 to index
      %parallel_loop3A_1106 = arith.constant 128 : index
      %parallel_loop3A_1107 = tpu.vector_load %arg10[%parallel_loop3A_1105, %parallel_loop3A_1106] {strides = array<i32>} : memref<384x192xbf16, #tpu.memory_space<vmem>>, vector<32xbf16>,
      %parallel_loop3A_1108 = arith.addf %parallel_loop3A_1102, %parallel_loop3A_1107 : vector<32xbf16>
      %parallel_loop3A_1109 = arith.constant 256 : i32
      %parallel_loop3A_1110 = arith.addi %parallel_loop3A_1109, %parallel_loop3A_881 : i32
      %parallel_loop3A_1111 = arith.index_cast %parallel_loop3A_1110 : i32 to index
      %parallel_loop3A_1112 = arith.constant 128 : index
      %parallel_loop3A_1113 = tpu.vector_load %arg10[%parallel_loop3A_1111, %parallel_loop3A_1112] {strides = array<i32>} : memref<384x192xbf16, #tpu.memory_space<vmem>>, vector<32xbf16>,
      %parallel_loop3A_1114 = arith.addf %parallel_loop3A_1108, %parallel_loop3A_1113 : vector<32xbf16>
      %parallel_loop3A_1115 = arith.constant 320 : i32
      %parallel_loop3A_1116 = arith.addi %parallel_loop3A_1115, %parallel_loop3A_881 : i32
      %parallel_loop3A_1117 = arith.index_cast %parallel_loop3A_1116 : i32 to index
      %parallel_loop3A_1118 = arith.constant 128 : index
      %parallel_loop3A_1119 = tpu.vector_load %arg10[%parallel_loop3A_1117, %parallel_loop3A_1118] {strides = array<i32>} : memref<384x192xbf16, #tpu.memory_space<vmem>>, vector<32xbf16>,
      %parallel_loop3A_1120 = arith.addf %parallel_loop3A_1114, %parallel_loop3A_1119 : vector<32xbf16>
      %parallel_loop3A_1121 = tpu.unpack_subelements %parallel_loop3A_1120, 0 {pack_format = #tpu.pack_format<interleaved>} : vector<32xbf16> -> vector<16xf32>
      %parallel_loop3A_1122 = tpu.unpack_subelements %parallel_loop3A_1120, 1 {pack_format = #tpu.pack_format<interleaved>} : vector<32xbf16> -> vector<16xf32>
      %parallel_loop3A_1123 = arith.index_cast %parallel_loop3A_881 : i32 to index
      %parallel_loop3A_1124 = arith.constant 128 : index
      %parallel_loop3A_1125 = tpu.vector_load %arg12[%parallel_loop3A_1123, %parallel_loop3A_1124] {strides = array<i32>} : memref<64x192xf32, #tpu.memory_space<vmem>>, vector<16xf32>,
      %parallel_loop3A_1126 = arith.addf %parallel_loop3A_1121, %parallel_loop3A_1125 : vector<16xf32>
      %parallel_loop3A_1127 = arith.index_cast %parallel_loop3A_881 : i32 to index
      %parallel_loop3A_1128 = arith.constant 144 : index
      %parallel_loop3A_1129 = tpu.vector_load %arg12[%parallel_loop3A_1127, %parallel_loop3A_1128] {strides = array<i32>} : memref<64x192xf32, #tpu.memory_space<vmem>>, vector<16xf32>,
      %parallel_loop3A_1130 = arith.addf %parallel_loop3A_1122, %parallel_loop3A_1129 : vector<16xf32>
      %parallel_loop3A_1131 = arith.index_cast %parallel_loop3A_881 : i32 to index
      %parallel_loop3A_1132 = arith.constant 128 : index
      %parallel_loop3A_1133 = tpu.vector_load %arg14[%parallel_loop3A_1131, %parallel_loop3A_1132] {strides = array<i32>} : memref<64x192xf32, #tpu.memory_space<vmem>>, vector<16xf32>,
      tpu.vector_store %arg14[%parallel_loop3A_1131, %parallel_loop3A_1132], %parallel_loop3A_1126 {strides = array<i32>} : memref<64x192xf32, #tpu.memory_space<vmem>>, vector<16xf32>,
      %parallel_loop3A_1134 = arith.index_cast %parallel_loop3A_881 : i32 to index
      %parallel_loop3A_1135 = arith.constant 144 : index
      %parallel_loop3A_1136 = tpu.vector_load %arg14[%parallel_loop3A_1134, %parallel_loop3A_1135] {strides = array<i32>} : memref<64x192xf32, #tpu.memory_space<vmem>>, vector<16xf32>,
      tpu.vector_store %arg14[%parallel_loop3A_1134, %parallel_loop3A_1135], %parallel_loop3A_1130 {strides = array<i32>} : memref<64x192xf32, #tpu.memory_space<vmem>>, vector<16xf32>,
      %parallel_loop3A_1137 = arith.constant 0 : i32
      %parallel_loop3A_1138 = arith.addi %parallel_loop3A_1137, %parallel_loop3A_881 : i32
      %parallel_loop3A_1139 = arith.index_cast %parallel_loop3A_1138 : i32 to index
      %parallel_loop3A_1140 = arith.constant 160 : index
      %parallel_loop3A_1141 = tpu.vector_load %arg10[%parallel_loop3A_1139, %parallel_loop3A_1140] {strides = array<i32>} : memref<384x192xbf16, #tpu.memory_space<vmem>>, vector<32xbf16>,
      %parallel_loop3A_1142 = arith.constant 64 : i32
      %parallel_loop3A_1143 = arith.addi %parallel_loop3A_1142, %parallel_loop3A_881 : i32
      %parallel_loop3A_1144 = arith.index_cast %parallel_loop3A_1143 : i32 to index
      %parallel_loop3A_1145 = arith.constant 160 : index
      %parallel_loop3A_1146 = tpu.vector_load %arg10[%parallel_loop3A_1144, %parallel_loop3A_1145] {strides = array<i32>} : memref<384x192xbf16, #tpu.memory_space<vmem>>, vector<32xbf16>,
      %parallel_loop3A_1147 = arith.addf %parallel_loop3A_1141, %parallel_loop3A_1146 : vector<32xbf16>
      %parallel_loop3A_1148 = arith.constant 128 : i32
      %parallel_loop3A_1149 = arith.addi %parallel_loop3A_1148, %parallel_loop3A_881 : i32
      %parallel_loop3A_1150 = arith.index_cast %parallel_loop3A_1149 : i32 to index
      %parallel_loop3A_1151 = arith.constant 160 : index
      %parallel_loop3A_1152 = tpu.vector_load %arg10[%parallel_loop3A_1150, %parallel_loop3A_1151] {strides = array<i32>} : memref<384x192xbf16, #tpu.memory_space<vmem>>, vector<32xbf16>,
      %parallel_loop3A_1153 = arith.addf %parallel_loop3A_1147, %parallel_loop3A_1152 : vector<32xbf16>
      %parallel_loop3A_1154 = arith.constant 192 : i32
      %parallel_loop3A_1155 = arith.addi %parallel_loop3A_1154, %parallel_loop3A_881 : i32
      %parallel_loop3A_1156 = arith.index_cast %parallel_loop3A_1155 : i32 to index
      %parallel_loop3A_1157 = arith.constant 160 : index
      %parallel_loop3A_1158 = tpu.vector_load %arg10[%parallel_loop3A_1156, %parallel_loop3A_1157] {strides = array<i32>} : memref<384x192xbf16, #tpu.memory_space<vmem>>, vector<32xbf16>,
      %parallel_loop3A_1159 = arith.addf %parallel_loop3A_1153, %parallel_loop3A_1158 : vector<32xbf16>
      %parallel_loop3A_1160 = arith.constant 256 : i32
      %parallel_loop3A_1161 = arith.addi %parallel_loop3A_1160, %parallel_loop3A_881 : i32
      %parallel_loop3A_1162 = arith.index_cast %parallel_loop3A_1161 : i32 to index
      %parallel_loop3A_1163 = arith.constant 160 : index
      %parallel_loop3A_1164 = tpu.vector_load %arg10[%parallel_loop3A_1162, %parallel_loop3A_1163] {strides = array<i32>} : memref<384x192xbf16, #tpu.memory_space<vmem>>, vector<32xbf16>,
      %parallel_loop3A_1165 = arith.addf %parallel_loop3A_1159, %parallel_loop3A_1164 : vector<32xbf16>
      %parallel_loop3A_1166 = arith.constant 320 : i32
      %parallel_loop3A_1167 = arith.addi %parallel_loop3A_1166, %parallel_loop3A_881 : i32
      %parallel_loop3A_1168 = arith.index_cast %parallel_loop3A_1167 : i32 to index
      %parallel_loop3A_1169 = arith.constant 160 : index
      %parallel_loop3A_1170 = tpu.vector_load %arg10[%parallel_loop3A_1168, %parallel_loop3A_1169] {strides = array<i32>} : memref<384x192xbf16, #tpu.memory_space<vmem>>, vector<32xbf16>,
      %parallel_loop3A_1171 = arith.addf %parallel_loop3A_1165, %parallel_loop3A_1170 : vector<32xbf16>
      %parallel_loop3A_1172 = tpu.unpack_subelements %parallel_loop3A_1171, 0 {pack_format = #tpu.pack_format<interleaved>} : vector<32xbf16> -> vector<16xf32>
      %parallel_loop3A_1173 = tpu.unpack_subelements %parallel_loop3A_1171, 1 {pack_format = #tpu.pack_format<interleaved>} : vector<32xbf16> -> vector<16xf32>
      %parallel_loop3A_1174 = arith.index_cast %parallel_loop3A_881 : i32 to index
      %parallel_loop3A_1175 = arith.constant 160 : index
      %parallel_loop3A_1176 = tpu.vector_load %arg12[%parallel_loop3A_1174, %parallel_loop3A_1175] {strides = array<i32>} : memref<64x192xf32, #tpu.memory_space<vmem>>, vector<16xf32>,
      %parallel_loop3A_1177 = arith.addf %parallel_loop3A_1172, %parallel_loop3A_1176 : vector<16xf32>
      %parallel_loop3A_1178 = arith.index_cast %parallel_loop3A_881 : i32 to index
      %parallel_loop3A_1179 = arith.constant 176 : index
      %parallel_loop3A_1180 = tpu.vector_load %arg12[%parallel_loop3A_1178, %parallel_loop3A_1179] {strides = array<i32>} : memref<64x192xf32, #tpu.memory_space<vmem>>, vector<16xf32>,
      %parallel_loop3A_1181 = arith.addf %parallel_loop3A_1173, %parallel_loop3A_1180 : vector<16xf32>
      %parallel_loop3A_1182 = arith.index_cast %parallel_loop3A_881 : i32 to index
      %parallel_loop3A_1183 = arith.constant 160 : index
      %parallel_loop3A_1184 = tpu.vector_load %arg14[%parallel_loop3A_1182, %parallel_loop3A_1183] {strides = array<i32>} : memref<64x192xf32, #tpu.memory_space<vmem>>, vector<16xf32>,
      tpu.vector_store %arg14[%parallel_loop3A_1182, %parallel_loop3A_1183], %parallel_loop3A_1177 {strides = array<i32>} : memref<64x192xf32, #tpu.memory_space<vmem>>, vector<16xf32>,
      %parallel_loop3A_1185 = arith.index_cast %parallel_loop3A_881 : i32 to index
      %parallel_loop3A_1186 = arith.constant 176 : index
      %parallel_loop3A_1187 = tpu.vector_load %arg14[%parallel_loop3A_1185, %parallel_loop3A_1186] {strides = array<i32>} : memref<64x192xf32, #tpu.memory_space<vmem>>, vector<16xf32>,
      tpu.vector_store %arg14[%parallel_loop3A_1185, %parallel_loop3A_1186], %parallel_loop3A_1181 {strides = array<i32>} : memref<64x192xf32, #tpu.memory_space<vmem>>, vector<16xf32>,
    } {sc.loop_unroll_factor = 4 : i64, sc.parallel_access}
    %add3A_687 = arith.constant 0 : i32
    %add3A_688 = arith.addi %mul3A_2, %add3A_687 : i32
    %dma_start3A_689 = arith.constant 0 : i32
    %dma_start3A_690 = tpu.memref_slice %arg6[%add3A_688, %dma_start3A_689] : memref<8192x192xf32, #tpu.memory_space<hbm>> -> memref<64x192xf32, #tpu.memory_space<hbm>>
    %dma_start3A_691 = arith.constant 0 : i32
    %dma_start3A_692 = tpu.memref_slice %arg6[%add3A_688, %dma_start3A_691] : memref<8192x192xf32, #tpu.memory_space<hbm>> -> memref<64x192xf32, #tpu.memory_space<hbm>>
    tpu.enqueue_dma source(%arg14 : memref<64x192xf32, #tpu.memory_space<vmem>>) target(%dma_start3A_692 : memref<64x192xf32, #tpu.memory_space<hbm>>) target_semaphore(%arg18 : memref<!tpu.dma_semaphore, #tpu.memory_space<semaphore_mem>>)
    %dma_start3A_693 = arith.constant 0 : i32
    %dma_start3A_694 = arith.constant 0 : i32
    %dma_start3A_695 = tpu.memref_slice %arg10[%dma_start3A_693, %dma_start3A_694] : memref<384x192xbf16, #tpu.memory_space<vmem>> -> memref<128x192xbf16, #tpu.memory_space<vmem>>
    %dma_start3A_696 = arith.constant 768 : i32
    %dma_start3A_697 = tpu.memref_slice %arg9[%dma_start3A_696] : memref<1536xi32, #tpu.memory_space<vmem>> -> memref<128xi32, #tpu.memory_space<vmem>>
    %dma_start3A_698 = arith.constant 0 : i32
    %dma_start3A_699 = arith.constant 0 : i32
    %dma_start3A_700 = tpu.memref_slice %arg4[%dma_start3A_698, %dma_start3A_699] : memref<6144x192xbf16, #tpu.memory_space<hbm>> -> memref<6144x192xbf16, #tpu.memory_space<hbm>>
    tpu.enqueue_indirect_dma source(%dma_start3A_700 : memref<6144x192xbf16, #tpu.memory_space<hbm>>) target(%dma_start3A_695 : memref<128x192xbf16, #tpu.memory_space<vmem>>) offsets(%dma_start3A_697 : memref<128xi32, #tpu.memory_space<vmem>>) semaphore(%arg16 : memref<!tpu.dma_semaphore, #tpu.memory_space<semaphore_mem>>)
    %dma_start3A_701 = arith.constant 128 : i32
    %dma_start3A_702 = arith.constant 0 : i32
    %dma_start3A_703 = tpu.memref_slice %arg10[%dma_start3A_701, %dma_start3A_702] : memref<384x192xbf16, #tpu.memory_space<vmem>> -> memref<128x192xbf16, #tpu.memory_space<vmem>>
    %dma_start3A_704 = arith.constant 896 : i32
    %dma_start3A_705 = tpu.memref_slice %arg9[%dma_start3A_704] : memref<1536xi32, #tpu.memory_space<vmem>> -> memref<128xi32, #tpu.memory_space<vmem>>
    %dma_start3A_706 = arith.constant 0 : i32
    %dma_start3A_707 = arith.constant 0 : i32
    %dma_start3A_708 = tpu.memref_slice %arg4[%dma_start3A_706, %dma_start3A_707] : memref<6144x192xbf16, #tpu.memory_space<hbm>> -> memref<6144x192xbf16, #tpu.memory_space<hbm>>
    tpu.enqueue_indirect_dma source(%dma_start3A_708 : memref<6144x192xbf16, #tpu.memory_space<hbm>>) target(%dma_start3A_703 : memref<128x192xbf16, #tpu.memory_space<vmem>>) offsets(%dma_start3A_705 : memref<128xi32, #tpu.memory_space<vmem>>) semaphore(%arg16 : memref<!tpu.dma_semaphore, #tpu.memory_space<semaphore_mem>>)
    %dma_start3A_709 = arith.constant 256 : i32
    %dma_start3A_710 = arith.constant 0 : i32
    %dma_start3A_711 = tpu.memref_slice %arg10[%dma_start3A_709, %dma_start3A_710] : memref<384x192xbf16, #tpu.memory_space<vmem>> -> memref<128x192xbf16, #tpu.memory_space<vmem>>
    %dma_start3A_712 = arith.constant 1024 : i32
    %dma_start3A_713 = tpu.memref_slice %arg9[%dma_start3A_712] : memref<1536xi32, #tpu.memory_space<vmem>> -> memref<128xi32, #tpu.memory_space<vmem>>
    %dma_start3A_714 = arith.constant 0 : i32
    %dma_start3A_715 = arith.constant 0 : i32
    %dma_start3A_716 = tpu.memref_slice %arg4[%dma_start3A_714, %dma_start3A_715] : memref<6144x192xbf16, #tpu.memory_space<hbm>> -> memref<6144x192xbf16, #tpu.memory_space<hbm>>
    tpu.enqueue_indirect_dma source(%dma_start3A_716 : memref<6144x192xbf16, #tpu.memory_space<hbm>>) target(%dma_start3A_711 : memref<128x192xbf16, #tpu.memory_space<vmem>>) offsets(%dma_start3A_713 : memref<128xi32, #tpu.memory_space<vmem>>) semaphore(%arg16 : memref<!tpu.dma_semaphore, #tpu.memory_space<semaphore_mem>>)
    %dma_start3A_717 = arith.constant 128 : i32
    %dma_start3A_718 = tpu.memref_slice %arg8[%dma_start3A_717] : memref<256xi32, #tpu.memory_space<vmem>> -> memref<64xi32, #tpu.memory_space<vmem>>
    %dma_start3A_719 = arith.constant 0 : i32
    %dma_start3A_720 = arith.constant 0 : i32
    %dma_start3A_721 = tpu.memref_slice %arg5[%dma_start3A_719, %dma_start3A_720] : memref<4096x192xf32, #tpu.memory_space<hbm>> -> memref<4096x192xf32, #tpu.memory_space<hbm>>
    tpu.enqueue_indirect_dma source(%dma_start3A_721 : memref<4096x192xf32, #tpu.memory_space<hbm>>) target(%arg12 : memref<64x192xf32, #tpu.memory_space<vmem>>) offsets(%dma_start3A_718 : memref<64xi32, #tpu.memory_space<vmem>>) semaphore(%arg16 : memref<!tpu.dma_semaphore, #tpu.memory_space<semaphore_mem>>)
    %dma_wait3A_722 = arith.constant 0 : i32
    %dma_wait3A_723 = arith.constant 0 : i32
    %dma_wait3A_724 = tpu.memref_slice %arg11[%dma_wait3A_722, %dma_wait3A_723] : memref<384x192xbf16, #tpu.memory_space<vmem>> -> memref<128x192xbf16, #tpu.memory_space<vmem>>
    %dma_wait3A_725 = arith.constant 384 : i32
    %dma_wait3A_726 = tpu.memref_slice %arg9[%dma_wait3A_725] : memref<1536xi32, #tpu.memory_space<vmem>> -> memref<128xi32, #tpu.memory_space<vmem>>
    %dma_wait3A_727 = arith.constant 0 : i32
    %dma_wait3A_728 = arith.constant 0 : i32
    %dma_wait3A_729 = tpu.memref_slice %arg4[%dma_wait3A_727, %dma_wait3A_728] : memref<6144x192xbf16, #tpu.memory_space<hbm>> -> memref<6144x192xbf16, #tpu.memory_space<hbm>>
    tpu.wait_indirect_dma semaphore(%arg17 : memref<!tpu.dma_semaphore, #tpu.memory_space<semaphore_mem>>) src(%dma_wait3A_729 : memref<6144x192xbf16, #tpu.memory_space<hbm>>) dst(%dma_wait3A_724 : memref<128x192xbf16, #tpu.memory_space<vmem>>)
    %dma_wait3A_730 = arith.constant 128 : i32
    %dma_wait3A_731 = arith.constant 0 : i32
    %dma_wait3A_732 = tpu.memref_slice %arg11[%dma_wait3A_730, %dma_wait3A_731] : memref<384x192xbf16, #tpu.memory_space<vmem>> -> memref<128x192xbf16, #tpu.memory_space<vmem>>
    %dma_wait3A_733 = arith.constant 512 : i32
    %dma_wait3A_734 = tpu.memref_slice %arg9[%dma_wait3A_733] : memref<1536xi32, #tpu.memory_space<vmem>> -> memref<128xi32, #tpu.memory_space<vmem>>
    %dma_wait3A_735 = arith.constant 0 : i32
    %dma_wait3A_736 = arith.constant 0 : i32
    %dma_wait3A_737 = tpu.memref_slice %arg4[%dma_wait3A_735, %dma_wait3A_736] : memref<6144x192xbf16, #tpu.memory_space<hbm>> -> memref<6144x192xbf16, #tpu.memory_space<hbm>>
    tpu.wait_indirect_dma semaphore(%arg17 : memref<!tpu.dma_semaphore, #tpu.memory_space<semaphore_mem>>) src(%dma_wait3A_737 : memref<6144x192xbf16, #tpu.memory_space<hbm>>) dst(%dma_wait3A_732 : memref<128x192xbf16, #tpu.memory_space<vmem>>)
    %dma_wait3A_738 = arith.constant 256 : i32
    %dma_wait3A_739 = arith.constant 0 : i32
    %dma_wait3A_740 = tpu.memref_slice %arg11[%dma_wait3A_738, %dma_wait3A_739] : memref<384x192xbf16, #tpu.memory_space<vmem>> -> memref<128x192xbf16, #tpu.memory_space<vmem>>
    %dma_wait3A_741 = arith.constant 640 : i32
    %dma_wait3A_742 = tpu.memref_slice %arg9[%dma_wait3A_741] : memref<1536xi32, #tpu.memory_space<vmem>> -> memref<128xi32, #tpu.memory_space<vmem>>
    %dma_wait3A_743 = arith.constant 0 : i32
    %dma_wait3A_744 = arith.constant 0 : i32
    %dma_wait3A_745 = tpu.memref_slice %arg4[%dma_wait3A_743, %dma_wait3A_744] : memref<6144x192xbf16, #tpu.memory_space<hbm>> -> memref<6144x192xbf16, #tpu.memory_space<hbm>>
    tpu.wait_indirect_dma semaphore(%arg17 : memref<!tpu.dma_semaphore, #tpu.memory_space<semaphore_mem>>) src(%dma_wait3A_745 : memref<6144x192xbf16, #tpu.memory_space<hbm>>) dst(%dma_wait3A_740 : memref<128x192xbf16, #tpu.memory_space<vmem>>)
    %dma_wait3A_746 = arith.constant 64 : i32
    %dma_wait3A_747 = tpu.memref_slice %arg8[%dma_wait3A_746] : memref<256xi32, #tpu.memory_space<vmem>> -> memref<64xi32, #tpu.memory_space<vmem>>
    %dma_wait3A_748 = arith.constant 0 : i32
    %dma_wait3A_749 = arith.constant 0 : i32
    %dma_wait3A_750 = tpu.memref_slice %arg5[%dma_wait3A_748, %dma_wait3A_749] : memref<4096x192xf32, #tpu.memory_space<hbm>> -> memref<4096x192xf32, #tpu.memory_space<hbm>>
    tpu.wait_indirect_dma semaphore(%arg17 : memref<!tpu.dma_semaphore, #tpu.memory_space<semaphore_mem>>) src(%dma_wait3A_750 : memref<4096x192xf32, #tpu.memory_space<hbm>>) dst(%arg13 : memref<64x192xf32, #tpu.memory_space<vmem>>)
    %parallel_loop3A_751 = arith.constant 0 : i32
    %parallel_loop3A_752 = arith.constant 64 : i32
    %parallel_loop3A_753 = arith.constant 1 : i32
    scf.for %parallel_loop3A_881 = %parallel_loop3A_751 to %parallel_loop3A_752 step %parallel_loop3A_753  : i32 {
      %parallel_loop3A_882 = arith.constant 0 : i32
      %parallel_loop3A_883 = arith.addi %parallel_loop3A_882, %parallel_loop3A_881 : i32
      %parallel_loop3A_884 = arith.index_cast %parallel_loop3A_883 : i32 to index
      %parallel_loop3A_885 = arith.constant 0 : index
      %parallel_loop3A_886 = tpu.vector_load %arg11[%parallel_loop3A_884, %parallel_loop3A_885] {strides = array<i32>} : memref<384x192xbf16, #tpu.memory_space<vmem>>, vector<32xbf16>,
      %parallel_loop3A_887 = arith.constant 64 : i32
      %parallel_loop3A_888 = arith.addi %parallel_loop3A_887, %parallel_loop3A_881 : i32
      %parallel_loop3A_889 = arith.index_cast %parallel_loop3A_888 : i32 to index
      %parallel_loop3A_890 = arith.constant 0 : index
      %parallel_loop3A_891 = tpu.vector_load %arg11[%parallel_loop3A_889, %parallel_loop3A_890] {strides = array<i32>} : memref<384x192xbf16, #tpu.memory_space<vmem>>, vector<32xbf16>,
      %parallel_loop3A_892 = arith.addf %parallel_loop3A_886, %parallel_loop3A_891 : vector<32xbf16>
      %parallel_loop3A_893 = arith.constant 128 : i32
      %parallel_loop3A_894 = arith.addi %parallel_loop3A_893, %parallel_loop3A_881 : i32
      %parallel_loop3A_895 = arith.index_cast %parallel_loop3A_894 : i32 to index
      %parallel_loop3A_896 = arith.constant 0 : index
      %parallel_loop3A_897 = tpu.vector_load %arg11[%parallel_loop3A_895, %parallel_loop3A_896] {strides = array<i32>} : memref<384x192xbf16, #tpu.memory_space<vmem>>, vector<32xbf16>,
      %parallel_loop3A_898 = arith.addf %parallel_loop3A_892, %parallel_loop3A_897 : vector<32xbf16>
      %parallel_loop3A_899 = arith.constant 192 : i32
      %parallel_loop3A_900 = arith.addi %parallel_loop3A_899, %parallel_loop3A_881 : i32
      %parallel_loop3A_901 = arith.index_cast %parallel_loop3A_900 : i32 to index
      %parallel_loop3A_902 = arith.constant 0 : index
      %parallel_loop3A_903 = tpu.vector_load %arg11[%parallel_loop3A_901, %parallel_loop3A_902] {strides = array<i32>} : memref<384x192xbf16, #tpu.memory_space<vmem>>, vector<32xbf16>,
      %parallel_loop3A_904 = arith.addf %parallel_loop3A_898, %parallel_loop3A_903 : vector<32xbf16>
      %parallel_loop3A_905 = arith.constant 256 : i32
      %parallel_loop3A_906 = arith.addi %parallel_loop3A_905, %parallel_loop3A_881 : i32
      %parallel_loop3A_907 = arith.index_cast %parallel_loop3A_906 : i32 to index
      %parallel_loop3A_908 = arith.constant 0 : index
      %parallel_loop3A_909 = tpu.vector_load %arg11[%parallel_loop3A_907, %parallel_loop3A_908] {strides = array<i32>} : memref<384x192xbf16, #tpu.memory_space<vmem>>, vector<32xbf16>,
      %parallel_loop3A_910 = arith.addf %parallel_loop3A_904, %parallel_loop3A_909 : vector<32xbf16>
      %parallel_loop3A_911 = arith.constant 320 : i32
      %parallel_loop3A_912 = arith.addi %parallel_loop3A_911, %parallel_loop3A_881 : i32
      %parallel_loop3A_913 = arith.index_cast %parallel_loop3A_912 : i32 to index
      %parallel_loop3A_914 = arith.constant 0 : index
      %parallel_loop3A_915 = tpu.vector_load %arg11[%parallel_loop3A_913, %parallel_loop3A_914] {strides = array<i32>} : memref<384x192xbf16, #tpu.memory_space<vmem>>, vector<32xbf16>,
      %parallel_loop3A_916 = arith.addf %parallel_loop3A_910, %parallel_loop3A_915 : vector<32xbf16>
      %parallel_loop3A_917 = tpu.unpack_subelements %parallel_loop3A_916, 0 {pack_format = #tpu.pack_format<interleaved>} : vector<32xbf16> -> vector<16xf32>
      %parallel_loop3A_918 = tpu.unpack_subelements %parallel_loop3A_916, 1 {pack_format = #tpu.pack_format<interleaved>} : vector<32xbf16> -> vector<16xf32>
      %parallel_loop3A_919 = arith.index_cast %parallel_loop3A_881 : i32 to index
      %parallel_loop3A_920 = arith.constant 0 : index
      %parallel_loop3A_921 = tpu.vector_load %arg13[%parallel_loop3A_919, %parallel_loop3A_920] {strides = array<i32>} : memref<64x192xf32, #tpu.memory_space<vmem>>, vector<16xf32>,
      %parallel_loop3A_922 = arith.addf %parallel_loop3A_917, %parallel_loop3A_921 : vector<16xf32>
      %parallel_loop3A_923 = arith.index_cast %parallel_loop3A_881 : i32 to index
      %parallel_loop3A_924 = arith.constant 16 : index
      %parallel_loop3A_925 = tpu.vector_load %arg13[%parallel_loop3A_923, %parallel_loop3A_924] {strides = array<i32>} : memref<64x192xf32, #tpu.memory_space<vmem>>, vector<16xf32>,
      %parallel_loop3A_926 = arith.addf %parallel_loop3A_918, %parallel_loop3A_925 : vector<16xf32>
      %parallel_loop3A_927 = arith.index_cast %parallel_loop3A_881 : i32 to index
      %parallel_loop3A_928 = arith.constant 0 : index
      %parallel_loop3A_929 = tpu.vector_load %arg15[%parallel_loop3A_927, %parallel_loop3A_928] {strides = array<i32>} : memref<64x192xf32, #tpu.memory_space<vmem>>, vector<16xf32>,
      tpu.vector_store %arg15[%parallel_loop3A_927, %parallel_loop3A_928], %parallel_loop3A_922 {strides = array<i32>} : memref<64x192xf32, #tpu.memory_space<vmem>>, vector<16xf32>,
      %parallel_loop3A_930 = arith.index_cast %parallel_loop3A_881 : i32 to index
      %parallel_loop3A_931 = arith.constant 16 : index
      %parallel_loop3A_932 = tpu.vector_load %arg15[%parallel_loop3A_930, %parallel_loop3A_931] {strides = array<i32>} : memref<64x192xf32, #tpu.memory_space<vmem>>, vector<16xf32>,
      tpu.vector_store %arg15[%parallel_loop3A_930, %parallel_loop3A_931], %parallel_loop3A_926 {strides = array<i32>} : memref<64x192xf32, #tpu.memory_space<vmem>>, vector<16xf32>,
      %parallel_loop3A_933 = arith.constant 0 : i32
      %parallel_loop3A_934 = arith.addi %parallel_loop3A_933, %parallel_loop3A_881 : i32
      %parallel_loop3A_935 = arith.index_cast %parallel_loop3A_934 : i32 to index
      %parallel_loop3A_936 = arith.constant 32 : index
      %parallel_loop3A_937 = tpu.vector_load %arg11[%parallel_loop3A_935, %parallel_loop3A_936] {strides = array<i32>} : memref<384x192xbf16, #tpu.memory_space<vmem>>, vector<32xbf16>,
      %parallel_loop3A_938 = arith.constant 64 : i32
      %parallel_loop3A_939 = arith.addi %parallel_loop3A_938, %parallel_loop3A_881 : i32
      %parallel_loop3A_940 = arith.index_cast %parallel_loop3A_939 : i32 to index
      %parallel_loop3A_941 = arith.constant 32 : index
      %parallel_loop3A_942 = tpu.vector_load %arg11[%parallel_loop3A_940, %parallel_loop3A_941] {strides = array<i32>} : memref<384x192xbf16, #tpu.memory_space<vmem>>, vector<32xbf16>,
      %parallel_loop3A_943 = arith.addf %parallel_loop3A_937, %parallel_loop3A_942 : vector<32xbf16>
      %parallel_loop3A_944 = arith.constant 128 : i32
      %parallel_loop3A_945 = arith.addi %parallel_loop3A_944, %parallel_loop3A_881 : i32
      %parallel_loop3A_946 = arith.index_cast %parallel_loop3A_945 : i32 to index
      %parallel_loop3A_947 = arith.constant 32 : index
      %parallel_loop3A_948 = tpu.vector_load %arg11[%parallel_loop3A_946, %parallel_loop3A_947] {strides = array<i32>} : memref<384x192xbf16, #tpu.memory_space<vmem>>, vector<32xbf16>,
      %parallel_loop3A_949 = arith.addf %parallel_loop3A_943, %parallel_loop3A_948 : vector<32xbf16>
      %parallel_loop3A_950 = arith.constant 192 : i32
      %parallel_loop3A_951 = arith.addi %parallel_loop3A_950, %parallel_loop3A_881 : i32
      %parallel_loop3A_952 = arith.index_cast %parallel_loop3A_951 : i32 to index
      %parallel_loop3A_953 = arith.constant 32 : index
      %parallel_loop3A_954 = tpu.vector_load %arg11[%parallel_loop3A_952, %parallel_loop3A_953] {strides = array<i32>} : memref<384x192xbf16, #tpu.memory_space<vmem>>, vector<32xbf16>,
      %parallel_loop3A_955 = arith.addf %parallel_loop3A_949, %parallel_loop3A_954 : vector<32xbf16>
      %parallel_loop3A_956 = arith.constant 256 : i32
      %parallel_loop3A_957 = arith.addi %parallel_loop3A_956, %parallel_loop3A_881 : i32
      %parallel_loop3A_958 = arith.index_cast %parallel_loop3A_957 : i32 to index
      %parallel_loop3A_959 = arith.constant 32 : index
      %parallel_loop3A_960 = tpu.vector_load %arg11[%parallel_loop3A_958, %parallel_loop3A_959] {strides = array<i32>} : memref<384x192xbf16, #tpu.memory_space<vmem>>, vector<32xbf16>,
      %parallel_loop3A_961 = arith.addf %parallel_loop3A_955, %parallel_loop3A_960 : vector<32xbf16>
      %parallel_loop3A_962 = arith.constant 320 : i32
      %parallel_loop3A_963 = arith.addi %parallel_loop3A_962, %parallel_loop3A_881 : i32
      %parallel_loop3A_964 = arith.index_cast %parallel_loop3A_963 : i32 to index
      %parallel_loop3A_965 = arith.constant 32 : index
      %parallel_loop3A_966 = tpu.vector_load %arg11[%parallel_loop3A_964, %parallel_loop3A_965] {strides = array<i32>} : memref<384x192xbf16, #tpu.memory_space<vmem>>, vector<32xbf16>,
      %parallel_loop3A_967 = arith.addf %parallel_loop3A_961, %parallel_loop3A_966 : vector<32xbf16>
      %parallel_loop3A_968 = tpu.unpack_subelements %parallel_loop3A_967, 0 {pack_format = #tpu.pack_format<interleaved>} : vector<32xbf16> -> vector<16xf32>
      %parallel_loop3A_969 = tpu.unpack_subelements %parallel_loop3A_967, 1 {pack_format = #tpu.pack_format<interleaved>} : vector<32xbf16> -> vector<16xf32>
      %parallel_loop3A_970 = arith.index_cast %parallel_loop3A_881 : i32 to index
      %parallel_loop3A_971 = arith.constant 32 : index
      %parallel_loop3A_972 = tpu.vector_load %arg13[%parallel_loop3A_970, %parallel_loop3A_971] {strides = array<i32>} : memref<64x192xf32, #tpu.memory_space<vmem>>, vector<16xf32>,
      %parallel_loop3A_973 = arith.addf %parallel_loop3A_968, %parallel_loop3A_972 : vector<16xf32>
      %parallel_loop3A_974 = arith.index_cast %parallel_loop3A_881 : i32 to index
      %parallel_loop3A_975 = arith.constant 48 : index
      %parallel_loop3A_976 = tpu.vector_load %arg13[%parallel_loop3A_974, %parallel_loop3A_975] {strides = array<i32>} : memref<64x192xf32, #tpu.memory_space<vmem>>, vector<16xf32>,
      %parallel_loop3A_977 = arith.addf %parallel_loop3A_969, %parallel_loop3A_976 : vector<16xf32>
      %parallel_loop3A_978 = arith.index_cast %parallel_loop3A_881 : i32 to index
      %parallel_loop3A_979 = arith.constant 32 : index
      %parallel_loop3A_980 = tpu.vector_load %arg15[%parallel_loop3A_978, %parallel_loop3A_979] {strides = array<i32>} : memref<64x192xf32, #tpu.memory_space<vmem>>, vector<16xf32>,
      tpu.vector_store %arg15[%parallel_loop3A_978, %parallel_loop3A_979], %parallel_loop3A_973 {strides = array<i32>} : memref<64x192xf32, #tpu.memory_space<vmem>>, vector<16xf32>,
      %parallel_loop3A_981 = arith.index_cast %parallel_loop3A_881 : i32 to index
      %parallel_loop3A_982 = arith.constant 48 : index
      %parallel_loop3A_983 = tpu.vector_load %arg15[%parallel_loop3A_981, %parallel_loop3A_982] {strides = array<i32>} : memref<64x192xf32, #tpu.memory_space<vmem>>, vector<16xf32>,
      tpu.vector_store %arg15[%parallel_loop3A_981, %parallel_loop3A_982], %parallel_loop3A_977 {strides = array<i32>} : memref<64x192xf32, #tpu.memory_space<vmem>>, vector<16xf32>,
      %parallel_loop3A_984 = arith.constant 0 : i32
      %parallel_loop3A_985 = arith.addi %parallel_loop3A_984, %parallel_loop3A_881 : i32
      %parallel_loop3A_986 = arith.index_cast %parallel_loop3A_985 : i32 to index
      %parallel_loop3A_987 = arith.constant 64 : index
      %parallel_loop3A_988 = tpu.vector_load %arg11[%parallel_loop3A_986, %parallel_loop3A_987] {strides = array<i32>} : memref<384x192xbf16, #tpu.memory_space<vmem>>, vector<32xbf16>,
      %parallel_loop3A_989 = arith.constant 64 : i32
      %parallel_loop3A_990 = arith.addi %parallel_loop3A_989, %parallel_loop3A_881 : i32
      %parallel_loop3A_991 = arith.index_cast %parallel_loop3A_990 : i32 to index
      %parallel_loop3A_992 = arith.constant 64 : index
      %parallel_loop3A_993 = tpu.vector_load %arg11[%parallel_loop3A_991, %parallel_loop3A_992] {strides = array<i32>} : memref<384x192xbf16, #tpu.memory_space<vmem>>, vector<32xbf16>,
      %parallel_loop3A_994 = arith.addf %parallel_loop3A_988, %parallel_loop3A_993 : vector<32xbf16>
      %parallel_loop3A_995 = arith.constant 128 : i32
      %parallel_loop3A_996 = arith.addi %parallel_loop3A_995, %parallel_loop3A_881 : i32
      %parallel_loop3A_997 = arith.index_cast %parallel_loop3A_996 : i32 to index
      %parallel_loop3A_998 = arith.constant 64 : index
      %parallel_loop3A_999 = tpu.vector_load %arg11[%parallel_loop3A_997, %parallel_loop3A_998] {strides = array<i32>} : memref<384x192xbf16, #tpu.memory_space<vmem>>, vector<32xbf16>,
      %parallel_loop3A_1000 = arith.addf %parallel_loop3A_994, %parallel_loop3A_999 : vector<32xbf16>
      %parallel_loop3A_1001 = arith.constant 192 : i32
      %parallel_loop3A_1002 = arith.addi %parallel_loop3A_1001, %parallel_loop3A_881 : i32
      %parallel_loop3A_1003 = arith.index_cast %parallel_loop3A_1002 : i32 to index
      %parallel_loop3A_1004 = arith.constant 64 : index
      %parallel_loop3A_1005 = tpu.vector_load %arg11[%parallel_loop3A_1003, %parallel_loop3A_1004] {strides = array<i32>} : memref<384x192xbf16, #tpu.memory_space<vmem>>, vector<32xbf16>,
      %parallel_loop3A_1006 = arith.addf %parallel_loop3A_1000, %parallel_loop3A_1005 : vector<32xbf16>
      %parallel_loop3A_1007 = arith.constant 256 : i32
      %parallel_loop3A_1008 = arith.addi %parallel_loop3A_1007, %parallel_loop3A_881 : i32
      %parallel_loop3A_1009 = arith.index_cast %parallel_loop3A_1008 : i32 to index
      %parallel_loop3A_1010 = arith.constant 64 : index
      %parallel_loop3A_1011 = tpu.vector_load %arg11[%parallel_loop3A_1009, %parallel_loop3A_1010] {strides = array<i32>} : memref<384x192xbf16, #tpu.memory_space<vmem>>, vector<32xbf16>,
      %parallel_loop3A_1012 = arith.addf %parallel_loop3A_1006, %parallel_loop3A_1011 : vector<32xbf16>
      %parallel_loop3A_1013 = arith.constant 320 : i32
      %parallel_loop3A_1014 = arith.addi %parallel_loop3A_1013, %parallel_loop3A_881 : i32
      %parallel_loop3A_1015 = arith.index_cast %parallel_loop3A_1014 : i32 to index
      %parallel_loop3A_1016 = arith.constant 64 : index
      %parallel_loop3A_1017 = tpu.vector_load %arg11[%parallel_loop3A_1015, %parallel_loop3A_1016] {strides = array<i32>} : memref<384x192xbf16, #tpu.memory_space<vmem>>, vector<32xbf16>,
      %parallel_loop3A_1018 = arith.addf %parallel_loop3A_1012, %parallel_loop3A_1017 : vector<32xbf16>
      %parallel_loop3A_1019 = tpu.unpack_subelements %parallel_loop3A_1018, 0 {pack_format = #tpu.pack_format<interleaved>} : vector<32xbf16> -> vector<16xf32>
      %parallel_loop3A_1020 = tpu.unpack_subelements %parallel_loop3A_1018, 1 {pack_format = #tpu.pack_format<interleaved>} : vector<32xbf16> -> vector<16xf32>
      %parallel_loop3A_1021 = arith.index_cast %parallel_loop3A_881 : i32 to index
      %parallel_loop3A_1022 = arith.constant 64 : index
      %parallel_loop3A_1023 = tpu.vector_load %arg13[%parallel_loop3A_1021, %parallel_loop3A_1022] {strides = array<i32>} : memref<64x192xf32, #tpu.memory_space<vmem>>, vector<16xf32>,
      %parallel_loop3A_1024 = arith.addf %parallel_loop3A_1019, %parallel_loop3A_1023 : vector<16xf32>
      %parallel_loop3A_1025 = arith.index_cast %parallel_loop3A_881 : i32 to index
      %parallel_loop3A_1026 = arith.constant 80 : index
      %parallel_loop3A_1027 = tpu.vector_load %arg13[%parallel_loop3A_1025, %parallel_loop3A_1026] {strides = array<i32>} : memref<64x192xf32, #tpu.memory_space<vmem>>, vector<16xf32>,
      %parallel_loop3A_1028 = arith.addf %parallel_loop3A_1020, %parallel_loop3A_1027 : vector<16xf32>
      %parallel_loop3A_1029 = arith.index_cast %parallel_loop3A_881 : i32 to index
      %parallel_loop3A_1030 = arith.constant 64 : index
      %parallel_loop3A_1031 = tpu.vector_load %arg15[%parallel_loop3A_1029, %parallel_loop3A_1030] {strides = array<i32>} : memref<64x192xf32, #tpu.memory_space<vmem>>, vector<16xf32>,
      tpu.vector_store %arg15[%parallel_loop3A_1029, %parallel_loop3A_1030], %parallel_loop3A_1024 {strides = array<i32>} : memref<64x192xf32, #tpu.memory_space<vmem>>, vector<16xf32>,
      %parallel_loop3A_1032 = arith.index_cast %parallel_loop3A_881 : i32 to index
      %parallel_loop3A_1033 = arith.constant 80 : index
      %parallel_loop3A_1034 = tpu.vector_load %arg15[%parallel_loop3A_1032, %parallel_loop3A_1033] {strides = array<i32>} : memref<64x192xf32, #tpu.memory_space<vmem>>, vector<16xf32>,
      tpu.vector_store %arg15[%parallel_loop3A_1032, %parallel_loop3A_1033], %parallel_loop3A_1028 {strides = array<i32>} : memref<64x192xf32, #tpu.memory_space<vmem>>, vector<16xf32>,
      %parallel_loop3A_1035 = arith.constant 0 : i32
      %parallel_loop3A_1036 = arith.addi %parallel_loop3A_1035, %parallel_loop3A_881 : i32
      %parallel_loop3A_1037 = arith.index_cast %parallel_loop3A_1036 : i32 to index
      %parallel_loop3A_1038 = arith.constant 96 : index
      %parallel_loop3A_1039 = tpu.vector_load %arg11[%parallel_loop3A_1037, %parallel_loop3A_1038] {strides = array<i32>} : memref<384x192xbf16, #tpu.memory_space<vmem>>, vector<32xbf16>,
      %parallel_loop3A_1040 = arith.constant 64 : i32
      %parallel_loop3A_1041 = arith.addi %parallel_loop3A_1040, %parallel_loop3A_881 : i32
      %parallel_loop3A_1042 = arith.index_cast %parallel_loop3A_1041 : i32 to index
      %parallel_loop3A_1043 = arith.constant 96 : index
      %parallel_loop3A_1044 = tpu.vector_load %arg11[%parallel_loop3A_1042, %parallel_loop3A_1043] {strides = array<i32>} : memref<384x192xbf16, #tpu.memory_space<vmem>>, vector<32xbf16>,
      %parallel_loop3A_1045 = arith.addf %parallel_loop3A_1039, %parallel_loop3A_1044 : vector<32xbf16>
      %parallel_loop3A_1046 = arith.constant 128 : i32
      %parallel_loop3A_1047 = arith.addi %parallel_loop3A_1046, %parallel_loop3A_881 : i32
      %parallel_loop3A_1048 = arith.index_cast %parallel_loop3A_1047 : i32 to index
      %parallel_loop3A_1049 = arith.constant 96 : index
      %parallel_loop3A_1050 = tpu.vector_load %arg11[%parallel_loop3A_1048, %parallel_loop3A_1049] {strides = array<i32>} : memref<384x192xbf16, #tpu.memory_space<vmem>>, vector<32xbf16>,
      %parallel_loop3A_1051 = arith.addf %parallel_loop3A_1045, %parallel_loop3A_1050 : vector<32xbf16>
      %parallel_loop3A_1052 = arith.constant 192 : i32
      %parallel_loop3A_1053 = arith.addi %parallel_loop3A_1052, %parallel_loop3A_881 : i32
      %parallel_loop3A_1054 = arith.index_cast %parallel_loop3A_1053 : i32 to index
      %parallel_loop3A_1055 = arith.constant 96 : index
      %parallel_loop3A_1056 = tpu.vector_load %arg11[%parallel_loop3A_1054, %parallel_loop3A_1055] {strides = array<i32>} : memref<384x192xbf16, #tpu.memory_space<vmem>>, vector<32xbf16>,
      %parallel_loop3A_1057 = arith.addf %parallel_loop3A_1051, %parallel_loop3A_1056 : vector<32xbf16>
      %parallel_loop3A_1058 = arith.constant 256 : i32
      %parallel_loop3A_1059 = arith.addi %parallel_loop3A_1058, %parallel_loop3A_881 : i32
      %parallel_loop3A_1060 = arith.index_cast %parallel_loop3A_1059 : i32 to index
      %parallel_loop3A_1061 = arith.constant 96 : index
      %parallel_loop3A_1062 = tpu.vector_load %arg11[%parallel_loop3A_1060, %parallel_loop3A_1061] {strides = array<i32>} : memref<384x192xbf16, #tpu.memory_space<vmem>>, vector<32xbf16>,
      %parallel_loop3A_1063 = arith.addf %parallel_loop3A_1057, %parallel_loop3A_1062 : vector<32xbf16>
      %parallel_loop3A_1064 = arith.constant 320 : i32
      %parallel_loop3A_1065 = arith.addi %parallel_loop3A_1064, %parallel_loop3A_881 : i32
      %parallel_loop3A_1066 = arith.index_cast %parallel_loop3A_1065 : i32 to index
      %parallel_loop3A_1067 = arith.constant 96 : index
      %parallel_loop3A_1068 = tpu.vector_load %arg11[%parallel_loop3A_1066, %parallel_loop3A_1067] {strides = array<i32>} : memref<384x192xbf16, #tpu.memory_space<vmem>>, vector<32xbf16>,
      %parallel_loop3A_1069 = arith.addf %parallel_loop3A_1063, %parallel_loop3A_1068 : vector<32xbf16>
      %parallel_loop3A_1070 = tpu.unpack_subelements %parallel_loop3A_1069, 0 {pack_format = #tpu.pack_format<interleaved>} : vector<32xbf16> -> vector<16xf32>
      %parallel_loop3A_1071 = tpu.unpack_subelements %parallel_loop3A_1069, 1 {pack_format = #tpu.pack_format<interleaved>} : vector<32xbf16> -> vector<16xf32>
      %parallel_loop3A_1072 = arith.index_cast %parallel_loop3A_881 : i32 to index
      %parallel_loop3A_1073 = arith.constant 96 : index
      %parallel_loop3A_1074 = tpu.vector_load %arg13[%parallel_loop3A_1072, %parallel_loop3A_1073] {strides = array<i32>} : memref<64x192xf32, #tpu.memory_space<vmem>>, vector<16xf32>,
      %parallel_loop3A_1075 = arith.addf %parallel_loop3A_1070, %parallel_loop3A_1074 : vector<16xf32>
      %parallel_loop3A_1076 = arith.index_cast %parallel_loop3A_881 : i32 to index
      %parallel_loop3A_1077 = arith.constant 112 : index
      %parallel_loop3A_1078 = tpu.vector_load %arg13[%parallel_loop3A_1076, %parallel_loop3A_1077] {strides = array<i32>} : memref<64x192xf32, #tpu.memory_space<vmem>>, vector<16xf32>,
      %parallel_loop3A_1079 = arith.addf %parallel_loop3A_1071, %parallel_loop3A_1078 : vector<16xf32>
      %parallel_loop3A_1080 = arith.index_cast %parallel_loop3A_881 : i32 to index
      %parallel_loop3A_1081 = arith.constant 96 : index
      %parallel_loop3A_1082 = tpu.vector_load %arg15[%parallel_loop3A_1080, %parallel_loop3A_1081] {strides = array<i32>} : memref<64x192xf32, #tpu.memory_space<vmem>>, vector<16xf32>,
      tpu.vector_store %arg15[%parallel_loop3A_1080, %parallel_loop3A_1081], %parallel_loop3A_1075 {strides = array<i32>} : memref<64x192xf32, #tpu.memory_space<vmem>>, vector<16xf32>,
      %parallel_loop3A_1083 = arith.index_cast %parallel_loop3A_881 : i32 to index
      %parallel_loop3A_1084 = arith.constant 112 : index
      %parallel_loop3A_1085 = tpu.vector_load %arg15[%parallel_loop3A_1083, %parallel_loop3A_1084] {strides = array<i32>} : memref<64x192xf32, #tpu.memory_space<vmem>>, vector<16xf32>,
      tpu.vector_store %arg15[%parallel_loop3A_1083, %parallel_loop3A_1084], %parallel_loop3A_1079 {strides = array<i32>} : memref<64x192xf32, #tpu.memory_space<vmem>>, vector<16xf32>,
      %parallel_loop3A_1086 = arith.constant 0 : i32
      %parallel_loop3A_1087 = arith.addi %parallel_loop3A_1086, %parallel_loop3A_881 : i32
      %parallel_loop3A_1088 = arith.index_cast %parallel_loop3A_1087 : i32 to index
      %parallel_loop3A_1089 = arith.constant 128 : index
      %parallel_loop3A_1090 = tpu.vector_load %arg11[%parallel_loop3A_1088, %parallel_loop3A_1089] {strides = array<i32>} : memref<384x192xbf16, #tpu.memory_space<vmem>>, vector<32xbf16>,
      %parallel_loop3A_1091 = arith.constant 64 : i32
      %parallel_loop3A_1092 = arith.addi %parallel_loop3A_1091, %parallel_loop3A_881 : i32
      %parallel_loop3A_1093 = arith.index_cast %parallel_loop3A_1092 : i32 to index
      %parallel_loop3A_1094 = arith.constant 128 : index
      %parallel_loop3A_1095 = tpu.vector_load %arg11[%parallel_loop3A_1093, %parallel_loop3A_1094] {strides = array<i32>} : memref<384x192xbf16, #tpu.memory_space<vmem>>, vector<32xbf16>,
      %parallel_loop3A_1096 = arith.addf %parallel_loop3A_1090, %parallel_loop3A_1095 : vector<32xbf16>
      %parallel_loop3A_1097 = arith.constant 128 : i32
      %parallel_loop3A_1098 = arith.addi %parallel_loop3A_1097, %parallel_loop3A_881 : i32
      %parallel_loop3A_1099 = arith.index_cast %parallel_loop3A_1098 : i32 to index
      %parallel_loop3A_1100 = arith.constant 128 : index
      %parallel_loop3A_1101 = tpu.vector_load %arg11[%parallel_loop3A_1099, %parallel_loop3A_1100] {strides = array<i32>} : memref<384x192xbf16, #tpu.memory_space<vmem>>, vector<32xbf16>,
      %parallel_loop3A_1102 = arith.addf %parallel_loop3A_1096, %parallel_loop3A_1101 : vector<32xbf16>
      %parallel_loop3A_1103 = arith.constant 192 : i32
      %parallel_loop3A_1104 = arith.addi %parallel_loop3A_1103, %parallel_loop3A_881 : i32
      %parallel_loop3A_1105 = arith.index_cast %parallel_loop3A_1104 : i32 to index
      %parallel_loop3A_1106 = arith.constant 128 : index
      %parallel_loop3A_1107 = tpu.vector_load %arg11[%parallel_loop3A_1105, %parallel_loop3A_1106] {strides = array<i32>} : memref<384x192xbf16, #tpu.memory_space<vmem>>, vector<32xbf16>,
      %parallel_loop3A_1108 = arith.addf %parallel_loop3A_1102, %parallel_loop3A_1107 : vector<32xbf16>
      %parallel_loop3A_1109 = arith.constant 256 : i32
      %parallel_loop3A_1110 = arith.addi %parallel_loop3A_1109, %parallel_loop3A_881 : i32
      %parallel_loop3A_1111 = arith.index_cast %parallel_loop3A_1110 : i32 to index
      %parallel_loop3A_1112 = arith.constant 128 : index
      %parallel_loop3A_1113 = tpu.vector_load %arg11[%parallel_loop3A_1111, %parallel_loop3A_1112] {strides = array<i32>} : memref<384x192xbf16, #tpu.memory_space<vmem>>, vector<32xbf16>,
      %parallel_loop3A_1114 = arith.addf %parallel_loop3A_1108, %parallel_loop3A_1113 : vector<32xbf16>
      %parallel_loop3A_1115 = arith.constant 320 : i32
      %parallel_loop3A_1116 = arith.addi %parallel_loop3A_1115, %parallel_loop3A_881 : i32
      %parallel_loop3A_1117 = arith.index_cast %parallel_loop3A_1116 : i32 to index
      %parallel_loop3A_1118 = arith.constant 128 : index
      %parallel_loop3A_1119 = tpu.vector_load %arg11[%parallel_loop3A_1117, %parallel_loop3A_1118] {strides = array<i32>} : memref<384x192xbf16, #tpu.memory_space<vmem>>, vector<32xbf16>,
      %parallel_loop3A_1120 = arith.addf %parallel_loop3A_1114, %parallel_loop3A_1119 : vector<32xbf16>
      %parallel_loop3A_1121 = tpu.unpack_subelements %parallel_loop3A_1120, 0 {pack_format = #tpu.pack_format<interleaved>} : vector<32xbf16> -> vector<16xf32>
      %parallel_loop3A_1122 = tpu.unpack_subelements %parallel_loop3A_1120, 1 {pack_format = #tpu.pack_format<interleaved>} : vector<32xbf16> -> vector<16xf32>
      %parallel_loop3A_1123 = arith.index_cast %parallel_loop3A_881 : i32 to index
      %parallel_loop3A_1124 = arith.constant 128 : index
      %parallel_loop3A_1125 = tpu.vector_load %arg13[%parallel_loop3A_1123, %parallel_loop3A_1124] {strides = array<i32>} : memref<64x192xf32, #tpu.memory_space<vmem>>, vector<16xf32>,
      %parallel_loop3A_1126 = arith.addf %parallel_loop3A_1121, %parallel_loop3A_1125 : vector<16xf32>
      %parallel_loop3A_1127 = arith.index_cast %parallel_loop3A_881 : i32 to index
      %parallel_loop3A_1128 = arith.constant 144 : index
      %parallel_loop3A_1129 = tpu.vector_load %arg13[%parallel_loop3A_1127, %parallel_loop3A_1128] {strides = array<i32>} : memref<64x192xf32, #tpu.memory_space<vmem>>, vector<16xf32>,
      %parallel_loop3A_1130 = arith.addf %parallel_loop3A_1122, %parallel_loop3A_1129 : vector<16xf32>
      %parallel_loop3A_1131 = arith.index_cast %parallel_loop3A_881 : i32 to index
      %parallel_loop3A_1132 = arith.constant 128 : index
      %parallel_loop3A_1133 = tpu.vector_load %arg15[%parallel_loop3A_1131, %parallel_loop3A_1132] {strides = array<i32>} : memref<64x192xf32, #tpu.memory_space<vmem>>, vector<16xf32>,
      tpu.vector_store %arg15[%parallel_loop3A_1131, %parallel_loop3A_1132], %parallel_loop3A_1126 {strides = array<i32>} : memref<64x192xf32, #tpu.memory_space<vmem>>, vector<16xf32>,
      %parallel_loop3A_1134 = arith.index_cast %parallel_loop3A_881 : i32 to index
      %parallel_loop3A_1135 = arith.constant 144 : index
      %parallel_loop3A_1136 = tpu.vector_load %arg15[%parallel_loop3A_1134, %parallel_loop3A_1135] {strides = array<i32>} : memref<64x192xf32, #tpu.memory_space<vmem>>, vector<16xf32>,
      tpu.vector_store %arg15[%parallel_loop3A_1134, %parallel_loop3A_1135], %parallel_loop3A_1130 {strides = array<i32>} : memref<64x192xf32, #tpu.memory_space<vmem>>, vector<16xf32>,
      %parallel_loop3A_1137 = arith.constant 0 : i32
      %parallel_loop3A_1138 = arith.addi %parallel_loop3A_1137, %parallel_loop3A_881 : i32
      %parallel_loop3A_1139 = arith.index_cast %parallel_loop3A_1138 : i32 to index
      %parallel_loop3A_1140 = arith.constant 160 : index
      %parallel_loop3A_1141 = tpu.vector_load %arg11[%parallel_loop3A_1139, %parallel_loop3A_1140] {strides = array<i32>} : memref<384x192xbf16, #tpu.memory_space<vmem>>, vector<32xbf16>,
      %parallel_loop3A_1142 = arith.constant 64 : i32
      %parallel_loop3A_1143 = arith.addi %parallel_loop3A_1142, %parallel_loop3A_881 : i32
      %parallel_loop3A_1144 = arith.index_cast %parallel_loop3A_1143 : i32 to index
      %parallel_loop3A_1145 = arith.constant 160 : index
      %parallel_loop3A_1146 = tpu.vector_load %arg11[%parallel_loop3A_1144, %parallel_loop3A_1145] {strides = array<i32>} : memref<384x192xbf16, #tpu.memory_space<vmem>>, vector<32xbf16>,
      %parallel_loop3A_1147 = arith.addf %parallel_loop3A_1141, %parallel_loop3A_1146 : vector<32xbf16>
      %parallel_loop3A_1148 = arith.constant 128 : i32
      %parallel_loop3A_1149 = arith.addi %parallel_loop3A_1148, %parallel_loop3A_881 : i32
      %parallel_loop3A_1150 = arith.index_cast %parallel_loop3A_1149 : i32 to index
      %parallel_loop3A_1151 = arith.constant 160 : index
      %parallel_loop3A_1152 = tpu.vector_load %arg11[%parallel_loop3A_1150, %parallel_loop3A_1151] {strides = array<i32>} : memref<384x192xbf16, #tpu.memory_space<vmem>>, vector<32xbf16>,
      %parallel_loop3A_1153 = arith.addf %parallel_loop3A_1147, %parallel_loop3A_1152 : vector<32xbf16>
      %parallel_loop3A_1154 = arith.constant 192 : i32
      %parallel_loop3A_1155 = arith.addi %parallel_loop3A_1154, %parallel_loop3A_881 : i32
      %parallel_loop3A_1156 = arith.index_cast %parallel_loop3A_1155 : i32 to index
      %parallel_loop3A_1157 = arith.constant 160 : index
      %parallel_loop3A_1158 = tpu.vector_load %arg11[%parallel_loop3A_1156, %parallel_loop3A_1157] {strides = array<i32>} : memref<384x192xbf16, #tpu.memory_space<vmem>>, vector<32xbf16>,
      %parallel_loop3A_1159 = arith.addf %parallel_loop3A_1153, %parallel_loop3A_1158 : vector<32xbf16>
      %parallel_loop3A_1160 = arith.constant 256 : i32
      %parallel_loop3A_1161 = arith.addi %parallel_loop3A_1160, %parallel_loop3A_881 : i32
      %parallel_loop3A_1162 = arith.index_cast %parallel_loop3A_1161 : i32 to index
      %parallel_loop3A_1163 = arith.constant 160 : index
      %parallel_loop3A_1164 = tpu.vector_load %arg11[%parallel_loop3A_1162, %parallel_loop3A_1163] {strides = array<i32>} : memref<384x192xbf16, #tpu.memory_space<vmem>>, vector<32xbf16>,
      %parallel_loop3A_1165 = arith.addf %parallel_loop3A_1159, %parallel_loop3A_1164 : vector<32xbf16>
      %parallel_loop3A_1166 = arith.constant 320 : i32
      %parallel_loop3A_1167 = arith.addi %parallel_loop3A_1166, %parallel_loop3A_881 : i32
      %parallel_loop3A_1168 = arith.index_cast %parallel_loop3A_1167 : i32 to index
      %parallel_loop3A_1169 = arith.constant 160 : index
      %parallel_loop3A_1170 = tpu.vector_load %arg11[%parallel_loop3A_1168, %parallel_loop3A_1169] {strides = array<i32>} : memref<384x192xbf16, #tpu.memory_space<vmem>>, vector<32xbf16>,
      %parallel_loop3A_1171 = arith.addf %parallel_loop3A_1165, %parallel_loop3A_1170 : vector<32xbf16>
      %parallel_loop3A_1172 = tpu.unpack_subelements %parallel_loop3A_1171, 0 {pack_format = #tpu.pack_format<interleaved>} : vector<32xbf16> -> vector<16xf32>
      %parallel_loop3A_1173 = tpu.unpack_subelements %parallel_loop3A_1171, 1 {pack_format = #tpu.pack_format<interleaved>} : vector<32xbf16> -> vector<16xf32>
      %parallel_loop3A_1174 = arith.index_cast %parallel_loop3A_881 : i32 to index
      %parallel_loop3A_1175 = arith.constant 160 : index
      %parallel_loop3A_1176 = tpu.vector_load %arg13[%parallel_loop3A_1174, %parallel_loop3A_1175] {strides = array<i32>} : memref<64x192xf32, #tpu.memory_space<vmem>>, vector<16xf32>,
      %parallel_loop3A_1177 = arith.addf %parallel_loop3A_1172, %parallel_loop3A_1176 : vector<16xf32>
      %parallel_loop3A_1178 = arith.index_cast %parallel_loop3A_881 : i32 to index
      %parallel_loop3A_1179 = arith.constant 176 : index
      %parallel_loop3A_1180 = tpu.vector_load %arg13[%parallel_loop3A_1178, %parallel_loop3A_1179] {strides = array<i32>} : memref<64x192xf32, #tpu.memory_space<vmem>>, vector<16xf32>,
      %parallel_loop3A_1181 = arith.addf %parallel_loop3A_1173, %parallel_loop3A_1180 : vector<16xf32>
      %parallel_loop3A_1182 = arith.index_cast %parallel_loop3A_881 : i32 to index
      %parallel_loop3A_1183 = arith.constant 160 : index
      %parallel_loop3A_1184 = tpu.vector_load %arg15[%parallel_loop3A_1182, %parallel_loop3A_1183] {strides = array<i32>} : memref<64x192xf32, #tpu.memory_space<vmem>>, vector<16xf32>,
      tpu.vector_store %arg15[%parallel_loop3A_1182, %parallel_loop3A_1183], %parallel_loop3A_1177 {strides = array<i32>} : memref<64x192xf32, #tpu.memory_space<vmem>>, vector<16xf32>,
      %parallel_loop3A_1185 = arith.index_cast %parallel_loop3A_881 : i32 to index
      %parallel_loop3A_1186 = arith.constant 176 : index
      %parallel_loop3A_1187 = tpu.vector_load %arg15[%parallel_loop3A_1185, %parallel_loop3A_1186] {strides = array<i32>} : memref<64x192xf32, #tpu.memory_space<vmem>>, vector<16xf32>,
      tpu.vector_store %arg15[%parallel_loop3A_1185, %parallel_loop3A_1186], %parallel_loop3A_1181 {strides = array<i32>} : memref<64x192xf32, #tpu.memory_space<vmem>>, vector<16xf32>,
    } {sc.loop_unroll_factor = 4 : i64, sc.parallel_access}
    %add3A_754 = arith.constant 64 : i32
    %add3A_755 = arith.addi %mul3A_2, %add3A_754 : i32
    %dma_start3A_756 = arith.constant 0 : i32
    %dma_start3A_757 = tpu.memref_slice %arg6[%add3A_755, %dma_start3A_756] : memref<8192x192xf32, #tpu.memory_space<hbm>> -> memref<64x192xf32, #tpu.memory_space<hbm>>
    %dma_start3A_758 = arith.constant 0 : i32
    %dma_start3A_759 = tpu.memref_slice %arg6[%add3A_755, %dma_start3A_758] : memref<8192x192xf32, #tpu.memory_space<hbm>> -> memref<64x192xf32, #tpu.memory_space<hbm>>
    tpu.enqueue_dma source(%arg15 : memref<64x192xf32, #tpu.memory_space<vmem>>) target(%dma_start3A_759 : memref<64x192xf32, #tpu.memory_space<hbm>>) target_semaphore(%arg19 : memref<!tpu.dma_semaphore, #tpu.memory_space<semaphore_mem>>)
    %dma_start3A_760 = arith.constant 0 : i32
    %dma_start3A_761 = arith.constant 0 : i32
    %dma_start3A_762 = tpu.memref_slice %arg11[%dma_start3A_760, %dma_start3A_761] : memref<384x192xbf16, #tpu.memory_space<vmem>> -> memref<128x192xbf16, #tpu.memory_space<vmem>>
    %dma_start3A_763 = arith.constant 1152 : i32
    %dma_start3A_764 = tpu.memref_slice %arg9[%dma_start3A_763] : memref<1536xi32, #tpu.memory_space<vmem>> -> memref<128xi32, #tpu.memory_space<vmem>>
    %dma_start3A_765 = arith.constant 0 : i32
    %dma_start3A_766 = arith.constant 0 : i32
    %dma_start3A_767 = tpu.memref_slice %arg4[%dma_start3A_765, %dma_start3A_766] : memref<6144x192xbf16, #tpu.memory_space<hbm>> -> memref<6144x192xbf16, #tpu.memory_space<hbm>>
    tpu.enqueue_indirect_dma source(%dma_start3A_767 : memref<6144x192xbf16, #tpu.memory_space<hbm>>) target(%dma_start3A_762 : memref<128x192xbf16, #tpu.memory_space<vmem>>) offsets(%dma_start3A_764 : memref<128xi32, #tpu.memory_space<vmem>>) semaphore(%arg17 : memref<!tpu.dma_semaphore, #tpu.memory_space<semaphore_mem>>)
    %dma_start3A_768 = arith.constant 128 : i32
    %dma_start3A_769 = arith.constant 0 : i32
    %dma_start3A_770 = tpu.memref_slice %arg11[%dma_start3A_768, %dma_start3A_769] : memref<384x192xbf16, #tpu.memory_space<vmem>> -> memref<128x192xbf16, #tpu.memory_space<vmem>>
    %dma_start3A_771 = arith.constant 1280 : i32
    %dma_start3A_772 = tpu.memref_slice %arg9[%dma_start3A_771] : memref<1536xi32, #tpu.memory_space<vmem>> -> memref<128xi32, #tpu.memory_space<vmem>>
    %dma_start3A_773 = arith.constant 0 : i32
    %dma_start3A_774 = arith.constant 0 : i32
    %dma_start3A_775 = tpu.memref_slice %arg4[%dma_start3A_773, %dma_start3A_774] : memref<6144x192xbf16, #tpu.memory_space<hbm>> -> memref<6144x192xbf16, #tpu.memory_space<hbm>>
    tpu.enqueue_indirect_dma source(%dma_start3A_775 : memref<6144x192xbf16, #tpu.memory_space<hbm>>) target(%dma_start3A_770 : memref<128x192xbf16, #tpu.memory_space<vmem>>) offsets(%dma_start3A_772 : memref<128xi32, #tpu.memory_space<vmem>>) semaphore(%arg17 : memref<!tpu.dma_semaphore, #tpu.memory_space<semaphore_mem>>)
    %dma_start3A_776 = arith.constant 256 : i32
    %dma_start3A_777 = arith.constant 0 : i32
    %dma_start3A_778 = tpu.memref_slice %arg11[%dma_start3A_776, %dma_start3A_777] : memref<384x192xbf16, #tpu.memory_space<vmem>> -> memref<128x192xbf16, #tpu.memory_space<vmem>>
    %dma_start3A_779 = arith.constant 1408 : i32
    %dma_start3A_780 = tpu.memref_slice %arg9[%dma_start3A_779] : memref<1536xi32, #tpu.memory_space<vmem>> -> memref<128xi32, #tpu.memory_space<vmem>>
    %dma_start3A_781 = arith.constant 0 : i32
    %dma_start3A_782 = arith.constant 0 : i32
    %dma_start3A_783 = tpu.memref_slice %arg4[%dma_start3A_781, %dma_start3A_782] : memref<6144x192xbf16, #tpu.memory_space<hbm>> -> memref<6144x192xbf16, #tpu.memory_space<hbm>>
    tpu.enqueue_indirect_dma source(%dma_start3A_783 : memref<6144x192xbf16, #tpu.memory_space<hbm>>) target(%dma_start3A_778 : memref<128x192xbf16, #tpu.memory_space<vmem>>) offsets(%dma_start3A_780 : memref<128xi32, #tpu.memory_space<vmem>>) semaphore(%arg17 : memref<!tpu.dma_semaphore, #tpu.memory_space<semaphore_mem>>)
    %dma_start3A_784 = arith.constant 192 : i32
    %dma_start3A_785 = tpu.memref_slice %arg8[%dma_start3A_784] : memref<256xi32, #tpu.memory_space<vmem>> -> memref<64xi32, #tpu.memory_space<vmem>>
    %dma_start3A_786 = arith.constant 0 : i32
    %dma_start3A_787 = arith.constant 0 : i32
    %dma_start3A_788 = tpu.memref_slice %arg5[%dma_start3A_786, %dma_start3A_787] : memref<4096x192xf32, #tpu.memory_space<hbm>> -> memref<4096x192xf32, #tpu.memory_space<hbm>>
    tpu.enqueue_indirect_dma source(%dma_start3A_788 : memref<4096x192xf32, #tpu.memory_space<hbm>>) target(%arg13 : memref<64x192xf32, #tpu.memory_space<vmem>>) offsets(%dma_start3A_785 : memref<64xi32, #tpu.memory_space<vmem>>) semaphore(%arg17 : memref<!tpu.dma_semaphore, #tpu.memory_space<semaphore_mem>>)
    %dma_wait3A_789 = arith.constant 0 : i32
    %dma_wait3A_790 = arith.constant 0 : i32
    %dma_wait3A_791 = tpu.memref_slice %arg10[%dma_wait3A_789, %dma_wait3A_790] : memref<384x192xbf16, #tpu.memory_space<vmem>> -> memref<128x192xbf16, #tpu.memory_space<vmem>>
    %dma_wait3A_792 = arith.constant 768 : i32
    %dma_wait3A_793 = tpu.memref_slice %arg9[%dma_wait3A_792] : memref<1536xi32, #tpu.memory_space<vmem>> -> memref<128xi32, #tpu.memory_space<vmem>>
    %dma_wait3A_794 = arith.constant 0 : i32
    %dma_wait3A_795 = arith.constant 0 : i32
    %dma_wait3A_796 = tpu.memref_slice %arg4[%dma_wait3A_794, %dma_wait3A_795] : memref<6144x192xbf16, #tpu.memory_space<hbm>> -> memref<6144x192xbf16, #tpu.memory_space<hbm>>
    tpu.wait_indirect_dma semaphore(%arg16 : memref<!tpu.dma_semaphore, #tpu.memory_space<semaphore_mem>>) src(%dma_wait3A_796 : memref<6144x192xbf16, #tpu.memory_space<hbm>>) dst(%dma_wait3A_791 : memref<128x192xbf16, #tpu.memory_space<vmem>>)
    %dma_wait3A_797 = arith.constant 128 : i32
    %dma_wait3A_798 = arith.constant 0 : i32
    %dma_wait3A_799 = tpu.memref_slice %arg10[%dma_wait3A_797, %dma_wait3A_798] : memref<384x192xbf16, #tpu.memory_space<vmem>> -> memref<128x192xbf16, #tpu.memory_space<vmem>>
    %dma_wait3A_800 = arith.constant 896 : i32
    %dma_wait3A_801 = tpu.memref_slice %arg9[%dma_wait3A_800] : memref<1536xi32, #tpu.memory_space<vmem>> -> memref<128xi32, #tpu.memory_space<vmem>>
    %dma_wait3A_802 = arith.constant 0 : i32
    %dma_wait3A_803 = arith.constant 0 : i32
    %dma_wait3A_804 = tpu.memref_slice %arg4[%dma_wait3A_802, %dma_wait3A_803] : memref<6144x192xbf16, #tpu.memory_space<hbm>> -> memref<6144x192xbf16, #tpu.memory_space<hbm>>
    tpu.wait_indirect_dma semaphore(%arg16 : memref<!tpu.dma_semaphore, #tpu.memory_space<semaphore_mem>>) src(%dma_wait3A_804 : memref<6144x192xbf16, #tpu.memory_space<hbm>>) dst(%dma_wait3A_799 : memref<128x192xbf16, #tpu.memory_space<vmem>>)
    %dma_wait3A_805 = arith.constant 256 : i32
    %dma_wait3A_806 = arith.constant 0 : i32
    %dma_wait3A_807 = tpu.memref_slice %arg10[%dma_wait3A_805, %dma_wait3A_806] : memref<384x192xbf16, #tpu.memory_space<vmem>> -> memref<128x192xbf16, #tpu.memory_space<vmem>>
    %dma_wait3A_808 = arith.constant 1024 : i32
    %dma_wait3A_809 = tpu.memref_slice %arg9[%dma_wait3A_808] : memref<1536xi32, #tpu.memory_space<vmem>> -> memref<128xi32, #tpu.memory_space<vmem>>
    %dma_wait3A_810 = arith.constant 0 : i32
    %dma_wait3A_811 = arith.constant 0 : i32
    %dma_wait3A_812 = tpu.memref_slice %arg4[%dma_wait3A_810, %dma_wait3A_811] : memref<6144x192xbf16, #tpu.memory_space<hbm>> -> memref<6144x192xbf16, #tpu.memory_space<hbm>>
    tpu.wait_indirect_dma semaphore(%arg16 : memref<!tpu.dma_semaphore, #tpu.memory_space<semaphore_mem>>) src(%dma_wait3A_812 : memref<6144x192xbf16, #tpu.memory_space<hbm>>) dst(%dma_wait3A_807 : memref<128x192xbf16, #tpu.memory_space<vmem>>)
    %dma_wait3A_813 = arith.constant 128 : i32
    %dma_wait3A_814 = tpu.memref_slice %arg8[%dma_wait3A_813] : memref<256xi32, #tpu.memory_space<vmem>> -> memref<64xi32, #tpu.memory_space<vmem>>
    %dma_wait3A_815 = arith.constant 0 : i32
    %dma_wait3A_816 = arith.constant 0 : i32
    %dma_wait3A_817 = tpu.memref_slice %arg5[%dma_wait3A_815, %dma_wait3A_816] : memref<4096x192xf32, #tpu.memory_space<hbm>> -> memref<4096x192xf32, #tpu.memory_space<hbm>>
    tpu.wait_indirect_dma semaphore(%arg16 : memref<!tpu.dma_semaphore, #tpu.memory_space<semaphore_mem>>) src(%dma_wait3A_817 : memref<4096x192xf32, #tpu.memory_space<hbm>>) dst(%arg12 : memref<64x192xf32, #tpu.memory_space<vmem>>)
    %dma_wait3A_818 = arith.constant 0 : i32
    %dma_wait3A_819 = tpu.memref_slice %arg6[%add3A_688, %dma_wait3A_818] : memref<8192x192xf32, #tpu.memory_space<hbm>> -> memref<64x192xf32, #tpu.memory_space<hbm>>
    %dma_wait3A_820 = arith.constant 0 : i32
    %dma_wait3A_821 = tpu.memref_slice %arg6[%add3A_688, %dma_wait3A_820] : memref<8192x192xf32, #tpu.memory_space<hbm>> -> memref<64x192xf32, #tpu.memory_space<hbm>>
    tpu.wait_dma2 semaphore(%arg18 : memref<!tpu.dma_semaphore, #tpu.memory_space<semaphore_mem>>) src(%arg14 : memref<64x192xf32, #tpu.memory_space<vmem>>) dst(%dma_wait3A_821 : memref<64x192xf32, #tpu.memory_space<hbm>>)
    %parallel_loop3A_822 = arith.constant 0 : i32
    %parallel_loop3A_823 = arith.constant 64 : i32
    %parallel_loop3A_824 = arith.constant 1 : i32
    scf.for %parallel_loop3A_881 = %parallel_loop3A_822 to %parallel_loop3A_823 step %parallel_loop3A_824  : i32 {
      %parallel_loop3A_882 = arith.constant 0 : i32
      %parallel_loop3A_883 = arith.addi %parallel_loop3A_882, %parallel_loop3A_881 : i32
      %parallel_loop3A_884 = arith.index_cast %parallel_loop3A_883 : i32 to index
      %parallel_loop3A_885 = arith.constant 0 : index
      %parallel_loop3A_886 = tpu.vector_load %arg10[%parallel_loop3A_884, %parallel_loop3A_885] {strides = array<i32>} : memref<384x192xbf16, #tpu.memory_space<vmem>>, vector<32xbf16>,
      %parallel_loop3A_887 = arith.constant 64 : i32
      %parallel_loop3A_888 = arith.addi %parallel_loop3A_887, %parallel_loop3A_881 : i32
      %parallel_loop3A_889 = arith.index_cast %parallel_loop3A_888 : i32 to index
      %parallel_loop3A_890 = arith.constant 0 : index
      %parallel_loop3A_891 = tpu.vector_load %arg10[%parallel_loop3A_889, %parallel_loop3A_890] {strides = array<i32>} : memref<384x192xbf16, #tpu.memory_space<vmem>>, vector<32xbf16>,
      %parallel_loop3A_892 = arith.addf %parallel_loop3A_886, %parallel_loop3A_891 : vector<32xbf16>
      %parallel_loop3A_893 = arith.constant 128 : i32
      %parallel_loop3A_894 = arith.addi %parallel_loop3A_893, %parallel_loop3A_881 : i32
      %parallel_loop3A_895 = arith.index_cast %parallel_loop3A_894 : i32 to index
      %parallel_loop3A_896 = arith.constant 0 : index
      %parallel_loop3A_897 = tpu.vector_load %arg10[%parallel_loop3A_895, %parallel_loop3A_896] {strides = array<i32>} : memref<384x192xbf16, #tpu.memory_space<vmem>>, vector<32xbf16>,
      %parallel_loop3A_898 = arith.addf %parallel_loop3A_892, %parallel_loop3A_897 : vector<32xbf16>
      %parallel_loop3A_899 = arith.constant 192 : i32
      %parallel_loop3A_900 = arith.addi %parallel_loop3A_899, %parallel_loop3A_881 : i32
      %parallel_loop3A_901 = arith.index_cast %parallel_loop3A_900 : i32 to index
      %parallel_loop3A_902 = arith.constant 0 : index
      %parallel_loop3A_903 = tpu.vector_load %arg10[%parallel_loop3A_901, %parallel_loop3A_902] {strides = array<i32>} : memref<384x192xbf16, #tpu.memory_space<vmem>>, vector<32xbf16>,
      %parallel_loop3A_904 = arith.addf %parallel_loop3A_898, %parallel_loop3A_903 : vector<32xbf16>
      %parallel_loop3A_905 = arith.constant 256 : i32
      %parallel_loop3A_906 = arith.addi %parallel_loop3A_905, %parallel_loop3A_881 : i32
      %parallel_loop3A_907 = arith.index_cast %parallel_loop3A_906 : i32 to index
      %parallel_loop3A_908 = arith.constant 0 : index
      %parallel_loop3A_909 = tpu.vector_load %arg10[%parallel_loop3A_907, %parallel_loop3A_908] {strides = array<i32>} : memref<384x192xbf16, #tpu.memory_space<vmem>>, vector<32xbf16>,
      %parallel_loop3A_910 = arith.addf %parallel_loop3A_904, %parallel_loop3A_909 : vector<32xbf16>
      %parallel_loop3A_911 = arith.constant 320 : i32
      %parallel_loop3A_912 = arith.addi %parallel_loop3A_911, %parallel_loop3A_881 : i32
      %parallel_loop3A_913 = arith.index_cast %parallel_loop3A_912 : i32 to index
      %parallel_loop3A_914 = arith.constant 0 : index
      %parallel_loop3A_915 = tpu.vector_load %arg10[%parallel_loop3A_913, %parallel_loop3A_914] {strides = array<i32>} : memref<384x192xbf16, #tpu.memory_space<vmem>>, vector<32xbf16>,
      %parallel_loop3A_916 = arith.addf %parallel_loop3A_910, %parallel_loop3A_915 : vector<32xbf16>
      %parallel_loop3A_917 = tpu.unpack_subelements %parallel_loop3A_916, 0 {pack_format = #tpu.pack_format<interleaved>} : vector<32xbf16> -> vector<16xf32>
      %parallel_loop3A_918 = tpu.unpack_subelements %parallel_loop3A_916, 1 {pack_format = #tpu.pack_format<interleaved>} : vector<32xbf16> -> vector<16xf32>
      %parallel_loop3A_919 = arith.index_cast %parallel_loop3A_881 : i32 to index
      %parallel_loop3A_920 = arith.constant 0 : index
      %parallel_loop3A_921 = tpu.vector_load %arg12[%parallel_loop3A_919, %parallel_loop3A_920] {strides = array<i32>} : memref<64x192xf32, #tpu.memory_space<vmem>>, vector<16xf32>,
      %parallel_loop3A_922 = arith.addf %parallel_loop3A_917, %parallel_loop3A_921 : vector<16xf32>
      %parallel_loop3A_923 = arith.index_cast %parallel_loop3A_881 : i32 to index
      %parallel_loop3A_924 = arith.constant 16 : index
      %parallel_loop3A_925 = tpu.vector_load %arg12[%parallel_loop3A_923, %parallel_loop3A_924] {strides = array<i32>} : memref<64x192xf32, #tpu.memory_space<vmem>>, vector<16xf32>,
      %parallel_loop3A_926 = arith.addf %parallel_loop3A_918, %parallel_loop3A_925 : vector<16xf32>
      %parallel_loop3A_927 = arith.index_cast %parallel_loop3A_881 : i32 to index
      %parallel_loop3A_928 = arith.constant 0 : index
      %parallel_loop3A_929 = tpu.vector_load %arg14[%parallel_loop3A_927, %parallel_loop3A_928] {strides = array<i32>} : memref<64x192xf32, #tpu.memory_space<vmem>>, vector<16xf32>,
      tpu.vector_store %arg14[%parallel_loop3A_927, %parallel_loop3A_928], %parallel_loop3A_922 {strides = array<i32>} : memref<64x192xf32, #tpu.memory_space<vmem>>, vector<16xf32>,
      %parallel_loop3A_930 = arith.index_cast %parallel_loop3A_881 : i32 to index
      %parallel_loop3A_931 = arith.constant 16 : index
      %parallel_loop3A_932 = tpu.vector_load %arg14[%parallel_loop3A_930, %parallel_loop3A_931] {strides = array<i32>} : memref<64x192xf32, #tpu.memory_space<vmem>>, vector<16xf32>,
      tpu.vector_store %arg14[%parallel_loop3A_930, %parallel_loop3A_931], %parallel_loop3A_926 {strides = array<i32>} : memref<64x192xf32, #tpu.memory_space<vmem>>, vector<16xf32>,
      %parallel_loop3A_933 = arith.constant 0 : i32
      %parallel_loop3A_934 = arith.addi %parallel_loop3A_933, %parallel_loop3A_881 : i32
      %parallel_loop3A_935 = arith.index_cast %parallel_loop3A_934 : i32 to index
      %parallel_loop3A_936 = arith.constant 32 : index
      %parallel_loop3A_937 = tpu.vector_load %arg10[%parallel_loop3A_935, %parallel_loop3A_936] {strides = array<i32>} : memref<384x192xbf16, #tpu.memory_space<vmem>>, vector<32xbf16>,
      %parallel_loop3A_938 = arith.constant 64 : i32
      %parallel_loop3A_939 = arith.addi %parallel_loop3A_938, %parallel_loop3A_881 : i32
      %parallel_loop3A_940 = arith.index_cast %parallel_loop3A_939 : i32 to index
      %parallel_loop3A_941 = arith.constant 32 : index
      %parallel_loop3A_942 = tpu.vector_load %arg10[%parallel_loop3A_940, %parallel_loop3A_941] {strides = array<i32>} : memref<384x192xbf16, #tpu.memory_space<vmem>>, vector<32xbf16>,
      %parallel_loop3A_943 = arith.addf %parallel_loop3A_937, %parallel_loop3A_942 : vector<32xbf16>
      %parallel_loop3A_944 = arith.constant 128 : i32
      %parallel_loop3A_945 = arith.addi %parallel_loop3A_944, %parallel_loop3A_881 : i32
      %parallel_loop3A_946 = arith.index_cast %parallel_loop3A_945 : i32 to index
      %parallel_loop3A_947 = arith.constant 32 : index
      %parallel_loop3A_948 = tpu.vector_load %arg10[%parallel_loop3A_946, %parallel_loop3A_947] {strides = array<i32>} : memref<384x192xbf16, #tpu.memory_space<vmem>>, vector<32xbf16>,
      %parallel_loop3A_949 = arith.addf %parallel_loop3A_943, %parallel_loop3A_948 : vector<32xbf16>
      %parallel_loop3A_950 = arith.constant 192 : i32
      %parallel_loop3A_951 = arith.addi %parallel_loop3A_950, %parallel_loop3A_881 : i32
      %parallel_loop3A_952 = arith.index_cast %parallel_loop3A_951 : i32 to index
      %parallel_loop3A_953 = arith.constant 32 : index
      %parallel_loop3A_954 = tpu.vector_load %arg10[%parallel_loop3A_952, %parallel_loop3A_953] {strides = array<i32>} : memref<384x192xbf16, #tpu.memory_space<vmem>>, vector<32xbf16>,
      %parallel_loop3A_955 = arith.addf %parallel_loop3A_949, %parallel_loop3A_954 : vector<32xbf16>
      %parallel_loop3A_956 = arith.constant 256 : i32
      %parallel_loop3A_957 = arith.addi %parallel_loop3A_956, %parallel_loop3A_881 : i32
      %parallel_loop3A_958 = arith.index_cast %parallel_loop3A_957 : i32 to index
      %parallel_loop3A_959 = arith.constant 32 : index
      %parallel_loop3A_960 = tpu.vector_load %arg10[%parallel_loop3A_958, %parallel_loop3A_959] {strides = array<i32>} : memref<384x192xbf16, #tpu.memory_space<vmem>>, vector<32xbf16>,
      %parallel_loop3A_961 = arith.addf %parallel_loop3A_955, %parallel_loop3A_960 : vector<32xbf16>
      %parallel_loop3A_962 = arith.constant 320 : i32
      %parallel_loop3A_963 = arith.addi %parallel_loop3A_962, %parallel_loop3A_881 : i32
      %parallel_loop3A_964 = arith.index_cast %parallel_loop3A_963 : i32 to index
      %parallel_loop3A_965 = arith.constant 32 : index
      %parallel_loop3A_966 = tpu.vector_load %arg10[%parallel_loop3A_964, %parallel_loop3A_965] {strides = array<i32>} : memref<384x192xbf16, #tpu.memory_space<vmem>>, vector<32xbf16>,
      %parallel_loop3A_967 = arith.addf %parallel_loop3A_961, %parallel_loop3A_966 : vector<32xbf16>
      %parallel_loop3A_968 = tpu.unpack_subelements %parallel_loop3A_967, 0 {pack_format = #tpu.pack_format<interleaved>} : vector<32xbf16> -> vector<16xf32>
      %parallel_loop3A_969 = tpu.unpack_subelements %parallel_loop3A_967, 1 {pack_format = #tpu.pack_format<interleaved>} : vector<32xbf16> -> vector<16xf32>
      %parallel_loop3A_970 = arith.index_cast %parallel_loop3A_881 : i32 to index
      %parallel_loop3A_971 = arith.constant 32 : index
      %parallel_loop3A_972 = tpu.vector_load %arg12[%parallel_loop3A_970, %parallel_loop3A_971] {strides = array<i32>} : memref<64x192xf32, #tpu.memory_space<vmem>>, vector<16xf32>,
      %parallel_loop3A_973 = arith.addf %parallel_loop3A_968, %parallel_loop3A_972 : vector<16xf32>
      %parallel_loop3A_974 = arith.index_cast %parallel_loop3A_881 : i32 to index
      %parallel_loop3A_975 = arith.constant 48 : index
      %parallel_loop3A_976 = tpu.vector_load %arg12[%parallel_loop3A_974, %parallel_loop3A_975] {strides = array<i32>} : memref<64x192xf32, #tpu.memory_space<vmem>>, vector<16xf32>,
      %parallel_loop3A_977 = arith.addf %parallel_loop3A_969, %parallel_loop3A_976 : vector<16xf32>
      %parallel_loop3A_978 = arith.index_cast %parallel_loop3A_881 : i32 to index
      %parallel_loop3A_979 = arith.constant 32 : index
      %parallel_loop3A_980 = tpu.vector_load %arg14[%parallel_loop3A_978, %parallel_loop3A_979] {strides = array<i32>} : memref<64x192xf32, #tpu.memory_space<vmem>>, vector<16xf32>,
      tpu.vector_store %arg14[%parallel_loop3A_978, %parallel_loop3A_979], %parallel_loop3A_973 {strides = array<i32>} : memref<64x192xf32, #tpu.memory_space<vmem>>, vector<16xf32>,
      %parallel_loop3A_981 = arith.index_cast %parallel_loop3A_881 : i32 to index
      %parallel_loop3A_982 = arith.constant 48 : index
      %parallel_loop3A_983 = tpu.vector_load %arg14[%parallel_loop3A_981, %parallel_loop3A_982] {strides = array<i32>} : memref<64x192xf32, #tpu.memory_space<vmem>>, vector<16xf32>,
      tpu.vector_store %arg14[%parallel_loop3A_981, %parallel_loop3A_982], %parallel_loop3A_977 {strides = array<i32>} : memref<64x192xf32, #tpu.memory_space<vmem>>, vector<16xf32>,
      %parallel_loop3A_984 = arith.constant 0 : i32
      %parallel_loop3A_985 = arith.addi %parallel_loop3A_984, %parallel_loop3A_881 : i32
      %parallel_loop3A_986 = arith.index_cast %parallel_loop3A_985 : i32 to index
      %parallel_loop3A_987 = arith.constant 64 : index
      %parallel_loop3A_988 = tpu.vector_load %arg10[%parallel_loop3A_986, %parallel_loop3A_987] {strides = array<i32>} : memref<384x192xbf16, #tpu.memory_space<vmem>>, vector<32xbf16>,
      %parallel_loop3A_989 = arith.constant 64 : i32
      %parallel_loop3A_990 = arith.addi %parallel_loop3A_989, %parallel_loop3A_881 : i32
      %parallel_loop3A_991 = arith.index_cast %parallel_loop3A_990 : i32 to index
      %parallel_loop3A_992 = arith.constant 64 : index
      %parallel_loop3A_993 = tpu.vector_load %arg10[%parallel_loop3A_991, %parallel_loop3A_992] {strides = array<i32>} : memref<384x192xbf16, #tpu.memory_space<vmem>>, vector<32xbf16>,
      %parallel_loop3A_994 = arith.addf %parallel_loop3A_988, %parallel_loop3A_993 : vector<32xbf16>
      %parallel_loop3A_995 = arith.constant 128 : i32
      %parallel_loop3A_996 = arith.addi %parallel_loop3A_995, %parallel_loop3A_881 : i32
      %parallel_loop3A_997 = arith.index_cast %parallel_loop3A_996 : i32 to index
      %parallel_loop3A_998 = arith.constant 64 : index
      %parallel_loop3A_999 = tpu.vector_load %arg10[%parallel_loop3A_997, %parallel_loop3A_998] {strides = array<i32>} : memref<384x192xbf16, #tpu.memory_space<vmem>>, vector<32xbf16>,
      %parallel_loop3A_1000 = arith.addf %parallel_loop3A_994, %parallel_loop3A_999 : vector<32xbf16>
      %parallel_loop3A_1001 = arith.constant 192 : i32
      %parallel_loop3A_1002 = arith.addi %parallel_loop3A_1001, %parallel_loop3A_881 : i32
      %parallel_loop3A_1003 = arith.index_cast %parallel_loop3A_1002 : i32 to index
      %parallel_loop3A_1004 = arith.constant 64 : index
      %parallel_loop3A_1005 = tpu.vector_load %arg10[%parallel_loop3A_1003, %parallel_loop3A_1004] {strides = array<i32>} : memref<384x192xbf16, #tpu.memory_space<vmem>>, vector<32xbf16>,
      %parallel_loop3A_1006 = arith.addf %parallel_loop3A_1000, %parallel_loop3A_1005 : vector<32xbf16>
      %parallel_loop3A_1007 = arith.constant 256 : i32
      %parallel_loop3A_1008 = arith.addi %parallel_loop3A_1007, %parallel_loop3A_881 : i32
      %parallel_loop3A_1009 = arith.index_cast %parallel_loop3A_1008 : i32 to index
      %parallel_loop3A_1010 = arith.constant 64 : index
      %parallel_loop3A_1011 = tpu.vector_load %arg10[%parallel_loop3A_1009, %parallel_loop3A_1010] {strides = array<i32>} : memref<384x192xbf16, #tpu.memory_space<vmem>>, vector<32xbf16>,
      %parallel_loop3A_1012 = arith.addf %parallel_loop3A_1006, %parallel_loop3A_1011 : vector<32xbf16>
      %parallel_loop3A_1013 = arith.constant 320 : i32
      %parallel_loop3A_1014 = arith.addi %parallel_loop3A_1013, %parallel_loop3A_881 : i32
      %parallel_loop3A_1015 = arith.index_cast %parallel_loop3A_1014 : i32 to index
      %parallel_loop3A_1016 = arith.constant 64 : index
      %parallel_loop3A_1017 = tpu.vector_load %arg10[%parallel_loop3A_1015, %parallel_loop3A_1016] {strides = array<i32>} : memref<384x192xbf16, #tpu.memory_space<vmem>>, vector<32xbf16>,
      %parallel_loop3A_1018 = arith.addf %parallel_loop3A_1012, %parallel_loop3A_1017 : vector<32xbf16>
      %parallel_loop3A_1019 = tpu.unpack_subelements %parallel_loop3A_1018, 0 {pack_format = #tpu.pack_format<interleaved>} : vector<32xbf16> -> vector<16xf32>
      %parallel_loop3A_1020 = tpu.unpack_subelements %parallel_loop3A_1018, 1 {pack_format = #tpu.pack_format<interleaved>} : vector<32xbf16> -> vector<16xf32>
      %parallel_loop3A_1021 = arith.index_cast %parallel_loop3A_881 : i32 to index
      %parallel_loop3A_1022 = arith.constant 64 : index
      %parallel_loop3A_1023 = tpu.vector_load %arg12[%parallel_loop3A_1021, %parallel_loop3A_1022] {strides = array<i32>} : memref<64x192xf32, #tpu.memory_space<vmem>>, vector<16xf32>,
      %parallel_loop3A_1024 = arith.addf %parallel_loop3A_1019, %parallel_loop3A_1023 : vector<16xf32>
      %parallel_loop3A_1025 = arith.index_cast %parallel_loop3A_881 : i32 to index
      %parallel_loop3A_1026 = arith.constant 80 : index
      %parallel_loop3A_1027 = tpu.vector_load %arg12[%parallel_loop3A_1025, %parallel_loop3A_1026] {strides = array<i32>} : memref<64x192xf32, #tpu.memory_space<vmem>>, vector<16xf32>,
      %parallel_loop3A_1028 = arith.addf %parallel_loop3A_1020, %parallel_loop3A_1027 : vector<16xf32>
      %parallel_loop3A_1029 = arith.index_cast %parallel_loop3A_881 : i32 to index
      %parallel_loop3A_1030 = arith.constant 64 : index
      %parallel_loop3A_1031 = tpu.vector_load %arg14[%parallel_loop3A_1029, %parallel_loop3A_1030] {strides = array<i32>} : memref<64x192xf32, #tpu.memory_space<vmem>>, vector<16xf32>,
      tpu.vector_store %arg14[%parallel_loop3A_1029, %parallel_loop3A_1030], %parallel_loop3A_1024 {strides = array<i32>} : memref<64x192xf32, #tpu.memory_space<vmem>>, vector<16xf32>,
      %parallel_loop3A_1032 = arith.index_cast %parallel_loop3A_881 : i32 to index
      %parallel_loop3A_1033 = arith.constant 80 : index
      %parallel_loop3A_1034 = tpu.vector_load %arg14[%parallel_loop3A_1032, %parallel_loop3A_1033] {strides = array<i32>} : memref<64x192xf32, #tpu.memory_space<vmem>>, vector<16xf32>,
      tpu.vector_store %arg14[%parallel_loop3A_1032, %parallel_loop3A_1033], %parallel_loop3A_1028 {strides = array<i32>} : memref<64x192xf32, #tpu.memory_space<vmem>>, vector<16xf32>,
      %parallel_loop3A_1035 = arith.constant 0 : i32
      %parallel_loop3A_1036 = arith.addi %parallel_loop3A_1035, %parallel_loop3A_881 : i32
      %parallel_loop3A_1037 = arith.index_cast %parallel_loop3A_1036 : i32 to index
      %parallel_loop3A_1038 = arith.constant 96 : index
      %parallel_loop3A_1039 = tpu.vector_load %arg10[%parallel_loop3A_1037, %parallel_loop3A_1038] {strides = array<i32>} : memref<384x192xbf16, #tpu.memory_space<vmem>>, vector<32xbf16>,
      %parallel_loop3A_1040 = arith.constant 64 : i32
      %parallel_loop3A_1041 = arith.addi %parallel_loop3A_1040, %parallel_loop3A_881 : i32
      %parallel_loop3A_1042 = arith.index_cast %parallel_loop3A_1041 : i32 to index
      %parallel_loop3A_1043 = arith.constant 96 : index
      %parallel_loop3A_1044 = tpu.vector_load %arg10[%parallel_loop3A_1042, %parallel_loop3A_1043] {strides = array<i32>} : memref<384x192xbf16, #tpu.memory_space<vmem>>, vector<32xbf16>,
      %parallel_loop3A_1045 = arith.addf %parallel_loop3A_1039, %parallel_loop3A_1044 : vector<32xbf16>
      %parallel_loop3A_1046 = arith.constant 128 : i32
      %parallel_loop3A_1047 = arith.addi %parallel_loop3A_1046, %parallel_loop3A_881 : i32
      %parallel_loop3A_1048 = arith.index_cast %parallel_loop3A_1047 : i32 to index
      %parallel_loop3A_1049 = arith.constant 96 : index
      %parallel_loop3A_1050 = tpu.vector_load %arg10[%parallel_loop3A_1048, %parallel_loop3A_1049] {strides = array<i32>} : memref<384x192xbf16, #tpu.memory_space<vmem>>, vector<32xbf16>,
      %parallel_loop3A_1051 = arith.addf %parallel_loop3A_1045, %parallel_loop3A_1050 : vector<32xbf16>
      %parallel_loop3A_1052 = arith.constant 192 : i32
      %parallel_loop3A_1053 = arith.addi %parallel_loop3A_1052, %parallel_loop3A_881 : i32
      %parallel_loop3A_1054 = arith.index_cast %parallel_loop3A_1053 : i32 to index
      %parallel_loop3A_1055 = arith.constant 96 : index
      %parallel_loop3A_1056 = tpu.vector_load %arg10[%parallel_loop3A_1054, %parallel_loop3A_1055] {strides = array<i32>} : memref<384x192xbf16, #tpu.memory_space<vmem>>, vector<32xbf16>,
      %parallel_loop3A_1057 = arith.addf %parallel_loop3A_1051, %parallel_loop3A_1056 : vector<32xbf16>
      %parallel_loop3A_1058 = arith.constant 256 : i32
      %parallel_loop3A_1059 = arith.addi %parallel_loop3A_1058, %parallel_loop3A_881 : i32
      %parallel_loop3A_1060 = arith.index_cast %parallel_loop3A_1059 : i32 to index
      %parallel_loop3A_1061 = arith.constant 96 : index
      %parallel_loop3A_1062 = tpu.vector_load %arg10[%parallel_loop3A_1060, %parallel_loop3A_1061] {strides = array<i32>} : memref<384x192xbf16, #tpu.memory_space<vmem>>, vector<32xbf16>,
      %parallel_loop3A_1063 = arith.addf %parallel_loop3A_1057, %parallel_loop3A_1062 : vector<32xbf16>
      %parallel_loop3A_1064 = arith.constant 320 : i32
      %parallel_loop3A_1065 = arith.addi %parallel_loop3A_1064, %parallel_loop3A_881 : i32
      %parallel_loop3A_1066 = arith.index_cast %parallel_loop3A_1065 : i32 to index
      %parallel_loop3A_1067 = arith.constant 96 : index
      %parallel_loop3A_1068 = tpu.vector_load %arg10[%parallel_loop3A_1066, %parallel_loop3A_1067] {strides = array<i32>} : memref<384x192xbf16, #tpu.memory_space<vmem>>, vector<32xbf16>,
      %parallel_loop3A_1069 = arith.addf %parallel_loop3A_1063, %parallel_loop3A_1068 : vector<32xbf16>
      %parallel_loop3A_1070 = tpu.unpack_subelements %parallel_loop3A_1069, 0 {pack_format = #tpu.pack_format<interleaved>} : vector<32xbf16> -> vector<16xf32>
      %parallel_loop3A_1071 = tpu.unpack_subelements %parallel_loop3A_1069, 1 {pack_format = #tpu.pack_format<interleaved>} : vector<32xbf16> -> vector<16xf32>
      %parallel_loop3A_1072 = arith.index_cast %parallel_loop3A_881 : i32 to index
      %parallel_loop3A_1073 = arith.constant 96 : index
      %parallel_loop3A_1074 = tpu.vector_load %arg12[%parallel_loop3A_1072, %parallel_loop3A_1073] {strides = array<i32>} : memref<64x192xf32, #tpu.memory_space<vmem>>, vector<16xf32>,
      %parallel_loop3A_1075 = arith.addf %parallel_loop3A_1070, %parallel_loop3A_1074 : vector<16xf32>
      %parallel_loop3A_1076 = arith.index_cast %parallel_loop3A_881 : i32 to index
      %parallel_loop3A_1077 = arith.constant 112 : index
      %parallel_loop3A_1078 = tpu.vector_load %arg12[%parallel_loop3A_1076, %parallel_loop3A_1077] {strides = array<i32>} : memref<64x192xf32, #tpu.memory_space<vmem>>, vector<16xf32>,
      %parallel_loop3A_1079 = arith.addf %parallel_loop3A_1071, %parallel_loop3A_1078 : vector<16xf32>
      %parallel_loop3A_1080 = arith.index_cast %parallel_loop3A_881 : i32 to index
      %parallel_loop3A_1081 = arith.constant 96 : index
      %parallel_loop3A_1082 = tpu.vector_load %arg14[%parallel_loop3A_1080, %parallel_loop3A_1081] {strides = array<i32>} : memref<64x192xf32, #tpu.memory_space<vmem>>, vector<16xf32>,
      tpu.vector_store %arg14[%parallel_loop3A_1080, %parallel_loop3A_1081], %parallel_loop3A_1075 {strides = array<i32>} : memref<64x192xf32, #tpu.memory_space<vmem>>, vector<16xf32>,
      %parallel_loop3A_1083 = arith.index_cast %parallel_loop3A_881 : i32 to index
      %parallel_loop3A_1084 = arith.constant 112 : index
      %parallel_loop3A_1085 = tpu.vector_load %arg14[%parallel_loop3A_1083, %parallel_loop3A_1084] {strides = array<i32>} : memref<64x192xf32, #tpu.memory_space<vmem>>, vector<16xf32>,
      tpu.vector_store %arg14[%parallel_loop3A_1083, %parallel_loop3A_1084], %parallel_loop3A_1079 {strides = array<i32>} : memref<64x192xf32, #tpu.memory_space<vmem>>, vector<16xf32>,
      %parallel_loop3A_1086 = arith.constant 0 : i32
      %parallel_loop3A_1087 = arith.addi %parallel_loop3A_1086, %parallel_loop3A_881 : i32
      %parallel_loop3A_1088 = arith.index_cast %parallel_loop3A_1087 : i32 to index
      %parallel_loop3A_1089 = arith.constant 128 : index
      %parallel_loop3A_1090 = tpu.vector_load %arg10[%parallel_loop3A_1088, %parallel_loop3A_1089] {strides = array<i32>} : memref<384x192xbf16, #tpu.memory_space<vmem>>, vector<32xbf16>,
      %parallel_loop3A_1091 = arith.constant 64 : i32
      %parallel_loop3A_1092 = arith.addi %parallel_loop3A_1091, %parallel_loop3A_881 : i32
      %parallel_loop3A_1093 = arith.index_cast %parallel_loop3A_1092 : i32 to index
      %parallel_loop3A_1094 = arith.constant 128 : index
      %parallel_loop3A_1095 = tpu.vector_load %arg10[%parallel_loop3A_1093, %parallel_loop3A_1094] {strides = array<i32>} : memref<384x192xbf16, #tpu.memory_space<vmem>>, vector<32xbf16>,
      %parallel_loop3A_1096 = arith.addf %parallel_loop3A_1090, %parallel_loop3A_1095 : vector<32xbf16>
      %parallel_loop3A_1097 = arith.constant 128 : i32
      %parallel_loop3A_1098 = arith.addi %parallel_loop3A_1097, %parallel_loop3A_881 : i32
      %parallel_loop3A_1099 = arith.index_cast %parallel_loop3A_1098 : i32 to index
      %parallel_loop3A_1100 = arith.constant 128 : index
      %parallel_loop3A_1101 = tpu.vector_load %arg10[%parallel_loop3A_1099, %parallel_loop3A_1100] {strides = array<i32>} : memref<384x192xbf16, #tpu.memory_space<vmem>>, vector<32xbf16>,
      %parallel_loop3A_1102 = arith.addf %parallel_loop3A_1096, %parallel_loop3A_1101 : vector<32xbf16>
      %parallel_loop3A_1103 = arith.constant 192 : i32
      %parallel_loop3A_1104 = arith.addi %parallel_loop3A_1103, %parallel_loop3A_881 : i32
      %parallel_loop3A_1105 = arith.index_cast %parallel_loop3A_1104 : i32 to index
      %parallel_loop3A_1106 = arith.constant 128 : index
      %parallel_loop3A_1107 = tpu.vector_load %arg10[%parallel_loop3A_1105, %parallel_loop3A_1106] {strides = array<i32>} : memref<384x192xbf16, #tpu.memory_space<vmem>>, vector<32xbf16>,
      %parallel_loop3A_1108 = arith.addf %parallel_loop3A_1102, %parallel_loop3A_1107 : vector<32xbf16>
      %parallel_loop3A_1109 = arith.constant 256 : i32
      %parallel_loop3A_1110 = arith.addi %parallel_loop3A_1109, %parallel_loop3A_881 : i32
      %parallel_loop3A_1111 = arith.index_cast %parallel_loop3A_1110 : i32 to index
      %parallel_loop3A_1112 = arith.constant 128 : index
      %parallel_loop3A_1113 = tpu.vector_load %arg10[%parallel_loop3A_1111, %parallel_loop3A_1112] {strides = array<i32>} : memref<384x192xbf16, #tpu.memory_space<vmem>>, vector<32xbf16>,
      %parallel_loop3A_1114 = arith.addf %parallel_loop3A_1108, %parallel_loop3A_1113 : vector<32xbf16>
      %parallel_loop3A_1115 = arith.constant 320 : i32
      %parallel_loop3A_1116 = arith.addi %parallel_loop3A_1115, %parallel_loop3A_881 : i32
      %parallel_loop3A_1117 = arith.index_cast %parallel_loop3A_1116 : i32 to index
      %parallel_loop3A_1118 = arith.constant 128 : index
      %parallel_loop3A_1119 = tpu.vector_load %arg10[%parallel_loop3A_1117, %parallel_loop3A_1118] {strides = array<i32>} : memref<384x192xbf16, #tpu.memory_space<vmem>>, vector<32xbf16>,
      %parallel_loop3A_1120 = arith.addf %parallel_loop3A_1114, %parallel_loop3A_1119 : vector<32xbf16>
      %parallel_loop3A_1121 = tpu.unpack_subelements %parallel_loop3A_1120, 0 {pack_format = #tpu.pack_format<interleaved>} : vector<32xbf16> -> vector<16xf32>
      %parallel_loop3A_1122 = tpu.unpack_subelements %parallel_loop3A_1120, 1 {pack_format = #tpu.pack_format<interleaved>} : vector<32xbf16> -> vector<16xf32>
      %parallel_loop3A_1123 = arith.index_cast %parallel_loop3A_881 : i32 to index
      %parallel_loop3A_1124 = arith.constant 128 : index
      %parallel_loop3A_1125 = tpu.vector_load %arg12[%parallel_loop3A_1123, %parallel_loop3A_1124] {strides = array<i32>} : memref<64x192xf32, #tpu.memory_space<vmem>>, vector<16xf32>,
      %parallel_loop3A_1126 = arith.addf %parallel_loop3A_1121, %parallel_loop3A_1125 : vector<16xf32>
      %parallel_loop3A_1127 = arith.index_cast %parallel_loop3A_881 : i32 to index
      %parallel_loop3A_1128 = arith.constant 144 : index
      %parallel_loop3A_1129 = tpu.vector_load %arg12[%parallel_loop3A_1127, %parallel_loop3A_1128] {strides = array<i32>} : memref<64x192xf32, #tpu.memory_space<vmem>>, vector<16xf32>,
      %parallel_loop3A_1130 = arith.addf %parallel_loop3A_1122, %parallel_loop3A_1129 : vector<16xf32>
      %parallel_loop3A_1131 = arith.index_cast %parallel_loop3A_881 : i32 to index
      %parallel_loop3A_1132 = arith.constant 128 : index
      %parallel_loop3A_1133 = tpu.vector_load %arg14[%parallel_loop3A_1131, %parallel_loop3A_1132] {strides = array<i32>} : memref<64x192xf32, #tpu.memory_space<vmem>>, vector<16xf32>,
      tpu.vector_store %arg14[%parallel_loop3A_1131, %parallel_loop3A_1132], %parallel_loop3A_1126 {strides = array<i32>} : memref<64x192xf32, #tpu.memory_space<vmem>>, vector<16xf32>,
      %parallel_loop3A_1134 = arith.index_cast %parallel_loop3A_881 : i32 to index
      %parallel_loop3A_1135 = arith.constant 144 : index
      %parallel_loop3A_1136 = tpu.vector_load %arg14[%parallel_loop3A_1134, %parallel_loop3A_1135] {strides = array<i32>} : memref<64x192xf32, #tpu.memory_space<vmem>>, vector<16xf32>,
      tpu.vector_store %arg14[%parallel_loop3A_1134, %parallel_loop3A_1135], %parallel_loop3A_1130 {strides = array<i32>} : memref<64x192xf32, #tpu.memory_space<vmem>>, vector<16xf32>,
      %parallel_loop3A_1137 = arith.constant 0 : i32
      %parallel_loop3A_1138 = arith.addi %parallel_loop3A_1137, %parallel_loop3A_881 : i32
      %parallel_loop3A_1139 = arith.index_cast %parallel_loop3A_1138 : i32 to index
      %parallel_loop3A_1140 = arith.constant 160 : index
      %parallel_loop3A_1141 = tpu.vector_load %arg10[%parallel_loop3A_1139, %parallel_loop3A_1140] {strides = array<i32>} : memref<384x192xbf16, #tpu.memory_space<vmem>>, vector<32xbf16>,
      %parallel_loop3A_1142 = arith.constant 64 : i32
      %parallel_loop3A_1143 = arith.addi %parallel_loop3A_1142, %parallel_loop3A_881 : i32
      %parallel_loop3A_1144 = arith.index_cast %parallel_loop3A_1143 : i32 to index
      %parallel_loop3A_1145 = arith.constant 160 : index
      %parallel_loop3A_1146 = tpu.vector_load %arg10[%parallel_loop3A_1144, %parallel_loop3A_1145] {strides = array<i32>} : memref<384x192xbf16, #tpu.memory_space<vmem>>, vector<32xbf16>,
      %parallel_loop3A_1147 = arith.addf %parallel_loop3A_1141, %parallel_loop3A_1146 : vector<32xbf16>
      %parallel_loop3A_1148 = arith.constant 128 : i32
      %parallel_loop3A_1149 = arith.addi %parallel_loop3A_1148, %parallel_loop3A_881 : i32
      %parallel_loop3A_1150 = arith.index_cast %parallel_loop3A_1149 : i32 to index
      %parallel_loop3A_1151 = arith.constant 160 : index
      %parallel_loop3A_1152 = tpu.vector_load %arg10[%parallel_loop3A_1150, %parallel_loop3A_1151] {strides = array<i32>} : memref<384x192xbf16, #tpu.memory_space<vmem>>, vector<32xbf16>,
      %parallel_loop3A_1153 = arith.addf %parallel_loop3A_1147, %parallel_loop3A_1152 : vector<32xbf16>
      %parallel_loop3A_1154 = arith.constant 192 : i32
      %parallel_loop3A_1155 = arith.addi %parallel_loop3A_1154, %parallel_loop3A_881 : i32
      %parallel_loop3A_1156 = arith.index_cast %parallel_loop3A_1155 : i32 to index
      %parallel_loop3A_1157 = arith.constant 160 : index
      %parallel_loop3A_1158 = tpu.vector_load %arg10[%parallel_loop3A_1156, %parallel_loop3A_1157] {strides = array<i32>} : memref<384x192xbf16, #tpu.memory_space<vmem>>, vector<32xbf16>,
      %parallel_loop3A_1159 = arith.addf %parallel_loop3A_1153, %parallel_loop3A_1158 : vector<32xbf16>
      %parallel_loop3A_1160 = arith.constant 256 : i32
      %parallel_loop3A_1161 = arith.addi %parallel_loop3A_1160, %parallel_loop3A_881 : i32
      %parallel_loop3A_1162 = arith.index_cast %parallel_loop3A_1161 : i32 to index
      %parallel_loop3A_1163 = arith.constant 160 : index
      %parallel_loop3A_1164 = tpu.vector_load %arg10[%parallel_loop3A_1162, %parallel_loop3A_1163] {strides = array<i32>} : memref<384x192xbf16, #tpu.memory_space<vmem>>, vector<32xbf16>,
      %parallel_loop3A_1165 = arith.addf %parallel_loop3A_1159, %parallel_loop3A_1164 : vector<32xbf16>
      %parallel_loop3A_1166 = arith.constant 320 : i32
      %parallel_loop3A_1167 = arith.addi %parallel_loop3A_1166, %parallel_loop3A_881 : i32
      %parallel_loop3A_1168 = arith.index_cast %parallel_loop3A_1167 : i32 to index
      %parallel_loop3A_1169 = arith.constant 160 : index
      %parallel_loop3A_1170 = tpu.vector_load %arg10[%parallel_loop3A_1168, %parallel_loop3A_1169] {strides = array<i32>} : memref<384x192xbf16, #tpu.memory_space<vmem>>, vector<32xbf16>,
      %parallel_loop3A_1171 = arith.addf %parallel_loop3A_1165, %parallel_loop3A_1170 : vector<32xbf16>
      %parallel_loop3A_1172 = tpu.unpack_subelements %parallel_loop3A_1171, 0 {pack_format = #tpu.pack_format<interleaved>} : vector<32xbf16> -> vector<16xf32>
      %parallel_loop3A_1173 = tpu.unpack_subelements %parallel_loop3A_1171, 1 {pack_format = #tpu.pack_format<interleaved>} : vector<32xbf16> -> vector<16xf32>
      %parallel_loop3A_1174 = arith.index_cast %parallel_loop3A_881 : i32 to index
      %parallel_loop3A_1175 = arith.constant 160 : index
      %parallel_loop3A_1176 = tpu.vector_load %arg12[%parallel_loop3A_1174, %parallel_loop3A_1175] {strides = array<i32>} : memref<64x192xf32, #tpu.memory_space<vmem>>, vector<16xf32>,
      %parallel_loop3A_1177 = arith.addf %parallel_loop3A_1172, %parallel_loop3A_1176 : vector<16xf32>
      %parallel_loop3A_1178 = arith.index_cast %parallel_loop3A_881 : i32 to index
      %parallel_loop3A_1179 = arith.constant 176 : index
      %parallel_loop3A_1180 = tpu.vector_load %arg12[%parallel_loop3A_1178, %parallel_loop3A_1179] {strides = array<i32>} : memref<64x192xf32, #tpu.memory_space<vmem>>, vector<16xf32>,
      %parallel_loop3A_1181 = arith.addf %parallel_loop3A_1173, %parallel_loop3A_1180 : vector<16xf32>
      %parallel_loop3A_1182 = arith.index_cast %parallel_loop3A_881 : i32 to index
      %parallel_loop3A_1183 = arith.constant 160 : index
      %parallel_loop3A_1184 = tpu.vector_load %arg14[%parallel_loop3A_1182, %parallel_loop3A_1183] {strides = array<i32>} : memref<64x192xf32, #tpu.memory_space<vmem>>, vector<16xf32>,
      tpu.vector_store %arg14[%parallel_loop3A_1182, %parallel_loop3A_1183], %parallel_loop3A_1177 {strides = array<i32>} : memref<64x192xf32, #tpu.memory_space<vmem>>, vector<16xf32>,
      %parallel_loop3A_1185 = arith.index_cast %parallel_loop3A_881 : i32 to index
      %parallel_loop3A_1186 = arith.constant 176 : index
      %parallel_loop3A_1187 = tpu.vector_load %arg14[%parallel_loop3A_1185, %parallel_loop3A_1186] {strides = array<i32>} : memref<64x192xf32, #tpu.memory_space<vmem>>, vector<16xf32>,
      tpu.vector_store %arg14[%parallel_loop3A_1185, %parallel_loop3A_1186], %parallel_loop3A_1181 {strides = array<i32>} : memref<64x192xf32, #tpu.memory_space<vmem>>, vector<16xf32>,
    } {sc.loop_unroll_factor = 4 : i64, sc.parallel_access}
    %add3A_825 = arith.constant 128 : i32
    %add3A_826 = arith.addi %mul3A_2, %add3A_825 : i32
    %dma_start3A_827 = arith.constant 0 : i32
    %dma_start3A_828 = tpu.memref_slice %arg6[%add3A_826, %dma_start3A_827] : memref<8192x192xf32, #tpu.memory_space<hbm>> -> memref<64x192xf32, #tpu.memory_space<hbm>>
    %dma_start3A_829 = arith.constant 0 : i32
    %dma_start3A_830 = tpu.memref_slice %arg6[%add3A_826, %dma_start3A_829] : memref<8192x192xf32, #tpu.memory_space<hbm>> -> memref<64x192xf32, #tpu.memory_space<hbm>>
    tpu.enqueue_dma source(%arg14 : memref<64x192xf32, #tpu.memory_space<vmem>>) target(%dma_start3A_830 : memref<64x192xf32, #tpu.memory_space<hbm>>) target_semaphore(%arg18 : memref<!tpu.dma_semaphore, #tpu.memory_space<semaphore_mem>>)
    %dma_wait3A_831 = arith.constant 0 : i32
    %dma_wait3A_832 = arith.constant 0 : i32
    %dma_wait3A_833 = tpu.memref_slice %arg11[%dma_wait3A_831, %dma_wait3A_832] : memref<384x192xbf16, #tpu.memory_space<vmem>> -> memref<128x192xbf16, #tpu.memory_space<vmem>>
    %dma_wait3A_834 = arith.constant 1152 : i32
    %dma_wait3A_835 = tpu.memref_slice %arg9[%dma_wait3A_834] : memref<1536xi32, #tpu.memory_space<vmem>> -> memref<128xi32, #tpu.memory_space<vmem>>
    %dma_wait3A_836 = arith.constant 0 : i32
    %dma_wait3A_837 = arith.constant 0 : i32
    %dma_wait3A_838 = tpu.memref_slice %arg4[%dma_wait3A_836, %dma_wait3A_837] : memref<6144x192xbf16, #tpu.memory_space<hbm>> -> memref<6144x192xbf16, #tpu.memory_space<hbm>>
    tpu.wait_indirect_dma semaphore(%arg17 : memref<!tpu.dma_semaphore, #tpu.memory_space<semaphore_mem>>) src(%dma_wait3A_838 : memref<6144x192xbf16, #tpu.memory_space<hbm>>) dst(%dma_wait3A_833 : memref<128x192xbf16, #tpu.memory_space<vmem>>)
    %dma_wait3A_839 = arith.constant 128 : i32
    %dma_wait3A_840 = arith.constant 0 : i32
    %dma_wait3A_841 = tpu.memref_slice %arg11[%dma_wait3A_839, %dma_wait3A_840] : memref<384x192xbf16, #tpu.memory_space<vmem>> -> memref<128x192xbf16, #tpu.memory_space<vmem>>
    %dma_wait3A_842 = arith.constant 1280 : i32
    %dma_wait3A_843 = tpu.memref_slice %arg9[%dma_wait3A_842] : memref<1536xi32, #tpu.memory_space<vmem>> -> memref<128xi32, #tpu.memory_space<vmem>>
    %dma_wait3A_844 = arith.constant 0 : i32
    %dma_wait3A_845 = arith.constant 0 : i32
    %dma_wait3A_846 = tpu.memref_slice %arg4[%dma_wait3A_844, %dma_wait3A_845] : memref<6144x192xbf16, #tpu.memory_space<hbm>> -> memref<6144x192xbf16, #tpu.memory_space<hbm>>
    tpu.wait_indirect_dma semaphore(%arg17 : memref<!tpu.dma_semaphore, #tpu.memory_space<semaphore_mem>>) src(%dma_wait3A_846 : memref<6144x192xbf16, #tpu.memory_space<hbm>>) dst(%dma_wait3A_841 : memref<128x192xbf16, #tpu.memory_space<vmem>>)
    %dma_wait3A_847 = arith.constant 256 : i32
    %dma_wait3A_848 = arith.constant 0 : i32
    %dma_wait3A_849 = tpu.memref_slice %arg11[%dma_wait3A_847, %dma_wait3A_848] : memref<384x192xbf16, #tpu.memory_space<vmem>> -> memref<128x192xbf16, #tpu.memory_space<vmem>>
    %dma_wait3A_850 = arith.constant 1408 : i32
    %dma_wait3A_851 = tpu.memref_slice %arg9[%dma_wait3A_850] : memref<1536xi32, #tpu.memory_space<vmem>> -> memref<128xi32, #tpu.memory_space<vmem>>
    %dma_wait3A_852 = arith.constant 0 : i32
    %dma_wait3A_853 = arith.constant 0 : i32
    %dma_wait3A_854 = tpu.memref_slice %arg4[%dma_wait3A_852, %dma_wait3A_853] : memref<6144x192xbf16, #tpu.memory_space<hbm>> -> memref<6144x192xbf16, #tpu.memory_space<hbm>>
    tpu.wait_indirect_dma semaphore(%arg17 : memref<!tpu.dma_semaphore, #tpu.memory_space<semaphore_mem>>) src(%dma_wait3A_854 : memref<6144x192xbf16, #tpu.memory_space<hbm>>) dst(%dma_wait3A_849 : memref<128x192xbf16, #tpu.memory_space<vmem>>)
    %dma_wait3A_855 = arith.constant 192 : i32
    %dma_wait3A_856 = tpu.memref_slice %arg8[%dma_wait3A_855] : memref<256xi32, #tpu.memory_space<vmem>> -> memref<64xi32, #tpu.memory_space<vmem>>
    %dma_wait3A_857 = arith.constant 0 : i32
    %dma_wait3A_858 = arith.constant 0 : i32
    %dma_wait3A_859 = tpu.memref_slice %arg5[%dma_wait3A_857, %dma_wait3A_858] : memref<4096x192xf32, #tpu.memory_space<hbm>> -> memref<4096x192xf32, #tpu.memory_space<hbm>>
    tpu.wait_indirect_dma semaphore(%arg17 : memref<!tpu.dma_semaphore, #tpu.memory_space<semaphore_mem>>) src(%dma_wait3A_859 : memref<4096x192xf32, #tpu.memory_space<hbm>>) dst(%arg13 : memref<64x192xf32, #tpu.memory_space<vmem>>)
    %dma_wait3A_860 = arith.constant 0 : i32
    %dma_wait3A_861 = tpu.memref_slice %arg6[%add3A_755, %dma_wait3A_860] : memref<8192x192xf32, #tpu.memory_space<hbm>> -> memref<64x192xf32, #tpu.memory_space<hbm>>
    %dma_wait3A_862 = arith.constant 0 : i32
    %dma_wait3A_863 = tpu.memref_slice %arg6[%add3A_755, %dma_wait3A_862] : memref<8192x192xf32, #tpu.memory_space<hbm>> -> memref<64x192xf32, #tpu.memory_space<hbm>>
    tpu.wait_dma2 semaphore(%arg19 : memref<!tpu.dma_semaphore, #tpu.memory_space<semaphore_mem>>) src(%arg15 : memref<64x192xf32, #tpu.memory_space<vmem>>) dst(%dma_wait3A_863 : memref<64x192xf32, #tpu.memory_space<hbm>>)
    %parallel_loop3A_864 = arith.constant 0 : i32
    %parallel_loop3A_865 = arith.constant 64 : i32
    %parallel_loop3A_866 = arith.constant 1 : i32
    scf.for %parallel_loop3A_881 = %parallel_loop3A_864 to %parallel_loop3A_865 step %parallel_loop3A_866  : i32 {
      %parallel_loop3A_882 = arith.constant 0 : i32
      %parallel_loop3A_883 = arith.addi %parallel_loop3A_882, %parallel_loop3A_881 : i32
      %parallel_loop3A_884 = arith.index_cast %parallel_loop3A_883 : i32 to index
      %parallel_loop3A_885 = arith.constant 0 : index
      %parallel_loop3A_886 = tpu.vector_load %arg11[%parallel_loop3A_884, %parallel_loop3A_885] {strides = array<i32>} : memref<384x192xbf16, #tpu.memory_space<vmem>>, vector<32xbf16>,
      %parallel_loop3A_887 = arith.constant 64 : i32
      %parallel_loop3A_888 = arith.addi %parallel_loop3A_887, %parallel_loop3A_881 : i32
      %parallel_loop3A_889 = arith.index_cast %parallel_loop3A_888 : i32 to index
      %parallel_loop3A_890 = arith.constant 0 : index
      %parallel_loop3A_891 = tpu.vector_load %arg11[%parallel_loop3A_889, %parallel_loop3A_890] {strides = array<i32>} : memref<384x192xbf16, #tpu.memory_space<vmem>>, vector<32xbf16>,
      %parallel_loop3A_892 = arith.addf %parallel_loop3A_886, %parallel_loop3A_891 : vector<32xbf16>
      %parallel_loop3A_893 = arith.constant 128 : i32
      %parallel_loop3A_894 = arith.addi %parallel_loop3A_893, %parallel_loop3A_881 : i32
      %parallel_loop3A_895 = arith.index_cast %parallel_loop3A_894 : i32 to index
      %parallel_loop3A_896 = arith.constant 0 : index
      %parallel_loop3A_897 = tpu.vector_load %arg11[%parallel_loop3A_895, %parallel_loop3A_896] {strides = array<i32>} : memref<384x192xbf16, #tpu.memory_space<vmem>>, vector<32xbf16>,
      %parallel_loop3A_898 = arith.addf %parallel_loop3A_892, %parallel_loop3A_897 : vector<32xbf16>
      %parallel_loop3A_899 = arith.constant 192 : i32
      %parallel_loop3A_900 = arith.addi %parallel_loop3A_899, %parallel_loop3A_881 : i32
      %parallel_loop3A_901 = arith.index_cast %parallel_loop3A_900 : i32 to index
      %parallel_loop3A_902 = arith.constant 0 : index
      %parallel_loop3A_903 = tpu.vector_load %arg11[%parallel_loop3A_901, %parallel_loop3A_902] {strides = array<i32>} : memref<384x192xbf16, #tpu.memory_space<vmem>>, vector<32xbf16>,
      %parallel_loop3A_904 = arith.addf %parallel_loop3A_898, %parallel_loop3A_903 : vector<32xbf16>
      %parallel_loop3A_905 = arith.constant 256 : i32
      %parallel_loop3A_906 = arith.addi %parallel_loop3A_905, %parallel_loop3A_881 : i32
      %parallel_loop3A_907 = arith.index_cast %parallel_loop3A_906 : i32 to index
      %parallel_loop3A_908 = arith.constant 0 : index
      %parallel_loop3A_909 = tpu.vector_load %arg11[%parallel_loop3A_907, %parallel_loop3A_908] {strides = array<i32>} : memref<384x192xbf16, #tpu.memory_space<vmem>>, vector<32xbf16>,
      %parallel_loop3A_910 = arith.addf %parallel_loop3A_904, %parallel_loop3A_909 : vector<32xbf16>
      %parallel_loop3A_911 = arith.constant 320 : i32
      %parallel_loop3A_912 = arith.addi %parallel_loop3A_911, %parallel_loop3A_881 : i32
      %parallel_loop3A_913 = arith.index_cast %parallel_loop3A_912 : i32 to index
      %parallel_loop3A_914 = arith.constant 0 : index
      %parallel_loop3A_915 = tpu.vector_load %arg11[%parallel_loop3A_913, %parallel_loop3A_914] {strides = array<i32>} : memref<384x192xbf16, #tpu.memory_space<vmem>>, vector<32xbf16>,
      %parallel_loop3A_916 = arith.addf %parallel_loop3A_910, %parallel_loop3A_915 : vector<32xbf16>
      %parallel_loop3A_917 = tpu.unpack_subelements %parallel_loop3A_916, 0 {pack_format = #tpu.pack_format<interleaved>} : vector<32xbf16> -> vector<16xf32>
      %parallel_loop3A_918 = tpu.unpack_subelements %parallel_loop3A_916, 1 {pack_format = #tpu.pack_format<interleaved>} : vector<32xbf16> -> vector<16xf32>
      %parallel_loop3A_919 = arith.index_cast %parallel_loop3A_881 : i32 to index
      %parallel_loop3A_920 = arith.constant 0 : index
      %parallel_loop3A_921 = tpu.vector_load %arg13[%parallel_loop3A_919, %parallel_loop3A_920] {strides = array<i32>} : memref<64x192xf32, #tpu.memory_space<vmem>>, vector<16xf32>,
      %parallel_loop3A_922 = arith.addf %parallel_loop3A_917, %parallel_loop3A_921 : vector<16xf32>
      %parallel_loop3A_923 = arith.index_cast %parallel_loop3A_881 : i32 to index
      %parallel_loop3A_924 = arith.constant 16 : index
      %parallel_loop3A_925 = tpu.vector_load %arg13[%parallel_loop3A_923, %parallel_loop3A_924] {strides = array<i32>} : memref<64x192xf32, #tpu.memory_space<vmem>>, vector<16xf32>,
      %parallel_loop3A_926 = arith.addf %parallel_loop3A_918, %parallel_loop3A_925 : vector<16xf32>
      %parallel_loop3A_927 = arith.index_cast %parallel_loop3A_881 : i32 to index
      %parallel_loop3A_928 = arith.constant 0 : index
      %parallel_loop3A_929 = tpu.vector_load %arg15[%parallel_loop3A_927, %parallel_loop3A_928] {strides = array<i32>} : memref<64x192xf32, #tpu.memory_space<vmem>>, vector<16xf32>,
      tpu.vector_store %arg15[%parallel_loop3A_927, %parallel_loop3A_928], %parallel_loop3A_922 {strides = array<i32>} : memref<64x192xf32, #tpu.memory_space<vmem>>, vector<16xf32>,
      %parallel_loop3A_930 = arith.index_cast %parallel_loop3A_881 : i32 to index
      %parallel_loop3A_931 = arith.constant 16 : index
      %parallel_loop3A_932 = tpu.vector_load %arg15[%parallel_loop3A_930, %parallel_loop3A_931] {strides = array<i32>} : memref<64x192xf32, #tpu.memory_space<vmem>>, vector<16xf32>,
      tpu.vector_store %arg15[%parallel_loop3A_930, %parallel_loop3A_931], %parallel_loop3A_926 {strides = array<i32>} : memref<64x192xf32, #tpu.memory_space<vmem>>, vector<16xf32>,
      %parallel_loop3A_933 = arith.constant 0 : i32
      %parallel_loop3A_934 = arith.addi %parallel_loop3A_933, %parallel_loop3A_881 : i32
      %parallel_loop3A_935 = arith.index_cast %parallel_loop3A_934 : i32 to index
      %parallel_loop3A_936 = arith.constant 32 : index
      %parallel_loop3A_937 = tpu.vector_load %arg11[%parallel_loop3A_935, %parallel_loop3A_936] {strides = array<i32>} : memref<384x192xbf16, #tpu.memory_space<vmem>>, vector<32xbf16>,
      %parallel_loop3A_938 = arith.constant 64 : i32
      %parallel_loop3A_939 = arith.addi %parallel_loop3A_938, %parallel_loop3A_881 : i32
      %parallel_loop3A_940 = arith.index_cast %parallel_loop3A_939 : i32 to index
      %parallel_loop3A_941 = arith.constant 32 : index
      %parallel_loop3A_942 = tpu.vector_load %arg11[%parallel_loop3A_940, %parallel_loop3A_941] {strides = array<i32>} : memref<384x192xbf16, #tpu.memory_space<vmem>>, vector<32xbf16>,
      %parallel_loop3A_943 = arith.addf %parallel_loop3A_937, %parallel_loop3A_942 : vector<32xbf16>
      %parallel_loop3A_944 = arith.constant 128 : i32
      %parallel_loop3A_945 = arith.addi %parallel_loop3A_944, %parallel_loop3A_881 : i32
      %parallel_loop3A_946 = arith.index_cast %parallel_loop3A_945 : i32 to index
      %parallel_loop3A_947 = arith.constant 32 : index
      %parallel_loop3A_948 = tpu.vector_load %arg11[%parallel_loop3A_946, %parallel_loop3A_947] {strides = array<i32>} : memref<384x192xbf16, #tpu.memory_space<vmem>>, vector<32xbf16>,
      %parallel_loop3A_949 = arith.addf %parallel_loop3A_943, %parallel_loop3A_948 : vector<32xbf16>
      %parallel_loop3A_950 = arith.constant 192 : i32
      %parallel_loop3A_951 = arith.addi %parallel_loop3A_950, %parallel_loop3A_881 : i32
      %parallel_loop3A_952 = arith.index_cast %parallel_loop3A_951 : i32 to index
      %parallel_loop3A_953 = arith.constant 32 : index
      %parallel_loop3A_954 = tpu.vector_load %arg11[%parallel_loop3A_952, %parallel_loop3A_953] {strides = array<i32>} : memref<384x192xbf16, #tpu.memory_space<vmem>>, vector<32xbf16>,
      %parallel_loop3A_955 = arith.addf %parallel_loop3A_949, %parallel_loop3A_954 : vector<32xbf16>
      %parallel_loop3A_956 = arith.constant 256 : i32
      %parallel_loop3A_957 = arith.addi %parallel_loop3A_956, %parallel_loop3A_881 : i32
      %parallel_loop3A_958 = arith.index_cast %parallel_loop3A_957 : i32 to index
      %parallel_loop3A_959 = arith.constant 32 : index
      %parallel_loop3A_960 = tpu.vector_load %arg11[%parallel_loop3A_958, %parallel_loop3A_959] {strides = array<i32>} : memref<384x192xbf16, #tpu.memory_space<vmem>>, vector<32xbf16>,
      %parallel_loop3A_961 = arith.addf %parallel_loop3A_955, %parallel_loop3A_960 : vector<32xbf16>
      %parallel_loop3A_962 = arith.constant 320 : i32
      %parallel_loop3A_963 = arith.addi %parallel_loop3A_962, %parallel_loop3A_881 : i32
      %parallel_loop3A_964 = arith.index_cast %parallel_loop3A_963 : i32 to index
      %parallel_loop3A_965 = arith.constant 32 : index
      %parallel_loop3A_966 = tpu.vector_load %arg11[%parallel_loop3A_964, %parallel_loop3A_965] {strides = array<i32>} : memref<384x192xbf16, #tpu.memory_space<vmem>>, vector<32xbf16>,
      %parallel_loop3A_967 = arith.addf %parallel_loop3A_961, %parallel_loop3A_966 : vector<32xbf16>
      %parallel_loop3A_968 = tpu.unpack_subelements %parallel_loop3A_967, 0 {pack_format = #tpu.pack_format<interleaved>} : vector<32xbf16> -> vector<16xf32>
      %parallel_loop3A_969 = tpu.unpack_subelements %parallel_loop3A_967, 1 {pack_format = #tpu.pack_format<interleaved>} : vector<32xbf16> -> vector<16xf32>
      %parallel_loop3A_970 = arith.index_cast %parallel_loop3A_881 : i32 to index
      %parallel_loop3A_971 = arith.constant 32 : index
      %parallel_loop3A_972 = tpu.vector_load %arg13[%parallel_loop3A_970, %parallel_loop3A_971] {strides = array<i32>} : memref<64x192xf32, #tpu.memory_space<vmem>>, vector<16xf32>,
      %parallel_loop3A_973 = arith.addf %parallel_loop3A_968, %parallel_loop3A_972 : vector<16xf32>
      %parallel_loop3A_974 = arith.index_cast %parallel_loop3A_881 : i32 to index
      %parallel_loop3A_975 = arith.constant 48 : index
      %parallel_loop3A_976 = tpu.vector_load %arg13[%parallel_loop3A_974, %parallel_loop3A_975] {strides = array<i32>} : memref<64x192xf32, #tpu.memory_space<vmem>>, vector<16xf32>,
      %parallel_loop3A_977 = arith.addf %parallel_loop3A_969, %parallel_loop3A_976 : vector<16xf32>
      %parallel_loop3A_978 = arith.index_cast %parallel_loop3A_881 : i32 to index
      %parallel_loop3A_979 = arith.constant 32 : index
      %parallel_loop3A_980 = tpu.vector_load %arg15[%parallel_loop3A_978, %parallel_loop3A_979] {strides = array<i32>} : memref<64x192xf32, #tpu.memory_space<vmem>>, vector<16xf32>,
      tpu.vector_store %arg15[%parallel_loop3A_978, %parallel_loop3A_979], %parallel_loop3A_973 {strides = array<i32>} : memref<64x192xf32, #tpu.memory_space<vmem>>, vector<16xf32>,
      %parallel_loop3A_981 = arith.index_cast %parallel_loop3A_881 : i32 to index
      %parallel_loop3A_982 = arith.constant 48 : index
      %parallel_loop3A_983 = tpu.vector_load %arg15[%parallel_loop3A_981, %parallel_loop3A_982] {strides = array<i32>} : memref<64x192xf32, #tpu.memory_space<vmem>>, vector<16xf32>,
      tpu.vector_store %arg15[%parallel_loop3A_981, %parallel_loop3A_982], %parallel_loop3A_977 {strides = array<i32>} : memref<64x192xf32, #tpu.memory_space<vmem>>, vector<16xf32>,
      %parallel_loop3A_984 = arith.constant 0 : i32
      %parallel_loop3A_985 = arith.addi %parallel_loop3A_984, %parallel_loop3A_881 : i32
      %parallel_loop3A_986 = arith.index_cast %parallel_loop3A_985 : i32 to index
      %parallel_loop3A_987 = arith.constant 64 : index
      %parallel_loop3A_988 = tpu.vector_load %arg11[%parallel_loop3A_986, %parallel_loop3A_987] {strides = array<i32>} : memref<384x192xbf16, #tpu.memory_space<vmem>>, vector<32xbf16>,
      %parallel_loop3A_989 = arith.constant 64 : i32
      %parallel_loop3A_990 = arith.addi %parallel_loop3A_989, %parallel_loop3A_881 : i32
      %parallel_loop3A_991 = arith.index_cast %parallel_loop3A_990 : i32 to index
      %parallel_loop3A_992 = arith.constant 64 : index
      %parallel_loop3A_993 = tpu.vector_load %arg11[%parallel_loop3A_991, %parallel_loop3A_992] {strides = array<i32>} : memref<384x192xbf16, #tpu.memory_space<vmem>>, vector<32xbf16>,
      %parallel_loop3A_994 = arith.addf %parallel_loop3A_988, %parallel_loop3A_993 : vector<32xbf16>
      %parallel_loop3A_995 = arith.constant 128 : i32
      %parallel_loop3A_996 = arith.addi %parallel_loop3A_995, %parallel_loop3A_881 : i32
      %parallel_loop3A_997 = arith.index_cast %parallel_loop3A_996 : i32 to index
      %parallel_loop3A_998 = arith.constant 64 : index
      %parallel_loop3A_999 = tpu.vector_load %arg11[%parallel_loop3A_997, %parallel_loop3A_998] {strides = array<i32>} : memref<384x192xbf16, #tpu.memory_space<vmem>>, vector<32xbf16>,
      %parallel_loop3A_1000 = arith.addf %parallel_loop3A_994, %parallel_loop3A_999 : vector<32xbf16>
      %parallel_loop3A_1001 = arith.constant 192 : i32
      %parallel_loop3A_1002 = arith.addi %parallel_loop3A_1001, %parallel_loop3A_881 : i32
      %parallel_loop3A_1003 = arith.index_cast %parallel_loop3A_1002 : i32 to index
      %parallel_loop3A_1004 = arith.constant 64 : index
      %parallel_loop3A_1005 = tpu.vector_load %arg11[%parallel_loop3A_1003, %parallel_loop3A_1004] {strides = array<i32>} : memref<384x192xbf16, #tpu.memory_space<vmem>>, vector<32xbf16>,
      %parallel_loop3A_1006 = arith.addf %parallel_loop3A_1000, %parallel_loop3A_1005 : vector<32xbf16>
      %parallel_loop3A_1007 = arith.constant 256 : i32
      %parallel_loop3A_1008 = arith.addi %parallel_loop3A_1007, %parallel_loop3A_881 : i32
      %parallel_loop3A_1009 = arith.index_cast %parallel_loop3A_1008 : i32 to index
      %parallel_loop3A_1010 = arith.constant 64 : index
      %parallel_loop3A_1011 = tpu.vector_load %arg11[%parallel_loop3A_1009, %parallel_loop3A_1010] {strides = array<i32>} : memref<384x192xbf16, #tpu.memory_space<vmem>>, vector<32xbf16>,
      %parallel_loop3A_1012 = arith.addf %parallel_loop3A_1006, %parallel_loop3A_1011 : vector<32xbf16>
      %parallel_loop3A_1013 = arith.constant 320 : i32
      %parallel_loop3A_1014 = arith.addi %parallel_loop3A_1013, %parallel_loop3A_881 : i32
      %parallel_loop3A_1015 = arith.index_cast %parallel_loop3A_1014 : i32 to index
      %parallel_loop3A_1016 = arith.constant 64 : index
      %parallel_loop3A_1017 = tpu.vector_load %arg11[%parallel_loop3A_1015, %parallel_loop3A_1016] {strides = array<i32>} : memref<384x192xbf16, #tpu.memory_space<vmem>>, vector<32xbf16>,
      %parallel_loop3A_1018 = arith.addf %parallel_loop3A_1012, %parallel_loop3A_1017 : vector<32xbf16>
      %parallel_loop3A_1019 = tpu.unpack_subelements %parallel_loop3A_1018, 0 {pack_format = #tpu.pack_format<interleaved>} : vector<32xbf16> -> vector<16xf32>
      %parallel_loop3A_1020 = tpu.unpack_subelements %parallel_loop3A_1018, 1 {pack_format = #tpu.pack_format<interleaved>} : vector<32xbf16> -> vector<16xf32>
      %parallel_loop3A_1021 = arith.index_cast %parallel_loop3A_881 : i32 to index
      %parallel_loop3A_1022 = arith.constant 64 : index
      %parallel_loop3A_1023 = tpu.vector_load %arg13[%parallel_loop3A_1021, %parallel_loop3A_1022] {strides = array<i32>} : memref<64x192xf32, #tpu.memory_space<vmem>>, vector<16xf32>,
      %parallel_loop3A_1024 = arith.addf %parallel_loop3A_1019, %parallel_loop3A_1023 : vector<16xf32>
      %parallel_loop3A_1025 = arith.index_cast %parallel_loop3A_881 : i32 to index
      %parallel_loop3A_1026 = arith.constant 80 : index
      %parallel_loop3A_1027 = tpu.vector_load %arg13[%parallel_loop3A_1025, %parallel_loop3A_1026] {strides = array<i32>} : memref<64x192xf32, #tpu.memory_space<vmem>>, vector<16xf32>,
      %parallel_loop3A_1028 = arith.addf %parallel_loop3A_1020, %parallel_loop3A_1027 : vector<16xf32>
      %parallel_loop3A_1029 = arith.index_cast %parallel_loop3A_881 : i32 to index
      %parallel_loop3A_1030 = arith.constant 64 : index
      %parallel_loop3A_1031 = tpu.vector_load %arg15[%parallel_loop3A_1029, %parallel_loop3A_1030] {strides = array<i32>} : memref<64x192xf32, #tpu.memory_space<vmem>>, vector<16xf32>,
      tpu.vector_store %arg15[%parallel_loop3A_1029, %parallel_loop3A_1030], %parallel_loop3A_1024 {strides = array<i32>} : memref<64x192xf32, #tpu.memory_space<vmem>>, vector<16xf32>,
      %parallel_loop3A_1032 = arith.index_cast %parallel_loop3A_881 : i32 to index
      %parallel_loop3A_1033 = arith.constant 80 : index
      %parallel_loop3A_1034 = tpu.vector_load %arg15[%parallel_loop3A_1032, %parallel_loop3A_1033] {strides = array<i32>} : memref<64x192xf32, #tpu.memory_space<vmem>>, vector<16xf32>,
      tpu.vector_store %arg15[%parallel_loop3A_1032, %parallel_loop3A_1033], %parallel_loop3A_1028 {strides = array<i32>} : memref<64x192xf32, #tpu.memory_space<vmem>>, vector<16xf32>,
      %parallel_loop3A_1035 = arith.constant 0 : i32
      %parallel_loop3A_1036 = arith.addi %parallel_loop3A_1035, %parallel_loop3A_881 : i32
      %parallel_loop3A_1037 = arith.index_cast %parallel_loop3A_1036 : i32 to index
      %parallel_loop3A_1038 = arith.constant 96 : index
      %parallel_loop3A_1039 = tpu.vector_load %arg11[%parallel_loop3A_1037, %parallel_loop3A_1038] {strides = array<i32>} : memref<384x192xbf16, #tpu.memory_space<vmem>>, vector<32xbf16>,
      %parallel_loop3A_1040 = arith.constant 64 : i32
      %parallel_loop3A_1041 = arith.addi %parallel_loop3A_1040, %parallel_loop3A_881 : i32
      %parallel_loop3A_1042 = arith.index_cast %parallel_loop3A_1041 : i32 to index
      %parallel_loop3A_1043 = arith.constant 96 : index
      %parallel_loop3A_1044 = tpu.vector_load %arg11[%parallel_loop3A_1042, %parallel_loop3A_1043] {strides = array<i32>} : memref<384x192xbf16, #tpu.memory_space<vmem>>, vector<32xbf16>,
      %parallel_loop3A_1045 = arith.addf %parallel_loop3A_1039, %parallel_loop3A_1044 : vector<32xbf16>
      %parallel_loop3A_1046 = arith.constant 128 : i32
      %parallel_loop3A_1047 = arith.addi %parallel_loop3A_1046, %parallel_loop3A_881 : i32
      %parallel_loop3A_1048 = arith.index_cast %parallel_loop3A_1047 : i32 to index
      %parallel_loop3A_1049 = arith.constant 96 : index
      %parallel_loop3A_1050 = tpu.vector_load %arg11[%parallel_loop3A_1048, %parallel_loop3A_1049] {strides = array<i32>} : memref<384x192xbf16, #tpu.memory_space<vmem>>, vector<32xbf16>,
      %parallel_loop3A_1051 = arith.addf %parallel_loop3A_1045, %parallel_loop3A_1050 : vector<32xbf16>
      %parallel_loop3A_1052 = arith.constant 192 : i32
      %parallel_loop3A_1053 = arith.addi %parallel_loop3A_1052, %parallel_loop3A_881 : i32
      %parallel_loop3A_1054 = arith.index_cast %parallel_loop3A_1053 : i32 to index
      %parallel_loop3A_1055 = arith.constant 96 : index
      %parallel_loop3A_1056 = tpu.vector_load %arg11[%parallel_loop3A_1054, %parallel_loop3A_1055] {strides = array<i32>} : memref<384x192xbf16, #tpu.memory_space<vmem>>, vector<32xbf16>,
      %parallel_loop3A_1057 = arith.addf %parallel_loop3A_1051, %parallel_loop3A_1056 : vector<32xbf16>
      %parallel_loop3A_1058 = arith.constant 256 : i32
      %parallel_loop3A_1059 = arith.addi %parallel_loop3A_1058, %parallel_loop3A_881 : i32
      %parallel_loop3A_1060 = arith.index_cast %parallel_loop3A_1059 : i32 to index
      %parallel_loop3A_1061 = arith.constant 96 : index
      %parallel_loop3A_1062 = tpu.vector_load %arg11[%parallel_loop3A_1060, %parallel_loop3A_1061] {strides = array<i32>} : memref<384x192xbf16, #tpu.memory_space<vmem>>, vector<32xbf16>,
      %parallel_loop3A_1063 = arith.addf %parallel_loop3A_1057, %parallel_loop3A_1062 : vector<32xbf16>
      %parallel_loop3A_1064 = arith.constant 320 : i32
      %parallel_loop3A_1065 = arith.addi %parallel_loop3A_1064, %parallel_loop3A_881 : i32
      %parallel_loop3A_1066 = arith.index_cast %parallel_loop3A_1065 : i32 to index
      %parallel_loop3A_1067 = arith.constant 96 : index
      %parallel_loop3A_1068 = tpu.vector_load %arg11[%parallel_loop3A_1066, %parallel_loop3A_1067] {strides = array<i32>} : memref<384x192xbf16, #tpu.memory_space<vmem>>, vector<32xbf16>,
      %parallel_loop3A_1069 = arith.addf %parallel_loop3A_1063, %parallel_loop3A_1068 : vector<32xbf16>
      %parallel_loop3A_1070 = tpu.unpack_subelements %parallel_loop3A_1069, 0 {pack_format = #tpu.pack_format<interleaved>} : vector<32xbf16> -> vector<16xf32>
      %parallel_loop3A_1071 = tpu.unpack_subelements %parallel_loop3A_1069, 1 {pack_format = #tpu.pack_format<interleaved>} : vector<32xbf16> -> vector<16xf32>
      %parallel_loop3A_1072 = arith.index_cast %parallel_loop3A_881 : i32 to index
      %parallel_loop3A_1073 = arith.constant 96 : index
      %parallel_loop3A_1074 = tpu.vector_load %arg13[%parallel_loop3A_1072, %parallel_loop3A_1073] {strides = array<i32>} : memref<64x192xf32, #tpu.memory_space<vmem>>, vector<16xf32>,
      %parallel_loop3A_1075 = arith.addf %parallel_loop3A_1070, %parallel_loop3A_1074 : vector<16xf32>
      %parallel_loop3A_1076 = arith.index_cast %parallel_loop3A_881 : i32 to index
      %parallel_loop3A_1077 = arith.constant 112 : index
      %parallel_loop3A_1078 = tpu.vector_load %arg13[%parallel_loop3A_1076, %parallel_loop3A_1077] {strides = array<i32>} : memref<64x192xf32, #tpu.memory_space<vmem>>, vector<16xf32>,
      %parallel_loop3A_1079 = arith.addf %parallel_loop3A_1071, %parallel_loop3A_1078 : vector<16xf32>
      %parallel_loop3A_1080 = arith.index_cast %parallel_loop3A_881 : i32 to index
      %parallel_loop3A_1081 = arith.constant 96 : index
      %parallel_loop3A_1082 = tpu.vector_load %arg15[%parallel_loop3A_1080, %parallel_loop3A_1081] {strides = array<i32>} : memref<64x192xf32, #tpu.memory_space<vmem>>, vector<16xf32>,
      tpu.vector_store %arg15[%parallel_loop3A_1080, %parallel_loop3A_1081], %parallel_loop3A_1075 {strides = array<i32>} : memref<64x192xf32, #tpu.memory_space<vmem>>, vector<16xf32>,
      %parallel_loop3A_1083 = arith.index_cast %parallel_loop3A_881 : i32 to index
      %parallel_loop3A_1084 = arith.constant 112 : index
      %parallel_loop3A_1085 = tpu.vector_load %arg15[%parallel_loop3A_1083, %parallel_loop3A_1084] {strides = array<i32>} : memref<64x192xf32, #tpu.memory_space<vmem>>, vector<16xf32>,
      tpu.vector_store %arg15[%parallel_loop3A_1083, %parallel_loop3A_1084], %parallel_loop3A_1079 {strides = array<i32>} : memref<64x192xf32, #tpu.memory_space<vmem>>, vector<16xf32>,
      %parallel_loop3A_1086 = arith.constant 0 : i32
      %parallel_loop3A_1087 = arith.addi %parallel_loop3A_1086, %parallel_loop3A_881 : i32
      %parallel_loop3A_1088 = arith.index_cast %parallel_loop3A_1087 : i32 to index
      %parallel_loop3A_1089 = arith.constant 128 : index
      %parallel_loop3A_1090 = tpu.vector_load %arg11[%parallel_loop3A_1088, %parallel_loop3A_1089] {strides = array<i32>} : memref<384x192xbf16, #tpu.memory_space<vmem>>, vector<32xbf16>,
      %parallel_loop3A_1091 = arith.constant 64 : i32
      %parallel_loop3A_1092 = arith.addi %parallel_loop3A_1091, %parallel_loop3A_881 : i32
      %parallel_loop3A_1093 = arith.index_cast %parallel_loop3A_1092 : i32 to index
      %parallel_loop3A_1094 = arith.constant 128 : index
      %parallel_loop3A_1095 = tpu.vector_load %arg11[%parallel_loop3A_1093, %parallel_loop3A_1094] {strides = array<i32>} : memref<384x192xbf16, #tpu.memory_space<vmem>>, vector<32xbf16>,
      %parallel_loop3A_1096 = arith.addf %parallel_loop3A_1090, %parallel_loop3A_1095 : vector<32xbf16>
      %parallel_loop3A_1097 = arith.constant 128 : i32
      %parallel_loop3A_1098 = arith.addi %parallel_loop3A_1097, %parallel_loop3A_881 : i32
      %parallel_loop3A_1099 = arith.index_cast %parallel_loop3A_1098 : i32 to index
      %parallel_loop3A_1100 = arith.constant 128 : index
      %parallel_loop3A_1101 = tpu.vector_load %arg11[%parallel_loop3A_1099, %parallel_loop3A_1100] {strides = array<i32>} : memref<384x192xbf16, #tpu.memory_space<vmem>>, vector<32xbf16>,
      %parallel_loop3A_1102 = arith.addf %parallel_loop3A_1096, %parallel_loop3A_1101 : vector<32xbf16>
      %parallel_loop3A_1103 = arith.constant 192 : i32
      %parallel_loop3A_1104 = arith.addi %parallel_loop3A_1103, %parallel_loop3A_881 : i32
      %parallel_loop3A_1105 = arith.index_cast %parallel_loop3A_1104 : i32 to index
      %parallel_loop3A_1106 = arith.constant 128 : index
      %parallel_loop3A_1107 = tpu.vector_load %arg11[%parallel_loop3A_1105, %parallel_loop3A_1106] {strides = array<i32>} : memref<384x192xbf16, #tpu.memory_space<vmem>>, vector<32xbf16>,
      %parallel_loop3A_1108 = arith.addf %parallel_loop3A_1102, %parallel_loop3A_1107 : vector<32xbf16>
      %parallel_loop3A_1109 = arith.constant 256 : i32
      %parallel_loop3A_1110 = arith.addi %parallel_loop3A_1109, %parallel_loop3A_881 : i32
      %parallel_loop3A_1111 = arith.index_cast %parallel_loop3A_1110 : i32 to index
      %parallel_loop3A_1112 = arith.constant 128 : index
      %parallel_loop3A_1113 = tpu.vector_load %arg11[%parallel_loop3A_1111, %parallel_loop3A_1112] {strides = array<i32>} : memref<384x192xbf16, #tpu.memory_space<vmem>>, vector<32xbf16>,
      %parallel_loop3A_1114 = arith.addf %parallel_loop3A_1108, %parallel_loop3A_1113 : vector<32xbf16>
      %parallel_loop3A_1115 = arith.constant 320 : i32
      %parallel_loop3A_1116 = arith.addi %parallel_loop3A_1115, %parallel_loop3A_881 : i32
      %parallel_loop3A_1117 = arith.index_cast %parallel_loop3A_1116 : i32 to index
      %parallel_loop3A_1118 = arith.constant 128 : index
      %parallel_loop3A_1119 = tpu.vector_load %arg11[%parallel_loop3A_1117, %parallel_loop3A_1118] {strides = array<i32>} : memref<384x192xbf16, #tpu.memory_space<vmem>>, vector<32xbf16>,
      %parallel_loop3A_1120 = arith.addf %parallel_loop3A_1114, %parallel_loop3A_1119 : vector<32xbf16>
      %parallel_loop3A_1121 = tpu.unpack_subelements %parallel_loop3A_1120, 0 {pack_format = #tpu.pack_format<interleaved>} : vector<32xbf16> -> vector<16xf32>
      %parallel_loop3A_1122 = tpu.unpack_subelements %parallel_loop3A_1120, 1 {pack_format = #tpu.pack_format<interleaved>} : vector<32xbf16> -> vector<16xf32>
      %parallel_loop3A_1123 = arith.index_cast %parallel_loop3A_881 : i32 to index
      %parallel_loop3A_1124 = arith.constant 128 : index
      %parallel_loop3A_1125 = tpu.vector_load %arg13[%parallel_loop3A_1123, %parallel_loop3A_1124] {strides = array<i32>} : memref<64x192xf32, #tpu.memory_space<vmem>>, vector<16xf32>,
      %parallel_loop3A_1126 = arith.addf %parallel_loop3A_1121, %parallel_loop3A_1125 : vector<16xf32>
      %parallel_loop3A_1127 = arith.index_cast %parallel_loop3A_881 : i32 to index
      %parallel_loop3A_1128 = arith.constant 144 : index
      %parallel_loop3A_1129 = tpu.vector_load %arg13[%parallel_loop3A_1127, %parallel_loop3A_1128] {strides = array<i32>} : memref<64x192xf32, #tpu.memory_space<vmem>>, vector<16xf32>,
      %parallel_loop3A_1130 = arith.addf %parallel_loop3A_1122, %parallel_loop3A_1129 : vector<16xf32>
      %parallel_loop3A_1131 = arith.index_cast %parallel_loop3A_881 : i32 to index
      %parallel_loop3A_1132 = arith.constant 128 : index
      %parallel_loop3A_1133 = tpu.vector_load %arg15[%parallel_loop3A_1131, %parallel_loop3A_1132] {strides = array<i32>} : memref<64x192xf32, #tpu.memory_space<vmem>>, vector<16xf32>,
      tpu.vector_store %arg15[%parallel_loop3A_1131, %parallel_loop3A_1132], %parallel_loop3A_1126 {strides = array<i32>} : memref<64x192xf32, #tpu.memory_space<vmem>>, vector<16xf32>,
      %parallel_loop3A_1134 = arith.index_cast %parallel_loop3A_881 : i32 to index
      %parallel_loop3A_1135 = arith.constant 144 : index
      %parallel_loop3A_1136 = tpu.vector_load %arg15[%parallel_loop3A_1134, %parallel_loop3A_1135] {strides = array<i32>} : memref<64x192xf32, #tpu.memory_space<vmem>>, vector<16xf32>,
      tpu.vector_store %arg15[%parallel_loop3A_1134, %parallel_loop3A_1135], %parallel_loop3A_1130 {strides = array<i32>} : memref<64x192xf32, #tpu.memory_space<vmem>>, vector<16xf32>,
      %parallel_loop3A_1137 = arith.constant 0 : i32
      %parallel_loop3A_1138 = arith.addi %parallel_loop3A_1137, %parallel_loop3A_881 : i32
      %parallel_loop3A_1139 = arith.index_cast %parallel_loop3A_1138 : i32 to index
      %parallel_loop3A_1140 = arith.constant 160 : index
      %parallel_loop3A_1141 = tpu.vector_load %arg11[%parallel_loop3A_1139, %parallel_loop3A_1140] {strides = array<i32>} : memref<384x192xbf16, #tpu.memory_space<vmem>>, vector<32xbf16>,
      %parallel_loop3A_1142 = arith.constant 64 : i32
      %parallel_loop3A_1143 = arith.addi %parallel_loop3A_1142, %parallel_loop3A_881 : i32
      %parallel_loop3A_1144 = arith.index_cast %parallel_loop3A_1143 : i32 to index
      %parallel_loop3A_1145 = arith.constant 160 : index
      %parallel_loop3A_1146 = tpu.vector_load %arg11[%parallel_loop3A_1144, %parallel_loop3A_1145] {strides = array<i32>} : memref<384x192xbf16, #tpu.memory_space<vmem>>, vector<32xbf16>,
      %parallel_loop3A_1147 = arith.addf %parallel_loop3A_1141, %parallel_loop3A_1146 : vector<32xbf16>
      %parallel_loop3A_1148 = arith.constant 128 : i32
      %parallel_loop3A_1149 = arith.addi %parallel_loop3A_1148, %parallel_loop3A_881 : i32
      %parallel_loop3A_1150 = arith.index_cast %parallel_loop3A_1149 : i32 to index
      %parallel_loop3A_1151 = arith.constant 160 : index
      %parallel_loop3A_1152 = tpu.vector_load %arg11[%parallel_loop3A_1150, %parallel_loop3A_1151] {strides = array<i32>} : memref<384x192xbf16, #tpu.memory_space<vmem>>, vector<32xbf16>,
      %parallel_loop3A_1153 = arith.addf %parallel_loop3A_1147, %parallel_loop3A_1152 : vector<32xbf16>
      %parallel_loop3A_1154 = arith.constant 192 : i32
      %parallel_loop3A_1155 = arith.addi %parallel_loop3A_1154, %parallel_loop3A_881 : i32
      %parallel_loop3A_1156 = arith.index_cast %parallel_loop3A_1155 : i32 to index
      %parallel_loop3A_1157 = arith.constant 160 : index
      %parallel_loop3A_1158 = tpu.vector_load %arg11[%parallel_loop3A_1156, %parallel_loop3A_1157] {strides = array<i32>} : memref<384x192xbf16, #tpu.memory_space<vmem>>, vector<32xbf16>,
      %parallel_loop3A_1159 = arith.addf %parallel_loop3A_1153, %parallel_loop3A_1158 : vector<32xbf16>
      %parallel_loop3A_1160 = arith.constant 256 : i32
      %parallel_loop3A_1161 = arith.addi %parallel_loop3A_1160, %parallel_loop3A_881 : i32
      %parallel_loop3A_1162 = arith.index_cast %parallel_loop3A_1161 : i32 to index
      %parallel_loop3A_1163 = arith.constant 160 : index
      %parallel_loop3A_1164 = tpu.vector_load %arg11[%parallel_loop3A_1162, %parallel_loop3A_1163] {strides = array<i32>} : memref<384x192xbf16, #tpu.memory_space<vmem>>, vector<32xbf16>,
      %parallel_loop3A_1165 = arith.addf %parallel_loop3A_1159, %parallel_loop3A_1164 : vector<32xbf16>
      %parallel_loop3A_1166 = arith.constant 320 : i32
      %parallel_loop3A_1167 = arith.addi %parallel_loop3A_1166, %parallel_loop3A_881 : i32
      %parallel_loop3A_1168 = arith.index_cast %parallel_loop3A_1167 : i32 to index
      %parallel_loop3A_1169 = arith.constant 160 : index
      %parallel_loop3A_1170 = tpu.vector_load %arg11[%parallel_loop3A_1168, %parallel_loop3A_1169] {strides = array<i32>} : memref<384x192xbf16, #tpu.memory_space<vmem>>, vector<32xbf16>,
      %parallel_loop3A_1171 = arith.addf %parallel_loop3A_1165, %parallel_loop3A_1170 : vector<32xbf16>
      %parallel_loop3A_1172 = tpu.unpack_subelements %parallel_loop3A_1171, 0 {pack_format = #tpu.pack_format<interleaved>} : vector<32xbf16> -> vector<16xf32>
      %parallel_loop3A_1173 = tpu.unpack_subelements %parallel_loop3A_1171, 1 {pack_format = #tpu.pack_format<interleaved>} : vector<32xbf16> -> vector<16xf32>
      %parallel_loop3A_1174 = arith.index_cast %parallel_loop3A_881 : i32 to index
      %parallel_loop3A_1175 = arith.constant 160 : index
      %parallel_loop3A_1176 = tpu.vector_load %arg13[%parallel_loop3A_1174, %parallel_loop3A_1175] {strides = array<i32>} : memref<64x192xf32, #tpu.memory_space<vmem>>, vector<16xf32>,
      %parallel_loop3A_1177 = arith.addf %parallel_loop3A_1172, %parallel_loop3A_1176 : vector<16xf32>
      %parallel_loop3A_1178 = arith.index_cast %parallel_loop3A_881 : i32 to index
      %parallel_loop3A_1179 = arith.constant 176 : index
      %parallel_loop3A_1180 = tpu.vector_load %arg13[%parallel_loop3A_1178, %parallel_loop3A_1179] {strides = array<i32>} : memref<64x192xf32, #tpu.memory_space<vmem>>, vector<16xf32>,
      %parallel_loop3A_1181 = arith.addf %parallel_loop3A_1173, %parallel_loop3A_1180 : vector<16xf32>
      %parallel_loop3A_1182 = arith.index_cast %parallel_loop3A_881 : i32 to index
      %parallel_loop3A_1183 = arith.constant 160 : index
      %parallel_loop3A_1184 = tpu.vector_load %arg15[%parallel_loop3A_1182, %parallel_loop3A_1183] {strides = array<i32>} : memref<64x192xf32, #tpu.memory_space<vmem>>, vector<16xf32>,
      tpu.vector_store %arg15[%parallel_loop3A_1182, %parallel_loop3A_1183], %parallel_loop3A_1177 {strides = array<i32>} : memref<64x192xf32, #tpu.memory_space<vmem>>, vector<16xf32>,
      %parallel_loop3A_1185 = arith.index_cast %parallel_loop3A_881 : i32 to index
      %parallel_loop3A_1186 = arith.constant 176 : index
      %parallel_loop3A_1187 = tpu.vector_load %arg15[%parallel_loop3A_1185, %parallel_loop3A_1186] {strides = array<i32>} : memref<64x192xf32, #tpu.memory_space<vmem>>, vector<16xf32>,
      tpu.vector_store %arg15[%parallel_loop3A_1185, %parallel_loop3A_1186], %parallel_loop3A_1181 {strides = array<i32>} : memref<64x192xf32, #tpu.memory_space<vmem>>, vector<16xf32>,
    } {sc.loop_unroll_factor = 4 : i64, sc.parallel_access}
    %add3A_867 = arith.constant 192 : i32
    %add3A_868 = arith.addi %mul3A_2, %add3A_867 : i32
    %dma_start3A_869 = arith.constant 0 : i32
    %dma_start3A_870 = tpu.memref_slice %arg6[%add3A_868, %dma_start3A_869] : memref<8192x192xf32, #tpu.memory_space<hbm>> -> memref<64x192xf32, #tpu.memory_space<hbm>>
    %dma_start3A_871 = arith.constant 0 : i32
    %dma_start3A_872 = tpu.memref_slice %arg6[%add3A_868, %dma_start3A_871] : memref<8192x192xf32, #tpu.memory_space<hbm>> -> memref<64x192xf32, #tpu.memory_space<hbm>>
    tpu.enqueue_dma source(%arg15 : memref<64x192xf32, #tpu.memory_space<vmem>>) target(%dma_start3A_872 : memref<64x192xf32, #tpu.memory_space<hbm>>) target_semaphore(%arg19 : memref<!tpu.dma_semaphore, #tpu.memory_space<semaphore_mem>>)
    %dma_wait3A_873 = arith.constant 0 : i32
    %dma_wait3A_874 = tpu.memref_slice %arg6[%add3A_826, %dma_wait3A_873] : memref<8192x192xf32, #tpu.memory_space<hbm>> -> memref<64x192xf32, #tpu.memory_space<hbm>>
    %dma_wait3A_875 = arith.constant 0 : i32
    %dma_wait3A_876 = tpu.memref_slice %arg6[%add3A_826, %dma_wait3A_875] : memref<8192x192xf32, #tpu.memory_space<hbm>> -> memref<64x192xf32, #tpu.memory_space<hbm>>
    tpu.wait_dma2 semaphore(%arg18 : memref<!tpu.dma_semaphore, #tpu.memory_space<semaphore_mem>>) src(%arg14 : memref<64x192xf32, #tpu.memory_space<vmem>>) dst(%dma_wait3A_876 : memref<64x192xf32, #tpu.memory_space<hbm>>)
    %dma_wait3A_877 = arith.constant 0 : i32
    %dma_wait3A_878 = tpu.memref_slice %arg6[%add3A_868, %dma_wait3A_877] : memref<8192x192xf32, #tpu.memory_space<hbm>> -> memref<64x192xf32, #tpu.memory_space<hbm>>
    %dma_wait3A_879 = arith.constant 0 : i32
    %dma_wait3A_880 = tpu.memref_slice %arg6[%add3A_868, %dma_wait3A_879] : memref<8192x192xf32, #tpu.memory_space<hbm>> -> memref<64x192xf32, #tpu.memory_space<hbm>>
    tpu.wait_dma2 semaphore(%arg19 : memref<!tpu.dma_semaphore, #tpu.memory_space<semaphore_mem>>) src(%arg15 : memref<64x192xf32, #tpu.memory_space<vmem>>) dst(%dma_wait3A_880 : memref<64x192xf32, #tpu.memory_space<hbm>>)
    return
  }
}

module attributes {stable_mosaic.version = 14 : i64} {
  func.func @_tc_project_body(%arg0: i32, %arg1: memref<1024x128xf32, #tpu.memory_space<vmem>>, %arg2: memref<1024x128xf32, #tpu.memory_space<vmem>>, %arg3: memref<1024x128xf32, #tpu.memory_space<vmem>>, %arg4: memref<1024x128xf32, #tpu.memory_space<vmem>>, %arg5: memref<192x128xf32, #tpu.memory_space<vmem>>, %arg6: memref<1x192xf32, #tpu.memory_space<vmem>>, %arg7: memref<1024x192xbf16, #tpu.memory_space<vmem>>) attributes {dimension_semantics = [#tpu.dimension_semantics<arbitrary>], iteration_bounds = array<i64: 6>, scalar_prefetch = 0 : i64, scratch_operands = 0 : i64, tpu.core_type = #tpu.core_type<tc>, window_params = [{pipeline_mode = #tpu.pipeline_mode<synchronous>, transform_indices = @transform_0, window_bounds = array<i64: 1024, 128>}, {pipeline_mode = #tpu.pipeline_mode<synchronous>, transform_indices = @transform_1, window_bounds = array<i64: 1024, 128>}, {pipeline_mode = #tpu.pipeline_mode<synchronous>, transform_indices = @transform_2, window_bounds = array<i64: 1024, 128>}, {pipeline_mode = #tpu.pipeline_mode<synchronous>, transform_indices = @transform_3, window_bounds = array<i64: 1024, 128>}, {transform_indices = @transform_4, window_bounds = array<i64: 192, 128>}, {pipeline_mode = #tpu.pipeline_mode<synchronous>, transform_indices = @transform_5, window_bounds = array<i64: 1, 192>}, {transform_indices = @transform_6, window_bounds = array<i64: 1024, 192>}]} {
    %eq3A = arith.constant 0 : i32
    %eq3A_0 = arith.cmpi eq, %arg0, %eq3A : i32
    %eq3A_1 = arith.constant 2 : i32
    %eq3A_2 = arith.cmpi eq, %arg0, %eq3A_1 : i32
    %or3A = arith.ori %eq3A_0, %eq3A_2 : i1
    %get3A = arith.constant 0 : index
    %get3A_3 = arith.constant 0 : index
    %get3A_4 = vector.load %arg1[%get3A, %get3A_3] : memref<1024x128xf32, #tpu.memory_space<vmem>>, vector<1024x128xf32>
    %eq3A_5 = arith.constant 1 : i32
    %eq3A_6 = arith.cmpi eq, %arg0, %eq3A_5 : i32
    %eq3A_7 = arith.constant 3 : i32
    %eq3A_8 = arith.cmpi eq, %arg0, %eq3A_7 : i32
    %or3A_9 = arith.ori %eq3A_6, %eq3A_8 : i1
    %get3A_10 = arith.constant 0 : index
    %get3A_11 = arith.constant 0 : index
    %get3A_12 = vector.load %arg2[%get3A_10, %get3A_11] : memref<1024x128xf32, #tpu.memory_space<vmem>>, vector<1024x128xf32>
    %eq3A_13 = arith.constant 4 : i32
    %eq3A_14 = arith.cmpi eq, %arg0, %eq3A_13 : i32
    %get3A_15 = arith.constant 0 : index
    %get3A_16 = arith.constant 0 : index
    %get3A_17 = vector.load %arg3[%get3A_15, %get3A_16] : memref<1024x128xf32, #tpu.memory_space<vmem>>, vector<1024x128xf32>
    %get3A_18 = arith.constant 0 : index
    %get3A_19 = arith.constant 0 : index
    %get3A_20 = vector.load %arg4[%get3A_18, %get3A_19] : memref<1024x128xf32, #tpu.memory_space<vmem>>, vector<1024x128xf32>
    %select_n3A = arith.select %eq3A_14, %get3A_17, %get3A_20 : vector<1024x128xf32>
    %select_n3A_21 = arith.select %or3A_9, %get3A_12, %select_n3A : vector<1024x128xf32>
    %select_n3A_22 = arith.select %or3A, %get3A_4, %select_n3A_21 : vector<1024x128xf32>
    %get3A_23 = arith.constant 0 : index
    %get3A_24 = arith.constant 0 : index
    %get3A_25 = vector.load %arg5[%get3A_23, %get3A_24] : memref<192x128xf32, #tpu.memory_space<vmem>>, vector<192x128xf32>
    %dot_general3A = arith.constant dense<0.000000e+00> : vector<1024x192xf32>
    %dot_general3A_26 = tpu.matmul %select_n3A_22, %get3A_25, %dot_general3A {dimension_numbers = #tpu.dot_dimension_numbers<[1], [1], [0], [0], [0, 0, 1, 0], [], []>, transpose_lhs_hint = false} : vector<1024x128xf32>, vector<192x128xf32>, vector<1024x192xf32> -> vector<1024x192xf32>
    %eq3A_27 = arith.constant 0 : i32
    %eq3A_28 = arith.cmpi eq, %arg0, %eq3A_27 : i32
    %get3A_29 = arith.constant 0 : index
    %get3A_30 = arith.constant 0 : index
    %get3A_31 = vector.load %arg6[%get3A_29, %get3A_30] : memref<1x192xf32, #tpu.memory_space<vmem>>, vector<1x192xf32>
    %jit3A = arith.constant 0.000000e+00 : f32
    %broadcast_in_dim3A = vector.broadcast %jit3A : f32 to vector<1x192xf32>
    %select_n3A_32 = arith.select %eq3A_28, %get3A_31, %broadcast_in_dim3A : vector<1x192xf32>
    %add3A = vector.broadcast %select_n3A_32 : vector<1x192xf32> to vector<1024x192xf32>
    %add3A_33 = arith.addf %dot_general3A_26, %add3A : vector<1024x192xf32>
    %iota3A = tpu.iota {dimensions = array<i32: 1>} : vector<192x192xi32>
    %iota3A_34 = tpu.iota {dimensions = array<i32: 0>} : vector<192x192xi32>
    %jit3A_35 = arith.constant 32 : i32
    %div3A = vector.broadcast %jit3A_35 : i32 to vector<192x192xi32>
    %div3A_36 = arith.divsi %iota3A, %div3A : vector<192x192xi32>
    %sign3A = arith.constant 0 : i32
    %sign3A_37 = vector.broadcast %sign3A : i32 to vector<192x192xi32>
    %sign3A_38 = arith.cmpi sgt, %iota3A, %sign3A_37 : vector<192x192xi32>
    %sign3A_39 = arith.extui %sign3A_38 : vector<192x192xi1> to vector<192x192xi32>
    %sign3A_40 = arith.constant 0 : i32
    %sign3A_41 = vector.broadcast %sign3A_40 : i32 to vector<192x192xi32>
    %sign3A_42 = arith.cmpi slt, %iota3A, %sign3A_41 : vector<192x192xi32>
    %sign3A_43 = arith.extui %sign3A_42 : vector<192x192xi1> to vector<192x192xi32>
    %sign3A_44 = arith.subi %sign3A_39, %sign3A_43 : vector<192x192xi32>
    %sign3A_45 = arith.constant 0 : i32
    %sign3A_46 = arith.cmpi sgt, %jit3A_35, %sign3A_45 : i32
    %sign3A_47 = arith.extui %sign3A_46 : i1 to i32
    %sign3A_48 = arith.constant 0 : i32
    %sign3A_49 = arith.cmpi slt, %jit3A_35, %sign3A_48 : i32
    %sign3A_50 = arith.extui %sign3A_49 : i1 to i32
    %sign3A_51 = arith.subi %sign3A_47, %sign3A_50 : i32
    %ne3A = vector.broadcast %sign3A_51 : i32 to vector<192x192xi32>
    %ne3A_52 = arith.cmpi ne, %sign3A_44, %ne3A : vector<192x192xi32>
    %rem3A = vector.broadcast %jit3A_35 : i32 to vector<192x192xi32>
    %rem3A_53 = arith.remsi %iota3A, %rem3A : vector<192x192xi32>
    %ne3A_54 = arith.constant 0 : i32
    %ne3A_55 = vector.broadcast %ne3A_54 : i32 to vector<192x192xi32>
    %ne3A_56 = arith.cmpi ne, %rem3A_53, %ne3A_55 : vector<192x192xi32>
    %and3A = arith.andi %ne3A_52, %ne3A_56 : vector<192x192xi1>
    %sub3A = arith.constant 1 : i32
    %sub3A_57 = vector.broadcast %sub3A : i32 to vector<192x192xi32>
    %sub3A_58 = arith.subi %div3A_36, %sub3A_57 : vector<192x192xi32>
    %select_n3A_59 = arith.select %and3A, %sub3A_58, %div3A_36 : vector<192x192xi1>, vector<192x192xi32>
    %mul3A = arith.constant 32 : i32
    %mul3A_60 = vector.broadcast %mul3A : i32 to vector<192x192xi32>
    %mul3A_61 = arith.muli %select_n3A_59, %mul3A_60 : vector<192x192xi32>
    %jit3A_62 = arith.constant 2 : i32
    %eq3A_63 = arith.constant 0 : i32
    %eq3A_64 = arith.cmpi eq, %jit3A_62, %eq3A_63 : i32
    %jit3A_65 = arith.constant 1 : i32
    %select_n3A_66 = arith.select %eq3A_64, %jit3A_65, %jit3A_62 : i32
    %rem3A_67 = vector.broadcast %select_n3A_66 : i32 to vector<192x192xi32>
    %rem3A_68 = arith.remsi %iota3A, %rem3A_67 : vector<192x192xi32>
    %ne3A_69 = arith.constant 0 : i32
    %ne3A_70 = vector.broadcast %ne3A_69 : i32 to vector<192x192xi32>
    %ne3A_71 = arith.cmpi ne, %rem3A_68, %ne3A_70 : vector<192x192xi32>
    %lt3A = arith.constant 0 : i32
    %lt3A_72 = vector.broadcast %lt3A : i32 to vector<192x192xi32>
    %lt3A_73 = arith.cmpi slt, %rem3A_68, %lt3A_72 : vector<192x192xi32>
    %lt3A_74 = arith.constant 0 : i32
    %lt3A_75 = arith.cmpi slt, %select_n3A_66, %lt3A_74 : i32
    %ne3A_76 = vector.broadcast %lt3A_75 : i1 to vector<192x192xi1>
    %ne3A_77 = vector.broadcast %ne3A_76 : vector<192x192xi1> to vector<192x192xi1>
    %ne3A_78 = arith.xori %lt3A_73, %ne3A_77 : vector<192x192xi1>
    %and3A_79 = arith.andi %ne3A_78, %ne3A_71 : vector<192x192xi1>
    %add3A_80 = vector.broadcast %select_n3A_66 : i32 to vector<192x192xi32>
    %add3A_81 = arith.addi %rem3A_68, %add3A_80 : vector<192x192xi32>
    %select_n3A_82 = arith.select %and3A_79, %add3A_81, %rem3A_68 : vector<192x192xi1>, vector<192x192xi32>
    %mul3A_83 = arith.constant 16 : i32
    %mul3A_84 = vector.broadcast %mul3A_83 : i32 to vector<192x192xi32>
    %mul3A_85 = arith.muli %select_n3A_82, %mul3A_84 : vector<192x192xi32>
    %add3A_86 = arith.addi %mul3A_61, %mul3A_85 : vector<192x192xi32>
    %jit3A_87 = arith.constant 32 : i32
    %eq3A_88 = arith.constant 0 : i32
    %eq3A_89 = arith.cmpi eq, %jit3A_87, %eq3A_88 : i32
    %jit3A_90 = arith.constant 1 : i32
    %select_n3A_91 = arith.select %eq3A_89, %jit3A_90, %jit3A_87 : i32
    %rem3A_92 = vector.broadcast %select_n3A_91 : i32 to vector<192x192xi32>
    %rem3A_93 = arith.remsi %iota3A, %rem3A_92 : vector<192x192xi32>
    %ne3A_94 = arith.constant 0 : i32
    %ne3A_95 = vector.broadcast %ne3A_94 : i32 to vector<192x192xi32>
    %ne3A_96 = arith.cmpi ne, %rem3A_93, %ne3A_95 : vector<192x192xi32>
    %lt3A_97 = arith.constant 0 : i32
    %lt3A_98 = vector.broadcast %lt3A_97 : i32 to vector<192x192xi32>
    %lt3A_99 = arith.cmpi slt, %rem3A_93, %lt3A_98 : vector<192x192xi32>
    %lt3A_100 = arith.constant 0 : i32
    %lt3A_101 = arith.cmpi slt, %select_n3A_91, %lt3A_100 : i32
    %ne3A_102 = vector.broadcast %lt3A_101 : i1 to vector<192x192xi1>
    %ne3A_103 = vector.broadcast %ne3A_102 : vector<192x192xi1> to vector<192x192xi1>
    %ne3A_104 = arith.xori %lt3A_99, %ne3A_103 : vector<192x192xi1>
    %and3A_105 = arith.andi %ne3A_104, %ne3A_96 : vector<192x192xi1>
    %add3A_106 = vector.broadcast %select_n3A_91 : i32 to vector<192x192xi32>
    %add3A_107 = arith.addi %rem3A_93, %add3A_106 : vector<192x192xi32>
    %select_n3A_108 = arith.select %and3A_105, %add3A_107, %rem3A_93 : vector<192x192xi1>, vector<192x192xi32>
    %jit3A_109 = arith.constant 2 : i32
    %div3A_110 = vector.broadcast %jit3A_109 : i32 to vector<192x192xi32>
    %div3A_111 = arith.divsi %select_n3A_108, %div3A_110 : vector<192x192xi32>
    %sign3A_112 = arith.constant 0 : i32
    %sign3A_113 = vector.broadcast %sign3A_112 : i32 to vector<192x192xi32>
    %sign3A_114 = arith.cmpi sgt, %select_n3A_108, %sign3A_113 : vector<192x192xi32>
    %sign3A_115 = arith.extui %sign3A_114 : vector<192x192xi1> to vector<192x192xi32>
    %sign3A_116 = arith.constant 0 : i32
    %sign3A_117 = vector.broadcast %sign3A_116 : i32 to vector<192x192xi32>
    %sign3A_118 = arith.cmpi slt, %select_n3A_108, %sign3A_117 : vector<192x192xi32>
    %sign3A_119 = arith.extui %sign3A_118 : vector<192x192xi1> to vector<192x192xi32>
    %sign3A_120 = arith.subi %sign3A_115, %sign3A_119 : vector<192x192xi32>
    %sign3A_121 = arith.constant 0 : i32
    %sign3A_122 = arith.cmpi sgt, %jit3A_109, %sign3A_121 : i32
    %sign3A_123 = arith.extui %sign3A_122 : i1 to i32
    %sign3A_124 = arith.constant 0 : i32
    %sign3A_125 = arith.cmpi slt, %jit3A_109, %sign3A_124 : i32
    %sign3A_126 = arith.extui %sign3A_125 : i1 to i32
    %sign3A_127 = arith.subi %sign3A_123, %sign3A_126 : i32
    %ne3A_128 = vector.broadcast %sign3A_127 : i32 to vector<192x192xi32>
    %ne3A_129 = arith.cmpi ne, %sign3A_120, %ne3A_128 : vector<192x192xi32>
    %rem3A_130 = vector.broadcast %jit3A_109 : i32 to vector<192x192xi32>
    %rem3A_131 = arith.remsi %select_n3A_108, %rem3A_130 : vector<192x192xi32>
    %ne3A_132 = arith.constant 0 : i32
    %ne3A_133 = vector.broadcast %ne3A_132 : i32 to vector<192x192xi32>
    %ne3A_134 = arith.cmpi ne, %rem3A_131, %ne3A_133 : vector<192x192xi32>
    %and3A_135 = arith.andi %ne3A_129, %ne3A_134 : vector<192x192xi1>
    %sub3A_136 = arith.constant 1 : i32
    %sub3A_137 = vector.broadcast %sub3A_136 : i32 to vector<192x192xi32>
    %sub3A_138 = arith.subi %div3A_111, %sub3A_137 : vector<192x192xi32>
    %select_n3A_139 = arith.select %and3A_135, %sub3A_138, %div3A_111 : vector<192x192xi1>, vector<192x192xi32>
    %add3A_140 = arith.addi %add3A_86, %select_n3A_139 : vector<192x192xi32>
    %eq3A_141 = arith.cmpi eq, %iota3A_34, %add3A_140 : vector<192x192xi32>
    %convert_element_type3A = arith.extui %eq3A_141 : vector<192x192xi1> to vector<192x192xi32>
    %convert_element_type3A_142 = arith.sitofp %convert_element_type3A : vector<192x192xi32> to vector<192x192xf32>
    %dot_general3A_143 = arith.constant dense<0.000000e+00> : vector<1024x192xf32>
    %dot_general3A_144 = tpu.matmul %add3A_33, %convert_element_type3A_142, %dot_general3A_143 {dimension_numbers = #tpu.dot_dimension_numbers<[1], [0], [0], [1], [0, 0, 1, 1], [], []>, transpose_lhs_hint = false} : vector<1024x192xf32>, vector<192x192xf32>, vector<1024x192xf32> -> vector<1024x192xf32>
    %convert_element_type3A_145 = arith.truncf %dot_general3A_144 : vector<1024x192xf32> to vector<1024x192xbf16>
    %swap3A = arith.constant 0 : index
    %swap3A_146 = arith.constant 0 : index
    %swap3A_147 = vector.load %arg7[%swap3A, %swap3A_146] : memref<1024x192xbf16, #tpu.memory_space<vmem>>, vector<1024x192xbf16>
    tpu.vector_store %arg7[%swap3A, %swap3A_146], %convert_element_type3A_145 {strides = array<i32>} : memref<1024x192xbf16, #tpu.memory_space<vmem>>, vector<1024x192xbf16>,
    return
  }
  func.func @transform_0(%arg0: i32) -> (i32, i32) {
    %c0_i32 = arith.constant 0 : i32
    %c0_i32_0 = arith.constant 0 : i32
    %c0_i32_1 = arith.constant 0 : i32
    return %c0_i32, %c0_i32_0 : i32, i32
  }
  func.func @transform_1(%arg0: i32) -> (i32, i32) {
    %c0_i32 = arith.constant 0 : i32
    %c0_i32_0 = arith.constant 0 : i32
    %c0_i32_1 = arith.constant 0 : i32
    return %c0_i32, %c0_i32_0 : i32, i32
  }
  func.func @transform_2(%arg0: i32) -> (i32, i32) {
    %c0_i32 = arith.constant 0 : i32
    %c0_i32_0 = arith.constant 0 : i32
    %c0_i32_1 = arith.constant 0 : i32
    return %c0_i32, %c0_i32_0 : i32, i32
  }
  func.func @transform_3(%arg0: i32) -> (i32, i32) {
    %c0_i32 = arith.constant 0 : i32
    %c0_i32_0 = arith.constant 0 : i32
    %c0_i32_1 = arith.constant 0 : i32
    return %c0_i32, %c0_i32_0 : i32, i32
  }
  func.func @transform_4(%arg0: i32) -> (i32, i32) {
    %c0_i32 = arith.constant 0 : i32
    %c0_i32_0 = arith.constant 0 : i32
    return %c0_i32, %arg0 : i32, i32
  }
  func.func @transform_5(%arg0: i32) -> (i32, i32) {
    %c0_i32 = arith.constant 0 : i32
    %c0_i32_0 = arith.constant 0 : i32
    %c0_i32_1 = arith.constant 0 : i32
    return %c0_i32, %c0_i32_0 : i32, i32
  }
  func.func @transform_6(%arg0: i32) -> (i32, i32) {
    %c0_i32 = arith.constant 0 : i32
    %c0_i32_0 = arith.constant 0 : i32
    return %arg0, %c0_i32 : i32, i32
  }
}

</mosaic_0001>

<sc_bundles>
// kernel: kernel.4.cloned.1.call-start
scs
__scs_entry_jumppad:
0x0: {  	(pc) =	sbr.rel $0x88, $3  }
0x1: {  	(tag) =	ssettag $0x0;
	lr =	simm.s32 $0x1  }
0x2: {  	[smem:$0x3F98] =	sst lr;
	_ =	strace $0xD0000000  }
0x3: {  	_ = 	snop  }
0x4: {  	_ = 	snop  }
0x5: {  	_ = 	snop  }
0x6: {  	_ = 	snop  }
0x7: {  	_ = 	snop  }
__scs_overlays_trampoline_lowered:
0x8: {  	[smem:$0x3FA7] =	sst s0  }
0x9: {  	[smem:$0x3FA8] =	sst s1  }
0xa: {  	[smem:$0x3FA9] =	sst s2  }
0xb: {  	[smem:$0x3FAA] =	sst s3  }
0xc: {  	[smem:$0x3FAB] =	sst s4  }
0xd: {  	[smem:$0x3FAC] =	sst s5  }
0xe: {  	[smem:$0x3FAD] =	sst s6  }
0xf: {  	[smem:$0x3FAE] =	sst s7  }
0x10: {  	[smem:$0x3FAF] =	sst s8  }
0x11: {  	[smem:$0x3FB0] =	sst s9;
	s0 =	simm.s32 @!p0 $0x0  }
0x12: {  	s1 =	sld [smem:$0x3F96];
	s0 =	simm.s32 @p0 $0x1  }
0x13: {  	[smem:$0x3FB1] =	sst s0;
	s0 =	simm.s32 @!p1 $0x0  }
0x14: {  	s2 =	sld [smem:$0x3F95];
	s0 =	simm.s32 @p1 $0x1  }
0x15: {  	[smem:$0x3FB2] =	sst s0;
	s0 =	simm.s32 @!p2 $0x0  }
0x16: {  	s3 =	sld [smem:$0x3FDB];
	s0 =	simm.s32 @p2 $0x1  }
0x17: {  	s4 =	simm.s32 $0x1BF5;
	[smem:$0x3FB4] =	sst s0  }
0x18: {  	s0 =	sld [smem:$0x3F97];
	_ =	swait.ge [sflag:s4], $0x0  }
0x19: {  	s7 =	sld [smem:$0x3F98]  }
0x1a: {  	s8 =	sadd.s32 $0xFFFFE003, lr  }
0x1b: {  	s9 =	sadd.s32 $0xFFFFFEF7, lr;
	s5 =	simm.s32 $0xFFFFFFFF;
	p2 =	slt.u32 s8, $0xFFFFF086  }
0x1c: {  	p1 =	slt.u32 s9, $0xF7A;
	s5 =	simm.s32 @!p2 $0x0  }
0x1d: {  	s5 =	simm.s32 @p1 $0x1;
	p0 =	seq.s32 s7, s2  }
0x1e: {  	s7 =	smul.u32 @!p0 $0xF7A, s2;
	p2 =	seq.s32 @!p0 s5, $0x0  }
0x1f: {  	s9 =	smul.u32 $0xF7A, s1;
	s8 =	simm.s32 @!p0 $0x1BF5;
	p2 =	por !p2, p0  }
0x20: {  	[sflag:s8] =	ssyncset.s32 @!p0 $0xFFFFF086;
	s6 =	sadd.s32 @!p0 s3, s7;
	s7 =	simm.s32 @!p0 $0x108  }
0x21: {  	s3 =	sadd.s32 s3, s9;
	s6 =	sadd.s32 @!p0 $0x88, s6;
	s7 =	simm.s32 @p2 $0x1082  }
0x22: {  	[simem:s7], [sflag:s8] =	dma.local @!p0 [hbm:s6], $0xF7A  }
0x23: {  	s9 =	sor.u32 $0xD0000000, s2;
	s6 =	simm.s32 $0x108;
	_ =	swait.ge @!p0 [sflag:s8], $0x0  }
0x24: {  	s3 =	sadd.s32 $0x88, s3;
	s6 =	simm.s32 @!p1 $0x1082;
	[sflag:s4] =	ssyncset.s32 $0xFFFFF086  }
0x25: {  	[simem:s6], [sflag:s4] =	dma.local [hbm:s3], $0xF7A  }
0x26: {  	[smem:$0x3F98] =	sst s1;
	(tag) =	ssettag s2;
	_ =	strace s9  }
0x27: {  	s1 =	sld [smem:$0x3FA8]  }
0x28: {  	s2 =	sld [smem:$0x3FA9]  }
0x29: {  	s4 =	sld [smem:$0x3FAB]  }
0x2a: {  	p0 =	seq.s32 s5, $0x0;
	s5 =	sld [smem:$0x3FAC]  }
0x2b: {  	s6 =	sld [smem:$0x3FAD]  }
0x2c: {  	s7 =	sld [smem:$0x3FAE]  }
0x2d: {  	s3 =	simm.s32 $0x108;
	s8 =	sld [smem:$0x3FAF]  }
0x2e: {  	s3 =	simm.s32 @!p0 $0x1082;
	s9 =	sld [smem:$0x3FB0]  }
0x2f: {  	lr =	sadd.s32 s0, s3;
	s0 =	sld [smem:$0x3FA7]  }
0x30: {  	s3 =	sld [smem:$0x3FAA]  }
0x31: {  	[smem:$0x3FB3] =	sst s10  }
0x32: {  	s10 =	sld [smem:$0x3FB1];
	_ =	sdelay $0x3  }
0x33: {  	p0 =	seq.s32 s10, $0x1;
	s10 =	sld [smem:$0x3FB3];
	_ =	sdelay $0x3  }
0x34: {  	[smem:$0x3FB3] =	sst s10  }
0x35: {  	s10 =	sld [smem:$0x3FB2];
	_ =	sdelay $0x3  }
0x36: {  	p1 =	seq.s32 s10, $0x1;
	s10 =	sld [smem:$0x3FB3];
	_ =	sdelay $0x3  }
0x37: {  	[smem:$0x3FB3] =	sst s10  }
0x38: {  	s10 =	sld [smem:$0x3FB4]  }
0x39: {  	_ = 	snop;
	(pc) =	sbr.ind lr, $3  }
0x3a: {  	_ = 	snop  }
0x3b: {  	_ = 	snop  }
0x3c: {  	p2 =	seq.s32 s10, $0x1;
	s10 =	sld [smem:$0x3FB3]  }
0x3d: {  	_ =	shalt  }
0x3e: {  	_ =	shalt  }
0x3f: {  	_ =	shalt  }
0x40: {  	_ =	shalt  }
0x41: {  	_ =	shalt  }
0x42: {  	_ =	shalt  }
0x43: {  	_ =	shalt  }
0x44: {  	_ =	shalt  }
0x45: {  	_ =	shalt  }
0x46: {  	_ =	shalt  }
0x47: {  	_ =	shalt  }
0x48: {  	_ =	shalt  }
0x49: {  	_ =	shalt  }
0x4a: {  	_ =	shalt  }
0x4b: {  	_ =	shalt  }
0x4c: {  	_ =	shalt  }
0x4d: {  	_ =	shalt  }
0x4e: {  	_ =	shalt  }
0x4f: {  	_ =	shalt  }
0x50: {  	_ =	shalt  }
0x51: {  	_ =	shalt  }
0x52: {  	_ =	shalt  }
0x53: {  	_ =	shalt  }
0x54: {  	_ =	shalt  }
0x55: {  	_ =	shalt  }
0x56: {  	_ =	shalt  }
0x57: {  	_ =	shalt  }
0x58: {  	_ =	shalt  }
0x59: {  	_ =	shalt  }
0x5a: {  	_ =	shalt  }
0x5b: {  	_ =	shalt  }
0x5c: {  	_ =	shalt  }
0x5d: {  	_ =	shalt  }
0x5e: {  	_ =	shalt  }
0x5f: {  	_ =	shalt  }
0x60: {  	_ =	shalt  }
0x61: {  	_ =	shalt  }
0x62: {  	_ =	shalt  }
0x63: {  	_ =	shalt  }
0x64: {  	_ =	shalt  }
0x65: {  	_ =	shalt  }
0x66: {  	_ =	shalt  }
0x67: {  	_ =	shalt  }
0x68: {  	_ =	shalt  }
0x69: {  	_ =	shalt  }
0x6a: {  	_ =	shalt  }
0x6b: {  	_ =	shalt  }
0x6c: {  	_ =	shalt  }
0x6d: {  	_ =	shalt  }
0x6e: {  	_ =	shalt  }
0x6f: {  	_ =	shalt  }
0x70: {  	_ =	shalt  }
0x71: {  	_ =	shalt  }
0x72: {  	_ =	shalt  }
0x73: {  	_ =	shalt  }
0x74: {  	_ =	shalt  }
0x75: {  	_ =	shalt  }
0x76: {  	_ =	shalt  }
0x77: {  	_ =	shalt  }
0x78: {  	_ =	shalt  }
0x79: {  	_ =	shalt  }
0x7a: {  	_ =	shalt  }
0x7b: {  	_ =	shalt  }
0x7c: {  	_ =	shalt  }
0x7d: {  	_ =	shalt  }
0x7e: {  	_ =	shalt  }
0x7f: {  	_ =	shalt  }
0x80: {  	_ =	shalt  }
0x81: {  	_ =	shalt  }
0x82: {  	_ =	shalt  }
0x83: {  	_ =	shalt  }
0x84: {  	_ =	shalt  }
0x85: {  	_ =	shalt  }
0x86: {  	_ =	shalt  }
0x87: {  	_ =	shalt  }
.Lfunc_end0:
.L_simem_size_0:
called_computation_lowered:
.L_overlay_start_0:
0x88: {  	s2 =	sld [smem:$0x3FD9]  }
0x89: {  	s3 =	sld [smem:$0x3FFE];
	_ =	sdelay $0x1  }
0x8a: {  	s1 =	srdreg.scid  }
0x8b: {  	s0 =	sand.u32 $0x1, s1  }
0x8c: {  	s17 =	sshll.u32 s0, $0xA;
	s2 =	sadd.s32 s3, s2  }
0x8d: {  	s2 =	sadd.s32 s2, s17  }
0x8e: {  	[smem:$0x3FBF] =	sst s2  }
0x8f: {  	_ = 	snop  }
0x90: {  	s2 =	sld [smem:$0x3FD0];
	(tm) =	ssettm $0x1  }
0x91: {  	s18 =	sld [smem:$0x3FFB];
	_ =	sdelay $0x3  }
0x92: {  	_ =	strace s18  }
0x93: {  	s3 =	sld [smem:$0x3FFC];
	_ =	sdelay $0x3  }
0x94: {  	_ =	strace s3  }
0x95: {  	s3 =	sld [smem:$0x3FFD];
	_ =	sdelay $0x3  }
0x96: {  	_ =	strace s3  }
0x97: {  	_ =	strace $0x8FFFFFFF  }
0x98: {  	s19 =	sld [smem:$0x3FDB];
	_ =	sdelay $0x1  }
0x99: {  	s4 =	simm.s32 $_scs_section_size  }
0x9a: {  	s5 =	simm.s32 $_size__tile_overlayer_lowered;
	s6 =	simm.s32 $_tile_overlayer_lowered  }
0x9b: {  	s22 =	simm.s32 $0x1BFF;
	s21 =	sshll.u32 s6, $0x1;
	s3 =	sadd.s32 s4, s19  }
0x9c: {  	s7 =	simm.s32 $0x0;
	s20 =	sshll.u32 s5, $0x1;
	s5 =	sadd.s32 s21, s3  }
0x9d: {  	[timem:s7], [sflag:s22] =	dma.local [hbm:s5], s20  }
0x9e: {  	_ =	swait.ge [sflag:s22], s20  }
0x9f: {  	s4 =	ssub.s32 $0x0, s20;
	[sflag:s22] =	ssyncset.done $0x0  }
0xa0: {  	[sflag:s22] =	ssyncadd.s32 s4;
	_ =	sdelay $0x1  }
0xa1: {  	s23 =	simm.s32 $0x1B8B  }
0xa2: {  	_ =	swait.ge [sflag:s23], $0x1  }
0xa3: {  	[sflag:s23] =	ssyncset.done $0x0  }
0xa4: {  	s25 =	simm.s32 $0x1B8E;
	s24 =	sld [smem:$0x3FFE];
	[sflag:s23] =	ssyncadd.s32 $0xFFFFFFFF  }
0xa5: {  	s26 =	simm.s32 $execute0_lowered;
	[smem:$0x3FD2] =	sst s25  }
0xa6: {  	s5 =	sshll.u32 s26, $0x1;
	_ =	strace $0x80000046;
	[dreg:$0x1] =	wrdreg $0xFFFFFFFF  }
0xa7: {  	s28 =	simm.s32 $_size_execute0_lowered;
	s3 =	sadd.s32 s3, s5;
	[dreg:$0x0] =	wrdreg $0x0  }
0xa8: {  	s5 =	sshll.u32 s28, $0x1;
	[dreg:$0x2] =	wrdreg s3  }
0xa9: {  	[dreg:$0x3] =	wrdreg s5  }
0xaa: {  	[dreg:$0x4] =	wrdreg $0xC0  }
0xab: {  	_ =	task [dreg:s7], $0x5FFFF  }
0xac: {  	[dreg:$0x1] =	wrdreg $0xFFFFFFFF  }
0xad: {  	[dreg:$0x0] =	wrdreg $0x60  }
0xae: {  	[dreg:$0x2] =	wrdreg s24  }
0xaf: {  	[dreg:$0x3] =	wrdreg s2  }
0xb0: {  	[dreg:$0x4] =	wrdreg $0x9  }
0xb1: {  	_ =	task.clear_ibuf [dreg:s7], $0x5FFFF;
	_ =	strace $0x90000046  }
0xb2: {  	s29 =	simm.s32 $0x9;
	_ =	strace $0x80000048  }
0xb3: {  	_ =	swait.ge [sflag:s29], $0x1  }
0xb4: {  	[sflag:s29] =	ssyncadd.s32 $0xFFFFFFFF  }
0xb5: {  	_ =	strace $0x90000048  }
0xb6: {  	_ =	sfence  }
0xb7: {  	s30 =	sld [smem:$0x0];
	_ =	sdelay $0x2  }
0xb8: {  	s31 =	sshll.u32 s1, $0xD;
	s1 =	sshrl.u32 s1, $0x2  }
0xb9: {  	s3 =	sand.u32 $0x4000, s31;
	s1 =	sadd.s32 s1, s30  }
0xba: {  	s0 =	sor.u32 s3, s0;
	s1 =	sshll.u32 s1, $0x11  }
0xbb: {  	s0 =	sor.u32 s1, s0  }
0xbc: {  	s0 =	sadd.s32 $0x8F2B, s0  }
0xbd: {  	[sflag:s0] =	ssyncadd.remote.s32 $0x1  }
0xbe: {  	_ =	sfence.sel $0xFFFF  }
0xbf: {  	[dreg:$0x0] =	wrdreg $0xFFFFFFFF;
	(pc) =	sbr.abs _section_cstart, $3  }
0xc0: {  	[dreg:$0x1] =	wrdreg $0xFFFFFFFF  }
0xc1: {  	_ =	task.clear_ibuf [dreg:s7], $0x2FFFF;
	_ =	strace $0x9FFFFFFF  }
0xc2: {  	(tm) =	ssettm $0x7FFFFFFF  }
0xc3: {  	_ =	shalt  }
tec
execute0_lowered:
.L_overlay_start_1:
0x0: {  	(tag) =	ssettag $0x1  }
0x1: {  	s0 =	rddreg [dreg:$0x0]  }
0x2: {  	s1 =	rddreg [dreg:$0x1]  }
0x3: {  	s2 =	srdreg.scid;
	s3 =	stileid.u32  }
0x4: {  	s15 =	simm.s32 $0x5;
	s20 =	simm.s32 $0x80;
	s28 =	simm.s32 $0x40  }
0x5: {  	s31 =	simm.s32 $0x9B00;
	s17 =	simm.s32 $0xFB00;
	s21 =	simm.s32 $0x15B00  }
0x6: {  	s23 =	simm.s32 $0x1;
	s25 =	simm.s32 $0x18B00;
	s30 =	simm.s32 $0x2  }
0x7: {  	s16 =	simm.s32 $0x3;
	s18 =	simm.s32 $0x4;
	s19 =	simm.s32 $0x0  }
0x8: {  	s4 =	sand.u32 $0x1, s2;
	s2 =	simm.s32 $0x0;
	s3 =	sshll.u32 s3, $0x9  }
0x9: {  	s5 =	sshll.u32 s4, $0x8;
	[smem:$0x7FF] =	sst s2;
	s26 =	ssub.s32 $0x2, s4  }
0xa: {  	s4 =	sadd.s32 $0x14600, s0;
	s6 =	sor.u32 s5, s3;
	_ =	strace $0x80000047  }
0xb: {  	s29 =	sshrl.u32 s26, $0x1;
	s3 =	sshrl.u32 s6, $0x3;
	s8 =	smul.u32 $0xC0, s6  }
0xc: {  	s9 =	smul.u32 $0x18, s6;
	s10 =	sadd.s32 s3, s0;
	s3 =	sadd.s32 $0x2600, s0  }
0xd: {  	s0 =	ssub.s32 s26, s29;
	s5 =	sadd.s32 $0x1600, s10;
	s6 =	sadd.s32 $0x1A00, s10  }
0xe: {  	s7 =	sadd.s32 $0x1E00, s10;
	s11 =	sshrl.u32 s8, $0x3;
	s8 =	sadd.s32 $0x2200, s10  }
0xf: {  	s9 =	sadd.s32 s1, s9;
	s10 =	sadd.s32 $0x1200, s10;
	s14 =	smax.u32 s0, $0x1  }
0x10: {  	s0 =	simm.s32 $0x1BB00;
	s1 =	sadd.s32 s1, s11;
	s11 =	sadd.s32 $0x600, s9  }
0x11: {  	s12 =	sadd.s32 $0xC00, s1;
	s13 =	sadd.s32 $0x1200, s1;
	s1 =	simm.s32 $0xCB00  }
.LBB2_1:
0x12: {  	[tilespmem:s2], [sflag:$0x5] =	stream.linear.gather [hbm4b:s5+s2], $0x100, $0x38;
	[tilespmem:$0x1EB00] =	vst v63  }
0x13: {  	_ =	swait.ge [sflag:s15], $0x100  }
0x14: {  	[sflag:s15] =	ssyncset.done $0x0  }
0x15: {  	s22 =	simm.s32 $0x100;
	[sflag:s15] =	ssyncadd.s32 $0xFFFFFF00  }
0x16: {  	[tilespmem:s22], [sflag:$0x5] =	stream.linear.gather [hbm4b:s6+s2], $0x100, $0x38;
	[tilespmem:$0x1EB00] =	vst v63  }
0x17: {  	_ =	swait.ge [sflag:s15], $0x100  }
0x18: {  	[sflag:s15] =	ssyncset.done $0x0  }
0x19: {  	s29 =	simm.s32 $0x200;
	[sflag:s15] =	ssyncadd.s32 $0xFFFFFF00  }
0x1a: {  	[tilespmem:s29], [sflag:$0x5] =	stream.linear.gather [hbm4b:s7+s2], $0x100, $0x38;
	[tilespmem:$0x1EB00] =	vst v63  }
0x1b: {  	_ =	swait.ge [sflag:s15], $0x100  }
0x1c: {  	[sflag:s15] =	ssyncset.done $0x0  }
0x1d: {  	s24 =	simm.s32 $0x300;
	[sflag:s15] =	ssyncadd.s32 $0xFFFFFF00  }
0x1e: {  	[tilespmem:s24], [sflag:$0x5] =	stream.linear.gather [hbm4b:s8+s2], $0x100, $0x38;
	[tilespmem:$0x1EB00] =	vst v63  }
0x1f: {  	_ =	swait.ge [sflag:s15], $0x100  }
0x20: {  	[sflag:s15] =	ssyncset.done $0x0  }
0x21: {  	s22 =	simm.s32 $0x400;
	[sflag:s15] =	ssyncadd.s32 $0xFFFFFF00  }
0x22: {  	[tilespmem:s22], [sflag:$0x5] =	stream.linear.gather [hbm4b:s10+s2], $0x100, $0x38;
	[tilespmem:$0x1EB00] =	vst v63  }
0x23: {  	_ =	swait.ge [sflag:s15], $0x100  }
0x24: {  	[sflag:s15] =	ssyncset.done $0x0  }
0x25: {  	[sflag:s15] =	ssyncadd.s32 $0xFFFFFF00  }
0x26: {  	v0 =	vld [tilespmem:$0x0]  }
0x27: {  	v1 =	vld [tilespmem:$0x100]  }
0x28: {  	v5 =	vld [tilespmem:$0x10]  }
0x29: {  	v30 =	vld [tilespmem:$0x20]  }
0x2a: {  	v36 =	vld [tilespmem:$0x30]  }
0x2b: {  	v42 =	vld [tilespmem:$0x40]  }
0x2c: {  	v48 =	vld [tilespmem:$0x50];
	[tilespmem:$0x500] =	vst v0  }
0x2d: {  	v54 =	vld [tilespmem:$0x60];
	[tilespmem:$0x510] =	vst v5  }
0x2e: {  	v60 =	vld [tilespmem:$0x70];
	[tilespmem:$0x520] =	vst v30  }
0x2f: {  	v11 =	vld [tilespmem:$0x80];
	[tilespmem:$0x530] =	vst v36  }
0x30: {  	v17 =	vld [tilespmem:$0x90];
	[tilespmem:$0x680] =	vst v42  }
0x31: {  	v23 =	vld [tilespmem:$0xA0];
	[tilespmem:$0x690] =	vst v48  }
0x32: {  	v2 =	vld [tilespmem:$0x200];
	[tilespmem:$0x6A0] =	vst v54  }
0x33: {  	v3 =	vld [tilespmem:$0x300];
	[tilespmem:$0x6B0] =	vst v60  }
0x34: {  	v26 =	vld [tilespmem:$0x110];
	[tilespmem:$0x800] =	vst v11  }
0x35: {  	v27 =	vld [tilespmem:$0x210];
	[tilespmem:$0x810] =	vst v17  }
0x36: {  	v28 =	vld [tilespmem:$0x310];
	v4 =	vadd.s32 $0x400, v1;
	[tilespmem:$0x820] =	vst v23  }
0x37: {  	v32 =	vld [tilespmem:$0x120];
	v6 =	vadd.s32 $0x800, v2;
	[tilespmem:$0x540] =	vst v4  }
0x38: {  	v33 =	vld [tilespmem:$0x220];
	v1 =	vsub.s32 v3, v1;
	v3 =	vadd.s32 $0xC00, v3;
	[tilespmem:$0x580] =	vst v6  }
0x39: {  	v38 =	vld [tilespmem:$0x130];
	v29 =	vadd.s32 $0x400, v26;
	[tilespmem:$0x5C0] =	vst v3  }
0x3a: {  	v39 =	vld [tilespmem:$0x230];
	v31 =	vadd.s32 $0x800, v27;
	[tilespmem:$0x550] =	vst v29  }
0x3b: {  	v44 =	vld [tilespmem:$0x140];
	v0 =	vsub.s32 v2, v0;
	v2 =	vadd.s32 $0xC00, v28;
	[tilespmem:$0x590] =	vst v31  }
0x3c: {  	v45 =	vld [tilespmem:$0x240];
	v35 =	vadd.s32 $0x400, v32;
	[tilespmem:$0x5D0] =	vst v2  }
0x3d: {  	v50 =	vld [tilespmem:$0x150];
	v37 =	vadd.s32 $0x800, v33;
	[tilespmem:$0x560] =	vst v35  }
0x3e: {  	v51 =	vld [tilespmem:$0x250];
	v41 =	vadd.s32 $0x400, v38;
	[tilespmem:$0x5A0] =	vst v37  }
0x3f: {  	v56 =	vld [tilespmem:$0x160];
	v43 =	vadd.s32 $0x800, v39;
	[tilespmem:$0x570] =	vst v41  }
0x40: {  	v57 =	vld [tilespmem:$0x260];
	v47 =	vadd.s32 $0x400, v44;
	[tilespmem:$0x5B0] =	vst v43  }
0x41: {  	v62 =	vld [tilespmem:$0x170];
	v49 =	vadd.s32 $0x800, v45;
	[tilespmem:$0x6C0] =	vst v47  }
0x42: {  	v63 =	vld [tilespmem:$0x270];
	v53 =	vadd.s32 $0x400, v50;
	[tilespmem:$0x700] =	vst v49  }
0x43: {  	v13 =	vld [tilespmem:$0x180];
	v55 =	vadd.s32 $0x800, v51;
	[tilespmem:$0x6D0] =	vst v53  }
0x44: {  	v14 =	vld [tilespmem:$0x280];
	v59 =	vadd.s32 $0x400, v56;
	[tilespmem:$0x710] =	vst v55  }
0x45: {  	v19 =	vld [tilespmem:$0x190];
	v61 =	vadd.s32 $0x800, v57;
	[tilespmem:$0x6E0] =	vst v59  }
0x46: {  	v20 =	vld [tilespmem:$0x290];
	v10 =	vadd.s32 $0x400, v62;
	[tilespmem:$0x720] =	vst v61  }
0x47: {  	v12 =	vadd.s32 $0x800, v63;
	[tilespmem:$0x6F0] =	vst v10  }
0x48: {  	v16 =	vadd.s32 $0x400, v13;
	[tilespmem:$0x730] =	vst v12  }
0x49: {  	v18 =	vadd.s32 $0x800, v14;
	[tilespmem:$0x840] =	vst v16  }
0x4a: {  	v34 =	vld [tilespmem:$0x320];
	v22 =	vadd.s32 $0x400, v19;
	[tilespmem:$0x880] =	vst v18  }
0x4b: {  	v25 =	vld [tilespmem:$0x1A0];
	v24 =	vadd.s32 $0x800, v20;
	[tilespmem:$0x850] =	vst v22  }
0x4c: {  	v1 =	vadd.s32 $0x1000, v1;
	[tilespmem:$0x890] =	vst v24  }
0x4d: {  	v40 =	vld [tilespmem:$0x330];
	v5 =	vsub.s32 v27, v5;
	v0 =	vadd.s32 $0x1400, v0;
	[tilespmem:$0x600] =	vst v1  }
0x4e: {  	v5 =	vadd.s32 $0x1400, v5;
	[tilespmem:$0x640] =	vst v0  }
0x4f: {  	v2 =	vadd.s32 $0xC00, v34;
	[tilespmem:$0x650] =	vst v5  }
0x50: {  	v4 =	vsub.s32 v28, v26;
	v28 =	vadd.s32 $0x400, v25;
	[tilespmem:$0x5E0] =	vst v2  }
0x51: {  	v46 =	vld [tilespmem:$0x340];
	v4 =	vadd.s32 $0x1000, v4;
	[tilespmem:$0x860] =	vst v28  }
0x52: {  	v0 =	vsub.s32 v34, v32;
	v2 =	vadd.s32 $0xC00, v40;
	[tilespmem:$0x610] =	vst v4  }
0x53: {  	v52 =	vld [tilespmem:$0x350];
	v1 =	vsub.s32 v33, v30;
	v0 =	vadd.s32 $0x1000, v0;
	[tilespmem:$0x5F0] =	vst v2  }
0x54: {  	v5 =	vsub.s32 v39, v36;
	v1 =	vadd.s32 $0x1400, v1;
	[tilespmem:$0x620] =	vst v0  }
0x55: {  	v5 =	vadd.s32 $0x1400, v5;
	[tilespmem:$0x660] =	vst v1  }
0x56: {  	v4 =	vsub.s32 v40, v38;
	v2 =	vadd.s32 $0xC00, v46;
	[tilespmem:$0x670] =	vst v5  }
0x57: {  	v58 =	vld [tilespmem:$0x360];
	v4 =	vadd.s32 $0x1000, v4;
	[tilespmem:$0x740] =	vst v2  }
0x58: {  	v0 =	vsub.s32 v46, v44;
	v2 =	vadd.s32 $0xC00, v52;
	[tilespmem:$0x630] =	vst v4  }
0x59: {  	v29 =	vld [tilespmem:$0xB0];
	v1 =	vsub.s32 v45, v42;
	v0 =	vadd.s32 $0x1000, v0;
	[tilespmem:$0x750] =	vst v2  }
0x5a: {  	v35 =	vld [tilespmem:$0xC0];
	v5 =	vsub.s32 v51, v48;
	v1 =	vadd.s32 $0x1400, v1;
	[tilespmem:$0x780] =	vst v0  }
0x5b: {  	v41 =	vld [tilespmem:$0xD0];
	v5 =	vadd.s32 $0x1400, v5;
	[tilespmem:$0x7C0] =	vst v1  }
0x5c: {  	v47 =	vld [tilespmem:$0xE0];
	v2 =	vadd.s32 $0xC00, v58;
	[tilespmem:$0x7D0] =	vst v5  }
0x5d: {  	v53 =	vld [tilespmem:$0xF0];
	[tilespmem:$0x760] =	vst v2  }
0x5e: {  	v9 =	vld [tilespmem:$0x370];
	[tilespmem:$0x830] =	vst v29  }
0x5f: {  	v26 =	vld [tilespmem:$0x2A0];
	[tilespmem:$0x980] =	vst v35  }
0x60: {  	v31 =	vld [tilespmem:$0x1B0];
	[tilespmem:$0x990] =	vst v41  }
0x61: {  	v37 =	vld [tilespmem:$0x1C0];
	v4 =	vsub.s32 v52, v50;
	[tilespmem:$0x9A0] =	vst v47  }
0x62: {  	v43 =	vld [tilespmem:$0x1D0];
	v4 =	vadd.s32 $0x1000, v4;
	[tilespmem:$0x9B0] =	vst v53  }
0x63: {  	v49 =	vld [tilespmem:$0x1E0];
	v2 =	vadd.s32 $0xC00, v9;
	[tilespmem:$0x790] =	vst v4  }
0x64: {  	v55 =	vld [tilespmem:$0x1F0];
	v30 =	vadd.s32 $0x800, v26;
	[tilespmem:$0x770] =	vst v2  }
0x65: {  	v34 =	vadd.s32 $0x400, v31;
	[tilespmem:$0x8A0] =	vst v30  }
0x66: {  	v40 =	vadd.s32 $0x400, v37;
	[tilespmem:$0x870] =	vst v34  }
0x67: {  	v46 =	vadd.s32 $0x400, v43;
	[tilespmem:$0x9C0] =	vst v40  }
0x68: {  	v15 =	vld [tilespmem:$0x380];
	v52 =	vadd.s32 $0x400, v49;
	[tilespmem:$0x9D0] =	vst v46  }
0x69: {  	v32 =	vld [tilespmem:$0x2B0];
	v0 =	vsub.s32 v58, v56;
	v58 =	vadd.s32 $0x400, v55;
	[tilespmem:$0x9E0] =	vst v52  }
0x6a: {  	v1 =	vsub.s32 v57, v54;
	v0 =	vadd.s32 $0x1000, v0;
	[tilespmem:$0x9F0] =	vst v58  }
0x6b: {  	v21 =	vld [tilespmem:$0x390];
	v5 =	vsub.s32 v63, v60;
	v1 =	vadd.s32 $0x1400, v1;
	[tilespmem:$0x7A0] =	vst v0  }
0x6c: {  	v38 =	vld [tilespmem:$0x2C0];
	v5 =	vadd.s32 $0x1400, v5;
	[tilespmem:$0x7E0] =	vst v1  }
0x6d: {  	v2 =	vadd.s32 $0xC00, v15;
	[tilespmem:$0x7F0] =	vst v5  }
0x6e: {  	v4 =	vsub.s32 v9, v62;
	v36 =	vadd.s32 $0x800, v32;
	[tilespmem:$0x8C0] =	vst v2  }
0x6f: {  	v4 =	vadd.s32 $0x1000, v4;
	[tilespmem:$0x8B0] =	vst v36  }
0x70: {  	v27 =	vld [tilespmem:$0x3A0];
	v2 =	vadd.s32 $0xC00, v21;
	[tilespmem:$0x7B0] =	vst v4  }
0x71: {  	v44 =	vld [tilespmem:$0x2D0];
	v0 =	vsub.s32 v15, v13;
	v42 =	vadd.s32 $0x800, v38;
	[tilespmem:$0x8D0] =	vst v2  }
0x72: {  	v1 =	vsub.s32 v14, v11;
	v0 =	vadd.s32 $0x1000, v0;
	[tilespmem:$0xA00] =	vst v42  }
0x73: {  	v33 =	vld [tilespmem:$0x3B0];
	v5 =	vsub.s32 v20, v17;
	v1 =	vadd.s32 $0x1400, v1;
	[tilespmem:$0x900] =	vst v0  }
0x74: {  	v50 =	vld [tilespmem:$0x2E0];
	v5 =	vadd.s32 $0x1400, v5;
	[tilespmem:$0x940] =	vst v1  }
0x75: {  	v2 =	vadd.s32 $0xC00, v27;
	[tilespmem:$0x950] =	vst v5  }
0x76: {  	v4 =	vsub.s32 v21, v19;
	v48 =	vadd.s32 $0x800, v44;
	[tilespmem:$0x8E0] =	vst v2  }
0x77: {  	v4 =	vadd.s32 $0x1000, v4;
	[tilespmem:$0xA10] =	vst v48  }
0x78: {  	v39 =	vld [tilespmem:$0x3C0];
	v2 =	vadd.s32 $0xC00, v33;
	[tilespmem:$0x910] =	vst v4  }
0x79: {  	v56 =	vld [tilespmem:$0x2F0];
	v0 =	vsub.s32 v27, v25;
	v54 =	vadd.s32 $0x800, v50;
	[tilespmem:$0x8F0] =	vst v2  }
0x7a: {  	v57 =	vld [tilespmem:$0x3F0];
	v1 =	vsub.s32 v26, v23;
	v0 =	vadd.s32 $0x1000, v0;
	[tilespmem:$0xA20] =	vst v54  }
0x7b: {  	v5 =	vsub.s32 v32, v29;
	v1 =	vadd.s32 $0x1400, v1;
	[tilespmem:$0x920] =	vst v0  }
0x7c: {  	v45 =	vld [tilespmem:$0x3D0];
	v5 =	vadd.s32 $0x1400, v5;
	[tilespmem:$0x960] =	vst v1  }
0x7d: {  	v2 =	vadd.s32 $0xC00, v39;
	[tilespmem:$0x970] =	vst v5  }
0x7e: {  	v59 =	vadd.s32 $0x800, v56;
	[tilespmem:$0xA40] =	vst v2  }
0x7f: {  	v4 =	vsub.s32 v33, v31;
	v60 =	vadd.s32 $0xC00, v57;
	[tilespmem:$0xA30] =	vst v59  }
0x80: {  	v4 =	vadd.s32 $0x1000, v4;
	[tilespmem:$0xA70] =	vst v60  }
0x81: {  	v51 =	vld [tilespmem:$0x3E0];
	v62 =	vsub.s32 v56, v53;
	v2 =	vadd.s32 $0xC00, v45;
	[tilespmem:$0x930] =	vst v4  }
0x82: {  	v0 =	vsub.s32 v39, v37;
	v63 =	vadd.s32 $0x1400, v62;
	[tilespmem:$0xA50] =	vst v2  }
0x83: {  	v1 =	vsub.s32 v38, v35;
	v0 =	vadd.s32 $0x1000, v0;
	[tilespmem:$0xAF0] =	vst v63  }
0x84: {  	v5 =	vsub.s32 v44, v41;
	v1 =	vadd.s32 $0x1400, v1;
	[tilespmem:$0xA80] =	vst v0  }
0x85: {  	v5 =	vadd.s32 $0x1400, v5;
	[tilespmem:$0xAC0] =	vst v1  }
0x86: {  	v4 =	vsub.s32 v45, v43;
	v2 =	vadd.s32 $0xC00, v51;
	[tilespmem:$0xAD0] =	vst v5  }
0x87: {  	v4 =	vadd.s32 $0x1000, v4;
	v0 =	vsub.s32 v51, v49;
	[tilespmem:$0xA60] =	vst v2  }
0x88: {  	v1 =	vsub.s32 v50, v47;
	[tilespmem:$0xA90] =	vst v4;
	v0 =	vadd.s32 $0x1000, v0  }
0x89: {  	v2 =	vsub.s32 v57, v55;
	v1 =	vadd.s32 $0x1400, v1;
	[tilespmem:$0xAA0] =	vst v0  }
0x8a: {  	v61 =	vadd.s32 $0x1000, v2;
	[tilespmem:$0xAE0] =	vst v1  }
0x8b: {  	s26 =	simm.s32 $0xB00;
	s24 =	simm.s32 $0x500;
	[tilespmem:$0xAB0] =	vst v61  }
0x8c: {  	[tilespmem:s26], [sflag:$0x1] =	stream.indirect.gather [hbm4b:s3+s20], $0x60, s24, s20, $0xb8;
	[tilespmem:$0x1EB00] =	vst v63  }
0x8d: {  	s29 =	simm.s32 $0x3B00;
	s26 =	simm.s32 $0x580  }
0x8e: {  	[tilespmem:s29], [sflag:$0x1] =	stream.indirect.gather [hbm4b:s3+s20], $0x60, s26, s20, $0xb8;
	[tilespmem:$0x1EB00] =	vst v63  }
0x8f: {  	s26 =	simm.s32 $0x600;
	s29 =	simm.s32 $0x6B00  }
0x90: {  	[tilespmem:s29], [sflag:$0x1] =	stream.indirect.gather [hbm4b:s3+s20], $0x60, s26, s20, $0xb8;
	[tilespmem:$0x1EB00] =	vst v63  }
0x91: {  	s26 =	simm.s32 $0x12B00  }
0x92: {  	[tilespmem:s26], [sflag:$0x1] =	stream.indirect.gather [hbm4b:s4+s28], $0xC0, s22, s28, $0xb8;
	[tilespmem:$0x1EB00] =	vst v63  }
0x93: {  	s29 =	simm.s32 $0x680  }
0x94: {  	[tilespmem:s31], [sflag:$0x2] =	stream.indirect.gather [hbm4b:s3+s20], $0x60, s29, s20, $0xb8;
	[tilespmem:$0x1EB00] =	vst v63  }
0x95: {  	s24 =	simm.s32 $0x700  }
0x96: {  	[tilespmem:s1], [sflag:$0x2] =	stream.indirect.gather [hbm4b:s3+s20], $0x60, s24, s20, $0xb8;
	[tilespmem:$0x1EB00] =	vst v63  }
0x97: {  	s26 =	simm.s32 $0x780  }
0x98: {  	[tilespmem:s17], [sflag:$0x2] =	stream.indirect.gather [hbm4b:s3+s20], $0x60, s26, s20, $0xb8;
	[tilespmem:$0x1EB00] =	vst v63  }
0x99: {  	s29 =	simm.s32 $0x440  }
0x9a: {  	[tilespmem:s21], [sflag:$0x2] =	stream.indirect.gather [hbm4b:s4+s28], $0xC0, s29, s28, $0xb8;
	[tilespmem:$0x1EB00] =	vst v63  }
0x9b: {  	_ =	swait.ge [sflag:s23], $0x3000  }
0x9c: {  	[sflag:s23] =	ssyncset.done $0x0  }
0x9d: {  	[sflag:s23] =	ssyncadd.s32 $0xFFFFD000  }
0x9e: {  	_ =	swait.ge [sflag:s23], $0x3000  }
0x9f: {  	[sflag:s23] =	ssyncset.done $0x0  }
0xa0: {  	[sflag:s23] =	ssyncadd.s32 $0xFFFFD000  }
0xa1: {  	_ =	swait.ge [sflag:s23], $0x3000  }
0xa2: {  	[sflag:s23] =	ssyncset.done $0x0  }
0xa3: {  	[sflag:s23] =	ssyncadd.s32 $0xFFFFD000  }
0xa4: {  	_ =	swait.ge [sflag:s23], $0x3000  }
0xa5: {  	[sflag:s23] =	ssyncset.done $0x0  }
0xa6: {  	s22 =	simm.s32 $0x0;
	[sflag:s23] =	ssyncadd.s32 $0xFFFFD000  }
.LBB2_2:
0xa7: {  	s24 =	smul.u32 $0xC0, s22;
	_ =	sdelay $0x1  }
0xa8: {  	s26 =	sshra.s32 s24, $0x1  }
0xa9: {  	v0 =	vld [tilespmem:s26+$0xB00]  }
0xaa: {  	v1 =	vld [tilespmem:s26+$0x2300];
	_ =	sdelay $0x1  }
0xab: {  	v2 =	vld [tilespmem:s26+$0x3B00];
	_ =	sdelay $0x1  }
0xac: {  	v3 =	vld [tilespmem:s26+$0x5300]  }
0xad: {  	v0 =	vadd.bf16 v1, v0  }
0xae: {  	v18 =	vld [tilespmem:s26+$0x6B00]  }
0xaf: {  	v0 =	vadd.bf16 v2, v0  }
0xb0: {  	v19 =	vld [tilespmem:s26+$0x8300]  }
0xb1: {  	v0 =	vadd.bf16 v3, v0;
	_ =	sdelay $0x1  }
0xb2: {  	v20 =	vld [tilespmem:s24+$0x12B00];
	v0 =	vadd.bf16 v18, v0  }
0xb3: {  	v21 =	vld [tilespmem:s24+$0x12B10]  }
0xb4: {  	v0 =	vadd.bf16 v19, v0;
	_ =	sdelay $0x1  }
0xb5: {  	v2 =	vunpack.i.l.bf16.f32 v0  }
0xb6: {  	v0 =	vunpack.i.u.bf16.f32 v0;
	v1 =	vadd.f32 v20, v2  }
0xb7: {  	v0 =	vadd.f32 v21, v0  }
0xb8: {  	s29 =	sor.u32 $0x20, s24;
	[tilespmem:s24+$0x18B00] =	vst v1  }
0xb9: {  	s29 =	sshra.s32 s29, $0x1;
	[tilespmem:s24+$0x18B10] =	vst v0  }
0xba: {  	v0 =	vld [tilespmem:s29+$0xB00]  }
0xbb: {  	v1 =	vld [tilespmem:s26+$0x2310];
	_ =	sdelay $0x1  }
0xbc: {  	v22 =	vld [tilespmem:s26+$0x3B10];
	_ =	sdelay $0x1  }
0xbd: {  	v23 =	vld [tilespmem:s26+$0x5310]  }
0xbe: {  	v0 =	vadd.bf16 v1, v0  }
0xbf: {  	v24 =	vld [tilespmem:s26+$0x6B10]  }
0xc0: {  	v0 =	vadd.bf16 v22, v0  }
0xc1: {  	v25 =	vld [tilespmem:s26+$0x8310]  }
0xc2: {  	v0 =	vadd.bf16 v23, v0;
	_ =	sdelay $0x1  }
0xc3: {  	v26 =	vld [tilespmem:s24+$0x12B20];
	v0 =	vadd.bf16 v24, v0  }
0xc4: {  	v27 =	vld [tilespmem:s24+$0x12B30]  }
0xc5: {  	v0 =	vadd.bf16 v25, v0;
	_ =	sdelay $0x1  }
0xc6: {  	v2 =	vunpack.i.l.bf16.f32 v0  }
0xc7: {  	v0 =	vunpack.i.u.bf16.f32 v0;
	v1 =	vadd.f32 v26, v2  }
0xc8: {  	v33 =	vld [tilespmem:s24+$0x12B40];
	v0 =	vadd.f32 v27, v0  }
0xc9: {  	v35 =	vld [tilespmem:s24+$0x12B50];
	s29 =	sor.u32 $0x40, s24;
	[tilespmem:s24+$0x18B20] =	vst v1  }
0xca: {  	v36 =	vld [tilespmem:s24+$0x12BC0];
	s29 =	sshra.s32 s29, $0x1;
	[tilespmem:s24+$0x18B30] =	vst v0  }
0xcb: {  	v0 =	vld [tilespmem:s29+$0xB00]  }
0xcc: {  	v1 =	vld [tilespmem:s26+$0x2320]  }
0xcd: {  	v4 =	vld [tilespmem:s26+$0x2360];
	s29 =	sor.u32 $0xC0, s24  }
0xce: {  	v28 =	vld [tilespmem:s26+$0x3B20];
	s29 =	sshra.s32 s29, $0x1  }
0xcf: {  	v29 =	vld [tilespmem:s29+$0xB00]  }
0xd0: {  	v5 =	vld [tilespmem:s26+$0x5320]  }
0xd1: {  	v30 =	vld [tilespmem:s26+$0x3B60];
	v0 =	vadd.bf16 v1, v0  }
0xd2: {  	v6 =	vld [tilespmem:s26+$0x6B20]  }
0xd3: {  	v31 =	vld [tilespmem:s26+$0x5360];
	v0 =	vadd.bf16 v28, v0  }
0xd4: {  	v7 =	vld [tilespmem:s26+$0x8320];
	v3 =	vadd.bf16 v4, v29  }
0xd5: {  	v32 =	vld [tilespmem:s26+$0x6B60];
	v0 =	vadd.bf16 v5, v0  }
0xd6: {  	v38 =	vld [tilespmem:s24+$0x12BD0];
	v1 =	vadd.bf16 v30, v3  }
0xd7: {  	v34 =	vld [tilespmem:s26+$0x8360];
	v0 =	vadd.bf16 v6, v0  }
0xd8: {  	v51 =	vld [tilespmem:s24+$0x12B60];
	v1 =	vadd.bf16 v31, v1  }
0xd9: {  	v53 =	vld [tilespmem:s24+$0x12B70];
	v0 =	vadd.bf16 v7, v0  }
0xda: {  	v54 =	vld [tilespmem:s24+$0x12BE0];
	v1 =	vadd.bf16 v32, v1  }
0xdb: {  	v56 =	vld [tilespmem:s24+$0x12BF0];
	v37 =	vunpack.i.l.bf16.f32 v0  }
0xdc: {  	v13 =	vld [tilespmem:s24+$0x12B80];
	v0 =	vunpack.i.u.bf16.f32 v0;
	v1 =	vadd.bf16 v34, v1;
	v4 =	vadd.f32 v33, v37  }
0xdd: {  	v15 =	vld [tilespmem:s24+$0x12B90];
	v0 =	vadd.f32 v35, v0  }
0xde: {  	v16 =	vld [tilespmem:s24+$0x12C00];
	s29 =	sor.u32 $0x60, s24;
	v3 =	vunpack.i.l.bf16.f32 v1;
	[tilespmem:s24+$0x18B40] =	vst v4  }
0xdf: {  	v8 =	vld [tilespmem:s26+$0x3BC0];
	s29 =	sshra.s32 s29, $0x1;
	v39 =	vunpack.i.u.bf16.f32 v1;
	[tilespmem:s24+$0x18B50] =	vst v0;
	v40 =	vadd.f32 v36, v3  }
0xe0: {  	v0 =	vadd.f32 v38, v39;
	v41 =	vld [tilespmem:s29+$0xB00]  }
0xe1: {  	v42 =	vld [tilespmem:s26+$0x2330];
	s29 =	sor.u32 $0xE0, s24;
	[tilespmem:s24+$0x18BC0] =	vst v40  }
0xe2: {  	v43 =	vld [tilespmem:s26+$0x3B30];
	[tilespmem:s24+$0x18BD0] =	vst v0;
	s29 =	sshra.s32 s29, $0x1  }
0xe3: {  	v0 =	vld [tilespmem:s29+$0xB00]  }
0xe4: {  	v44 =	vld [tilespmem:s26+$0x2370]  }
0xe5: {  	v45 =	vld [tilespmem:s26+$0x5330]  }
0xe6: {  	v46 =	vld [tilespmem:s26+$0x3B70];
	v2 =	vadd.bf16 v42, v41  }
0xe7: {  	v47 =	vld [tilespmem:s26+$0x6B30]  }
0xe8: {  	v48 =	vld [tilespmem:s26+$0x5370];
	v1 =	vadd.bf16 v43, v2  }
0xe9: {  	v49 =	vld [tilespmem:s26+$0x8330];
	v0 =	vadd.bf16 v44, v0  }
0xea: {  	v50 =	vld [tilespmem:s26+$0x6B70];
	v1 =	vadd.bf16 v45, v1  }
0xeb: {  	v18 =	vld [tilespmem:s24+$0x12C10];
	v0 =	vadd.bf16 v46, v0  }
0xec: {  	v52 =	vld [tilespmem:s26+$0x8370];
	v1 =	vadd.bf16 v47, v1  }
0xed: {  	v22 =	vld [tilespmem:s26+$0xBC0];
	v0 =	vadd.bf16 v48, v0  }
0xee: {  	v23 =	vld [tilespmem:s26+$0x23C0];
	v1 =	vadd.bf16 v49, v1  }
0xef: {  	v24 =	vld [tilespmem:s26+$0x3C20];
	v0 =	vadd.bf16 v50, v0  }
0xf0: {  	v25 =	vld [tilespmem:s26+$0x5420];
	v55 =	vunpack.i.l.bf16.f32 v1  }
0xf1: {  	v26 =	vld [tilespmem:s26+$0x6C20];
	v1 =	vunpack.i.u.bf16.f32 v1;
	v0 =	vadd.bf16 v52, v0;
	v4 =	vadd.f32 v51, v55  }
0xf2: {  	v27 =	vld [tilespmem:s24+$0x12C80];
	v1 =	vadd.f32 v53, v1  }
0xf3: {  	v28 =	vld [tilespmem:s26+$0x8420];
	s29 =	sor.u32 $0x80, s24;
	v3 =	vunpack.i.l.bf16.f32 v0;
	[tilespmem:s24+$0x18B60] =	vst v4  }
0xf4: {  	v29 =	vld [tilespmem:s24+$0x12C90];
	s29 =	sshra.s32 s29, $0x1;
	v0 =	vunpack.i.u.bf16.f32 v0;
	[tilespmem:s24+$0x18B70] =	vst v1;
	v57 =	vadd.f32 v54, v3  }
0xf5: {  	v0 =	vadd.f32 v56, v0;
	v58 =	vld [tilespmem:s29+$0xB00]  }
0xf6: {  	v59 =	vld [tilespmem:s26+$0x2340];
	[tilespmem:s24+$0x18BE0] =	vst v57  }
0xf7: {  	v60 =	vld [tilespmem:s26+$0x3B40];
	[tilespmem:s24+$0x18BF0] =	vst v0  }
0xf8: {  	v0 =	vld [tilespmem:s26+$0xB80]  }
0xf9: {  	v61 =	vld [tilespmem:s26+$0x2380]  }
0xfa: {  	v62 =	vld [tilespmem:s26+$0x5340]  }
0xfb: {  	v63 =	vld [tilespmem:s26+$0x3B80];
	v2 =	vadd.bf16 v59, v58  }
0xfc: {  	v9 =	vld [tilespmem:s26+$0x6B40]  }
0xfd: {  	v10 =	vld [tilespmem:s26+$0x5380];
	v1 =	vadd.bf16 v60, v2  }
0xfe: {  	v11 =	vld [tilespmem:s26+$0x8340];
	v0 =	vadd.bf16 v61, v0  }
0xff: {  	v12 =	vld [tilespmem:s26+$0x6B80];
	v1 =	vadd.bf16 v62, v1  }
0x100: {  	v14 =	vld [tilespmem:s26+$0x8380];
	v0 =	vadd.bf16 v63, v0  }
0x101: {  	v1 =	vadd.bf16 v9, v1;
	v9 =	vld [tilespmem:s26+$0xC20]  }
0x102: {  	v0 =	vadd.bf16 v10, v0;
	v10 =	vld [tilespmem:s26+$0x2420]  }
0x103: {  	v1 =	vadd.bf16 v11, v1;
	v11 =	vld [tilespmem:s26+$0x53C0]  }
0x104: {  	v6 =	vadd.bf16 v23, v22;
	v31 =	vld [tilespmem:s24+$0x12D40];
	v0 =	vadd.bf16 v12, v0  }
0x105: {  	v12 =	vld [tilespmem:s26+$0x6BC0]  }
0x106: {  	v6 =	vadd.bf16 v8, v6;
	v33 =	vld [tilespmem:s24+$0x12C20];
	v17 =	vunpack.i.l.bf16.f32 v1;
	v0 =	vadd.bf16 v14, v0  }
0x107: {  	v4 =	vadd.f32 v13, v17;
	v13 =	vld [tilespmem:s26+$0x83C0];
	v9 =	vadd.bf16 v10, v9  }
0x108: {  	v35 =	vld [tilespmem:s24+$0x12C30];
	v3 =	vunpack.i.l.bf16.f32 v0;
	v6 =	vadd.bf16 v11, v6  }
0x109: {  	v49 =	vld [tilespmem:s24+$0x12CA0];
	v19 =	vunpack.i.u.bf16.f32 v0;
	v3 =	vadd.f32 v16, v3;
	v7 =	vadd.bf16 v24, v9  }
0x10a: {  	v54 =	vld [tilespmem:s24+$0x12CB0];
	v20 =	vadd.f32 v18, v19;
	v6 =	vadd.bf16 v12, v6  }
0x10b: {  	v56 =	vld [tilespmem:s24+$0x12D60];
	[tilespmem:s24+$0x18C00] =	vst v3;
	v7 =	vadd.bf16 v25, v7  }
0x10c: {  	v14 =	vld [tilespmem:s24+$0x12D50];
	[tilespmem:s24+$0x18C10] =	vst v20;
	v6 =	vadd.bf16 v13, v6  }
0x10d: {  	v3 =	vld [tilespmem:s26+$0xB90];
	v7 =	vadd.bf16 v26, v7  }
0x10e: {  	[tilespmem:s24+$0x18B80] =	vst v4;
	v4 =	vld [tilespmem:s26+$0x2390];
	v13 =	vunpack.i.l.bf16.f32 v6  }
0x10f: {  	v21 =	vld [tilespmem:s26+$0x3B90];
	v6 =	vunpack.i.u.bf16.f32 v6;
	v7 =	vadd.bf16 v28, v7;
	v11 =	vadd.f32 v27, v13  }
0x110: {  	v1 =	vunpack.i.u.bf16.f32 v1;
	v30 =	vld [tilespmem:s26+$0x5390];
	v6 =	vadd.f32 v29, v6  }
0x111: {  	v1 =	vadd.f32 v15, v1;
	v15 =	vld [tilespmem:s26+$0x6B90];
	v34 =	vunpack.i.l.bf16.f32 v7;
	[tilespmem:s24+$0x18C80] =	vst v11  }
0x112: {  	v32 =	vld [tilespmem:s26+$0x8390];
	v36 =	vunpack.i.u.bf16.f32 v7;
	[tilespmem:s24+$0x18C90] =	vst v6;
	v37 =	vadd.f32 v31, v34  }
0x113: {  	v6 =	vadd.f32 v14, v36;
	v38 =	vld [tilespmem:s26+$0xBD0]  }
0x114: {  	v39 =	vld [tilespmem:s26+$0x23D0];
	[tilespmem:s24+$0x18D40] =	vst v37  }
0x115: {  	v40 =	vld [tilespmem:s26+$0x3BD0];
	[tilespmem:s24+$0x18D50] =	vst v6  }
0x116: {  	v41 =	vld [tilespmem:s26+$0xC30]  }
0x117: {  	v3 =	vadd.bf16 v4, v3;
	v6 =	vld [tilespmem:s26+$0x2430]  }
0x118: {  	v42 =	vld [tilespmem:s26+$0x53D0]  }
0x119: {  	v3 =	vadd.bf16 v21, v3;
	v43 =	vld [tilespmem:s26+$0x3C30];
	v10 =	vadd.bf16 v39, v38  }
0x11a: {  	v44 =	vld [tilespmem:s26+$0x6BD0]  }
0x11b: {  	v3 =	vadd.bf16 v30, v3;
	v45 =	vld [tilespmem:s26+$0x5430];
	v7 =	vadd.bf16 v40, v10  }
0x11c: {  	v46 =	vld [tilespmem:s26+$0x83D0];
	v4 =	vadd.bf16 v6, v41  }
0x11d: {  	v47 =	vld [tilespmem:s26+$0x6C30];
	v3 =	vadd.bf16 v15, v3;
	v5 =	vadd.bf16 v42, v7  }
0x11e: {  	s29 =	sor.u32 $0xA0, s24;
	v58 =	vld [tilespmem:s24+$0x12D70];
	v50 =	vadd.bf16 v43, v4  }
0x11f: {  	s29 =	sshra.s32 s29, $0x1;
	[tilespmem:s24+$0x18B90] =	vst v1;
	v52 =	vld [tilespmem:s26+$0x8430];
	v48 =	vadd.bf16 v32, v3;
	v51 =	vadd.bf16 v44, v5  }
0x120: {  	v0 =	vld [tilespmem:s29+$0xB00];
	v10 =	vadd.bf16 v45, v50  }
0x121: {  	v2 =	vld [tilespmem:s26+$0x2350];
	v53 =	vunpack.i.l.bf16.f32 v48;
	v55 =	vadd.bf16 v46, v51  }
0x122: {  	v1 =	vld [tilespmem:s26+$0x3B50];
	v7 =	vunpack.i.u.bf16.f32 v48;
	v8 =	vadd.f32 v33, v53;
	v6 =	vadd.bf16 v47, v10  }
0x123: {  	v27 =	vld [tilespmem:s24+$0x12CC0];
	v7 =	vadd.f32 v35, v7;
	v57 =	vunpack.i.l.bf16.f32 v55  }
0x124: {  	v29 =	vld [tilespmem:s24+$0x12CD0];
	[tilespmem:s24+$0x18C20] =	vst v8;
	v59 =	vunpack.i.u.bf16.f32 v55;
	v5 =	vadd.bf16 v52, v6;
	v8 =	vadd.f32 v49, v57  }
0x125: {  	v31 =	vld [tilespmem:s24+$0x12D80];
	[tilespmem:s24+$0x18C30] =	vst v7;
	v7 =	vadd.f32 v54, v59  }
0x126: {  	v3 =	vld [tilespmem:s26+$0x5350];
	v62 =	vunpack.i.l.bf16.f32 v5;
	[tilespmem:s24+$0x18CA0] =	vst v8  }
0x127: {  	v4 =	vld [tilespmem:s26+$0x6B50];
	v5 =	vunpack.i.u.bf16.f32 v5;
	[tilespmem:s24+$0x18CB0] =	vst v7;
	v16 =	vadd.f32 v56, v62  }
0x128: {  	v5 =	vadd.f32 v58, v5;
	v17 =	vld [tilespmem:s26+$0xBE0]  }
0x129: {  	v18 =	vld [tilespmem:s26+$0x23E0];
	[tilespmem:s24+$0x18D60] =	vst v16  }
0x12a: {  	v19 =	vld [tilespmem:s26+$0x3BE0];
	[tilespmem:s24+$0x18D70] =	vst v5  }
0x12b: {  	v5 =	vld [tilespmem:s26+$0xC40]  }
0x12c: {  	v20 =	vld [tilespmem:s26+$0x2440]  }
0x12d: {  	v21 =	vld [tilespmem:s26+$0x53E0]  }
0x12e: {  	v22 =	vld [tilespmem:s26+$0x3C40];
	v8 =	vadd.bf16 v18, v17  }
0x12f: {  	v23 =	vld [tilespmem:s26+$0x6BE0]  }
0x130: {  	v24 =	vld [tilespmem:s26+$0x5440];
	v7 =	vadd.bf16 v19, v8  }
0x131: {  	v25 =	vld [tilespmem:s26+$0x83E0];
	v5 =	vadd.bf16 v20, v5  }
0x132: {  	v26 =	vld [tilespmem:s26+$0x6C40];
	v7 =	vadd.bf16 v21, v7  }
0x133: {  	v33 =	vld [tilespmem:s24+$0x12C40];
	v5 =	vadd.bf16 v22, v5  }
0x134: {  	v28 =	vld [tilespmem:s26+$0x8440];
	v7 =	vadd.bf16 v23, v7  }
0x135: {  	v48 =	vld [tilespmem:s24+$0x12CE0];
	v5 =	vadd.bf16 v24, v5  }
0x136: {  	v35 =	vld [tilespmem:s24+$0x12C50];
	v7 =	vadd.bf16 v25, v7  }
0x137: {  	v60 =	vld [tilespmem:s26+$0xBA0];
	v5 =	vadd.bf16 v26, v5  }
0x138: {  	v16 =	vld [tilespmem:s24+$0x12D90];
	v15 =	vunpack.i.l.bf16.f32 v7  }
0x139: {  	v61 =	vld [tilespmem:s26+$0x23A0];
	v7 =	vunpack.i.u.bf16.f32 v7;
	v5 =	vadd.bf16 v28, v5;
	v13 =	vadd.f32 v27, v15  }
0x13a: {  	v63 =	vld [tilespmem:s26+$0x3BA0];
	v7 =	vadd.f32 v29, v7  }
0x13b: {  	v30 =	vld [tilespmem:s26+$0x53A0];
	v34 =	vunpack.i.l.bf16.f32 v5;
	[tilespmem:s24+$0x18CC0] =	vst v13  }
0x13c: {  	v17 =	vld [tilespmem:s26+$0x6BA0];
	v5 =	vunpack.i.u.bf16.f32 v5;
	[tilespmem:s24+$0x18CD0] =	vst v7;
	v36 =	vadd.f32 v31, v34  }
0x13d: {  	v5 =	vadd.f32 v16, v5;
	v37 =	vld [tilespmem:s26+$0xBF0]  }
0x13e: {  	v38 =	vld [tilespmem:s26+$0x23F0];
	[tilespmem:s24+$0x18D80] =	vst v36  }
0x13f: {  	v39 =	vld [tilespmem:s26+$0x3BF0];
	[tilespmem:s24+$0x18D90] =	vst v5  }
0x140: {  	v5 =	vld [tilespmem:s26+$0xC50]  }
0x141: {  	v40 =	vld [tilespmem:s26+$0x2450]  }
0x142: {  	v41 =	vld [tilespmem:s26+$0x53F0]  }
0x143: {  	v43 =	vld [tilespmem:s26+$0x3C50];
	v42 =	vadd.bf16 v38, v37  }
0x144: {  	v44 =	vld [tilespmem:s26+$0x6BF0]  }
0x145: {  	v6 =	vadd.bf16 v61, v60;
	v45 =	vld [tilespmem:s26+$0x5450];
	v7 =	vadd.bf16 v39, v42  }
0x146: {  	v0 =	vadd.bf16 v2, v0;
	v46 =	vld [tilespmem:s26+$0x83F0];
	v5 =	vadd.bf16 v40, v5  }
0x147: {  	v6 =	vadd.bf16 v63, v6;
	v47 =	vld [tilespmem:s26+$0x6C50];
	v7 =	vadd.bf16 v41, v7  }
0x148: {  	v0 =	vadd.bf16 v1, v0;
	v32 =	vld [tilespmem:s26+$0x83A0];
	v5 =	vadd.bf16 v43, v5  }
0x149: {  	v6 =	vadd.bf16 v30, v6;
	v49 =	vld [tilespmem:s26+$0x8450];
	v7 =	vadd.bf16 v44, v7  }
0x14a: {  	v50 =	vld [tilespmem:s24+$0x12CF0];
	v0 =	vadd.bf16 v3, v0;
	v5 =	vadd.bf16 v45, v5  }
0x14b: {  	v51 =	vld [tilespmem:s26+$0x8350];
	v6 =	vadd.bf16 v17, v6;
	v7 =	vadd.bf16 v46, v7  }
0x14c: {  	v54 =	vld [tilespmem:s24+$0x12DA0];
	v5 =	vadd.bf16 v47, v5  }
0x14d: {  	v0 =	vadd.bf16 v4, v0;
	v56 =	vld [tilespmem:s24+$0x12DB0];
	v6 =	vadd.bf16 v32, v6;
	v55 =	vunpack.i.l.bf16.f32 v7  }
0x14e: {  	v57 =	vld [tilespmem:s24+$0x12BA0];
	v7 =	vunpack.i.u.bf16.f32 v7;
	v5 =	vadd.bf16 v49, v5;
	v58 =	vadd.f32 v48, v55  }
0x14f: {  	v59 =	vld [tilespmem:s24+$0x12BB0];
	v60 =	vadd.f32 v50, v7  }
0x150: {  	v0 =	vadd.bf16 v51, v0;
	v51 =	vld [tilespmem:s24+$0x12C70];
	v52 =	vunpack.i.l.bf16.f32 v6;
	v62 =	vunpack.i.l.bf16.f32 v5;
	[tilespmem:s24+$0x18CE0] =	vst v58  }
0x151: {  	v53 =	vadd.f32 v33, v52;
	v33 =	vld [tilespmem:s24+$0x12DC0];
	v5 =	vunpack.i.u.bf16.f32 v5;
	[tilespmem:s24+$0x18CF0] =	vst v60;
	v18 =	vadd.f32 v54, v62  }
0x152: {  	v5 =	vadd.f32 v56, v5;
	v19 =	vld [tilespmem:s26+$0xC00]  }
0x153: {  	v20 =	vld [tilespmem:s26+$0x2400];
	[tilespmem:s24+$0x18DA0] =	vst v18  }
0x154: {  	v21 =	vld [tilespmem:s26+$0x3C00];
	[tilespmem:s24+$0x18DB0] =	vst v5  }
0x155: {  	v5 =	vld [tilespmem:s26+$0xC60]  }
0x156: {  	v22 =	vld [tilespmem:s26+$0x2460]  }
0x157: {  	v6 =	vunpack.i.u.bf16.f32 v6;
	v23 =	vld [tilespmem:s26+$0x5400]  }
0x158: {  	v6 =	vadd.f32 v35, v6;
	v24 =	vld [tilespmem:s26+$0x3C60];
	v9 =	vadd.bf16 v20, v19  }
0x159: {  	v25 =	vld [tilespmem:s26+$0x6C00]  }
0x15a: {  	[tilespmem:s24+$0x18C50] =	vst v6;
	v26 =	vld [tilespmem:s26+$0x5460];
	v6 =	vadd.bf16 v21, v9  }
0x15b: {  	v27 =	vld [tilespmem:s26+$0x8400];
	v5 =	vadd.bf16 v22, v5  }
0x15c: {  	v28 =	vld [tilespmem:s26+$0x6C60];
	v6 =	vadd.bf16 v23, v6  }
0x15d: {  	v29 =	vld [tilespmem:s24+$0x12D00];
	v5 =	vadd.bf16 v24, v5  }
0x15e: {  	v30 =	vld [tilespmem:s26+$0x8460];
	v6 =	vadd.bf16 v25, v6  }
0x15f: {  	[tilespmem:s24+$0x18C40] =	vst v53;
	v31 =	vld [tilespmem:s24+$0x12D10];
	v5 =	vadd.bf16 v26, v5  }
0x160: {  	v61 =	vld [tilespmem:s26+$0xBB0];
	v6 =	vadd.bf16 v27, v6  }
0x161: {  	v63 =	vld [tilespmem:s26+$0x23B0];
	v5 =	vadd.bf16 v28, v5  }
0x162: {  	v18 =	vld [tilespmem:s24+$0x12DD0];
	v17 =	vunpack.i.l.bf16.f32 v6  }
0x163: {  	v32 =	vld [tilespmem:s26+$0x3BB0];
	v6 =	vunpack.i.u.bf16.f32 v6;
	v5 =	vadd.bf16 v30, v5;
	v14 =	vadd.f32 v29, v17  }
0x164: {  	v34 =	vld [tilespmem:s26+$0x53B0];
	v6 =	vadd.f32 v31, v6  }
0x165: {  	v35 =	vld [tilespmem:s26+$0x6BB0];
	v37 =	vunpack.i.l.bf16.f32 v5;
	[tilespmem:s24+$0x18D00] =	vst v14  }
0x166: {  	v36 =	vld [tilespmem:s26+$0x83B0];
	v5 =	vunpack.i.u.bf16.f32 v5;
	[tilespmem:s24+$0x18D10] =	vst v6;
	v38 =	vadd.f32 v33, v37  }
0x167: {  	v5 =	vadd.f32 v18, v5;
	v40 =	vld [tilespmem:s26+$0xC10]  }
0x168: {  	v41 =	vld [tilespmem:s26+$0x2410];
	[tilespmem:s24+$0x18DC0] =	vst v38  }
0x169: {  	v42 =	vld [tilespmem:s26+$0x3C10];
	[tilespmem:s24+$0x18DD0] =	vst v5  }
0x16a: {  	v43 =	vld [tilespmem:s26+$0xC70]  }
0x16b: {  	v7 =	vadd.bf16 v63, v61;
	v44 =	vld [tilespmem:s26+$0x2470]  }
0x16c: {  	v45 =	vld [tilespmem:s26+$0x5410]  }
0x16d: {  	v7 =	vadd.bf16 v32, v7;
	v46 =	vld [tilespmem:s26+$0x3C70]  }
0x16e: {  	v47 =	vld [tilespmem:s26+$0x6C10];
	v6 =	vadd.bf16 v41, v40  }
0x16f: {  	v7 =	vadd.bf16 v34, v7;
	v48 =	vld [tilespmem:s26+$0x5470]  }
0x170: {  	v49 =	vld [tilespmem:s26+$0x8410];
	v5 =	vadd.bf16 v42, v6;
	v2 =	vadd.bf16 v44, v43  }
0x171: {  	v7 =	vadd.bf16 v35, v7;
	v50 =	vld [tilespmem:s26+$0x6C70]  }
0x172: {  	v39 =	vld [tilespmem:s24+$0x12C60];
	v1 =	vadd.bf16 v45, v5;
	v2 =	vadd.bf16 v46, v2  }
0x173: {  	v53 =	vunpack.i.u.bf16.f32 v0;
	v7 =	vadd.bf16 v36, v7;
	v52 =	vld [tilespmem:s26+$0x8470]  }
0x174: {  	v0 =	vunpack.i.l.bf16.f32 v0;
	v54 =	vld [tilespmem:s24+$0x12D20];
	v1 =	vadd.bf16 v47, v1;
	v2 =	vadd.bf16 v48, v2  }
0x175: {  	v0 =	vadd.f32 v57, v0;
	v55 =	vld [tilespmem:s24+$0x12D30];
	v9 =	vadd.f32 v59, v53  }
0x176: {  	v57 =	vld [tilespmem:s24+$0x12DE0];
	v56 =	vunpack.i.l.bf16.f32 v7;
	v1 =	vadd.bf16 v49, v1;
	v2 =	vadd.bf16 v50, v2  }
0x177: {  	[tilespmem:s24+$0x18BA0] =	vst v0;
	v58 =	vunpack.i.u.bf16.f32 v7;
	v59 =	vld [tilespmem:s24+$0x12DF0];
	v4 =	vadd.f32 v39, v56  }
0x178: {  	v0 =	vadd.f32 v51, v58;
	[tilespmem:s24+$0x18BB0] =	vst v9;
	v2 =	vadd.bf16 v52, v2;
	v60 =	vunpack.i.l.bf16.f32 v1  }
0x179: {  	p0 =	slt.u32 s22, $0x3C;
	[tilespmem:s24+$0x18C60] =	vst v4;
	v1 =	vunpack.i.u.bf16.f32 v1;
	v3 =	vadd.f32 v54, v60  }
.Ltmp0:
0x17a: {  	[tilespmem:s24+$0x18C70] =	vst v0;
	v61 =	vadd.f32 v55, v1;
	v62 =	vunpack.i.l.bf16.f32 v2;
	(pc) =	sbr.rel @p0 .LBB2_2-.Ltmp0, $4  }
0x17b: {  	v2 =	vunpack.i.u.bf16.f32 v2;
	[tilespmem:s24+$0x18D20] =	vst v3;
	v1 =	vadd.f32 v57, v62  }
0x17c: {  	[tilespmem:s24+$0x18D30] =	vst v61;
	v63 =	vadd.f32 v59, v2  }
0x17d: {  	s29 =	sadd.s32 $0x4, s22;
	[tilespmem:s24+$0x18DE0] =	vst v1  }
0x17e: {  	s22 =	smov.u32 s29;
	[tilespmem:s24+$0x18DF0] =	vst v63  }
0x17f: {  	s22 =	simm.s32 $0x0  }
0x180: {  	[hbm4b:s9+s22] =	stream.linear.scatter [tilespmem:s25], [sflag:$0x3], $0x3000, $0x38;
	[tilespmem:$0x1EB00] =	vst v63  }
0x181: {  	s24 =	simm.s32 $0xB00;
	s26 =	simm.s32 $0x800  }
0x182: {  	[tilespmem:s24], [sflag:$0x1] =	stream.indirect.gather [hbm4b:s3+s20], $0x60, s26, s20, $0xb8;
	[tilespmem:$0x1EB00] =	vst v63  }
0x183: {  	s29 =	simm.s32 $0x880;
	s26 =	simm.s32 $0x3B00  }
0x184: {  	[tilespmem:s26], [sflag:$0x1] =	stream.indirect.gather [hbm4b:s3+s20], $0x60, s29, s20, $0xb8;
	[tilespmem:$0x1EB00] =	vst v63  }
0x185: {  	s26 =	simm.s32 $0x6B00;
	s29 =	simm.s32 $0x900  }
0x186: {  	[tilespmem:s26], [sflag:$0x1] =	stream.indirect.gather [hbm4b:s3+s20], $0x60, s29, s20, $0xb8;
	[tilespmem:$0x1EB00] =	vst v63  }
0x187: {  	s26 =	simm.s32 $0x12B00;
	s29 =	simm.s32 $0x480  }
0x188: {  	[tilespmem:s26], [sflag:$0x1] =	stream.indirect.gather [hbm4b:s4+s28], $0xC0, s29, s28, $0xb8;
	[tilespmem:$0x1EB00] =	vst v63  }
0x189: {  	_ =	swait.ge [sflag:s30], $0x3000  }
0x18a: {  	[sflag:s30] =	ssyncset.done $0x0  }
0x18b: {  	[sflag:s30] =	ssyncadd.s32 $0xFFFFD000  }
0x18c: {  	_ =	swait.ge [sflag:s30], $0x3000  }
0x18d: {  	[sflag:s30] =	ssyncset.done $0x0  }
0x18e: {  	[sflag:s30] =	ssyncadd.s32 $0xFFFFD000  }
0x18f: {  	_ =	swait.ge [sflag:s30], $0x3000  }
0x190: {  	[sflag:s30] =	ssyncset.done $0x0  }
0x191: {  	[sflag:s30] =	ssyncadd.s32 $0xFFFFD000  }
0x192: {  	_ =	swait.ge [sflag:s30], $0x3000  }
0x193: {  	[sflag:s30] =	ssyncset.done $0x0  }
0x194: {  	[sflag:s30] =	ssyncadd.s32 $0xFFFFD000  }
.LBB2_4:
0x195: {  	s24 =	smul.u32 $0xC0, s22;
	_ =	sdelay $0x1  }
0x196: {  	s26 =	sshra.s32 s24, $0x1  }
0x197: {  	v0 =	vld [tilespmem:s26+$0x9B00]  }
0x198: {  	v1 =	vld [tilespmem:s26+$0xB300];
	_ =	sdelay $0x1  }
0x199: {  	v2 =	vld [tilespmem:s26+$0xCB00];
	_ =	sdelay $0x1  }
0x19a: {  	v3 =	vld [tilespmem:s26+$0xE300]  }
0x19b: {  	v0 =	vadd.bf16 v1, v0  }
0x19c: {  	v18 =	vld [tilespmem:s26+$0xFB00]  }
0x19d: {  	v0 =	vadd.bf16 v2, v0  }
0x19e: {  	v19 =	vld [tilespmem:s26+$0x11300]  }
0x19f: {  	v0 =	vadd.bf16 v3, v0;
	_ =	sdelay $0x1  }
0x1a0: {  	v20 =	vld [tilespmem:s24+$0x15B00];
	v0 =	vadd.bf16 v18, v0  }
0x1a1: {  	v21 =	vld [tilespmem:s24+$0x15B10]  }
0x1a2: {  	v0 =	vadd.bf16 v19, v0;
	_ =	sdelay $0x1  }
0x1a3: {  	v2 =	vunpack.i.l.bf16.f32 v0  }
0x1a4: {  	v0 =	vunpack.i.u.bf16.f32 v0;
	v1 =	vadd.f32 v20, v2  }
0x1a5: {  	v0 =	vadd.f32 v21, v0  }
0x1a6: {  	s29 =	sor.u32 $0x20, s24;
	[tilespmem:s24+$0x1BB00] =	vst v1  }
0x1a7: {  	s29 =	sshra.s32 s29, $0x1;
	[tilespmem:s24+$0x1BB10] =	vst v0  }
0x1a8: {  	v0 =	vld [tilespmem:s29+$0x9B00]  }
0x1a9: {  	v1 =	vld [tilespmem:s26+$0xB310];
	_ =	sdelay $0x1  }
0x1aa: {  	v22 =	vld [tilespmem:s26+$0xCB10];
	_ =	sdelay $0x1  }
0x1ab: {  	v23 =	vld [tilespmem:s26+$0xE310]  }
0x1ac: {  	v0 =	vadd.bf16 v1, v0  }
0x1ad: {  	v24 =	vld [tilespmem:s26+$0xFB10]  }
0x1ae: {  	v0 =	vadd.bf16 v22, v0  }
0x1af: {  	v25 =	vld [tilespmem:s26+$0x11310]  }
0x1b0: {  	v0 =	vadd.bf16 v23, v0;
	_ =	sdelay $0x1  }
0x1b1: {  	v26 =	vld [tilespmem:s24+$0x15B20];
	v0 =	vadd.bf16 v24, v0  }
0x1b2: {  	v27 =	vld [tilespmem:s24+$0x15B30]  }
0x1b3: {  	v0 =	vadd.bf16 v25, v0;
	_ =	sdelay $0x1  }
0x1b4: {  	v2 =	vunpack.i.l.bf16.f32 v0  }
0x1b5: {  	v0 =	vunpack.i.u.bf16.f32 v0;
	v1 =	vadd.f32 v26, v2  }
0x1b6: {  	v33 =	vld [tilespmem:s24+$0x15B40];
	v0 =	vadd.f32 v27, v0  }
0x1b7: {  	v35 =	vld [tilespmem:s24+$0x15B50];
	s29 =	sor.u32 $0x40, s24;
	[tilespmem:s24+$0x1BB20] =	vst v1  }
0x1b8: {  	v36 =	vld [tilespmem:s24+$0x15BC0];
	s29 =	sshra.s32 s29, $0x1;
	[tilespmem:s24+$0x1BB30] =	vst v0  }
0x1b9: {  	v0 =	vld [tilespmem:s29+$0x9B00]  }
0x1ba: {  	v1 =	vld [tilespmem:s26+$0xB320]  }
0x1bb: {  	v4 =	vld [tilespmem:s26+$0xB360];
	s29 =	sor.u32 $0xC0, s24  }
0x1bc: {  	v28 =	vld [tilespmem:s26+$0xCB20];
	s29 =	sshra.s32 s29, $0x1  }
0x1bd: {  	v29 =	vld [tilespmem:s29+$0x9B00]  }
0x1be: {  	v5 =	vld [tilespmem:s26+$0xE320]  }
0x1bf: {  	v30 =	vld [tilespmem:s26+$0xCB60];
	v0 =	vadd.bf16 v1, v0  }
0x1c0: {  	v6 =	vld [tilespmem:s26+$0xFB20]  }
0x1c1: {  	v31 =	vld [tilespmem:s26+$0xE360];
	v0 =	vadd.bf16 v28, v0  }
0x1c2: {  	v7 =	vld [tilespmem:s26+$0x11320];
	v3 =	vadd.bf16 v4, v29  }
0x1c3: {  	v32 =	vld [tilespmem:s26+$0xFB60];
	v0 =	vadd.bf16 v5, v0  }
0x1c4: {  	v38 =	vld [tilespmem:s24+$0x15BD0];
	v1 =	vadd.bf16 v30, v3  }
0x1c5: {  	v34 =	vld [tilespmem:s26+$0x11360];
	v0 =	vadd.bf16 v6, v0  }
0x1c6: {  	v51 =	vld [tilespmem:s24+$0x15B60];
	v1 =	vadd.bf16 v31, v1  }
0x1c7: {  	v53 =	vld [tilespmem:s24+$0x15B70];
	v0 =	vadd.bf16 v7, v0  }
0x1c8: {  	v54 =	vld [tilespmem:s24+$0x15BE0];
	v1 =	vadd.bf16 v32, v1  }
0x1c9: {  	v56 =	vld [tilespmem:s24+$0x15BF0];
	v37 =	vunpack.i.l.bf16.f32 v0  }
0x1ca: {  	v13 =	vld [tilespmem:s24+$0x15B80];
	v0 =	vunpack.i.u.bf16.f32 v0;
	v1 =	vadd.bf16 v34, v1;
	v4 =	vadd.f32 v33, v37  }
0x1cb: {  	v15 =	vld [tilespmem:s24+$0x15B90];
	v0 =	vadd.f32 v35, v0  }
0x1cc: {  	v16 =	vld [tilespmem:s24+$0x15C00];
	s29 =	sor.u32 $0x60, s24;
	v3 =	vunpack.i.l.bf16.f32 v1;
	[tilespmem:s24+$0x1BB40] =	vst v4  }
0x1cd: {  	v8 =	vld [tilespmem:s26+$0xCBC0];
	s29 =	sshra.s32 s29, $0x1;
	v39 =	vunpack.i.u.bf16.f32 v1;
	[tilespmem:s24+$0x1BB50] =	vst v0;
	v40 =	vadd.f32 v36, v3  }
0x1ce: {  	v0 =	vadd.f32 v38, v39;
	v41 =	vld [tilespmem:s29+$0x9B00]  }
0x1cf: {  	v42 =	vld [tilespmem:s26+$0xB330];
	s29 =	sor.u32 $0xE0, s24;
	[tilespmem:s24+$0x1BBC0] =	vst v40  }
0x1d0: {  	v43 =	vld [tilespmem:s26+$0xCB30];
	[tilespmem:s24+$0x1BBD0] =	vst v0;
	s29 =	sshra.s32 s29, $0x1  }
0x1d1: {  	v0 =	vld [tilespmem:s29+$0x9B00]  }
0x1d2: {  	v44 =	vld [tilespmem:s26+$0xB370]  }
0x1d3: {  	v45 =	vld [tilespmem:s26+$0xE330]  }
0x1d4: {  	v46 =	vld [tilespmem:s26+$0xCB70];
	v2 =	vadd.bf16 v42, v41  }
0x1d5: {  	v47 =	vld [tilespmem:s26+$0xFB30]  }
0x1d6: {  	v48 =	vld [tilespmem:s26+$0xE370];
	v1 =	vadd.bf16 v43, v2  }
0x1d7: {  	v49 =	vld [tilespmem:s26+$0x11330];
	v0 =	vadd.bf16 v44, v0  }
0x1d8: {  	v50 =	vld [tilespmem:s26+$0xFB70];
	v1 =	vadd.bf16 v45, v1  }
0x1d9: {  	v18 =	vld [tilespmem:s24+$0x15C10];
	v0 =	vadd.bf16 v46, v0  }
0x1da: {  	v52 =	vld [tilespmem:s26+$0x11370];
	v1 =	vadd.bf16 v47, v1  }
0x1db: {  	v22 =	vld [tilespmem:s26+$0x9BC0];
	v0 =	vadd.bf16 v48, v0  }
0x1dc: {  	v23 =	vld [tilespmem:s26+$0xB3C0];
	v1 =	vadd.bf16 v49, v1  }
0x1dd: {  	v24 =	vld [tilespmem:s26+$0xCC20];
	v0 =	vadd.bf16 v50, v0  }
0x1de: {  	v25 =	vld [tilespmem:s26+$0xE420];
	v55 =	vunpack.i.l.bf16.f32 v1  }
0x1df: {  	v26 =	vld [tilespmem:s26+$0xFC20];
	v1 =	vunpack.i.u.bf16.f32 v1;
	v0 =	vadd.bf16 v52, v0;
	v4 =	vadd.f32 v51, v55  }
0x1e0: {  	v27 =	vld [tilespmem:s24+$0x15C80];
	v1 =	vadd.f32 v53, v1  }
0x1e1: {  	v28 =	vld [tilespmem:s26+$0x11420];
	s29 =	sor.u32 $0x80, s24;
	v3 =	vunpack.i.l.bf16.f32 v0;
	[tilespmem:s24+$0x1BB60] =	vst v4  }
0x1e2: {  	v29 =	vld [tilespmem:s24+$0x15C90];
	s29 =	sshra.s32 s29, $0x1;
	v0 =	vunpack.i.u.bf16.f32 v0;
	[tilespmem:s24+$0x1BB70] =	vst v1;
	v57 =	vadd.f32 v54, v3  }
0x1e3: {  	v0 =	vadd.f32 v56, v0;
	v58 =	vld [tilespmem:s29+$0x9B00]  }
0x1e4: {  	v59 =	vld [tilespmem:s26+$0xB340];
	[tilespmem:s24+$0x1BBE0] =	vst v57  }
0x1e5: {  	v60 =	vld [tilespmem:s26+$0xCB40];
	[tilespmem:s24+$0x1BBF0] =	vst v0  }
0x1e6: {  	v0 =	vld [tilespmem:s26+$0x9B80]  }
0x1e7: {  	v61 =	vld [tilespmem:s26+$0xB380]  }
0x1e8: {  	v62 =	vld [tilespmem:s26+$0xE340]  }
0x1e9: {  	v63 =	vld [tilespmem:s26+$0xCB80];
	v2 =	vadd.bf16 v59, v58  }
0x1ea: {  	v9 =	vld [tilespmem:s26+$0xFB40]  }
0x1eb: {  	v10 =	vld [tilespmem:s26+$0xE380];
	v1 =	vadd.bf16 v60, v2  }
0x1ec: {  	v11 =	vld [tilespmem:s26+$0x11340];
	v0 =	vadd.bf16 v61, v0  }
0x1ed: {  	v12 =	vld [tilespmem:s26+$0xFB80];
	v1 =	vadd.bf16 v62, v1  }
0x1ee: {  	v14 =	vld [tilespmem:s26+$0x11380];
	v0 =	vadd.bf16 v63, v0  }
0x1ef: {  	v1 =	vadd.bf16 v9, v1;
	v9 =	vld [tilespmem:s26+$0x9C20]  }
0x1f0: {  	v0 =	vadd.bf16 v10, v0;
	v10 =	vld [tilespmem:s26+$0xB420]  }
0x1f1: {  	v1 =	vadd.bf16 v11, v1;
	v11 =	vld [tilespmem:s26+$0xE3C0]  }
0x1f2: {  	v6 =	vadd.bf16 v23, v22;
	v31 =	vld [tilespmem:s24+$0x15D40];
	v0 =	vadd.bf16 v12, v0  }
0x1f3: {  	v12 =	vld [tilespmem:s26+$0xFBC0]  }
0x1f4: {  	v6 =	vadd.bf16 v8, v6;
	v33 =	vld [tilespmem:s24+$0x15C20];
	v17 =	vunpack.i.l.bf16.f32 v1;
	v0 =	vadd.bf16 v14, v0  }
0x1f5: {  	v4 =	vadd.f32 v13, v17;
	v13 =	vld [tilespmem:s26+$0x113C0];
	v9 =	vadd.bf16 v10, v9  }
0x1f6: {  	v35 =	vld [tilespmem:s24+$0x15C30];
	v3 =	vunpack.i.l.bf16.f32 v0;
	v6 =	vadd.bf16 v11, v6  }
0x1f7: {  	v49 =	vld [tilespmem:s24+$0x15CA0];
	v19 =	vunpack.i.u.bf16.f32 v0;
	v3 =	vadd.f32 v16, v3;
	v7 =	vadd.bf16 v24, v9  }
0x1f8: {  	v54 =	vld [tilespmem:s24+$0x15CB0];
	v20 =	vadd.f32 v18, v19;
	v6 =	vadd.bf16 v12, v6  }
0x1f9: {  	v56 =	vld [tilespmem:s24+$0x15D60];
	[tilespmem:s24+$0x1BC00] =	vst v3;
	v7 =	vadd.bf16 v25, v7  }
0x1fa: {  	v14 =	vld [tilespmem:s24+$0x15D50];
	[tilespmem:s24+$0x1BC10] =	vst v20;
	v6 =	vadd.bf16 v13, v6  }
0x1fb: {  	v3 =	vld [tilespmem:s26+$0x9B90];
	v7 =	vadd.bf16 v26, v7  }
0x1fc: {  	[tilespmem:s24+$0x1BB80] =	vst v4;
	v4 =	vld [tilespmem:s26+$0xB390];
	v13 =	vunpack.i.l.bf16.f32 v6  }
0x1fd: {  	v21 =	vld [tilespmem:s26+$0xCB90];
	v6 =	vunpack.i.u.bf16.f32 v6;
	v7 =	vadd.bf16 v28, v7;
	v11 =	vadd.f32 v27, v13  }
0x1fe: {  	v1 =	vunpack.i.u.bf16.f32 v1;
	v30 =	vld [tilespmem:s26+$0xE390];
	v6 =	vadd.f32 v29, v6  }
0x1ff: {  	v1 =	vadd.f32 v15, v1;
	v15 =	vld [tilespmem:s26+$0xFB90];
	v34 =	vunpack.i.l.bf16.f32 v7;
	[tilespmem:s24+$0x1BC80] =	vst v11  }
0x200: {  	v32 =	vld [tilespmem:s26+$0x11390];
	v36 =	vunpack.i.u.bf16.f32 v7;
	[tilespmem:s24+$0x1BC90] =	vst v6;
	v37 =	vadd.f32 v31, v34  }
0x201: {  	v6 =	vadd.f32 v14, v36;
	v38 =	vld [tilespmem:s26+$0x9BD0]  }
0x202: {  	v39 =	vld [tilespmem:s26+$0xB3D0];
	[tilespmem:s24+$0x1BD40] =	vst v37  }
0x203: {  	v40 =	vld [tilespmem:s26+$0xCBD0];
	[tilespmem:s24+$0x1BD50] =	vst v6  }
0x204: {  	v41 =	vld [tilespmem:s26+$0x9C30]  }
0x205: {  	v3 =	vadd.bf16 v4, v3;
	v6 =	vld [tilespmem:s26+$0xB430]  }
0x206: {  	v42 =	vld [tilespmem:s26+$0xE3D0]  }
0x207: {  	v3 =	vadd.bf16 v21, v3;
	v43 =	vld [tilespmem:s26+$0xCC30];
	v10 =	vadd.bf16 v39, v38  }
0x208: {  	v44 =	vld [tilespmem:s26+$0xFBD0]  }
0x209: {  	v3 =	vadd.bf16 v30, v3;
	v45 =	vld [tilespmem:s26+$0xE430];
	v7 =	vadd.bf16 v40, v10  }
0x20a: {  	v46 =	vld [tilespmem:s26+$0x113D0];
	v4 =	vadd.bf16 v6, v41  }
0x20b: {  	v47 =	vld [tilespmem:s26+$0xFC30];
	v3 =	vadd.bf16 v15, v3;
	v5 =	vadd.bf16 v42, v7  }
0x20c: {  	s29 =	sor.u32 $0xA0, s24;
	v58 =	vld [tilespmem:s24+$0x15D70];
	v50 =	vadd.bf16 v43, v4  }
0x20d: {  	s29 =	sshra.s32 s29, $0x1;
	[tilespmem:s24+$0x1BB90] =	vst v1;
	v52 =	vld [tilespmem:s26+$0x11430];
	v48 =	vadd.bf16 v32, v3;
	v51 =	vadd.bf16 v44, v5  }
0x20e: {  	v0 =	vld [tilespmem:s29+$0x9B00];
	v10 =	vadd.bf16 v45, v50  }
0x20f: {  	v2 =	vld [tilespmem:s26+$0xB350];
	v53 =	vunpack.i.l.bf16.f32 v48;
	v55 =	vadd.bf16 v46, v51  }
0x210: {  	v1 =	vld [tilespmem:s26+$0xCB50];
	v7 =	vunpack.i.u.bf16.f32 v48;
	v8 =	vadd.f32 v33, v53;
	v6 =	vadd.bf16 v47, v10  }
0x211: {  	v27 =	vld [tilespmem:s24+$0x15CC0];
	v7 =	vadd.f32 v35, v7;
	v57 =	vunpack.i.l.bf16.f32 v55  }
0x212: {  	v29 =	vld [tilespmem:s24+$0x15CD0];
	[tilespmem:s24+$0x1BC20] =	vst v8;
	v59 =	vunpack.i.u.bf16.f32 v55;
	v5 =	vadd.bf16 v52, v6;
	v8 =	vadd.f32 v49, v57  }
0x213: {  	v31 =	vld [tilespmem:s24+$0x15D80];
	[tilespmem:s24+$0x1BC30] =	vst v7;
	v7 =	vadd.f32 v54, v59  }
0x214: {  	v3 =	vld [tilespmem:s26+$0xE350];
	v62 =	vunpack.i.l.bf16.f32 v5;
	[tilespmem:s24+$0x1BCA0] =	vst v8  }
0x215: {  	v4 =	vld [tilespmem:s26+$0xFB50];
	v5 =	vunpack.i.u.bf16.f32 v5;
	[tilespmem:s24+$0x1BCB0] =	vst v7;
	v16 =	vadd.f32 v56, v62  }
0x216: {  	v5 =	vadd.f32 v58, v5;
	v17 =	vld [tilespmem:s26+$0x9BE0]  }
0x217: {  	v18 =	vld [tilespmem:s26+$0xB3E0];
	[tilespmem:s24+$0x1BD60] =	vst v16  }
0x218: {  	v19 =	vld [tilespmem:s26+$0xCBE0];
	[tilespmem:s24+$0x1BD70] =	vst v5  }
0x219: {  	v5 =	vld [tilespmem:s26+$0x9C40]  }
0x21a: {  	v20 =	vld [tilespmem:s26+$0xB440]  }
0x21b: {  	v21 =	vld [tilespmem:s26+$0xE3E0]  }
0x21c: {  	v22 =	vld [tilespmem:s26+$0xCC40];
	v8 =	vadd.bf16 v18, v17  }
0x21d: {  	v23 =	vld [tilespmem:s26+$0xFBE0]  }
0x21e: {  	v24 =	vld [tilespmem:s26+$0xE440];
	v7 =	vadd.bf16 v19, v8  }
0x21f: {  	v25 =	vld [tilespmem:s26+$0x113E0];
	v5 =	vadd.bf16 v20, v5  }
0x220: {  	v26 =	vld [tilespmem:s26+$0xFC40];
	v7 =	vadd.bf16 v21, v7  }
0x221: {  	v33 =	vld [tilespmem:s24+$0x15C40];
	v5 =	vadd.bf16 v22, v5  }
0x222: {  	v28 =	vld [tilespmem:s26+$0x11440];
	v7 =	vadd.bf16 v23, v7  }
0x223: {  	v48 =	vld [tilespmem:s24+$0x15CE0];
	v5 =	vadd.bf16 v24, v5  }
0x224: {  	v35 =	vld [tilespmem:s24+$0x15C50];
	v7 =	vadd.bf16 v25, v7  }
0x225: {  	v60 =	vld [tilespmem:s26+$0x9BA0];
	v5 =	vadd.bf16 v26, v5  }
0x226: {  	v16 =	vld [tilespmem:s24+$0x15D90];
	v15 =	vunpack.i.l.bf16.f32 v7  }
0x227: {  	v61 =	vld [tilespmem:s26+$0xB3A0];
	v7 =	vunpack.i.u.bf16.f32 v7;
	v5 =	vadd.bf16 v28, v5;
	v13 =	vadd.f32 v27, v15  }
0x228: {  	v63 =	vld [tilespmem:s26+$0xCBA0];
	v7 =	vadd.f32 v29, v7  }
0x229: {  	v30 =	vld [tilespmem:s26+$0xE3A0];
	v34 =	vunpack.i.l.bf16.f32 v5;
	[tilespmem:s24+$0x1BCC0] =	vst v13  }
0x22a: {  	v17 =	vld [tilespmem:s26+$0xFBA0];
	v5 =	vunpack.i.u.bf16.f32 v5;
	[tilespmem:s24+$0x1BCD0] =	vst v7;
	v36 =	vadd.f32 v31, v34  }
0x22b: {  	v5 =	vadd.f32 v16, v5;
	v37 =	vld [tilespmem:s26+$0x9BF0]  }
0x22c: {  	v38 =	vld [tilespmem:s26+$0xB3F0];
	[tilespmem:s24+$0x1BD80] =	vst v36  }
0x22d: {  	v39 =	vld [tilespmem:s26+$0xCBF0];
	[tilespmem:s24+$0x1BD90] =	vst v5  }
0x22e: {  	v5 =	vld [tilespmem:s26+$0x9C50]  }
0x22f: {  	v40 =	vld [tilespmem:s26+$0xB450]  }
0x230: {  	v41 =	vld [tilespmem:s26+$0xE3F0]  }
0x231: {  	v43 =	vld [tilespmem:s26+$0xCC50];
	v42 =	vadd.bf16 v38, v37  }
0x232: {  	v44 =	vld [tilespmem:s26+$0xFBF0]  }
0x233: {  	v6 =	vadd.bf16 v61, v60;
	v45 =	vld [tilespmem:s26+$0xE450];
	v7 =	vadd.bf16 v39, v42  }
0x234: {  	v0 =	vadd.bf16 v2, v0;
	v46 =	vld [tilespmem:s26+$0x113F0];
	v5 =	vadd.bf16 v40, v5  }
0x235: {  	v6 =	vadd.bf16 v63, v6;
	v47 =	vld [tilespmem:s26+$0xFC50];
	v7 =	vadd.bf16 v41, v7  }
0x236: {  	v0 =	vadd.bf16 v1, v0;
	v32 =	vld [tilespmem:s26+$0x113A0];
	v5 =	vadd.bf16 v43, v5  }
0x237: {  	v6 =	vadd.bf16 v30, v6;
	v49 =	vld [tilespmem:s26+$0x11450];
	v7 =	vadd.bf16 v44, v7  }
0x238: {  	v50 =	vld [tilespmem:s24+$0x15CF0];
	v0 =	vadd.bf16 v3, v0;
	v5 =	vadd.bf16 v45, v5  }
0x239: {  	v51 =	vld [tilespmem:s26+$0x11350];
	v6 =	vadd.bf16 v17, v6;
	v7 =	vadd.bf16 v46, v7  }
0x23a: {  	v54 =	vld [tilespmem:s24+$0x15DA0];
	v5 =	vadd.bf16 v47, v5  }
0x23b: {  	v0 =	vadd.bf16 v4, v0;
	v56 =	vld [tilespmem:s24+$0x15DB0];
	v6 =	vadd.bf16 v32, v6;
	v55 =	vunpack.i.l.bf16.f32 v7  }
0x23c: {  	v57 =	vld [tilespmem:s24+$0x15BA0];
	v7 =	vunpack.i.u.bf16.f32 v7;
	v5 =	vadd.bf16 v49, v5;
	v58 =	vadd.f32 v48, v55  }
0x23d: {  	v59 =	vld [tilespmem:s24+$0x15BB0];
	v60 =	vadd.f32 v50, v7  }
0x23e: {  	v0 =	vadd.bf16 v51, v0;
	v51 =	vld [tilespmem:s24+$0x15C70];
	v52 =	vunpack.i.l.bf16.f32 v6;
	v62 =	vunpack.i.l.bf16.f32 v5;
	[tilespmem:s24+$0x1BCE0] =	vst v58  }
0x23f: {  	v53 =	vadd.f32 v33, v52;
	v33 =	vld [tilespmem:s24+$0x15DC0];
	v5 =	vunpack.i.u.bf16.f32 v5;
	[tilespmem:s24+$0x1BCF0] =	vst v60;
	v18 =	vadd.f32 v54, v62  }
0x240: {  	v5 =	vadd.f32 v56, v5;
	v19 =	vld [tilespmem:s26+$0x9C00]  }
0x241: {  	v20 =	vld [tilespmem:s26+$0xB400];
	[tilespmem:s24+$0x1BDA0] =	vst v18  }
0x242: {  	v21 =	vld [tilespmem:s26+$0xCC00];
	[tilespmem:s24+$0x1BDB0] =	vst v5  }
0x243: {  	v5 =	vld [tilespmem:s26+$0x9C60]  }
0x244: {  	v22 =	vld [tilespmem:s26+$0xB460]  }
0x245: {  	v6 =	vunpack.i.u.bf16.f32 v6;
	v23 =	vld [tilespmem:s26+$0xE400]  }
0x246: {  	v6 =	vadd.f32 v35, v6;
	v24 =	vld [tilespmem:s26+$0xCC60];
	v9 =	vadd.bf16 v20, v19  }
0x247: {  	v25 =	vld [tilespmem:s26+$0xFC00]  }
0x248: {  	[tilespmem:s24+$0x1BC50] =	vst v6;
	v26 =	vld [tilespmem:s26+$0xE460];
	v6 =	vadd.bf16 v21, v9  }
0x249: {  	v27 =	vld [tilespmem:s26+$0x11400];
	v5 =	vadd.bf16 v22, v5  }
0x24a: {  	v28 =	vld [tilespmem:s26+$0xFC60];
	v6 =	vadd.bf16 v23, v6  }
0x24b: {  	v29 =	vld [tilespmem:s24+$0x15D00];
	v5 =	vadd.bf16 v24, v5  }
0x24c: {  	v30 =	vld [tilespmem:s26+$0x11460];
	v6 =	vadd.bf16 v25, v6  }
0x24d: {  	[tilespmem:s24+$0x1BC40] =	vst v53;
	v31 =	vld [tilespmem:s24+$0x15D10];
	v5 =	vadd.bf16 v26, v5  }
0x24e: {  	v61 =	vld [tilespmem:s26+$0x9BB0];
	v6 =	vadd.bf16 v27, v6  }
0x24f: {  	v63 =	vld [tilespmem:s26+$0xB3B0];
	v5 =	vadd.bf16 v28, v5  }
0x250: {  	v18 =	vld [tilespmem:s24+$0x15DD0];
	v17 =	vunpack.i.l.bf16.f32 v6  }
0x251: {  	v32 =	vld [tilespmem:s26+$0xCBB0];
	v6 =	vunpack.i.u.bf16.f32 v6;
	v5 =	vadd.bf16 v30, v5;
	v14 =	vadd.f32 v29, v17  }
0x252: {  	v34 =	vld [tilespmem:s26+$0xE3B0];
	v6 =	vadd.f32 v31, v6  }
0x253: {  	v35 =	vld [tilespmem:s26+$0xFBB0];
	v37 =	vunpack.i.l.bf16.f32 v5;
	[tilespmem:s24+$0x1BD00] =	vst v14  }
0x254: {  	v36 =	vld [tilespmem:s26+$0x113B0];
	v5 =	vunpack.i.u.bf16.f32 v5;
	[tilespmem:s24+$0x1BD10] =	vst v6;
	v38 =	vadd.f32 v33, v37  }
0x255: {  	v5 =	vadd.f32 v18, v5;
	v40 =	vld [tilespmem:s26+$0x9C10]  }
0x256: {  	v41 =	vld [tilespmem:s26+$0xB410];
	[tilespmem:s24+$0x1BDC0] =	vst v38  }
0x257: {  	v42 =	vld [tilespmem:s26+$0xCC10];
	[tilespmem:s24+$0x1BDD0] =	vst v5  }
0x258: {  	v43 =	vld [tilespmem:s26+$0x9C70]  }
0x259: {  	v7 =	vadd.bf16 v63, v61;
	v44 =	vld [tilespmem:s26+$0xB470]  }
0x25a: {  	v45 =	vld [tilespmem:s26+$0xE410]  }
0x25b: {  	v7 =	vadd.bf16 v32, v7;
	v46 =	vld [tilespmem:s26+$0xCC70]  }
0x25c: {  	v47 =	vld [tilespmem:s26+$0xFC10];
	v6 =	vadd.bf16 v41, v40  }
0x25d: {  	v7 =	vadd.bf16 v34, v7;
	v48 =	vld [tilespmem:s26+$0xE470]  }
0x25e: {  	v49 =	vld [tilespmem:s26+$0x11410];
	v5 =	vadd.bf16 v42, v6;
	v2 =	vadd.bf16 v44, v43  }
0x25f: {  	v7 =	vadd.bf16 v35, v7;
	v50 =	vld [tilespmem:s26+$0xFC70]  }
0x260: {  	v39 =	vld [tilespmem:s24+$0x15C60];
	v1 =	vadd.bf16 v45, v5;
	v2 =	vadd.bf16 v46, v2  }
0x261: {  	v53 =	vunpack.i.u.bf16.f32 v0;
	v7 =	vadd.bf16 v36, v7;
	v52 =	vld [tilespmem:s26+$0x11470]  }
0x262: {  	v0 =	vunpack.i.l.bf16.f32 v0;
	v54 =	vld [tilespmem:s24+$0x15D20];
	v1 =	vadd.bf16 v47, v1;
	v2 =	vadd.bf16 v48, v2  }
0x263: {  	v0 =	vadd.f32 v57, v0;
	v55 =	vld [tilespmem:s24+$0x15D30];
	v9 =	vadd.f32 v59, v53  }
0x264: {  	v57 =	vld [tilespmem:s24+$0x15DE0];
	v56 =	vunpack.i.l.bf16.f32 v7;
	v1 =	vadd.bf16 v49, v1;
	v2 =	vadd.bf16 v50, v2  }
0x265: {  	[tilespmem:s24+$0x1BBA0] =	vst v0;
	v58 =	vunpack.i.u.bf16.f32 v7;
	v59 =	vld [tilespmem:s24+$0x15DF0];
	v4 =	vadd.f32 v39, v56  }
0x266: {  	v0 =	vadd.f32 v51, v58;
	[tilespmem:s24+$0x1BBB0] =	vst v9;
	v2 =	vadd.bf16 v52, v2;
	v60 =	vunpack.i.l.bf16.f32 v1  }
0x267: {  	p0 =	slt.u32 s22, $0x3C;
	[tilespmem:s24+$0x1BC60] =	vst v4;
	v1 =	vunpack.i.u.bf16.f32 v1;
	v3 =	vadd.f32 v54, v60  }
.Ltmp1:
0x268: {  	[tilespmem:s24+$0x1BC70] =	vst v0;
	v61 =	vadd.f32 v55, v1;
	v62 =	vunpack.i.l.bf16.f32 v2;
	(pc) =	sbr.rel @p0 .LBB2_4-.Ltmp1, $4  }
0x269: {  	v2 =	vunpack.i.u.bf16.f32 v2;
	[tilespmem:s24+$0x1BD20] =	vst v3;
	v1 =	vadd.f32 v57, v62  }
0x26a: {  	[tilespmem:s24+$0x1BD30] =	vst v61;
	v63 =	vadd.f32 v59, v2  }
0x26b: {  	s29 =	sadd.s32 $0x4, s22;
	[tilespmem:s24+$0x1BDE0] =	vst v1  }
0x26c: {  	s22 =	smov.u32 s29;
	[tilespmem:s24+$0x1BDF0] =	vst v63  }
0x26d: {  	s22 =	simm.s32 $0x0  }
0x26e: {  	[hbm4b:s11+s22] =	stream.linear.scatter [tilespmem:s0], [sflag:$0x4], $0x3000, $0x38;
	[tilespmem:$0x1EB00] =	vst v63  }
0x26f: {  	s24 =	simm.s32 $0x980  }
0x270: {  	[tilespmem:s31], [sflag:$0x2] =	stream.indirect.gather [hbm4b:s3+s20], $0x60, s24, s20, $0xb8;
	[tilespmem:$0x1EB00] =	vst v63  }
0x271: {  	s29 =	simm.s32 $0xA00  }
0x272: {  	[tilespmem:s1], [sflag:$0x2] =	stream.indirect.gather [hbm4b:s3+s20], $0x60, s29, s20, $0xb8;
	[tilespmem:$0x1EB00] =	vst v63  }
0x273: {  	s26 =	simm.s32 $0xA80  }
0x274: {  	[tilespmem:s17], [sflag:$0x2] =	stream.indirect.gather [hbm4b:s3+s20], $0x60, s26, s20, $0xb8;
	[tilespmem:$0x1EB00] =	vst v63  }
0x275: {  	s29 =	simm.s32 $0x4C0  }
0x276: {  	[tilespmem:s21], [sflag:$0x2] =	stream.indirect.gather [hbm4b:s4+s28], $0xC0, s29, s28, $0xb8;
	[tilespmem:$0x1EB00] =	vst v63  }
0x277: {  	_ =	swait.ge [sflag:s23], $0x3000  }
0x278: {  	[sflag:s23] =	ssyncset.done $0x0  }
0x279: {  	[sflag:s23] =	ssyncadd.s32 $0xFFFFD000  }
0x27a: {  	_ =	swait.ge [sflag:s23], $0x3000  }
0x27b: {  	[sflag:s23] =	ssyncset.done $0x0  }
0x27c: {  	[sflag:s23] =	ssyncadd.s32 $0xFFFFD000  }
0x27d: {  	_ =	swait.ge [sflag:s23], $0x3000  }
0x27e: {  	[sflag:s23] =	ssyncset.done $0x0  }
0x27f: {  	[sflag:s23] =	ssyncadd.s32 $0xFFFFD000  }
0x280: {  	_ =	swait.ge [sflag:s23], $0x3000  }
0x281: {  	[sflag:s23] =	ssyncset.done $0x0  }
0x282: {  	[sflag:s23] =	ssyncadd.s32 $0xFFFFD000  }
0x283: {  	_ =	swait.ge [sflag:s16], $0x3000  }
0x284: {  	[sflag:s16] =	ssyncset.done $0x0  }
0x285: {  	[sflag:s16] =	ssyncadd.s32 $0xFFFFD000  }
.LBB2_6:
0x286: {  	s24 =	smul.u32 $0xC0, s22;
	_ =	sdelay $0x1  }
0x287: {  	s26 =	sshra.s32 s24, $0x1  }
0x288: {  	v0 =	vld [tilespmem:s26+$0xB00]  }
0x289: {  	v1 =	vld [tilespmem:s26+$0x2300];
	_ =	sdelay $0x1  }
0x28a: {  	v2 =	vld [tilespmem:s26+$0x3B00];
	_ =	sdelay $0x1  }
0x28b: {  	v3 =	vld [tilespmem:s26+$0x5300]  }
0x28c: {  	v0 =	vadd.bf16 v1, v0  }
0x28d: {  	v18 =	vld [tilespmem:s26+$0x6B00]  }
0x28e: {  	v0 =	vadd.bf16 v2, v0  }
0x28f: {  	v19 =	vld [tilespmem:s26+$0x8300]  }
0x290: {  	v0 =	vadd.bf16 v3, v0;
	_ =	sdelay $0x1  }
0x291: {  	v20 =	vld [tilespmem:s24+$0x12B00];
	v0 =	vadd.bf16 v18, v0  }
0x292: {  	v21 =	vld [tilespmem:s24+$0x12B10]  }
0x293: {  	v0 =	vadd.bf16 v19, v0;
	_ =	sdelay $0x1  }
0x294: {  	v2 =	vunpack.i.l.bf16.f32 v0  }
0x295: {  	v0 =	vunpack.i.u.bf16.f32 v0;
	v1 =	vadd.f32 v20, v2  }
0x296: {  	v0 =	vadd.f32 v21, v0  }
0x297: {  	s29 =	sor.u32 $0x20, s24;
	[tilespmem:s24+$0x18B00] =	vst v1  }
0x298: {  	s29 =	sshra.s32 s29, $0x1;
	[tilespmem:s24+$0x18B10] =	vst v0  }
0x299: {  	v0 =	vld [tilespmem:s29+$0xB00]  }
0x29a: {  	v1 =	vld [tilespmem:s26+$0x2310];
	_ =	sdelay $0x1  }
0x29b: {  	v22 =	vld [tilespmem:s26+$0x3B10];
	_ =	sdelay $0x1  }
0x29c: {  	v23 =	vld [tilespmem:s26+$0x5310]  }
0x29d: {  	v0 =	vadd.bf16 v1, v0  }
0x29e: {  	v24 =	vld [tilespmem:s26+$0x6B10]  }
0x29f: {  	v0 =	vadd.bf16 v22, v0  }
0x2a0: {  	v25 =	vld [tilespmem:s26+$0x8310]  }
0x2a1: {  	v0 =	vadd.bf16 v23, v0;
	_ =	sdelay $0x1  }
0x2a2: {  	v26 =	vld [tilespmem:s24+$0x12B20];
	v0 =	vadd.bf16 v24, v0  }
0x2a3: {  	v27 =	vld [tilespmem:s24+$0x12B30]  }
0x2a4: {  	v0 =	vadd.bf16 v25, v0;
	_ =	sdelay $0x1  }
0x2a5: {  	v2 =	vunpack.i.l.bf16.f32 v0  }
0x2a6: {  	v0 =	vunpack.i.u.bf16.f32 v0;
	v1 =	vadd.f32 v26, v2  }
0x2a7: {  	v33 =	vld [tilespmem:s24+$0x12B40];
	v0 =	vadd.f32 v27, v0  }
0x2a8: {  	v35 =	vld [tilespmem:s24+$0x12B50];
	s29 =	sor.u32 $0x40, s24;
	[tilespmem:s24+$0x18B20] =	vst v1  }
0x2a9: {  	v36 =	vld [tilespmem:s24+$0x12BC0];
	s29 =	sshra.s32 s29, $0x1;
	[tilespmem:s24+$0x18B30] =	vst v0  }
0x2aa: {  	v0 =	vld [tilespmem:s29+$0xB00]  }
0x2ab: {  	v1 =	vld [tilespmem:s26+$0x2320]  }
0x2ac: {  	v4 =	vld [tilespmem:s26+$0x2360];
	s29 =	sor.u32 $0xC0, s24  }
0x2ad: {  	v28 =	vld [tilespmem:s26+$0x3B20];
	s29 =	sshra.s32 s29, $0x1  }
0x2ae: {  	v29 =	vld [tilespmem:s29+$0xB00]  }
0x2af: {  	v5 =	vld [tilespmem:s26+$0x5320]  }
0x2b0: {  	v30 =	vld [tilespmem:s26+$0x3B60];
	v0 =	vadd.bf16 v1, v0  }
0x2b1: {  	v6 =	vld [tilespmem:s26+$0x6B20]  }
0x2b2: {  	v31 =	vld [tilespmem:s26+$0x5360];
	v0 =	vadd.bf16 v28, v0  }
0x2b3: {  	v7 =	vld [tilespmem:s26+$0x8320];
	v3 =	vadd.bf16 v4, v29  }
0x2b4: {  	v32 =	vld [tilespmem:s26+$0x6B60];
	v0 =	vadd.bf16 v5, v0  }
0x2b5: {  	v38 =	vld [tilespmem:s24+$0x12BD0];
	v1 =	vadd.bf16 v30, v3  }
0x2b6: {  	v34 =	vld [tilespmem:s26+$0x8360];
	v0 =	vadd.bf16 v6, v0  }
0x2b7: {  	v51 =	vld [tilespmem:s24+$0x12B60];
	v1 =	vadd.bf16 v31, v1  }
0x2b8: {  	v53 =	vld [tilespmem:s24+$0x12B70];
	v0 =	vadd.bf16 v7, v0  }
0x2b9: {  	v54 =	vld [tilespmem:s24+$0x12BE0];
	v1 =	vadd.bf16 v32, v1  }
0x2ba: {  	v56 =	vld [tilespmem:s24+$0x12BF0];
	v37 =	vunpack.i.l.bf16.f32 v0  }
0x2bb: {  	v13 =	vld [tilespmem:s24+$0x12B80];
	v0 =	vunpack.i.u.bf16.f32 v0;
	v1 =	vadd.bf16 v34, v1;
	v4 =	vadd.f32 v33, v37  }
0x2bc: {  	v15 =	vld [tilespmem:s24+$0x12B90];
	v0 =	vadd.f32 v35, v0  }
0x2bd: {  	v16 =	vld [tilespmem:s24+$0x12C00];
	s29 =	sor.u32 $0x60, s24;
	v3 =	vunpack.i.l.bf16.f32 v1;
	[tilespmem:s24+$0x18B40] =	vst v4  }
0x2be: {  	v8 =	vld [tilespmem:s26+$0x3BC0];
	s29 =	sshra.s32 s29, $0x1;
	v39 =	vunpack.i.u.bf16.f32 v1;
	[tilespmem:s24+$0x18B50] =	vst v0;
	v40 =	vadd.f32 v36, v3  }
0x2bf: {  	v0 =	vadd.f32 v38, v39;
	v41 =	vld [tilespmem:s29+$0xB00]  }
0x2c0: {  	v42 =	vld [tilespmem:s26+$0x2330];
	s29 =	sor.u32 $0xE0, s24;
	[tilespmem:s24+$0x18BC0] =	vst v40  }
0x2c1: {  	v43 =	vld [tilespmem:s26+$0x3B30];
	[tilespmem:s24+$0x18BD0] =	vst v0;
	s29 =	sshra.s32 s29, $0x1  }
0x2c2: {  	v0 =	vld [tilespmem:s29+$0xB00]  }
0x2c3: {  	v44 =	vld [tilespmem:s26+$0x2370]  }
0x2c4: {  	v45 =	vld [tilespmem:s26+$0x5330]  }
0x2c5: {  	v46 =	vld [tilespmem:s26+$0x3B70];
	v2 =	vadd.bf16 v42, v41  }
0x2c6: {  	v47 =	vld [tilespmem:s26+$0x6B30]  }
0x2c7: {  	v48 =	vld [tilespmem:s26+$0x5370];
	v1 =	vadd.bf16 v43, v2  }
0x2c8: {  	v49 =	vld [tilespmem:s26+$0x8330];
	v0 =	vadd.bf16 v44, v0  }
0x2c9: {  	v50 =	vld [tilespmem:s26+$0x6B70];
	v1 =	vadd.bf16 v45, v1  }
0x2ca: {  	v18 =	vld [tilespmem:s24+$0x12C10];
	v0 =	vadd.bf16 v46, v0  }
0x2cb: {  	v52 =	vld [tilespmem:s26+$0x8370];
	v1 =	vadd.bf16 v47, v1  }
0x2cc: {  	v22 =	vld [tilespmem:s26+$0xBC0];
	v0 =	vadd.bf16 v48, v0  }
0x2cd: {  	v23 =	vld [tilespmem:s26+$0x23C0];
	v1 =	vadd.bf16 v49, v1  }
0x2ce: {  	v24 =	vld [tilespmem:s26+$0x3C20];
	v0 =	vadd.bf16 v50, v0  }
0x2cf: {  	v25 =	vld [tilespmem:s26+$0x5420];
	v55 =	vunpack.i.l.bf16.f32 v1  }
0x2d0: {  	v26 =	vld [tilespmem:s26+$0x6C20];
	v1 =	vunpack.i.u.bf16.f32 v1;
	v0 =	vadd.bf16 v52, v0;
	v4 =	vadd.f32 v51, v55  }
0x2d1: {  	v27 =	vld [tilespmem:s24+$0x12C80];
	v1 =	vadd.f32 v53, v1  }
0x2d2: {  	v28 =	vld [tilespmem:s26+$0x8420];
	s29 =	sor.u32 $0x80, s24;
	v3 =	vunpack.i.l.bf16.f32 v0;
	[tilespmem:s24+$0x18B60] =	vst v4  }
0x2d3: {  	v29 =	vld [tilespmem:s24+$0x12C90];
	s29 =	sshra.s32 s29, $0x1;
	v0 =	vunpack.i.u.bf16.f32 v0;
	[tilespmem:s24+$0x18B70] =	vst v1;
	v57 =	vadd.f32 v54, v3  }
0x2d4: {  	v0 =	vadd.f32 v56, v0;
	v58 =	vld [tilespmem:s29+$0xB00]  }
0x2d5: {  	v59 =	vld [tilespmem:s26+$0x2340];
	[tilespmem:s24+$0x18BE0] =	vst v57  }
0x2d6: {  	v60 =	vld [tilespmem:s26+$0x3B40];
	[tilespmem:s24+$0x18BF0] =	vst v0  }
0x2d7: {  	v0 =	vld [tilespmem:s26+$0xB80]  }
0x2d8: {  	v61 =	vld [tilespmem:s26+$0x2380]  }
0x2d9: {  	v62 =	vld [tilespmem:s26+$0x5340]  }
0x2da: {  	v63 =	vld [tilespmem:s26+$0x3B80];
	v2 =	vadd.bf16 v59, v58  }
0x2db: {  	v9 =	vld [tilespmem:s26+$0x6B40]  }
0x2dc: {  	v10 =	vld [tilespmem:s26+$0x5380];
	v1 =	vadd.bf16 v60, v2  }
0x2dd: {  	v11 =	vld [tilespmem:s26+$0x8340];
	v0 =	vadd.bf16 v61, v0  }
0x2de: {  	v12 =	vld [tilespmem:s26+$0x6B80];
	v1 =	vadd.bf16 v62, v1  }
0x2df: {  	v14 =	vld [tilespmem:s26+$0x8380];
	v0 =	vadd.bf16 v63, v0  }
0x2e0: {  	v1 =	vadd.bf16 v9, v1;
	v9 =	vld [tilespmem:s26+$0xC20]  }
0x2e1: {  	v0 =	vadd.bf16 v10, v0;
	v10 =	vld [tilespmem:s26+$0x2420]  }
0x2e2: {  	v1 =	vadd.bf16 v11, v1;
	v11 =	vld [tilespmem:s26+$0x53C0]  }
0x2e3: {  	v6 =	vadd.bf16 v23, v22;
	v31 =	vld [tilespmem:s24+$0x12D40];
	v0 =	vadd.bf16 v12, v0  }
0x2e4: {  	v12 =	vld [tilespmem:s26+$0x6BC0]  }
0x2e5: {  	v6 =	vadd.bf16 v8, v6;
	v33 =	vld [tilespmem:s24+$0x12C20];
	v17 =	vunpack.i.l.bf16.f32 v1;
	v0 =	vadd.bf16 v14, v0  }
0x2e6: {  	v4 =	vadd.f32 v13, v17;
	v13 =	vld [tilespmem:s26+$0x83C0];
	v9 =	vadd.bf16 v10, v9  }
0x2e7: {  	v35 =	vld [tilespmem:s24+$0x12C30];
	v3 =	vunpack.i.l.bf16.f32 v0;
	v6 =	vadd.bf16 v11, v6  }
0x2e8: {  	v49 =	vld [tilespmem:s24+$0x12CA0];
	v19 =	vunpack.i.u.bf16.f32 v0;
	v3 =	vadd.f32 v16, v3;
	v7 =	vadd.bf16 v24, v9  }
0x2e9: {  	v54 =	vld [tilespmem:s24+$0x12CB0];
	v20 =	vadd.f32 v18, v19;
	v6 =	vadd.bf16 v12, v6  }
0x2ea: {  	v56 =	vld [tilespmem:s24+$0x12D60];
	[tilespmem:s24+$0x18C00] =	vst v3;
	v7 =	vadd.bf16 v25, v7  }
0x2eb: {  	v14 =	vld [tilespmem:s24+$0x12D50];
	[tilespmem:s24+$0x18C10] =	vst v20;
	v6 =	vadd.bf16 v13, v6  }
0x2ec: {  	v3 =	vld [tilespmem:s26+$0xB90];
	v7 =	vadd.bf16 v26, v7  }
0x2ed: {  	[tilespmem:s24+$0x18B80] =	vst v4;
	v4 =	vld [tilespmem:s26+$0x2390];
	v13 =	vunpack.i.l.bf16.f32 v6  }
0x2ee: {  	v21 =	vld [tilespmem:s26+$0x3B90];
	v6 =	vunpack.i.u.bf16.f32 v6;
	v7 =	vadd.bf16 v28, v7;
	v11 =	vadd.f32 v27, v13  }
0x2ef: {  	v1 =	vunpack.i.u.bf16.f32 v1;
	v30 =	vld [tilespmem:s26+$0x5390];
	v6 =	vadd.f32 v29, v6  }
0x2f0: {  	v1 =	vadd.f32 v15, v1;
	v15 =	vld [tilespmem:s26+$0x6B90];
	v34 =	vunpack.i.l.bf16.f32 v7;
	[tilespmem:s24+$0x18C80] =	vst v11  }
0x2f1: {  	v32 =	vld [tilespmem:s26+$0x8390];
	v36 =	vunpack.i.u.bf16.f32 v7;
	[tilespmem:s24+$0x18C90] =	vst v6;
	v37 =	vadd.f32 v31, v34  }
0x2f2: {  	v6 =	vadd.f32 v14, v36;
	v38 =	vld [tilespmem:s26+$0xBD0]  }
0x2f3: {  	v39 =	vld [tilespmem:s26+$0x23D0];
	[tilespmem:s24+$0x18D40] =	vst v37  }
0x2f4: {  	v40 =	vld [tilespmem:s26+$0x3BD0];
	[tilespmem:s24+$0x18D50] =	vst v6  }
0x2f5: {  	v41 =	vld [tilespmem:s26+$0xC30]  }
0x2f6: {  	v3 =	vadd.bf16 v4, v3;
	v6 =	vld [tilespmem:s26+$0x2430]  }
0x2f7: {  	v42 =	vld [tilespmem:s26+$0x53D0]  }
0x2f8: {  	v3 =	vadd.bf16 v21, v3;
	v43 =	vld [tilespmem:s26+$0x3C30];
	v10 =	vadd.bf16 v39, v38  }
0x2f9: {  	v44 =	vld [tilespmem:s26+$0x6BD0]  }
0x2fa: {  	v3 =	vadd.bf16 v30, v3;
	v45 =	vld [tilespmem:s26+$0x5430];
	v7 =	vadd.bf16 v40, v10  }
0x2fb: {  	v46 =	vld [tilespmem:s26+$0x83D0];
	v4 =	vadd.bf16 v6, v41  }
0x2fc: {  	v47 =	vld [tilespmem:s26+$0x6C30];
	v3 =	vadd.bf16 v15, v3;
	v5 =	vadd.bf16 v42, v7  }
0x2fd: {  	s29 =	sor.u32 $0xA0, s24;
	v58 =	vld [tilespmem:s24+$0x12D70];
	v50 =	vadd.bf16 v43, v4  }
0x2fe: {  	s29 =	sshra.s32 s29, $0x1;
	[tilespmem:s24+$0x18B90] =	vst v1;
	v52 =	vld [tilespmem:s26+$0x8430];
	v48 =	vadd.bf16 v32, v3;
	v51 =	vadd.bf16 v44, v5  }
0x2ff: {  	v0 =	vld [tilespmem:s29+$0xB00];
	v10 =	vadd.bf16 v45, v50  }
0x300: {  	v2 =	vld [tilespmem:s26+$0x2350];
	v53 =	vunpack.i.l.bf16.f32 v48;
	v55 =	vadd.bf16 v46, v51  }
0x301: {  	v1 =	vld [tilespmem:s26+$0x3B50];
	v7 =	vunpack.i.u.bf16.f32 v48;
	v8 =	vadd.f32 v33, v53;
	v6 =	vadd.bf16 v47, v10  }
0x302: {  	v27 =	vld [tilespmem:s24+$0x12CC0];
	v7 =	vadd.f32 v35, v7;
	v57 =	vunpack.i.l.bf16.f32 v55  }
0x303: {  	v29 =	vld [tilespmem:s24+$0x12CD0];
	[tilespmem:s24+$0x18C20] =	vst v8;
	v59 =	vunpack.i.u.bf16.f32 v55;
	v5 =	vadd.bf16 v52, v6;
	v8 =	vadd.f32 v49, v57  }
0x304: {  	v31 =	vld [tilespmem:s24+$0x12D80];
	[tilespmem:s24+$0x18C30] =	vst v7;
	v7 =	vadd.f32 v54, v59  }
0x305: {  	v3 =	vld [tilespmem:s26+$0x5350];
	v62 =	vunpack.i.l.bf16.f32 v5;
	[tilespmem:s24+$0x18CA0] =	vst v8  }
0x306: {  	v4 =	vld [tilespmem:s26+$0x6B50];
	v5 =	vunpack.i.u.bf16.f32 v5;
	[tilespmem:s24+$0x18CB0] =	vst v7;
	v16 =	vadd.f32 v56, v62  }
0x307: {  	v5 =	vadd.f32 v58, v5;
	v17 =	vld [tilespmem:s26+$0xBE0]  }
0x308: {  	v18 =	vld [tilespmem:s26+$0x23E0];
	[tilespmem:s24+$0x18D60] =	vst v16  }
0x309: {  	v19 =	vld [tilespmem:s26+$0x3BE0];
	[tilespmem:s24+$0x18D70] =	vst v5  }
0x30a: {  	v5 =	vld [tilespmem:s26+$0xC40]  }
0x30b: {  	v20 =	vld [tilespmem:s26+$0x2440]  }
0x30c: {  	v21 =	vld [tilespmem:s26+$0x53E0]  }
0x30d: {  	v22 =	vld [tilespmem:s26+$0x3C40];
	v8 =	vadd.bf16 v18, v17  }
0x30e: {  	v23 =	vld [tilespmem:s26+$0x6BE0]  }
0x30f: {  	v24 =	vld [tilespmem:s26+$0x5440];
	v7 =	vadd.bf16 v19, v8  }
0x310: {  	v25 =	vld [tilespmem:s26+$0x83E0];
	v5 =	vadd.bf16 v20, v5  }
0x311: {  	v26 =	vld [tilespmem:s26+$0x6C40];
	v7 =	vadd.bf16 v21, v7  }
0x312: {  	v33 =	vld [tilespmem:s24+$0x12C40];
	v5 =	vadd.bf16 v22, v5  }
0x313: {  	v28 =	vld [tilespmem:s26+$0x8440];
	v7 =	vadd.bf16 v23, v7  }
0x314: {  	v48 =	vld [tilespmem:s24+$0x12CE0];
	v5 =	vadd.bf16 v24, v5  }
0x315: {  	v35 =	vld [tilespmem:s24+$0x12C50];
	v7 =	vadd.bf16 v25, v7  }
0x316: {  	v60 =	vld [tilespmem:s26+$0xBA0];
	v5 =	vadd.bf16 v26, v5  }
0x317: {  	v16 =	vld [tilespmem:s24+$0x12D90];
	v15 =	vunpack.i.l.bf16.f32 v7  }
0x318: {  	v61 =	vld [tilespmem:s26+$0x23A0];
	v7 =	vunpack.i.u.bf16.f32 v7;
	v5 =	vadd.bf16 v28, v5;
	v13 =	vadd.f32 v27, v15  }
0x319: {  	v63 =	vld [tilespmem:s26+$0x3BA0];
	v7 =	vadd.f32 v29, v7  }
0x31a: {  	v30 =	vld [tilespmem:s26+$0x53A0];
	v34 =	vunpack.i.l.bf16.f32 v5;
	[tilespmem:s24+$0x18CC0] =	vst v13  }
0x31b: {  	v17 =	vld [tilespmem:s26+$0x6BA0];
	v5 =	vunpack.i.u.bf16.f32 v5;
	[tilespmem:s24+$0x18CD0] =	vst v7;
	v36 =	vadd.f32 v31, v34  }
0x31c: {  	v5 =	vadd.f32 v16, v5;
	v37 =	vld [tilespmem:s26+$0xBF0]  }
0x31d: {  	v38 =	vld [tilespmem:s26+$0x23F0];
	[tilespmem:s24+$0x18D80] =	vst v36  }
0x31e: {  	v39 =	vld [tilespmem:s26+$0x3BF0];
	[tilespmem:s24+$0x18D90] =	vst v5  }
0x31f: {  	v5 =	vld [tilespmem:s26+$0xC50]  }
0x320: {  	v40 =	vld [tilespmem:s26+$0x2450]  }
0x321: {  	v41 =	vld [tilespmem:s26+$0x53F0]  }
0x322: {  	v43 =	vld [tilespmem:s26+$0x3C50];
	v42 =	vadd.bf16 v38, v37  }
0x323: {  	v44 =	vld [tilespmem:s26+$0x6BF0]  }
0x324: {  	v6 =	vadd.bf16 v61, v60;
	v45 =	vld [tilespmem:s26+$0x5450];
	v7 =	vadd.bf16 v39, v42  }
0x325: {  	v0 =	vadd.bf16 v2, v0;
	v46 =	vld [tilespmem:s26+$0x83F0];
	v5 =	vadd.bf16 v40, v5  }
0x326: {  	v6 =	vadd.bf16 v63, v6;
	v47 =	vld [tilespmem:s26+$0x6C50];
	v7 =	vadd.bf16 v41, v7  }
0x327: {  	v0 =	vadd.bf16 v1, v0;
	v32 =	vld [tilespmem:s26+$0x83A0];
	v5 =	vadd.bf16 v43, v5  }
0x328: {  	v6 =	vadd.bf16 v30, v6;
	v49 =	vld [tilespmem:s26+$0x8450];
	v7 =	vadd.bf16 v44, v7  }
0x329: {  	v50 =	vld [tilespmem:s24+$0x12CF0];
	v0 =	vadd.bf16 v3, v0;
	v5 =	vadd.bf16 v45, v5  }
0x32a: {  	v51 =	vld [tilespmem:s26+$0x8350];
	v6 =	vadd.bf16 v17, v6;
	v7 =	vadd.bf16 v46, v7  }
0x32b: {  	v54 =	vld [tilespmem:s24+$0x12DA0];
	v5 =	vadd.bf16 v47, v5  }
0x32c: {  	v0 =	vadd.bf16 v4, v0;
	v56 =	vld [tilespmem:s24+$0x12DB0];
	v6 =	vadd.bf16 v32, v6;
	v55 =	vunpack.i.l.bf16.f32 v7  }
0x32d: {  	v57 =	vld [tilespmem:s24+$0x12BA0];
	v7 =	vunpack.i.u.bf16.f32 v7;
	v5 =	vadd.bf16 v49, v5;
	v58 =	vadd.f32 v48, v55  }
0x32e: {  	v59 =	vld [tilespmem:s24+$0x12BB0];
	v60 =	vadd.f32 v50, v7  }
0x32f: {  	v0 =	vadd.bf16 v51, v0;
	v51 =	vld [tilespmem:s24+$0x12C70];
	v52 =	vunpack.i.l.bf16.f32 v6;
	v62 =	vunpack.i.l.bf16.f32 v5;
	[tilespmem:s24+$0x18CE0] =	vst v58  }
0x330: {  	v53 =	vadd.f32 v33, v52;
	v33 =	vld [tilespmem:s24+$0x12DC0];
	v5 =	vunpack.i.u.bf16.f32 v5;
	[tilespmem:s24+$0x18CF0] =	vst v60;
	v18 =	vadd.f32 v54, v62  }
0x331: {  	v5 =	vadd.f32 v56, v5;
	v19 =	vld [tilespmem:s26+$0xC00]  }
0x332: {  	v20 =	vld [tilespmem:s26+$0x2400];
	[tilespmem:s24+$0x18DA0] =	vst v18  }
0x333: {  	v21 =	vld [tilespmem:s26+$0x3C00];
	[tilespmem:s24+$0x18DB0] =	vst v5  }
0x334: {  	v5 =	vld [tilespmem:s26+$0xC60]  }
0x335: {  	v22 =	vld [tilespmem:s26+$0x2460]  }
0x336: {  	v6 =	vunpack.i.u.bf16.f32 v6;
	v23 =	vld [tilespmem:s26+$0x5400]  }
0x337: {  	v6 =	vadd.f32 v35, v6;
	v24 =	vld [tilespmem:s26+$0x3C60];
	v9 =	vadd.bf16 v20, v19  }
0x338: {  	v25 =	vld [tilespmem:s26+$0x6C00]  }
0x339: {  	[tilespmem:s24+$0x18C50] =	vst v6;
	v26 =	vld [tilespmem:s26+$0x5460];
	v6 =	vadd.bf16 v21, v9  }
0x33a: {  	v27 =	vld [tilespmem:s26+$0x8400];
	v5 =	vadd.bf16 v22, v5  }
0x33b: {  	v28 =	vld [tilespmem:s26+$0x6C60];
	v6 =	vadd.bf16 v23, v6  }
0x33c: {  	v29 =	vld [tilespmem:s24+$0x12D00];
	v5 =	vadd.bf16 v24, v5  }
0x33d: {  	v30 =	vld [tilespmem:s26+$0x8460];
	v6 =	vadd.bf16 v25, v6  }
0x33e: {  	[tilespmem:s24+$0x18C40] =	vst v53;
	v31 =	vld [tilespmem:s24+$0x12D10];
	v5 =	vadd.bf16 v26, v5  }
0x33f: {  	v61 =	vld [tilespmem:s26+$0xBB0];
	v6 =	vadd.bf16 v27, v6  }
0x340: {  	v63 =	vld [tilespmem:s26+$0x23B0];
	v5 =	vadd.bf16 v28, v5  }
0x341: {  	v18 =	vld [tilespmem:s24+$0x12DD0];
	v17 =	vunpack.i.l.bf16.f32 v6  }
0x342: {  	v32 =	vld [tilespmem:s26+$0x3BB0];
	v6 =	vunpack.i.u.bf16.f32 v6;
	v5 =	vadd.bf16 v30, v5;
	v14 =	vadd.f32 v29, v17  }
0x343: {  	v34 =	vld [tilespmem:s26+$0x53B0];
	v6 =	vadd.f32 v31, v6  }
0x344: {  	v35 =	vld [tilespmem:s26+$0x6BB0];
	v37 =	vunpack.i.l.bf16.f32 v5;
	[tilespmem:s24+$0x18D00] =	vst v14  }
0x345: {  	v36 =	vld [tilespmem:s26+$0x83B0];
	v5 =	vunpack.i.u.bf16.f32 v5;
	[tilespmem:s24+$0x18D10] =	vst v6;
	v38 =	vadd.f32 v33, v37  }
0x346: {  	v5 =	vadd.f32 v18, v5;
	v40 =	vld [tilespmem:s26+$0xC10]  }
0x347: {  	v41 =	vld [tilespmem:s26+$0x2410];
	[tilespmem:s24+$0x18DC0] =	vst v38  }
0x348: {  	v42 =	vld [tilespmem:s26+$0x3C10];
	[tilespmem:s24+$0x18DD0] =	vst v5  }
0x349: {  	v43 =	vld [tilespmem:s26+$0xC70]  }
0x34a: {  	v7 =	vadd.bf16 v63, v61;
	v44 =	vld [tilespmem:s26+$0x2470]  }
0x34b: {  	v45 =	vld [tilespmem:s26+$0x5410]  }
0x34c: {  	v7 =	vadd.bf16 v32, v7;
	v46 =	vld [tilespmem:s26+$0x3C70]  }
0x34d: {  	v47 =	vld [tilespmem:s26+$0x6C10];
	v6 =	vadd.bf16 v41, v40  }
0x34e: {  	v7 =	vadd.bf16 v34, v7;
	v48 =	vld [tilespmem:s26+$0x5470]  }
0x34f: {  	v49 =	vld [tilespmem:s26+$0x8410];
	v5 =	vadd.bf16 v42, v6;
	v2 =	vadd.bf16 v44, v43  }
0x350: {  	v7 =	vadd.bf16 v35, v7;
	v50 =	vld [tilespmem:s26+$0x6C70]  }
0x351: {  	v39 =	vld [tilespmem:s24+$0x12C60];
	v1 =	vadd.bf16 v45, v5;
	v2 =	vadd.bf16 v46, v2  }
0x352: {  	v53 =	vunpack.i.u.bf16.f32 v0;
	v7 =	vadd.bf16 v36, v7;
	v52 =	vld [tilespmem:s26+$0x8470]  }
0x353: {  	v0 =	vunpack.i.l.bf16.f32 v0;
	v54 =	vld [tilespmem:s24+$0x12D20];
	v1 =	vadd.bf16 v47, v1;
	v2 =	vadd.bf16 v48, v2  }
0x354: {  	v0 =	vadd.f32 v57, v0;
	v55 =	vld [tilespmem:s24+$0x12D30];
	v9 =	vadd.f32 v59, v53  }
0x355: {  	v57 =	vld [tilespmem:s24+$0x12DE0];
	v56 =	vunpack.i.l.bf16.f32 v7;
	v1 =	vadd.bf16 v49, v1;
	v2 =	vadd.bf16 v50, v2  }
0x356: {  	[tilespmem:s24+$0x18BA0] =	vst v0;
	v58 =	vunpack.i.u.bf16.f32 v7;
	v59 =	vld [tilespmem:s24+$0x12DF0];
	v4 =	vadd.f32 v39, v56  }
0x357: {  	v0 =	vadd.f32 v51, v58;
	[tilespmem:s24+$0x18BB0] =	vst v9;
	v2 =	vadd.bf16 v52, v2;
	v60 =	vunpack.i.l.bf16.f32 v1  }
0x358: {  	p0 =	slt.u32 s22, $0x3C;
	[tilespmem:s24+$0x18C60] =	vst v4;
	v1 =	vunpack.i.u.bf16.f32 v1;
	v3 =	vadd.f32 v54, v60  }
.Ltmp2:
0x359: {  	[tilespmem:s24+$0x18C70] =	vst v0;
	v61 =	vadd.f32 v55, v1;
	v62 =	vunpack.i.l.bf16.f32 v2;
	(pc) =	sbr.rel @p0 .LBB2_6-.Ltmp2, $4  }
0x35a: {  	v2 =	vunpack.i.u.bf16.f32 v2;
	[tilespmem:s24+$0x18D20] =	vst v3;
	v1 =	vadd.f32 v57, v62  }
0x35b: {  	[tilespmem:s24+$0x18D30] =	vst v61;
	v63 =	vadd.f32 v59, v2  }
0x35c: {  	s29 =	sadd.s32 $0x4, s22;
	[tilespmem:s24+$0x18DE0] =	vst v1  }
0x35d: {  	s22 =	smov.u32 s29;
	[tilespmem:s24+$0x18DF0] =	vst v63  }
0x35e: {  	s22 =	simm.s32 $0x0  }
0x35f: {  	[hbm4b:s12+s22] =	stream.linear.scatter [tilespmem:s25], [sflag:$0x3], $0x3000, $0x38;
	[tilespmem:$0x1EB00] =	vst v63  }
0x360: {  	_ =	swait.ge [sflag:s30], $0x3000  }
0x361: {  	[sflag:s30] =	ssyncset.done $0x0  }
0x362: {  	[sflag:s30] =	ssyncadd.s32 $0xFFFFD000  }
0x363: {  	_ =	swait.ge [sflag:s30], $0x3000  }
0x364: {  	[sflag:s30] =	ssyncset.done $0x0  }
0x365: {  	[sflag:s30] =	ssyncadd.s32 $0xFFFFD000  }
0x366: {  	_ =	swait.ge [sflag:s30], $0x3000  }
0x367: {  	[sflag:s30] =	ssyncset.done $0x0  }
0x368: {  	[sflag:s30] =	ssyncadd.s32 $0xFFFFD000  }
0x369: {  	_ =	swait.ge [sflag:s30], $0x3000  }
0x36a: {  	[sflag:s30] =	ssyncset.done $0x0  }
0x36b: {  	[sflag:s30] =	ssyncadd.s32 $0xFFFFD000  }
0x36c: {  	_ =	swait.ge [sflag:s18], $0x3000  }
0x36d: {  	[sflag:s18] =	ssyncset.done $0x0  }
0x36e: {  	[sflag:s18] =	ssyncadd.s32 $0xFFFFD000  }
.LBB2_8:
0x36f: {  	s24 =	smul.u32 $0xC0, s22;
	_ =	sdelay $0x1  }
0x370: {  	s26 =	sshra.s32 s24, $0x1  }
0x371: {  	v0 =	vld [tilespmem:s26+$0x9B00]  }
0x372: {  	v1 =	vld [tilespmem:s26+$0xB300];
	_ =	sdelay $0x1  }
0x373: {  	v2 =	vld [tilespmem:s26+$0xCB00];
	_ =	sdelay $0x1  }
0x374: {  	v3 =	vld [tilespmem:s26+$0xE300]  }
0x375: {  	v0 =	vadd.bf16 v1, v0  }
0x376: {  	v18 =	vld [tilespmem:s26+$0xFB00]  }
0x377: {  	v0 =	vadd.bf16 v2, v0  }
0x378: {  	v19 =	vld [tilespmem:s26+$0x11300]  }
0x379: {  	v0 =	vadd.bf16 v3, v0;
	_ =	sdelay $0x1  }
0x37a: {  	v20 =	vld [tilespmem:s24+$0x15B00];
	v0 =	vadd.bf16 v18, v0  }
0x37b: {  	v21 =	vld [tilespmem:s24+$0x15B10]  }
0x37c: {  	v0 =	vadd.bf16 v19, v0;
	_ =	sdelay $0x1  }
0x37d: {  	v2 =	vunpack.i.l.bf16.f32 v0  }
0x37e: {  	v0 =	vunpack.i.u.bf16.f32 v0;
	v1 =	vadd.f32 v20, v2  }
0x37f: {  	v0 =	vadd.f32 v21, v0  }
0x380: {  	s29 =	sor.u32 $0x20, s24;
	[tilespmem:s24+$0x1BB00] =	vst v1  }
0x381: {  	s29 =	sshra.s32 s29, $0x1;
	[tilespmem:s24+$0x1BB10] =	vst v0  }
0x382: {  	v0 =	vld [tilespmem:s29+$0x9B00]  }
0x383: {  	v1 =	vld [tilespmem:s26+$0xB310];
	_ =	sdelay $0x1  }
0x384: {  	v22 =	vld [tilespmem:s26+$0xCB10];
	_ =	sdelay $0x1  }
0x385: {  	v23 =	vld [tilespmem:s26+$0xE310]  }
0x386: {  	v0 =	vadd.bf16 v1, v0  }
0x387: {  	v24 =	vld [tilespmem:s26+$0xFB10]  }
0x388: {  	v0 =	vadd.bf16 v22, v0  }
0x389: {  	v25 =	vld [tilespmem:s26+$0x11310]  }
0x38a: {  	v0 =	vadd.bf16 v23, v0;
	_ =	sdelay $0x1  }
0x38b: {  	v26 =	vld [tilespmem:s24+$0x15B20];
	v0 =	vadd.bf16 v24, v0  }
0x38c: {  	v27 =	vld [tilespmem:s24+$0x15B30]  }
0x38d: {  	v0 =	vadd.bf16 v25, v0;
	_ =	sdelay $0x1  }
0x38e: {  	v2 =	vunpack.i.l.bf16.f32 v0  }
0x38f: {  	v0 =	vunpack.i.u.bf16.f32 v0;
	v1 =	vadd.f32 v26, v2  }
0x390: {  	v33 =	vld [tilespmem:s24+$0x15B40];
	v0 =	vadd.f32 v27, v0  }
0x391: {  	v35 =	vld [tilespmem:s24+$0x15B50];
	s29 =	sor.u32 $0x40, s24;
	[tilespmem:s24+$0x1BB20] =	vst v1  }
0x392: {  	v36 =	vld [tilespmem:s24+$0x15BC0];
	s29 =	sshra.s32 s29, $0x1;
	[tilespmem:s24+$0x1BB30] =	vst v0  }
0x393: {  	v0 =	vld [tilespmem:s29+$0x9B00]  }
0x394: {  	v1 =	vld [tilespmem:s26+$0xB320]  }
0x395: {  	v4 =	vld [tilespmem:s26+$0xB360];
	s29 =	sor.u32 $0xC0, s24  }
0x396: {  	v28 =	vld [tilespmem:s26+$0xCB20];
	s29 =	sshra.s32 s29, $0x1  }
0x397: {  	v29 =	vld [tilespmem:s29+$0x9B00]  }
0x398: {  	v5 =	vld [tilespmem:s26+$0xE320]  }
0x399: {  	v30 =	vld [tilespmem:s26+$0xCB60];
	v0 =	vadd.bf16 v1, v0  }
0x39a: {  	v6 =	vld [tilespmem:s26+$0xFB20]  }
0x39b: {  	v31 =	vld [tilespmem:s26+$0xE360];
	v0 =	vadd.bf16 v28, v0  }
0x39c: {  	v7 =	vld [tilespmem:s26+$0x11320];
	v3 =	vadd.bf16 v4, v29  }
0x39d: {  	v32 =	vld [tilespmem:s26+$0xFB60];
	v0 =	vadd.bf16 v5, v0  }
0x39e: {  	v38 =	vld [tilespmem:s24+$0x15BD0];
	v1 =	vadd.bf16 v30, v3  }
0x39f: {  	v34 =	vld [tilespmem:s26+$0x11360];
	v0 =	vadd.bf16 v6, v0  }
0x3a0: {  	v51 =	vld [tilespmem:s24+$0x15B60];
	v1 =	vadd.bf16 v31, v1  }
0x3a1: {  	v53 =	vld [tilespmem:s24+$0x15B70];
	v0 =	vadd.bf16 v7, v0  }
0x3a2: {  	v54 =	vld [tilespmem:s24+$0x15BE0];
	v1 =	vadd.bf16 v32, v1  }
0x3a3: {  	v56 =	vld [tilespmem:s24+$0x15BF0];
	v37 =	vunpack.i.l.bf16.f32 v0  }
0x3a4: {  	v13 =	vld [tilespmem:s24+$0x15B80];
	v0 =	vunpack.i.u.bf16.f32 v0;
	v1 =	vadd.bf16 v34, v1;
	v4 =	vadd.f32 v33, v37  }
0x3a5: {  	v15 =	vld [tilespmem:s24+$0x15B90];
	v0 =	vadd.f32 v35, v0  }
0x3a6: {  	v16 =	vld [tilespmem:s24+$0x15C00];
	s29 =	sor.u32 $0x60, s24;
	v3 =	vunpack.i.l.bf16.f32 v1;
	[tilespmem:s24+$0x1BB40] =	vst v4  }
0x3a7: {  	v8 =	vld [tilespmem:s26+$0xCBC0];
	s29 =	sshra.s32 s29, $0x1;
	v39 =	vunpack.i.u.bf16.f32 v1;
	[tilespmem:s24+$0x1BB50] =	vst v0;
	v40 =	vadd.f32 v36, v3  }
0x3a8: {  	v0 =	vadd.f32 v38, v39;
	v41 =	vld [tilespmem:s29+$0x9B00]  }
0x3a9: {  	v42 =	vld [tilespmem:s26+$0xB330];
	s29 =	sor.u32 $0xE0, s24;
	[tilespmem:s24+$0x1BBC0] =	vst v40  }
0x3aa: {  	v43 =	vld [tilespmem:s26+$0xCB30];
	[tilespmem:s24+$0x1BBD0] =	vst v0;
	s29 =	sshra.s32 s29, $0x1  }
0x3ab: {  	v0 =	vld [tilespmem:s29+$0x9B00]  }
0x3ac: {  	v44 =	vld [tilespmem:s26+$0xB370]  }
0x3ad: {  	v45 =	vld [tilespmem:s26+$0xE330]  }
0x3ae: {  	v46 =	vld [tilespmem:s26+$0xCB70];
	v2 =	vadd.bf16 v42, v41  }
0x3af: {  	v47 =	vld [tilespmem:s26+$0xFB30]  }
0x3b0: {  	v48 =	vld [tilespmem:s26+$0xE370];
	v1 =	vadd.bf16 v43, v2  }
0x3b1: {  	v49 =	vld [tilespmem:s26+$0x11330];
	v0 =	vadd.bf16 v44, v0  }
0x3b2: {  	v50 =	vld [tilespmem:s26+$0xFB70];
	v1 =	vadd.bf16 v45, v1  }
0x3b3: {  	v18 =	vld [tilespmem:s24+$0x15C10];
	v0 =	vadd.bf16 v46, v0  }
0x3b4: {  	v52 =	vld [tilespmem:s26+$0x11370];
	v1 =	vadd.bf16 v47, v1  }
0x3b5: {  	v22 =	vld [tilespmem:s26+$0x9BC0];
	v0 =	vadd.bf16 v48, v0  }
0x3b6: {  	v23 =	vld [tilespmem:s26+$0xB3C0];
	v1 =	vadd.bf16 v49, v1  }
0x3b7: {  	v24 =	vld [tilespmem:s26+$0xCC20];
	v0 =	vadd.bf16 v50, v0  }
0x3b8: {  	v25 =	vld [tilespmem:s26+$0xE420];
	v55 =	vunpack.i.l.bf16.f32 v1  }
0x3b9: {  	v26 =	vld [tilespmem:s26+$0xFC20];
	v1 =	vunpack.i.u.bf16.f32 v1;
	v0 =	vadd.bf16 v52, v0;
	v4 =	vadd.f32 v51, v55  }
0x3ba: {  	v27 =	vld [tilespmem:s24+$0x15C80];
	v1 =	vadd.f32 v53, v1  }
0x3bb: {  	v28 =	vld [tilespmem:s26+$0x11420];
	s29 =	sor.u32 $0x80, s24;
	v3 =	vunpack.i.l.bf16.f32 v0;
	[tilespmem:s24+$0x1BB60] =	vst v4  }
0x3bc: {  	v29 =	vld [tilespmem:s24+$0x15C90];
	s29 =	sshra.s32 s29, $0x1;
	v0 =	vunpack.i.u.bf16.f32 v0;
	[tilespmem:s24+$0x1BB70] =	vst v1;
	v57 =	vadd.f32 v54, v3  }
0x3bd: {  	v0 =	vadd.f32 v56, v0;
	v58 =	vld [tilespmem:s29+$0x9B00]  }
0x3be: {  	v59 =	vld [tilespmem:s26+$0xB340];
	[tilespmem:s24+$0x1BBE0] =	vst v57  }
0x3bf: {  	v60 =	vld [tilespmem:s26+$0xCB40];
	[tilespmem:s24+$0x1BBF0] =	vst v0  }
0x3c0: {  	v0 =	vld [tilespmem:s26+$0x9B80]  }
0x3c1: {  	v61 =	vld [tilespmem:s26+$0xB380]  }
0x3c2: {  	v62 =	vld [tilespmem:s26+$0xE340]  }
0x3c3: {  	v63 =	vld [tilespmem:s26+$0xCB80];
	v2 =	vadd.bf16 v59, v58  }
0x3c4: {  	v9 =	vld [tilespmem:s26+$0xFB40]  }
0x3c5: {  	v10 =	vld [tilespmem:s26+$0xE380];
	v1 =	vadd.bf16 v60, v2  }
0x3c6: {  	v11 =	vld [tilespmem:s26+$0x11340];
	v0 =	vadd.bf16 v61, v0  }
0x3c7: {  	v12 =	vld [tilespmem:s26+$0xFB80];
	v1 =	vadd.bf16 v62, v1  }
0x3c8: {  	v14 =	vld [tilespmem:s26+$0x11380];
	v0 =	vadd.bf16 v63, v0  }
0x3c9: {  	v1 =	vadd.bf16 v9, v1;
	v9 =	vld [tilespmem:s26+$0x9C20]  }
0x3ca: {  	v0 =	vadd.bf16 v10, v0;
	v10 =	vld [tilespmem:s26+$0xB420]  }
0x3cb: {  	v1 =	vadd.bf16 v11, v1;
	v11 =	vld [tilespmem:s26+$0xE3C0]  }
0x3cc: {  	v6 =	vadd.bf16 v23, v22;
	v31 =	vld [tilespmem:s24+$0x15D40];
	v0 =	vadd.bf16 v12, v0  }
0x3cd: {  	v12 =	vld [tilespmem:s26+$0xFBC0]  }
0x3ce: {  	v6 =	vadd.bf16 v8, v6;
	v33 =	vld [tilespmem:s24+$0x15C20];
	v17 =	vunpack.i.l.bf16.f32 v1;
	v0 =	vadd.bf16 v14, v0  }
0x3cf: {  	v4 =	vadd.f32 v13, v17;
	v13 =	vld [tilespmem:s26+$0x113C0];
	v9 =	vadd.bf16 v10, v9  }
0x3d0: {  	v35 =	vld [tilespmem:s24+$0x15C30];
	v3 =	vunpack.i.l.bf16.f32 v0;
	v6 =	vadd.bf16 v11, v6  }
0x3d1: {  	v49 =	vld [tilespmem:s24+$0x15CA0];
	v19 =	vunpack.i.u.bf16.f32 v0;
	v3 =	vadd.f32 v16, v3;
	v7 =	vadd.bf16 v24, v9  }
0x3d2: {  	v54 =	vld [tilespmem:s24+$0x15CB0];
	v20 =	vadd.f32 v18, v19;
	v6 =	vadd.bf16 v12, v6  }
0x3d3: {  	v56 =	vld [tilespmem:s24+$0x15D60];
	[tilespmem:s24+$0x1BC00] =	vst v3;
	v7 =	vadd.bf16 v25, v7  }
0x3d4: {  	v14 =	vld [tilespmem:s24+$0x15D50];
	[tilespmem:s24+$0x1BC10] =	vst v20;
	v6 =	vadd.bf16 v13, v6  }
0x3d5: {  	v3 =	vld [tilespmem:s26+$0x9B90];
	v7 =	vadd.bf16 v26, v7  }
0x3d6: {  	[tilespmem:s24+$0x1BB80] =	vst v4;
	v4 =	vld [tilespmem:s26+$0xB390];
	v13 =	vunpack.i.l.bf16.f32 v6  }
0x3d7: {  	v21 =	vld [tilespmem:s26+$0xCB90];
	v6 =	vunpack.i.u.bf16.f32 v6;
	v7 =	vadd.bf16 v28, v7;
	v11 =	vadd.f32 v27, v13  }
0x3d8: {  	v1 =	vunpack.i.u.bf16.f32 v1;
	v30 =	vld [tilespmem:s26+$0xE390];
	v6 =	vadd.f32 v29, v6  }
0x3d9: {  	v1 =	vadd.f32 v15, v1;
	v15 =	vld [tilespmem:s26+$0xFB90];
	v34 =	vunpack.i.l.bf16.f32 v7;
	[tilespmem:s24+$0x1BC80] =	vst v11  }
0x3da: {  	v32 =	vld [tilespmem:s26+$0x11390];
	v36 =	vunpack.i.u.bf16.f32 v7;
	[tilespmem:s24+$0x1BC90] =	vst v6;
	v37 =	vadd.f32 v31, v34  }
0x3db: {  	v6 =	vadd.f32 v14, v36;
	v38 =	vld [tilespmem:s26+$0x9BD0]  }
0x3dc: {  	v39 =	vld [tilespmem:s26+$0xB3D0];
	[tilespmem:s24+$0x1BD40] =	vst v37  }
0x3dd: {  	v40 =	vld [tilespmem:s26+$0xCBD0];
	[tilespmem:s24+$0x1BD50] =	vst v6  }
0x3de: {  	v41 =	vld [tilespmem:s26+$0x9C30]  }
0x3df: {  	v3 =	vadd.bf16 v4, v3;
	v6 =	vld [tilespmem:s26+$0xB430]  }
0x3e0: {  	v42 =	vld [tilespmem:s26+$0xE3D0]  }
0x3e1: {  	v3 =	vadd.bf16 v21, v3;
	v43 =	vld [tilespmem:s26+$0xCC30];
	v10 =	vadd.bf16 v39, v38  }
0x3e2: {  	v44 =	vld [tilespmem:s26+$0xFBD0]  }
0x3e3: {  	v3 =	vadd.bf16 v30, v3;
	v45 =	vld [tilespmem:s26+$0xE430];
	v7 =	vadd.bf16 v40, v10  }
0x3e4: {  	v46 =	vld [tilespmem:s26+$0x113D0];
	v4 =	vadd.bf16 v6, v41  }
0x3e5: {  	v47 =	vld [tilespmem:s26+$0xFC30];
	v3 =	vadd.bf16 v15, v3;
	v5 =	vadd.bf16 v42, v7  }
0x3e6: {  	s29 =	sor.u32 $0xA0, s24;
	v58 =	vld [tilespmem:s24+$0x15D70];
	v50 =	vadd.bf16 v43, v4  }
0x3e7: {  	s29 =	sshra.s32 s29, $0x1;
	[tilespmem:s24+$0x1BB90] =	vst v1;
	v52 =	vld [tilespmem:s26+$0x11430];
	v48 =	vadd.bf16 v32, v3;
	v51 =	vadd.bf16 v44, v5  }
0x3e8: {  	v0 =	vld [tilespmem:s29+$0x9B00];
	v10 =	vadd.bf16 v45, v50  }
0x3e9: {  	v2 =	vld [tilespmem:s26+$0xB350];
	v53 =	vunpack.i.l.bf16.f32 v48;
	v55 =	vadd.bf16 v46, v51  }
0x3ea: {  	v1 =	vld [tilespmem:s26+$0xCB50];
	v7 =	vunpack.i.u.bf16.f32 v48;
	v8 =	vadd.f32 v33, v53;
	v6 =	vadd.bf16 v47, v10  }
0x3eb: {  	v27 =	vld [tilespmem:s24+$0x15CC0];
	v7 =	vadd.f32 v35, v7;
	v57 =	vunpack.i.l.bf16.f32 v55  }
0x3ec: {  	v29 =	vld [tilespmem:s24+$0x15CD0];
	[tilespmem:s24+$0x1BC20] =	vst v8;
	v59 =	vunpack.i.u.bf16.f32 v55;
	v5 =	vadd.bf16 v52, v6;
	v8 =	vadd.f32 v49, v57  }
0x3ed: {  	v31 =	vld [tilespmem:s24+$0x15D80];
	[tilespmem:s24+$0x1BC30] =	vst v7;
	v7 =	vadd.f32 v54, v59  }
0x3ee: {  	v3 =	vld [tilespmem:s26+$0xE350];
	v62 =	vunpack.i.l.bf16.f32 v5;
	[tilespmem:s24+$0x1BCA0] =	vst v8  }
0x3ef: {  	v4 =	vld [tilespmem:s26+$0xFB50];
	v5 =	vunpack.i.u.bf16.f32 v5;
	[tilespmem:s24+$0x1BCB0] =	vst v7;
	v16 =	vadd.f32 v56, v62  }
0x3f0: {  	v5 =	vadd.f32 v58, v5;
	v17 =	vld [tilespmem:s26+$0x9BE0]  }
0x3f1: {  	v18 =	vld [tilespmem:s26+$0xB3E0];
	[tilespmem:s24+$0x1BD60] =	vst v16  }
0x3f2: {  	v19 =	vld [tilespmem:s26+$0xCBE0];
	[tilespmem:s24+$0x1BD70] =	vst v5  }
0x3f3: {  	v5 =	vld [tilespmem:s26+$0x9C40]  }
0x3f4: {  	v20 =	vld [tilespmem:s26+$0xB440]  }
0x3f5: {  	v21 =	vld [tilespmem:s26+$0xE3E0]  }
0x3f6: {  	v22 =	vld [tilespmem:s26+$0xCC40];
	v8 =	vadd.bf16 v18, v17  }
0x3f7: {  	v23 =	vld [tilespmem:s26+$0xFBE0]  }
0x3f8: {  	v24 =	vld [tilespmem:s26+$0xE440];
	v7 =	vadd.bf16 v19, v8  }
0x3f9: {  	v25 =	vld [tilespmem:s26+$0x113E0];
	v5 =	vadd.bf16 v20, v5  }
0x3fa: {  	v26 =	vld [tilespmem:s26+$0xFC40];
	v7 =	vadd.bf16 v21, v7  }
0x3fb: {  	v33 =	vld [tilespmem:s24+$0x15C40];
	v5 =	vadd.bf16 v22, v5  }
0x3fc: {  	v28 =	vld [tilespmem:s26+$0x11440];
	v7 =	vadd.bf16 v23, v7  }
0x3fd: {  	v48 =	vld [tilespmem:s24+$0x15CE0];
	v5 =	vadd.bf16 v24, v5  }
0x3fe: {  	v35 =	vld [tilespmem:s24+$0x15C50];
	v7 =	vadd.bf16 v25, v7  }
0x3ff: {  	v60 =	vld [tilespmem:s26+$0x9BA0];
	v5 =	vadd.bf16 v26, v5  }
0x400: {  	v16 =	vld [tilespmem:s24+$0x15D90];
	v15 =	vunpack.i.l.bf16.f32 v7  }
0x401: {  	v61 =	vld [tilespmem:s26+$0xB3A0];
	v7 =	vunpack.i.u.bf16.f32 v7;
	v5 =	vadd.bf16 v28, v5;
	v13 =	vadd.f32 v27, v15  }
0x402: {  	v63 =	vld [tilespmem:s26+$0xCBA0];
	v7 =	vadd.f32 v29, v7  }
0x403: {  	v30 =	vld [tilespmem:s26+$0xE3A0];
	v34 =	vunpack.i.l.bf16.f32 v5;
	[tilespmem:s24+$0x1BCC0] =	vst v13  }
0x404: {  	v17 =	vld [tilespmem:s26+$0xFBA0];
	v5 =	vunpack.i.u.bf16.f32 v5;
	[tilespmem:s24+$0x1BCD0] =	vst v7;
	v36 =	vadd.f32 v31, v34  }
0x405: {  	v5 =	vadd.f32 v16, v5;
	v37 =	vld [tilespmem:s26+$0x9BF0]  }
0x406: {  	v38 =	vld [tilespmem:s26+$0xB3F0];
	[tilespmem:s24+$0x1BD80] =	vst v36  }
0x407: {  	v39 =	vld [tilespmem:s26+$0xCBF0];
	[tilespmem:s24+$0x1BD90] =	vst v5  }
0x408: {  	v5 =	vld [tilespmem:s26+$0x9C50]  }
0x409: {  	v40 =	vld [tilespmem:s26+$0xB450]  }
0x40a: {  	v41 =	vld [tilespmem:s26+$0xE3F0]  }
0x40b: {  	v43 =	vld [tilespmem:s26+$0xCC50];
	v42 =	vadd.bf16 v38, v37  }
0x40c: {  	v44 =	vld [tilespmem:s26+$0xFBF0]  }
0x40d: {  	v6 =	vadd.bf16 v61, v60;
	v45 =	vld [tilespmem:s26+$0xE450];
	v7 =	vadd.bf16 v39, v42  }
0x40e: {  	v0 =	vadd.bf16 v2, v0;
	v46 =	vld [tilespmem:s26+$0x113F0];
	v5 =	vadd.bf16 v40, v5  }
0x40f: {  	v6 =	vadd.bf16 v63, v6;
	v47 =	vld [tilespmem:s26+$0xFC50];
	v7 =	vadd.bf16 v41, v7  }
0x410: {  	v0 =	vadd.bf16 v1, v0;
	v32 =	vld [tilespmem:s26+$0x113A0];
	v5 =	vadd.bf16 v43, v5  }
0x411: {  	v6 =	vadd.bf16 v30, v6;
	v49 =	vld [tilespmem:s26+$0x11450];
	v7 =	vadd.bf16 v44, v7  }
0x412: {  	v50 =	vld [tilespmem:s24+$0x15CF0];
	v0 =	vadd.bf16 v3, v0;
	v5 =	vadd.bf16 v45, v5  }
0x413: {  	v51 =	vld [tilespmem:s26+$0x11350];
	v6 =	vadd.bf16 v17, v6;
	v7 =	vadd.bf16 v46, v7  }
0x414: {  	v54 =	vld [tilespmem:s24+$0x15DA0];
	v5 =	vadd.bf16 v47, v5  }
0x415: {  	v0 =	vadd.bf16 v4, v0;
	v56 =	vld [tilespmem:s24+$0x15DB0];
	v6 =	vadd.bf16 v32, v6;
	v55 =	vunpack.i.l.bf16.f32 v7  }
0x416: {  	v57 =	vld [tilespmem:s24+$0x15BA0];
	v7 =	vunpack.i.u.bf16.f32 v7;
	v5 =	vadd.bf16 v49, v5;
	v58 =	vadd.f32 v48, v55  }
0x417: {  	v59 =	vld [tilespmem:s24+$0x15BB0];
	v60 =	vadd.f32 v50, v7  }
0x418: {  	v0 =	vadd.bf16 v51, v0;
	v51 =	vld [tilespmem:s24+$0x15C70];
	v52 =	vunpack.i.l.bf16.f32 v6;
	v62 =	vunpack.i.l.bf16.f32 v5;
	[tilespmem:s24+$0x1BCE0] =	vst v58  }
0x419: {  	v53 =	vadd.f32 v33, v52;
	v33 =	vld [tilespmem:s24+$0x15DC0];
	v5 =	vunpack.i.u.bf16.f32 v5;
	[tilespmem:s24+$0x1BCF0] =	vst v60;
	v18 =	vadd.f32 v54, v62  }
0x41a: {  	v5 =	vadd.f32 v56, v5;
	v19 =	vld [tilespmem:s26+$0x9C00]  }
0x41b: {  	v20 =	vld [tilespmem:s26+$0xB400];
	[tilespmem:s24+$0x1BDA0] =	vst v18  }
0x41c: {  	v21 =	vld [tilespmem:s26+$0xCC00];
	[tilespmem:s24+$0x1BDB0] =	vst v5  }
0x41d: {  	v5 =	vld [tilespmem:s26+$0x9C60]  }
0x41e: {  	v22 =	vld [tilespmem:s26+$0xB460]  }
0x41f: {  	v6 =	vunpack.i.u.bf16.f32 v6;
	v23 =	vld [tilespmem:s26+$0xE400]  }
0x420: {  	v6 =	vadd.f32 v35, v6;
	v24 =	vld [tilespmem:s26+$0xCC60];
	v9 =	vadd.bf16 v20, v19  }
0x421: {  	v25 =	vld [tilespmem:s26+$0xFC00]  }
0x422: {  	[tilespmem:s24+$0x1BC50] =	vst v6;
	v26 =	vld [tilespmem:s26+$0xE460];
	v6 =	vadd.bf16 v21, v9  }
0x423: {  	v27 =	vld [tilespmem:s26+$0x11400];
	v5 =	vadd.bf16 v22, v5  }
0x424: {  	v28 =	vld [tilespmem:s26+$0xFC60];
	v6 =	vadd.bf16 v23, v6  }
0x425: {  	v29 =	vld [tilespmem:s24+$0x15D00];
	v5 =	vadd.bf16 v24, v5  }
0x426: {  	v30 =	vld [tilespmem:s26+$0x11460];
	v6 =	vadd.bf16 v25, v6  }
0x427: {  	[tilespmem:s24+$0x1BC40] =	vst v53;
	v31 =	vld [tilespmem:s24+$0x15D10];
	v5 =	vadd.bf16 v26, v5  }
0x428: {  	v61 =	vld [tilespmem:s26+$0x9BB0];
	v6 =	vadd.bf16 v27, v6  }
0x429: {  	v63 =	vld [tilespmem:s26+$0xB3B0];
	v5 =	vadd.bf16 v28, v5  }
0x42a: {  	v18 =	vld [tilespmem:s24+$0x15DD0];
	v17 =	vunpack.i.l.bf16.f32 v6  }
0x42b: {  	v32 =	vld [tilespmem:s26+$0xCBB0];
	v6 =	vunpack.i.u.bf16.f32 v6;
	v5 =	vadd.bf16 v30, v5;
	v14 =	vadd.f32 v29, v17  }
0x42c: {  	v34 =	vld [tilespmem:s26+$0xE3B0];
	v6 =	vadd.f32 v31, v6  }
0x42d: {  	v35 =	vld [tilespmem:s26+$0xFBB0];
	v37 =	vunpack.i.l.bf16.f32 v5;
	[tilespmem:s24+$0x1BD00] =	vst v14  }
0x42e: {  	v36 =	vld [tilespmem:s26+$0x113B0];
	v5 =	vunpack.i.u.bf16.f32 v5;
	[tilespmem:s24+$0x1BD10] =	vst v6;
	v38 =	vadd.f32 v33, v37  }
0x42f: {  	v5 =	vadd.f32 v18, v5;
	v40 =	vld [tilespmem:s26+$0x9C10]  }
0x430: {  	v41 =	vld [tilespmem:s26+$0xB410];
	[tilespmem:s24+$0x1BDC0] =	vst v38  }
0x431: {  	v42 =	vld [tilespmem:s26+$0xCC10];
	[tilespmem:s24+$0x1BDD0] =	vst v5  }
0x432: {  	v43 =	vld [tilespmem:s26+$0x9C70]  }
0x433: {  	v7 =	vadd.bf16 v63, v61;
	v44 =	vld [tilespmem:s26+$0xB470]  }
0x434: {  	v45 =	vld [tilespmem:s26+$0xE410]  }
0x435: {  	v7 =	vadd.bf16 v32, v7;
	v46 =	vld [tilespmem:s26+$0xCC70]  }
0x436: {  	v47 =	vld [tilespmem:s26+$0xFC10];
	v6 =	vadd.bf16 v41, v40  }
0x437: {  	v7 =	vadd.bf16 v34, v7;
	v48 =	vld [tilespmem:s26+$0xE470]  }
0x438: {  	v49 =	vld [tilespmem:s26+$0x11410];
	v5 =	vadd.bf16 v42, v6;
	v2 =	vadd.bf16 v44, v43  }
0x439: {  	v7 =	vadd.bf16 v35, v7;
	v50 =	vld [tilespmem:s26+$0xFC70]  }
0x43a: {  	v39 =	vld [tilespmem:s24+$0x15C60];
	v1 =	vadd.bf16 v45, v5;
	v2 =	vadd.bf16 v46, v2  }
0x43b: {  	v53 =	vunpack.i.u.bf16.f32 v0;
	v7 =	vadd.bf16 v36, v7;
	v52 =	vld [tilespmem:s26+$0x11470]  }
0x43c: {  	v0 =	vunpack.i.l.bf16.f32 v0;
	v54 =	vld [tilespmem:s24+$0x15D20];
	v1 =	vadd.bf16 v47, v1;
	v2 =	vadd.bf16 v48, v2  }
0x43d: {  	v0 =	vadd.f32 v57, v0;
	v55 =	vld [tilespmem:s24+$0x15D30];
	v9 =	vadd.f32 v59, v53  }
0x43e: {  	v57 =	vld [tilespmem:s24+$0x15DE0];
	v56 =	vunpack.i.l.bf16.f32 v7;
	v1 =	vadd.bf16 v49, v1;
	v2 =	vadd.bf16 v50, v2  }
0x43f: {  	[tilespmem:s24+$0x1BBA0] =	vst v0;
	v58 =	vunpack.i.u.bf16.f32 v7;
	v59 =	vld [tilespmem:s24+$0x15DF0];
	v4 =	vadd.f32 v39, v56  }
0x440: {  	v0 =	vadd.f32 v51, v58;
	[tilespmem:s24+$0x1BBB0] =	vst v9;
	v2 =	vadd.bf16 v52, v2;
	v60 =	vunpack.i.l.bf16.f32 v1  }
0x441: {  	p0 =	slt.u32 s22, $0x3C;
	[tilespmem:s24+$0x1BC60] =	vst v4;
	v1 =	vunpack.i.u.bf16.f32 v1;
	v3 =	vadd.f32 v54, v60  }
.Ltmp3:
0x442: {  	[tilespmem:s24+$0x1BC70] =	vst v0;
	v61 =	vadd.f32 v55, v1;
	v62 =	vunpack.i.l.bf16.f32 v2;
	(pc) =	sbr.rel @p0 .LBB2_8-.Ltmp3, $4  }
0x443: {  	v2 =	vunpack.i.u.bf16.f32 v2;
	[tilespmem:s24+$0x1BD20] =	vst v3;
	v1 =	vadd.f32 v57, v62  }
0x444: {  	[tilespmem:s24+$0x1BD30] =	vst v61;
	v63 =	vadd.f32 v59, v2  }
0x445: {  	s29 =	sadd.s32 $0x4, s22;
	[tilespmem:s24+$0x1BDE0] =	vst v1  }
0x446: {  	s22 =	smov.u32 s29;
	[tilespmem:s24+$0x1BDF0] =	vst v63  }
0x447: {  	[hbm4b:s13+s2] =	stream.linear.scatter [tilespmem:s0], [sflag:$0x4], $0x3000, $0x38;
	[tilespmem:$0x1EB00] =	vst v63  }
0x448: {  	s19 =	sadd.s32 $0x1, s19  }
0x449: {  	_ =	swait.ge [sflag:s16], $0x3000;
	p0 =	sne.s32 s19, s14  }
.Ltmp4:
0x44a: {  	[sflag:s16] =	ssyncset.done $0x0;
	(pc) =	sbr.rel @p0 .LBB2_1-.Ltmp4, $4  }
0x44b: {  	[sflag:s16] =	ssyncadd.s32 $0xFFFFD000  }
0x44c: {  	_ =	swait.ge [sflag:s18], $0x3000  }
0x44d: {  	[sflag:s18] =	ssyncset.done $0x0  }
0x44e: {  	[sflag:s18] =	ssyncadd.s32 $0xFFFFD000  }
0x44f: {  	_ =	sfence.sel $0x180000  }
0x450: {  	[bflag:$0x0] =	sbarrier.arrive $0xFFFF  }
0x451: {  	_ =	strace $0x90000047  }
0x452: {  	s0 =	stileid.u32;
	[bflag:$0x2] =	sbarrier.arrive $0xFFFF  }
0x453: {  	p0 =	sne.s32 s0, $0x0;
	s0 =	rddreg [dreg:$0x2]  }
0x454: {  	s0 =	sadd.s32 @!p0 $0x100000, s0  }
0x455: {  	[sflag:s0] =	ssyncadd.tile.s32 @!p0 $0x1;
	_ =	shalt  }
.Lfunc_end2:
_tile_overlayer_lowered:
.L_overlay_start_2:
0x456: {  	(tag) =	ssettag $0x2  }
0x457: {  	s0 =	rddreg [dreg:$0x0];
	s2 =	stileid.u32  }
0x458: {  	s1 =	rddreg [dreg:$0x1];
	p0 =	sne.s32 s2, $0x0  }
0x459: {  	s3 =	rddreg [dreg:$0x2];
	[bflag:$0x3] =	sbarrier.arrive $0xFFFF;
	s2 =	simm.s32 @!p0 $0x1C05  }
0x45a: {  	[timem:s3], [sflag:s2] =	dma.local @!p0 [hbm:s0], s1  }
0x45b: {  	s0 =	simm.s32 @!p0 $0x5  }
0x45c: {  	_ =	swait.ge @!p0 [sflag:s0], s1  }
0x45d: {  	s1 =	ssub.s32 @!p0 $0x0, s1;
	[sflag:s0] =	ssyncset.done @!p0 $0x0  }
0x45e: {  	[sflag:s0] =	ssyncadd.s32 @!p0 s1  }
0x45f: {  	[bflag:$0x3] =	sbarrier.arrive $0xFFFF  }
0x460: {  	_ =	shalt  }

</sc_bundles>
